<compile_context>
chip_gen: v7x
topology: tpu7x:2x2x1
jax: 0.10.2.dev20260603
libtpu: 0.0.44.dev20260713+nightly
codegen_flags: <defaults>
</compile_context>

<pallas_src>
import functools

import jax
import jax.numpy as jnp
from jax import lax
from jax.experimental import pallas as pl
from jax.experimental.pallas import tpu as pltpu
from jax.experimental.pallas import tpu_sc as plsc

N_CORES = 2
N_SUBCORES = 16
LANES = 16
CHUNK = 128
BIG = 20
HALF = 16
GROUP = 4
SLOTS = 2


def _sc_segment_sum(tg2, ei, num_bus, agg_rows, r_tile):
    n_stages = r_tile // BIG
    assert n_stages % 2 == 0 and BIG % GROUP == 0
    ng = BIG // GROUP
    mesh = plsc.VectorSubcoreMesh(core_axis_name="c", subcore_axis_name="s")

    @functools.partial(
        pl.kernel,
        out_type=jax.ShapeDtypeStruct((N_CORES, agg_rows, HALF), jnp.float32),
        mesh=mesh,
        compiler_params=pltpu.CompilerParams(use_tc_tiling_on_sc=False),
        scratch_types=[
            pltpu.VMEM_SHARED((agg_rows, HALF), jnp.float32),
            pltpu.VMEM((BIG, CHUNK), jnp.int32),
            pltpu.VMEM((BIG, CHUNK), jnp.int32),
            pltpu.VMEM((BIG, CHUNK), jnp.int32),
            pltpu.VMEM((BIG, CHUNK), jnp.int32),
            pltpu.VMEM((SLOTS, GROUP * CHUNK, HALF), jnp.float32),
            pltpu.SemaphoreType.DMA,
            pltpu.SemaphoreType.DMA,
            pltpu.SemaphoreType.DMA,
            pltpu.SemaphoreType.DMA,
            pltpu.SemaphoreType.DMA,
            pltpu.SemaphoreType.DMA,
            pltpu.SemaphoreType.DMA,
            pltpu.SemaphoreType.DMA,
            pltpu.SemaphoreType.DMA,
        ],
    )
    def sc_kernel(tg2_hbm, ei_hbm, out_hbm,
                  agg_sh, gen_a, bus_a, gen_b, bus_b, rows,
                  gs0, gs1, gs2, gs3, ss0, ss1, ss2, ss3, xsem):
        c = lax.axis_index("c")
        s = lax.axis_index("s")
        gs = [gs0, gs1, gs2, gs3]
        ss = [ss0, ss1, ss2, ss3]

        @pl.loop(0, GROUP * CHUNK)
        def _(i):
            rows[0, i, :] = jnp.zeros((LANES,), jnp.float32)

        n_zero = agg_rows // (GROUP * CHUNK)

        @pl.loop(s, n_zero, step=N_SUBCORES)
        def _(k):
            pltpu.async_copy(
                rows.at[0], agg_sh.at[pl.ds(k * GROUP * CHUNK, GROUP * CHUNK)],
                xsem)

        @pl.loop(s, n_zero, step=N_SUBCORES)
        def _(k):
            pltpu.make_async_copy(
                rows.at[0],
                agg_sh.at[pl.ds(k * GROUP * CHUNK, GROUP * CHUNK)],
                xsem).wait()

        plsc.subcore_barrier()

        cvec = jnp.zeros((LANES,), jnp.int32) + c

        def xform(gen_st, p):
            for k in range(GROUP):
                j = p * GROUP + k

                @pl.loop(0, CHUNK // LANES)
                def _(q, j=j):
                    v = gen_st[j, pl.ds(q * LANES, LANES)]
                    gen_st[j, pl.ds(q * LANES, LANES)] = v + v + cvec

        def g_fire(gen_st, p, slot):
            for k in range(GROUP):
                pltpu.async_copy(tg2_hbm.at[gen_st.at[p * GROUP + k]],
                                 rows.at[slot, pl.ds(k * CHUNK, CHUNK)],
                                 gs[slot])

        def g_drain(gen_st, p, slot):
            for k in range(GROUP):
                pltpu.make_async_copy(tg2_hbm.at[gen_st.at[p * GROUP + k]],
                                      rows.at[slot, pl.ds(k * CHUNK, CHUNK)],
                                      gs[slot]).wait()

        def s_fire(bus_st, p, slot):
            for k in range(GROUP):
                pltpu.async_copy(rows.at[slot, pl.ds(k * CHUNK, CHUNK)],
                                 agg_sh.at[bus_st.at[p * GROUP + k]],
                                 ss[slot], add=True)

        def s_drain(bus_st, p, slot):
            for k in range(GROUP):
                pltpu.make_async_copy(rows.at[slot, pl.ds(k * CHUNK, CHUNK)],
                                      agg_sh.at[bus_st.at[p * GROUP + k]],
                                      ss[slot]).wait()

        def do_stage(gen_st, bus_st):
            xform(gen_st, 0)
            g_fire(gen_st, 0, 0)
            for p in range(ng):
                slot = p % SLOTS
                if p + 1 < ng:
                    nslot = (p + 1) % SLOTS
                    xform(gen_st, p + 1)
                    if p >= 1:
                        s_drain(bus_st, p - 1, nslot)
                    g_fire(gen_st, p + 1, nslot)
                g_drain(gen_st, p, slot)
                s_fire(bus_st, p, slot)
            for p in range(max(0, ng - SLOTS), ng):
                s_drain(bus_st, p, p % SLOTS)

        def i_fire(stage, gen_st, bus_st):
            srow = s * r_tile + stage * BIG
            pltpu.async_copy(ei_hbm.at[0, pl.ds(srow, BIG)], gen_st, xsem)
            pltpu.async_copy(ei_hbm.at[1, pl.ds(srow, BIG)], bus_st, xsem)

        def i_drain(stage, gen_st, bus_st):
            srow = s * r_tile + stage * BIG
            pltpu.make_async_copy(
                ei_hbm.at[0, pl.ds(srow, BIG)], gen_st, xsem).wait()
            pltpu.make_async_copy(
                ei_hbm.at[1, pl.ds(srow, BIG)], bus_st, xsem).wait()

        i_fire(0, gen_a, bus_a)

        @pl.loop(0, n_stages // 2)
        def _(u):
            st2 = 2 * u
            i_drain(st2, gen_a, bus_a)
            i_fire(st2 + 1, gen_b, bus_b)
            do_stage(gen_a, bus_a)
            i_drain(st2 + 1, gen_b, bus_b)

            @pl.when(st2 + 2 < n_stages)
            def _():
                i_fire(st2 + 2, gen_a, bus_a)

            do_stage(gen_b, bus_b)

        plsc.subcore_barrier()

        rpt = agg_rows // N_SUBCORES
        pltpu.sync_copy(agg_sh.at[pl.ds(s * rpt, rpt)],
                        out_hbm.at[c, pl.ds(s * rpt, rpt)])

    return sc_kernel(tg2, ei)


def _bus_mse(pbf, tbf):
    rows = pbf.shape[0]
    bm = 1000
    grid = rows // bm

    def body(p_ref, t_ref, out_ref, acc_ref):
        i = pl.program_id(0)

        @pl.when(i == 0)
        def _():
            acc_ref[0] = 0.0

        d = p_ref[...] - t_ref[...]
        acc_ref[0] += jnp.sum(d * d)

        @pl.when(i == grid - 1)
        def _():
            out_ref[0, 0] = acc_ref[0]

    return pl.pallas_call(
        body,
        grid=(grid,),
        in_specs=[
            pl.BlockSpec((bm, 128), lambda i: (i, 0)),
            pl.BlockSpec((bm, 128), lambda i: (i, 0)),
        ],
        out_specs=pl.BlockSpec(memory_space=pltpu.SMEM),
        out_shape=jax.ShapeDtypeStruct((1, 1), jnp.float32),
        scratch_shapes=[pltpu.SMEM((1,), jnp.float32)],
    )(pbf, tbf)


def _gen_mse_combine(aggf, pgf, mgf, bus_part, d_tot):
    rows = pgf.shape[1]
    bm = 1568
    grid = rows // bm

    def body(a_ref, p_ref, m_ref, b_ref, out_ref, acc_ref):
        i = pl.program_id(0)

        @pl.when(i == 0)
        def _():
            acc_ref[0] = 0.0
            acc_ref[1] = 0.0

        m = m_ref[...]
        d0 = p_ref[0] - a_ref[0]
        d1 = p_ref[1] - a_ref[1]
        acc_ref[0] += jnp.sum((d0 * d0 + d1 * d1) * m)
        acc_ref[1] += jnp.sum(m)

        @pl.when(i == grid - 1)
        def _():
            cnt = acc_ref[1] * (1.0 / 16.0)
            out_ref[0, 0] = (acc_ref[0] + b_ref[0, 0]) / (cnt * d_tot)

    return pl.pallas_call(
        body,
        grid=(grid,),
        in_specs=[
            pl.BlockSpec((N_CORES, bm, 128), lambda i: (0, i, 0)),
            pl.BlockSpec((N_CORES, bm, 128), lambda i: (0, i, 0)),
            pl.BlockSpec((bm, 128), lambda i: (i, 0)),
            pl.BlockSpec(memory_space=pltpu.SMEM),
        ],
        out_specs=pl.BlockSpec(memory_space=pltpu.SMEM),
        out_shape=jax.ShapeDtypeStruct((1, 1), jnp.float32),
        scratch_shapes=[pltpu.SMEM((2,), jnp.float32)],
    )(aggf, pgf, mgf, bus_part)


def kernel(pred, target_bus, target_gen, edge_index, mask):
    num_bus, d_bus = target_bus.shape
    num_gen, d_gen = target_gen.shape
    n_edges = edge_index.shape[1]

    tile_edges = 2 * BIG * CHUNK
    r_tile = -(-n_edges // (N_SUBCORES * tile_edges)) * 2 * BIG
    r_tot = N_SUBCORES * r_tile
    pad = r_tot * CHUNK - n_edges
    ei = jnp.pad(edge_index.astype(jnp.int32), ((0, 0), (0, pad)),
                 constant_values=num_gen).reshape(2, r_tot, CHUNK)
    tg2 = jnp.pad(target_gen, ((0, 1), (0, 0))).reshape(num_gen * 2 + 2, HALF)

    agg_rows = (-(-max(num_bus, num_gen + 1) // (GROUP * CHUNK))
                * (GROUP * CHUNK))

    agg = _sc_segment_sum(tg2, ei, num_bus, agg_rows, r_tile)

    m = mask.astype(jnp.float32)[:, None]
    pbf = (pred[:, :d_bus] * m).reshape(num_bus * d_bus // 128, 128)
    tbf = (target_bus * m).reshape(num_bus * d_bus // 128, 128)
    grows = num_bus * HALF // 128
    frows = agg_rows * HALF // 128
    gpad = frows - grows
    pgf = jnp.pad(jnp.stack([
        pred[:, d_bus:d_bus + HALF].reshape(grows, 128),
        pred[:, d_bus + HALF:].reshape(grows, 128)]),
        ((0, 0), (0, gpad), (0, 0)))
    mgf = jnp.pad(jnp.broadcast_to(m, (num_bus, HALF)).reshape(grows, 128),
                  ((0, gpad), (0, 0)))
    aggf = agg.reshape(N_CORES, frows, 128)

    bus_part = _bus_mse(pbf, tbf)
    out = _gen_mse_combine(aggf, pgf, mgf, bus_part, pred.shape[1])
    return out[0, 0]

# --- scband reference (transcript-rebuilt; emitter-appended) ---
"""Pipeline reference for scband-masked-hetero-mseloss-171798691908 (READ-ONLY COPY).

The authoritative reference and input builder live on the scoring server;
editing this copy changes nothing except your own understanding.
"""

import jax, jax.numpy as jnp
import numpy as np

NUM_BUS = 100000
NUM_GEN = 100000
NUM_EDGES = 1600000
D_BUS = 32
D_GEN = 32


def setup_inputs(seed: int = 0) -> dict:
    key = jax.random.key(seed)
    k1, k2, k3, k4, k5 = jax.random.split(key, 5)
    pred = jax.random.normal(k1, (NUM_BUS, D_BUS + D_GEN), dtype=jnp.float32)
    target_bus = jax.random.normal(k2, (NUM_BUS, D_BUS), dtype=jnp.float32)
    target_gen = jax.random.normal(k3, (NUM_GEN, D_GEN), dtype=jnp.float32)
    edge_index = jax.random.randint(k4, (2, NUM_EDGES), 0, NUM_BUS, dtype=jnp.int64) if jax.config.read('jax_enable_x64') else jax.random.randint(k4, (2, NUM_EDGES), 0, NUM_BUS).astype(jnp.int32)
    mask = jax.random.randint(k5, (NUM_BUS,), 0, 2).astype(jnp.bool_)
    return {"pred": pred, "target_bus": target_bus, "target_gen": target_gen, "edge_index": edge_index, "mask": mask}


def reference(pred, target_bus, target_gen, edge_index, mask):
    num_bus = target_bus.shape[0]
    gen_idx = edge_index[0]
    bus_idx = edge_index[1]
    # GenToBusAggregator: gather gen features along edges, scatter-add onto buses
    gathered = jnp.take(target_gen, gen_idx, axis=0)
    agg_gen_on_bus = jax.ops.segment_sum(gathered, bus_idx, num_segments=num_bus)
    output_target = jnp.concatenate([target_bus, agg_gen_on_bus], axis=1)
    # masked MSE: mean over selected rows * feature dim (equivalent to F.mse_loss(pred[mask], tgt[mask]))
    m = mask.astype(pred.dtype)[:, None]
    sq = (pred - output_target) ** 2
    denom = jnp.sum(m) * pred.shape[1]
    loss = jnp.sum(sq * m) / denom
    return loss

if __name__ == "__main__":
    import jax
    _d = setup_inputs()
    print(jax.jit(kernel)(*tuple(_d.values())))

</pallas_src>

<mosaic_0001>
#map = affine_map<(d0, d1) -> (0, 0)>
#map1 = affine_map<(d0, d1) -> (0, 0, 0)>
module attributes {stable_mosaic.version = 14 : i64} {
  func.func @sc_kernel(%arg0: i32, %arg1: i32, %arg2: memref<200002x16xf32, #tpu.memory_space<hbm>>, %arg3: memref<2x12800x128xi32, #tpu.memory_space<hbm>>, %arg4: memref<2x100352x16xf32, #tpu.memory_space<hbm>>, %arg5: memref<100352x16xf32, #tpu.memory_space<vmem_shared>>, %arg6: memref<20x128xi32, #tpu.memory_space<vmem>>, %arg7: memref<20x128xi32, #tpu.memory_space<vmem>>, %arg8: memref<20x128xi32, #tpu.memory_space<vmem>>, %arg9: memref<20x128xi32, #tpu.memory_space<vmem>>, %arg10: memref<2x512x16xf32, #tpu.memory_space<vmem>>, %arg11: memref<!tpu.dma_semaphore, #tpu.memory_space<semaphore_mem>>, %arg12: memref<!tpu.dma_semaphore, #tpu.memory_space<semaphore_mem>>, %arg13: memref<!tpu.dma_semaphore, #tpu.memory_space<semaphore_mem>>, %arg14: memref<!tpu.dma_semaphore, #tpu.memory_space<semaphore_mem>>, %arg15: memref<!tpu.dma_semaphore, #tpu.memory_space<semaphore_mem>>, %arg16: memref<!tpu.dma_semaphore, #tpu.memory_space<semaphore_mem>>, %arg17: memref<!tpu.dma_semaphore, #tpu.memory_space<semaphore_mem>>, %arg18: memref<!tpu.dma_semaphore, #tpu.memory_space<semaphore_mem>>, %arg19: memref<!tpu.dma_semaphore, #tpu.memory_space<semaphore_mem>>) attributes {dimension_semantics = [#tpu.dimension_semantics<core_parallel>, #tpu.dimension_semantics<subcore_parallel>], iteration_bounds = array<i64: 2, 16>, scalar_prefetch = 0 : i64, scratch_operands = 15 : i64, tpu.core_type = #tpu.core_type<sc_vector_subcore>, window_params = [{transform_indices = #map}, {transform_indices = #map1}, {transform_indices = #map1}]} {
    %scan3A = arith.constant 0 : i32
    %scan3A_0 = arith.constant 512 : i32
    %scan3A_1 = arith.addi %scan3A, %scan3A_0 : i32
    %scan3A_2 = arith.constant 1 : i32
    scf.for %scan3A_65 = %scan3A to %scan3A_1 step %scan3A_2  : i32 {
      %mul3A_66 = arith.constant 1 : i32
      %mul3A_67 = arith.muli %scan3A_65, %mul3A_66 : i32
      %add3A_68 = arith.constant 0 : i32
      %add3A_69 = arith.addi %add3A_68, %mul3A_67 : i32
      %broadcast_in_dim3A_70 = arith.constant 0.000000e+00 : f32
      %broadcast_in_dim3A_71 = vector.broadcast %broadcast_in_dim3A_70 : f32 to vector<16xf32>
      %swap3A = arith.constant 0 : i32
      %swap3A_72 = arith.index_cast %swap3A : i32 to index
      %swap3A_73 = arith.index_cast %add3A_69 : i32 to index
      %swap3A_74 = arith.constant 0 : index
      %swap3A_75 = tpu.vector_load %arg10[%swap3A_72, %swap3A_73, %swap3A_74] {strides = array<i32>} : memref<2x512x16xf32, #tpu.memory_space<vmem>>, vector<1x1x16xf32>,
      %swap3A_76 = vector.shape_cast %swap3A_75 : vector<1x1x16xf32> to vector<16xf32>
      %swap3A_77 = vector.shape_cast %broadcast_in_dim3A_71 : vector<16xf32> to vector<1x1x16xf32>
      tpu.vector_store %arg10[%swap3A_72, %swap3A_73, %swap3A_74], %swap3A_77 {strides = array<i32>} : memref<2x512x16xf32, #tpu.memory_space<vmem>>, vector<1x1x16xf32>,
    }
    %scan3A_3 = arith.constant 512 : i32
    %sub3A = arith.constant 196 : i32
    %sub3A_4 = arith.subi %sub3A, %arg1 : i32
    %sub3A_5 = arith.constant 16 : i32
    %sub3A_6 = arith.constant 1 : i32
    %sub3A_7 = arith.subi %sub3A_5, %sub3A_6 : i32
    %add3A = arith.addi %sub3A_4, %sub3A_7 : i32
    %div3A = arith.constant 16 : i32
    %div3A_8 = arith.divsi %add3A, %div3A : i32
    %while3A = arith.constant 16 : i32
    %while3A_9 = arith.constant 0 : i32
    %while3A_10 = arith.subi %div3A_8, %while3A_9 : i32
    %while3A_11 = arith.addi %while3A_9, %while3A_10 : i32
    %while3A_12 = arith.constant 1 : i32
    %while3A_13 = arith.divsi %while3A_10, %while3A_12 : i32
    %while3A_14 = arith.muli %while3A_13, %while3A_12 : i32
    %while3A_15 = arith.addi %while3A_9, %while3A_14 : i32
    %while3A_16 = arith.constant 1 : i32
    scf.for %while3A_65 = %while3A_9 to %while3A_15 step %while3A_16  : i32 {
      %mul3A_66 = arith.muli %while3A_65, %while3A : i32
      %add3A_67 = arith.addi %arg1, %mul3A_66 : i32
      %mul3A_68 = arith.constant 4 : i32
      %mul3A_69 = arith.muli %add3A_67, %mul3A_68 : i32
      %mul3A_70 = arith.constant 128 : i32
      %mul3A_71 = arith.muli %mul3A_69, %mul3A_70 : i32
      %dma_start3A_72 = arith.constant 0 : i32
      %dma_start3A_73 = arith.constant 0 : i32
      %dma_start3A_74 = arith.constant 0 : i32
      %dma_start3A_75 = tpu.memref_slice %arg10[%dma_start3A_72, %dma_start3A_73, %dma_start3A_74] : memref<2x512x16xf32, #tpu.memory_space<vmem>> -> memref<1x512x16xf32, #tpu.memory_space<vmem>>
      %dma_start3A_76 = tpu.memref_squeeze %dma_start3A_75 : memref<1x512x16xf32, #tpu.memory_space<vmem>> -> memref<512x16xf32, #tpu.memory_space<vmem>>
      %dma_start3A_77 = arith.constant 0 : i32
      %dma_start3A_78 = tpu.memref_slice %arg5[%mul3A_71, %dma_start3A_77] : memref<100352x16xf32, #tpu.memory_space<vmem_shared>> -> memref<512x16xf32, #tpu.memory_space<vmem_shared>>
      %dma_start3A_79 = arith.constant 0 : i32
      %dma_start3A_80 = tpu.memref_slice %arg5[%mul3A_71, %dma_start3A_79] : memref<100352x16xf32, #tpu.memory_space<vmem_shared>> -> memref<512x16xf32, #tpu.memory_space<vmem_shared>>
      %dma_start3A_81 = arith.constant 0 : i32
      %dma_start3A_82 = arith.constant 0 : i32
      %dma_start3A_83 = tpu.memref_slice %arg10[%dma_start3A_72, %dma_start3A_81, %dma_start3A_82] : memref<2x512x16xf32, #tpu.memory_space<vmem>> -> memref<1x512x16xf32, #tpu.memory_space<vmem>>
      %dma_start3A_84 = tpu.memref_squeeze %dma_start3A_83 : memref<1x512x16xf32, #tpu.memory_space<vmem>> -> memref<512x16xf32, #tpu.memory_space<vmem>>
      tpu.enqueue_dma source(%dma_start3A_84 : memref<512x16xf32, #tpu.memory_space<vmem>>) target(%dma_start3A_80 : memref<512x16xf32, #tpu.memory_space<vmem_shared>>) target_semaphore(%arg19 : memref<!tpu.dma_semaphore, #tpu.memory_space<semaphore_mem>>)
    }
    %while3A_17 = arith.constant 1 : i32
    scf.for %while3A_65 = %while3A_15 to %while3A_11 step %while3A_17  : i32 {
      %mul3A_66 = arith.muli %while3A_65, %while3A : i32
      %add3A_67 = arith.addi %arg1, %mul3A_66 : i32
      %mul3A_68 = arith.constant 4 : i32
      %mul3A_69 = arith.muli %add3A_67, %mul3A_68 : i32
      %mul3A_70 = arith.constant 128 : i32
      %mul3A_71 = arith.muli %mul3A_69, %mul3A_70 : i32
      %dma_start3A_72 = arith.constant 0 : i32
      %dma_start3A_73 = arith.constant 0 : i32
      %dma_start3A_74 = arith.constant 0 : i32
      %dma_start3A_75 = tpu.memref_slice %arg10[%dma_start3A_72, %dma_start3A_73, %dma_start3A_74] : memref<2x512x16xf32, #tpu.memory_space<vmem>> -> memref<1x512x16xf32, #tpu.memory_space<vmem>>
      %dma_start3A_76 = tpu.memref_squeeze %dma_start3A_75 : memref<1x512x16xf32, #tpu.memory_space<vmem>> -> memref<512x16xf32, #tpu.memory_space<vmem>>
      %dma_start3A_77 = arith.constant 0 : i32
      %dma_start3A_78 = tpu.memref_slice %arg5[%mul3A_71, %dma_start3A_77] : memref<100352x16xf32, #tpu.memory_space<vmem_shared>> -> memref<512x16xf32, #tpu.memory_space<vmem_shared>>
      %dma_start3A_79 = arith.constant 0 : i32
      %dma_start3A_80 = tpu.memref_slice %arg5[%mul3A_71, %dma_start3A_79] : memref<100352x16xf32, #tpu.memory_space<vmem_shared>> -> memref<512x16xf32, #tpu.memory_space<vmem_shared>>
      %dma_start3A_81 = arith.constant 0 : i32
      %dma_start3A_82 = arith.constant 0 : i32
      %dma_start3A_83 = tpu.memref_slice %arg10[%dma_start3A_72, %dma_start3A_81, %dma_start3A_82] : memref<2x512x16xf32, #tpu.memory_space<vmem>> -> memref<1x512x16xf32, #tpu.memory_space<vmem>>
      %dma_start3A_84 = tpu.memref_squeeze %dma_start3A_83 : memref<1x512x16xf32, #tpu.memory_space<vmem>> -> memref<512x16xf32, #tpu.memory_space<vmem>>
      tpu.enqueue_dma source(%dma_start3A_84 : memref<512x16xf32, #tpu.memory_space<vmem>>) target(%dma_start3A_80 : memref<512x16xf32, #tpu.memory_space<vmem_shared>>) target_semaphore(%arg19 : memref<!tpu.dma_semaphore, #tpu.memory_space<semaphore_mem>>)
    }
    %sub3A_18 = arith.constant 196 : i32
    %sub3A_19 = arith.subi %sub3A_18, %arg1 : i32
    %sub3A_20 = arith.constant 16 : i32
    %sub3A_21 = arith.constant 1 : i32
    %sub3A_22 = arith.subi %sub3A_20, %sub3A_21 : i32
    %add3A_23 = arith.addi %sub3A_19, %sub3A_22 : i32
    %div3A_24 = arith.constant 16 : i32
    %div3A_25 = arith.divsi %add3A_23, %div3A_24 : i32
    %while3A_26 = arith.constant 16 : i32
    %while3A_27 = arith.constant 0 : i32
    %while3A_28 = arith.subi %div3A_25, %while3A_27 : i32
    %while3A_29 = arith.addi %while3A_27, %while3A_28 : i32
    %while3A_30 = arith.constant 1 : i32
    %while3A_31 = arith.divsi %while3A_28, %while3A_30 : i32
    %while3A_32 = arith.muli %while3A_31, %while3A_30 : i32
    %while3A_33 = arith.addi %while3A_27, %while3A_32 : i32
    %while3A_34 = arith.constant 1 : i32
    scf.for %while3A_65 = %while3A_27 to %while3A_33 step %while3A_34  : i32 {
      %mul3A_66 = arith.muli %while3A_65, %while3A_26 : i32
      %add3A_67 = arith.addi %arg1, %mul3A_66 : i32
      %mul3A_68 = arith.constant 4 : i32
      %mul3A_69 = arith.muli %add3A_67, %mul3A_68 : i32
      %mul3A_70 = arith.constant 128 : i32
      %mul3A_71 = arith.muli %mul3A_69, %mul3A_70 : i32
      %dma_wait3A = arith.constant 0 : i32
      %dma_wait3A_72 = arith.constant 0 : i32
      %dma_wait3A_73 = arith.constant 0 : i32
      %dma_wait3A_74 = tpu.memref_slice %arg10[%dma_wait3A, %dma_wait3A_72, %dma_wait3A_73] : memref<2x512x16xf32, #tpu.memory_space<vmem>> -> memref<1x512x16xf32, #tpu.memory_space<vmem>>
      %dma_wait3A_75 = tpu.memref_squeeze %dma_wait3A_74 : memref<1x512x16xf32, #tpu.memory_space<vmem>> -> memref<512x16xf32, #tpu.memory_space<vmem>>
      %dma_wait3A_76 = arith.constant 0 : i32
      %dma_wait3A_77 = tpu.memref_slice %arg5[%mul3A_71, %dma_wait3A_76] : memref<100352x16xf32, #tpu.memory_space<vmem_shared>> -> memref<512x16xf32, #tpu.memory_space<vmem_shared>>
      %dma_wait3A_78 = arith.constant 0 : i32
      %dma_wait3A_79 = tpu.memref_slice %arg5[%mul3A_71, %dma_wait3A_78] : memref<100352x16xf32, #tpu.memory_space<vmem_shared>> -> memref<512x16xf32, #tpu.memory_space<vmem_shared>>
      %dma_wait3A_80 = arith.constant 0 : i32
      %dma_wait3A_81 = arith.constant 0 : i32
      %dma_wait3A_82 = tpu.memref_slice %arg10[%dma_wait3A, %dma_wait3A_80, %dma_wait3A_81] : memref<2x512x16xf32, #tpu.memory_space<vmem>> -> memref<1x512x16xf32, #tpu.memory_space<vmem>>
      %dma_wait3A_83 = tpu.memref_squeeze %dma_wait3A_82 : memref<1x512x16xf32, #tpu.memory_space<vmem>> -> memref<512x16xf32, #tpu.memory_space<vmem>>
      tpu.wait_dma2 semaphore(%arg19 : memref<!tpu.dma_semaphore, #tpu.memory_space<semaphore_mem>>) src(%dma_wait3A_83 : memref<512x16xf32, #tpu.memory_space<vmem>>) dst(%dma_wait3A_79 : memref<512x16xf32, #tpu.memory_space<vmem_shared>>)
    }
    %while3A_35 = arith.constant 1 : i32
    scf.for %while3A_65 = %while3A_33 to %while3A_29 step %while3A_35  : i32 {
      %mul3A_66 = arith.muli %while3A_65, %while3A_26 : i32
      %add3A_67 = arith.addi %arg1, %mul3A_66 : i32
      %mul3A_68 = arith.constant 4 : i32
      %mul3A_69 = arith.muli %add3A_67, %mul3A_68 : i32
      %mul3A_70 = arith.constant 128 : i32
      %mul3A_71 = arith.muli %mul3A_69, %mul3A_70 : i32
      %dma_wait3A = arith.constant 0 : i32
      %dma_wait3A_72 = arith.constant 0 : i32
      %dma_wait3A_73 = arith.constant 0 : i32
      %dma_wait3A_74 = tpu.memref_slice %arg10[%dma_wait3A, %dma_wait3A_72, %dma_wait3A_73] : memref<2x512x16xf32, #tpu.memory_space<vmem>> -> memref<1x512x16xf32, #tpu.memory_space<vmem>>
      %dma_wait3A_75 = tpu.memref_squeeze %dma_wait3A_74 : memref<1x512x16xf32, #tpu.memory_space<vmem>> -> memref<512x16xf32, #tpu.memory_space<vmem>>
      %dma_wait3A_76 = arith.constant 0 : i32
      %dma_wait3A_77 = tpu.memref_slice %arg5[%mul3A_71, %dma_wait3A_76] : memref<100352x16xf32, #tpu.memory_space<vmem_shared>> -> memref<512x16xf32, #tpu.memory_space<vmem_shared>>
      %dma_wait3A_78 = arith.constant 0 : i32
      %dma_wait3A_79 = tpu.memref_slice %arg5[%mul3A_71, %dma_wait3A_78] : memref<100352x16xf32, #tpu.memory_space<vmem_shared>> -> memref<512x16xf32, #tpu.memory_space<vmem_shared>>
      %dma_wait3A_80 = arith.constant 0 : i32
      %dma_wait3A_81 = arith.constant 0 : i32
      %dma_wait3A_82 = tpu.memref_slice %arg10[%dma_wait3A, %dma_wait3A_80, %dma_wait3A_81] : memref<2x512x16xf32, #tpu.memory_space<vmem>> -> memref<1x512x16xf32, #tpu.memory_space<vmem>>
      %dma_wait3A_83 = tpu.memref_squeeze %dma_wait3A_82 : memref<1x512x16xf32, #tpu.memory_space<vmem>> -> memref<512x16xf32, #tpu.memory_space<vmem>>
      tpu.wait_dma2 semaphore(%arg19 : memref<!tpu.dma_semaphore, #tpu.memory_space<semaphore_mem>>) src(%dma_wait3A_83 : memref<512x16xf32, #tpu.memory_space<vmem>>) dst(%dma_wait3A_79 : memref<512x16xf32, #tpu.memory_space<vmem_shared>>)
    }
    %barrier3A = arith.constant 0 : index
    tpu.barrier barrier_id(%barrier3A)
    %broadcast_in_dim3A = arith.constant 0 : i32
    %broadcast_in_dim3A_36 = vector.broadcast %broadcast_in_dim3A : i32 to vector<16xi32>
    %add3A_37 = vector.broadcast %arg0 : i32 to vector<16xi32>
    %add3A_38 = arith.addi %broadcast_in_dim3A_36, %add3A_37 : vector<16xi32>
    %mul3A = arith.constant 800 : i32
    %mul3A_39 = arith.muli %arg1, %mul3A : i32
    %add3A_40 = arith.constant 0 : i32
    %add3A_41 = arith.addi %mul3A_39, %add3A_40 : i32
    %dma_start3A = arith.constant 0 : i32
    %dma_start3A_42 = arith.constant 0 : i32
    %dma_start3A_43 = tpu.memref_slice %arg3[%dma_start3A, %add3A_41, %dma_start3A_42] : memref<2x12800x128xi32, #tpu.memory_space<hbm>> -> memref<1x20x128xi32, #tpu.memory_space<hbm>>
    %dma_start3A_44 = tpu.memref_squeeze %dma_start3A_43 : memref<1x20x128xi32, #tpu.memory_space<hbm>> -> memref<20x128xi32, #tpu.memory_space<hbm>>
    %dma_start3A_45 = arith.constant 0 : i32
    %dma_start3A_46 = tpu.memref_slice %arg3[%dma_start3A, %add3A_41, %dma_start3A_45] : memref<2x12800x128xi32, #tpu.memory_space<hbm>> -> memref<1x20x128xi32, #tpu.memory_space<hbm>>
    %dma_start3A_47 = tpu.memref_squeeze %dma_start3A_46 : memref<1x20x128xi32, #tpu.memory_space<hbm>> -> memref<20x128xi32, #tpu.memory_space<hbm>>
    tpu.enqueue_dma source(%dma_start3A_47 : memref<20x128xi32, #tpu.memory_space<hbm>>) target(%arg6 : memref<20x128xi32, #tpu.memory_space<vmem>>) target_semaphore(%arg19 : memref<!tpu.dma_semaphore, #tpu.memory_space<semaphore_mem>>)
    %dma_start3A_48 = arith.constant 1 : i32
    %dma_start3A_49 = arith.constant 0 : i32
    %dma_start3A_50 = tpu.memref_slice %arg3[%dma_start3A_48, %add3A_41, %dma_start3A_49] : memref<2x12800x128xi32, #tpu.memory_space<hbm>> -> memref<1x20x128xi32, #tpu.memory_space<hbm>>
    %dma_start3A_51 = tpu.memref_squeeze %dma_start3A_50 : memref<1x20x128xi32, #tpu.memory_space<hbm>> -> memref<20x128xi32, #tpu.memory_space<hbm>>
    %dma_start3A_52 = arith.constant 0 : i32
    %dma_start3A_53 = tpu.memref_slice %arg3[%dma_start3A_48, %add3A_41, %dma_start3A_52] : memref<2x12800x128xi32, #tpu.memory_space<hbm>> -> memref<1x20x128xi32, #tpu.memory_space<hbm>>
    %dma_start3A_54 = tpu.memref_squeeze %dma_start3A_53 : memref<1x20x128xi32, #tpu.memory_space<hbm>> -> memref<20x128xi32, #tpu.memory_space<hbm>>
    tpu.enqueue_dma source(%dma_start3A_54 : memref<20x128xi32, #tpu.memory_space<hbm>>) target(%arg7 : memref<20x128xi32, #tpu.memory_space<vmem>>) target_semaphore(%arg19 : memref<!tpu.dma_semaphore, #tpu.memory_space<semaphore_mem>>)
    %scan3A_55 = arith.constant 0 : i32
    %scan3A_56 = arith.constant 20 : i32
    %scan3A_57 = arith.addi %scan3A_55, %scan3A_56 : i32
    %scan3A_58 = arith.constant 1 : i32
    scf.for %scan3A_65 = %scan3A_55 to %scan3A_57 step %scan3A_58  : i32 {
      %mul3A_66 = arith.constant 1 : i32
      %mul3A_67 = arith.muli %scan3A_65, %mul3A_66 : i32
      %add3A_68 = arith.constant 0 : i32
      %add3A_69 = arith.addi %add3A_68, %mul3A_67 : i32
      %mul3A_70 = arith.constant 2 : i32
      %mul3A_71 = arith.muli %mul3A_70, %add3A_69 : i32
      %mul3A_72 = arith.constant 800 : i32
      %mul3A_73 = arith.muli %arg1, %mul3A_72 : i32
      %mul3A_74 = arith.constant 20 : i32
      %mul3A_75 = arith.muli %mul3A_71, %mul3A_74 : i32
      %add3A_76 = arith.addi %mul3A_73, %mul3A_75 : i32
      %dma_wait3A = arith.constant 0 : i32
      %dma_wait3A_77 = arith.constant 0 : i32
      %dma_wait3A_78 = tpu.memref_slice %arg3[%dma_wait3A, %add3A_76, %dma_wait3A_77] : memref<2x12800x128xi32, #tpu.memory_space<hbm>> -> memref<1x20x128xi32, #tpu.memory_space<hbm>>
      %dma_wait3A_79 = tpu.memref_squeeze %dma_wait3A_78 : memref<1x20x128xi32, #tpu.memory_space<hbm>> -> memref<20x128xi32, #tpu.memory_space<hbm>>
      %dma_wait3A_80 = arith.constant 0 : i32
      %dma_wait3A_81 = tpu.memref_slice %arg3[%dma_wait3A, %add3A_76, %dma_wait3A_80] : memref<2x12800x128xi32, #tpu.memory_space<hbm>> -> memref<1x20x128xi32, #tpu.memory_space<hbm>>
      %dma_wait3A_82 = tpu.memref_squeeze %dma_wait3A_81 : memref<1x20x128xi32, #tpu.memory_space<hbm>> -> memref<20x128xi32, #tpu.memory_space<hbm>>
      tpu.wait_dma2 semaphore(%arg19 : memref<!tpu.dma_semaphore, #tpu.memory_space<semaphore_mem>>) src(%dma_wait3A_82 : memref<20x128xi32, #tpu.memory_space<hbm>>) dst(%arg6 : memref<20x128xi32, #tpu.memory_space<vmem>>)
      %dma_wait3A_83 = arith.constant 1 : i32
      %dma_wait3A_84 = arith.constant 0 : i32
      %dma_wait3A_85 = tpu.memref_slice %arg3[%dma_wait3A_83, %add3A_76, %dma_wait3A_84] : memref<2x12800x128xi32, #tpu.memory_space<hbm>> -> memref<1x20x128xi32, #tpu.memory_space<hbm>>
      %dma_wait3A_86 = tpu.memref_squeeze %dma_wait3A_85 : memref<1x20x128xi32, #tpu.memory_space<hbm>> -> memref<20x128xi32, #tpu.memory_space<hbm>>
      %dma_wait3A_87 = arith.constant 0 : i32
      %dma_wait3A_88 = tpu.memref_slice %arg3[%dma_wait3A_83, %add3A_76, %dma_wait3A_87] : memref<2x12800x128xi32, #tpu.memory_space<hbm>> -> memref<1x20x128xi32, #tpu.memory_space<hbm>>
      %dma_wait3A_89 = tpu.memref_squeeze %dma_wait3A_88 : memref<1x20x128xi32, #tpu.memory_space<hbm>> -> memref<20x128xi32, #tpu.memory_space<hbm>>
      tpu.wait_dma2 semaphore(%arg19 : memref<!tpu.dma_semaphore, #tpu.memory_space<semaphore_mem>>) src(%dma_wait3A_89 : memref<20x128xi32, #tpu.memory_space<hbm>>) dst(%arg7 : memref<20x128xi32, #tpu.memory_space<vmem>>)
      %add3A_90 = arith.constant 1 : i32
      %add3A_91 = arith.addi %mul3A_71, %add3A_90 : i32
      %mul3A_92 = arith.constant 800 : i32
      %mul3A_93 = arith.muli %arg1, %mul3A_92 : i32
      %mul3A_94 = arith.constant 20 : i32
      %mul3A_95 = arith.muli %add3A_91, %mul3A_94 : i32
      %add3A_96 = arith.addi %mul3A_93, %mul3A_95 : i32
      %dma_start3A_97 = arith.constant 0 : i32
      %dma_start3A_98 = arith.constant 0 : i32
      %dma_start3A_99 = tpu.memref_slice %arg3[%dma_start3A_97, %add3A_96, %dma_start3A_98] : memref<2x12800x128xi32, #tpu.memory_space<hbm>> -> memref<1x20x128xi32, #tpu.memory_space<hbm>>
      %dma_start3A_100 = tpu.memref_squeeze %dma_start3A_99 : memref<1x20x128xi32, #tpu.memory_space<hbm>> -> memref<20x128xi32, #tpu.memory_space<hbm>>
      %dma_start3A_101 = arith.constant 0 : i32
      %dma_start3A_102 = tpu.memref_slice %arg3[%dma_start3A_97, %add3A_96, %dma_start3A_101] : memref<2x12800x128xi32, #tpu.memory_space<hbm>> -> memref<1x20x128xi32, #tpu.memory_space<hbm>>
      %dma_start3A_103 = tpu.memref_squeeze %dma_start3A_102 : memref<1x20x128xi32, #tpu.memory_space<hbm>> -> memref<20x128xi32, #tpu.memory_space<hbm>>
      tpu.enqueue_dma source(%dma_start3A_103 : memref<20x128xi32, #tpu.memory_space<hbm>>) target(%arg8 : memref<20x128xi32, #tpu.memory_space<vmem>>) target_semaphore(%arg19 : memref<!tpu.dma_semaphore, #tpu.memory_space<semaphore_mem>>)
      %dma_start3A_104 = arith.constant 1 : i32
      %dma_start3A_105 = arith.constant 0 : i32
      %dma_start3A_106 = tpu.memref_slice %arg3[%dma_start3A_104, %add3A_96, %dma_start3A_105] : memref<2x12800x128xi32, #tpu.memory_space<hbm>> -> memref<1x20x128xi32, #tpu.memory_space<hbm>>
      %dma_start3A_107 = tpu.memref_squeeze %dma_start3A_106 : memref<1x20x128xi32, #tpu.memory_space<hbm>> -> memref<20x128xi32, #tpu.memory_space<hbm>>
      %dma_start3A_108 = arith.constant 0 : i32
      %dma_start3A_109 = tpu.memref_slice %arg3[%dma_start3A_104, %add3A_96, %dma_start3A_108] : memref<2x12800x128xi32, #tpu.memory_space<hbm>> -> memref<1x20x128xi32, #tpu.memory_space<hbm>>
      %dma_start3A_110 = tpu.memref_squeeze %dma_start3A_109 : memref<1x20x128xi32, #tpu.memory_space<hbm>> -> memref<20x128xi32, #tpu.memory_space<hbm>>
      tpu.enqueue_dma source(%dma_start3A_110 : memref<20x128xi32, #tpu.memory_space<hbm>>) target(%arg9 : memref<20x128xi32, #tpu.memory_space<vmem>>) target_semaphore(%arg19 : memref<!tpu.dma_semaphore, #tpu.memory_space<semaphore_mem>>)
      %scan3A_111 = arith.constant 0 : i32
      %scan3A_112 = arith.constant 8 : i32
      %scan3A_113 = arith.addi %scan3A_111, %scan3A_112 : i32
      %scan3A_114 = arith.constant 1 : i32
      scf.for %scan3A_2256 = %scan3A_111 to %scan3A_113 step %scan3A_114  : i32 {
        %mul3A_2257 = arith.constant 1 : i32
        %mul3A_2258 = arith.muli %scan3A_2256, %mul3A_2257 : i32
        %add3A_2259 = arith.constant 0 : i32
        %add3A_2260 = arith.addi %add3A_2259, %mul3A_2258 : i32
        %mul3A_2261 = arith.constant 16 : i32
        %mul3A_2262 = arith.muli %add3A_2260, %mul3A_2261 : i32
        %get3A = arith.constant 0 : i32
        %get3A_2263 = arith.index_cast %get3A : i32 to index
        %get3A_2264 = arith.index_cast %mul3A_2262 : i32 to index
        %get3A_2265 = tpu.vector_load %arg6[%get3A_2263, %get3A_2264] {strides = array<i32>} : memref<20x128xi32, #tpu.memory_space<vmem>>, vector<1x16xi32>,
        %get3A_2266 = vector.shape_cast %get3A_2265 : vector<1x16xi32> to vector<16xi32>
        %add3A_2267 = arith.addi %get3A_2266, %get3A_2266 : vector<16xi32>
        %add3A_2268 = arith.addi %add3A_2267, %add3A_38 : vector<16xi32>
        %mul3A_2269 = arith.constant 16 : i32
        %mul3A_2270 = arith.muli %add3A_2260, %mul3A_2269 : i32
        %swap3A = arith.constant 0 : i32
        %swap3A_2271 = arith.index_cast %swap3A : i32 to index
        %swap3A_2272 = arith.index_cast %mul3A_2270 : i32 to index
        %swap3A_2273 = tpu.vector_load %arg6[%swap3A_2271, %swap3A_2272] {strides = array<i32>} : memref<20x128xi32, #tpu.memory_space<vmem>>, vector<1x16xi32>,
        %swap3A_2274 = vector.shape_cast %swap3A_2273 : vector<1x16xi32> to vector<16xi32>
        %swap3A_2275 = vector.shape_cast %add3A_2268 : vector<16xi32> to vector<1x16xi32>
        tpu.vector_store %arg6[%swap3A_2271, %swap3A_2272], %swap3A_2275 {strides = array<i32>} : memref<20x128xi32, #tpu.memory_space<vmem>>, vector<1x16xi32>,
      }
      %scan3A_115 = arith.constant 8 : i32
      %scan3A_116 = arith.constant 0 : i32
      %scan3A_117 = arith.constant 8 : i32
      %scan3A_118 = arith.addi %scan3A_116, %scan3A_117 : i32
      %scan3A_119 = arith.constant 1 : i32
      scf.for %scan3A_2256 = %scan3A_116 to %scan3A_118 step %scan3A_119  : i32 {
        %mul3A_2257 = arith.constant 1 : i32
        %mul3A_2258 = arith.muli %scan3A_2256, %mul3A_2257 : i32
        %add3A_2259 = arith.constant 0 : i32
        %add3A_2260 = arith.addi %add3A_2259, %mul3A_2258 : i32
        %mul3A_2261 = arith.constant 16 : i32
        %mul3A_2262 = arith.muli %add3A_2260, %mul3A_2261 : i32
        %get3A = arith.constant 1 : i32
        %get3A_2263 = arith.index_cast %get3A : i32 to index
        %get3A_2264 = arith.index_cast %mul3A_2262 : i32 to index
        %get3A_2265 = tpu.vector_load %arg6[%get3A_2263, %get3A_2264] {strides = array<i32>} : memref<20x128xi32, #tpu.memory_space<vmem>>, vector<1x16xi32>,
        %get3A_2266 = vector.shape_cast %get3A_2265 : vector<1x16xi32> to vector<16xi32>
        %add3A_2267 = arith.addi %get3A_2266, %get3A_2266 : vector<16xi32>
        %add3A_2268 = arith.addi %add3A_2267, %add3A_38 : vector<16xi32>
        %mul3A_2269 = arith.constant 16 : i32
        %mul3A_2270 = arith.muli %add3A_2260, %mul3A_2269 : i32
        %swap3A = arith.constant 1 : i32
        %swap3A_2271 = arith.index_cast %swap3A : i32 to index
        %swap3A_2272 = arith.index_cast %mul3A_2270 : i32 to index
        %swap3A_2273 = tpu.vector_load %arg6[%swap3A_2271, %swap3A_2272] {strides = array<i32>} : memref<20x128xi32, #tpu.memory_space<vmem>>, vector<1x16xi32>,
        %swap3A_2274 = vector.shape_cast %swap3A_2273 : vector<1x16xi32> to vector<16xi32>
        %swap3A_2275 = vector.shape_cast %add3A_2268 : vector<16xi32> to vector<1x16xi32>
        tpu.vector_store %arg6[%swap3A_2271, %swap3A_2272], %swap3A_2275 {strides = array<i32>} : memref<20x128xi32, #tpu.memory_space<vmem>>, vector<1x16xi32>,
      }
      %scan3A_120 = arith.constant 8 : i32
      %scan3A_121 = arith.constant 0 : i32
      %scan3A_122 = arith.constant 8 : i32
      %scan3A_123 = arith.addi %scan3A_121, %scan3A_122 : i32
      %scan3A_124 = arith.constant 1 : i32
      scf.for %scan3A_2256 = %scan3A_121 to %scan3A_123 step %scan3A_124  : i32 {
        %mul3A_2257 = arith.constant 1 : i32
        %mul3A_2258 = arith.muli %scan3A_2256, %mul3A_2257 : i32
        %add3A_2259 = arith.constant 0 : i32
        %add3A_2260 = arith.addi %add3A_2259, %mul3A_2258 : i32
        %mul3A_2261 = arith.constant 16 : i32
        %mul3A_2262 = arith.muli %add3A_2260, %mul3A_2261 : i32
        %get3A = arith.constant 2 : i32
        %get3A_2263 = arith.index_cast %get3A : i32 to index
        %get3A_2264 = arith.index_cast %mul3A_2262 : i32 to index
        %get3A_2265 = tpu.vector_load %arg6[%get3A_2263, %get3A_2264] {strides = array<i32>} : memref<20x128xi32, #tpu.memory_space<vmem>>, vector<1x16xi32>,
        %get3A_2266 = vector.shape_cast %get3A_2265 : vector<1x16xi32> to vector<16xi32>
        %add3A_2267 = arith.addi %get3A_2266, %get3A_2266 : vector<16xi32>
        %add3A_2268 = arith.addi %add3A_2267, %add3A_38 : vector<16xi32>
        %mul3A_2269 = arith.constant 16 : i32
        %mul3A_2270 = arith.muli %add3A_2260, %mul3A_2269 : i32
        %swap3A = arith.constant 2 : i32
        %swap3A_2271 = arith.index_cast %swap3A : i32 to index
        %swap3A_2272 = arith.index_cast %mul3A_2270 : i32 to index
        %swap3A_2273 = tpu.vector_load %arg6[%swap3A_2271, %swap3A_2272] {strides = array<i32>} : memref<20x128xi32, #tpu.memory_space<vmem>>, vector<1x16xi32>,
        %swap3A_2274 = vector.shape_cast %swap3A_2273 : vector<1x16xi32> to vector<16xi32>
        %swap3A_2275 = vector.shape_cast %add3A_2268 : vector<16xi32> to vector<1x16xi32>
        tpu.vector_store %arg6[%swap3A_2271, %swap3A_2272], %swap3A_2275 {strides = array<i32>} : memref<20x128xi32, #tpu.memory_space<vmem>>, vector<1x16xi32>,
      }
      %scan3A_125 = arith.constant 8 : i32
      %scan3A_126 = arith.constant 0 : i32
      %scan3A_127 = arith.constant 8 : i32
      %scan3A_128 = arith.addi %scan3A_126, %scan3A_127 : i32
      %scan3A_129 = arith.constant 1 : i32
      scf.for %scan3A_2256 = %scan3A_126 to %scan3A_128 step %scan3A_129  : i32 {
        %mul3A_2257 = arith.constant 1 : i32
        %mul3A_2258 = arith.muli %scan3A_2256, %mul3A_2257 : i32
        %add3A_2259 = arith.constant 0 : i32
        %add3A_2260 = arith.addi %add3A_2259, %mul3A_2258 : i32
        %mul3A_2261 = arith.constant 16 : i32
        %mul3A_2262 = arith.muli %add3A_2260, %mul3A_2261 : i32
        %get3A = arith.constant 3 : i32
        %get3A_2263 = arith.index_cast %get3A : i32 to index
        %get3A_2264 = arith.index_cast %mul3A_2262 : i32 to index
        %get3A_2265 = tpu.vector_load %arg6[%get3A_2263, %get3A_2264] {strides = array<i32>} : memref<20x128xi32, #tpu.memory_space<vmem>>, vector<1x16xi32>,
        %get3A_2266 = vector.shape_cast %get3A_2265 : vector<1x16xi32> to vector<16xi32>
        %add3A_2267 = arith.addi %get3A_2266, %get3A_2266 : vector<16xi32>
        %add3A_2268 = arith.addi %add3A_2267, %add3A_38 : vector<16xi32>
        %mul3A_2269 = arith.constant 16 : i32
        %mul3A_2270 = arith.muli %add3A_2260, %mul3A_2269 : i32
        %swap3A = arith.constant 3 : i32
        %swap3A_2271 = arith.index_cast %swap3A : i32 to index
        %swap3A_2272 = arith.index_cast %mul3A_2270 : i32 to index
        %swap3A_2273 = tpu.vector_load %arg6[%swap3A_2271, %swap3A_2272] {strides = array<i32>} : memref<20x128xi32, #tpu.memory_space<vmem>>, vector<1x16xi32>,
        %swap3A_2274 = vector.shape_cast %swap3A_2273 : vector<1x16xi32> to vector<16xi32>
        %swap3A_2275 = vector.shape_cast %add3A_2268 : vector<16xi32> to vector<1x16xi32>
        tpu.vector_store %arg6[%swap3A_2271, %swap3A_2272], %swap3A_2275 {strides = array<i32>} : memref<20x128xi32, #tpu.memory_space<vmem>>, vector<1x16xi32>,
      }
      %scan3A_130 = arith.constant 8 : i32
      %dma_start3A_131 = arith.constant 0 : i32
      %dma_start3A_132 = arith.constant 0 : i32
      %dma_start3A_133 = arith.constant 0 : i32
      %dma_start3A_134 = arith.constant 0 : i32
      %dma_start3A_135 = tpu.memref_slice %arg10[%dma_start3A_132, %dma_start3A_133, %dma_start3A_134] : memref<2x512x16xf32, #tpu.memory_space<vmem>> -> memref<1x128x16xf32, #tpu.memory_space<vmem>>
      %dma_start3A_136 = tpu.memref_squeeze %dma_start3A_135 : memref<1x128x16xf32, #tpu.memory_space<vmem>> -> memref<128x16xf32, #tpu.memory_space<vmem>>
      %dma_start3A_137 = arith.constant 0 : i32
      %dma_start3A_138 = tpu.memref_slice %arg6[%dma_start3A_131, %dma_start3A_137] : memref<20x128xi32, #tpu.memory_space<vmem>> -> memref<1x128xi32, #tpu.memory_space<vmem>>
      %dma_start3A_139 = tpu.memref_squeeze %dma_start3A_138 : memref<1x128xi32, #tpu.memory_space<vmem>> -> memref<128xi32, #tpu.memory_space<vmem>>
      %dma_start3A_140 = arith.constant 0 : i32
      %dma_start3A_141 = arith.constant 0 : i32
      %dma_start3A_142 = tpu.memref_slice %arg2[%dma_start3A_140, %dma_start3A_141] : memref<200002x16xf32, #tpu.memory_space<hbm>> -> memref<200002x16xf32, #tpu.memory_space<hbm>>
      tpu.enqueue_indirect_dma source(%dma_start3A_142 : memref<200002x16xf32, #tpu.memory_space<hbm>>) target(%dma_start3A_136 : memref<128x16xf32, #tpu.memory_space<vmem>>) offsets(%dma_start3A_139 : memref<128xi32, #tpu.memory_space<vmem>>) semaphore(%arg11 : memref<!tpu.dma_semaphore, #tpu.memory_space<semaphore_mem>>)
      %dma_start3A_143 = arith.constant 1 : i32
      %dma_start3A_144 = arith.constant 0 : i32
      %dma_start3A_145 = arith.constant 128 : i32
      %dma_start3A_146 = arith.constant 0 : i32
      %dma_start3A_147 = tpu.memref_slice %arg10[%dma_start3A_144, %dma_start3A_145, %dma_start3A_146] : memref<2x512x16xf32, #tpu.memory_space<vmem>> -> memref<1x128x16xf32, #tpu.memory_space<vmem>>
      %dma_start3A_148 = tpu.memref_squeeze %dma_start3A_147 : memref<1x128x16xf32, #tpu.memory_space<vmem>> -> memref<128x16xf32, #tpu.memory_space<vmem>>
      %dma_start3A_149 = arith.constant 0 : i32
      %dma_start3A_150 = tpu.memref_slice %arg6[%dma_start3A_143, %dma_start3A_149] : memref<20x128xi32, #tpu.memory_space<vmem>> -> memref<1x128xi32, #tpu.memory_space<vmem>>
      %dma_start3A_151 = tpu.memref_squeeze %dma_start3A_150 : memref<1x128xi32, #tpu.memory_space<vmem>> -> memref<128xi32, #tpu.memory_space<vmem>>
      %dma_start3A_152 = arith.constant 0 : i32
      %dma_start3A_153 = arith.constant 0 : i32
      %dma_start3A_154 = tpu.memref_slice %arg2[%dma_start3A_152, %dma_start3A_153] : memref<200002x16xf32, #tpu.memory_space<hbm>> -> memref<200002x16xf32, #tpu.memory_space<hbm>>
      tpu.enqueue_indirect_dma source(%dma_start3A_154 : memref<200002x16xf32, #tpu.memory_space<hbm>>) target(%dma_start3A_148 : memref<128x16xf32, #tpu.memory_space<vmem>>) offsets(%dma_start3A_151 : memref<128xi32, #tpu.memory_space<vmem>>) semaphore(%arg11 : memref<!tpu.dma_semaphore, #tpu.memory_space<semaphore_mem>>)
      %dma_start3A_155 = arith.constant 2 : i32
      %dma_start3A_156 = arith.constant 0 : i32
      %dma_start3A_157 = arith.constant 256 : i32
      %dma_start3A_158 = arith.constant 0 : i32
      %dma_start3A_159 = tpu.memref_slice %arg10[%dma_start3A_156, %dma_start3A_157, %dma_start3A_158] : memref<2x512x16xf32, #tpu.memory_space<vmem>> -> memref<1x128x16xf32, #tpu.memory_space<vmem>>
      %dma_start3A_160 = tpu.memref_squeeze %dma_start3A_159 : memref<1x128x16xf32, #tpu.memory_space<vmem>> -> memref<128x16xf32, #tpu.memory_space<vmem>>
      %dma_start3A_161 = arith.constant 0 : i32
      %dma_start3A_162 = tpu.memref_slice %arg6[%dma_start3A_155, %dma_start3A_161] : memref<20x128xi32, #tpu.memory_space<vmem>> -> memref<1x128xi32, #tpu.memory_space<vmem>>
      %dma_start3A_163 = tpu.memref_squeeze %dma_start3A_162 : memref<1x128xi32, #tpu.memory_space<vmem>> -> memref<128xi32, #tpu.memory_space<vmem>>
      %dma_start3A_164 = arith.constant 0 : i32
      %dma_start3A_165 = arith.constant 0 : i32
      %dma_start3A_166 = tpu.memref_slice %arg2[%dma_start3A_164, %dma_start3A_165] : memref<200002x16xf32, #tpu.memory_space<hbm>> -> memref<200002x16xf32, #tpu.memory_space<hbm>>
      tpu.enqueue_indirect_dma source(%dma_start3A_166 : memref<200002x16xf32, #tpu.memory_space<hbm>>) target(%dma_start3A_160 : memref<128x16xf32, #tpu.memory_space<vmem>>) offsets(%dma_start3A_163 : memref<128xi32, #tpu.memory_space<vmem>>) semaphore(%arg11 : memref<!tpu.dma_semaphore, #tpu.memory_space<semaphore_mem>>)
      %dma_start3A_167 = arith.constant 3 : i32
      %dma_start3A_168 = arith.constant 0 : i32
      %dma_start3A_169 = arith.constant 384 : i32
      %dma_start3A_170 = arith.constant 0 : i32
      %dma_start3A_171 = tpu.memref_slice %arg10[%dma_start3A_168, %dma_start3A_169, %dma_start3A_170] : memref<2x512x16xf32, #tpu.memory_space<vmem>> -> memref<1x128x16xf32, #tpu.memory_space<vmem>>
      %dma_start3A_172 = tpu.memref_squeeze %dma_start3A_171 : memref<1x128x16xf32, #tpu.memory_space<vmem>> -> memref<128x16xf32, #tpu.memory_space<vmem>>
      %dma_start3A_173 = arith.constant 0 : i32
      %dma_start3A_174 = tpu.memref_slice %arg6[%dma_start3A_167, %dma_start3A_173] : memref<20x128xi32, #tpu.memory_space<vmem>> -> memref<1x128xi32, #tpu.memory_space<vmem>>
      %dma_start3A_175 = tpu.memref_squeeze %dma_start3A_174 : memref<1x128xi32, #tpu.memory_space<vmem>> -> memref<128xi32, #tpu.memory_space<vmem>>
      %dma_start3A_176 = arith.constant 0 : i32
      %dma_start3A_177 = arith.constant 0 : i32
      %dma_start3A_178 = tpu.memref_slice %arg2[%dma_start3A_176, %dma_start3A_177] : memref<200002x16xf32, #tpu.memory_space<hbm>> -> memref<200002x16xf32, #tpu.memory_space<hbm>>
      tpu.enqueue_indirect_dma source(%dma_start3A_178 : memref<200002x16xf32, #tpu.memory_space<hbm>>) target(%dma_start3A_172 : memref<128x16xf32, #tpu.memory_space<vmem>>) offsets(%dma_start3A_175 : memref<128xi32, #tpu.memory_space<vmem>>) semaphore(%arg11 : memref<!tpu.dma_semaphore, #tpu.memory_space<semaphore_mem>>)
      %scan3A_179 = arith.constant 0 : i32
      %scan3A_180 = arith.constant 8 : i32
      %scan3A_181 = arith.addi %scan3A_179, %scan3A_180 : i32
      %scan3A_182 = arith.constant 1 : i32
      scf.for %scan3A_2256 = %scan3A_179 to %scan3A_181 step %scan3A_182  : i32 {
        %mul3A_2257 = arith.constant 1 : i32
        %mul3A_2258 = arith.muli %scan3A_2256, %mul3A_2257 : i32
        %add3A_2259 = arith.constant 0 : i32
        %add3A_2260 = arith.addi %add3A_2259, %mul3A_2258 : i32
        %mul3A_2261 = arith.constant 16 : i32
        %mul3A_2262 = arith.muli %add3A_2260, %mul3A_2261 : i32
        %get3A = arith.constant 4 : i32
        %get3A_2263 = arith.index_cast %get3A : i32 to index
        %get3A_2264 = arith.index_cast %mul3A_2262 : i32 to index
        %get3A_2265 = tpu.vector_load %arg6[%get3A_2263, %get3A_2264] {strides = array<i32>} : memref<20x128xi32, #tpu.memory_space<vmem>>, vector<1x16xi32>,
        %get3A_2266 = vector.shape_cast %get3A_2265 : vector<1x16xi32> to vector<16xi32>
        %add3A_2267 = arith.addi %get3A_2266, %get3A_2266 : vector<16xi32>
        %add3A_2268 = arith.addi %add3A_2267, %add3A_38 : vector<16xi32>
        %mul3A_2269 = arith.constant 16 : i32
        %mul3A_2270 = arith.muli %add3A_2260, %mul3A_2269 : i32
        %swap3A = arith.constant 4 : i32
        %swap3A_2271 = arith.index_cast %swap3A : i32 to index
        %swap3A_2272 = arith.index_cast %mul3A_2270 : i32 to index
        %swap3A_2273 = tpu.vector_load %arg6[%swap3A_2271, %swap3A_2272] {strides = array<i32>} : memref<20x128xi32, #tpu.memory_space<vmem>>, vector<1x16xi32>,
        %swap3A_2274 = vector.shape_cast %swap3A_2273 : vector<1x16xi32> to vector<16xi32>
        %swap3A_2275 = vector.shape_cast %add3A_2268 : vector<16xi32> to vector<1x16xi32>
        tpu.vector_store %arg6[%swap3A_2271, %swap3A_2272], %swap3A_2275 {strides = array<i32>} : memref<20x128xi32, #tpu.memory_space<vmem>>, vector<1x16xi32>,
      }
      %scan3A_183 = arith.constant 8 : i32
      %scan3A_184 = arith.constant 0 : i32
      %scan3A_185 = arith.constant 8 : i32
      %scan3A_186 = arith.addi %scan3A_184, %scan3A_185 : i32
      %scan3A_187 = arith.constant 1 : i32
      scf.for %scan3A_2256 = %scan3A_184 to %scan3A_186 step %scan3A_187  : i32 {
        %mul3A_2257 = arith.constant 1 : i32
        %mul3A_2258 = arith.muli %scan3A_2256, %mul3A_2257 : i32
        %add3A_2259 = arith.constant 0 : i32
        %add3A_2260 = arith.addi %add3A_2259, %mul3A_2258 : i32
        %mul3A_2261 = arith.constant 16 : i32
        %mul3A_2262 = arith.muli %add3A_2260, %mul3A_2261 : i32
        %get3A = arith.constant 5 : i32
        %get3A_2263 = arith.index_cast %get3A : i32 to index
        %get3A_2264 = arith.index_cast %mul3A_2262 : i32 to index
        %get3A_2265 = tpu.vector_load %arg6[%get3A_2263, %get3A_2264] {strides = array<i32>} : memref<20x128xi32, #tpu.memory_space<vmem>>, vector<1x16xi32>,
        %get3A_2266 = vector.shape_cast %get3A_2265 : vector<1x16xi32> to vector<16xi32>
        %add3A_2267 = arith.addi %get3A_2266, %get3A_2266 : vector<16xi32>
        %add3A_2268 = arith.addi %add3A_2267, %add3A_38 : vector<16xi32>
        %mul3A_2269 = arith.constant 16 : i32
        %mul3A_2270 = arith.muli %add3A_2260, %mul3A_2269 : i32
        %swap3A = arith.constant 5 : i32
        %swap3A_2271 = arith.index_cast %swap3A : i32 to index
        %swap3A_2272 = arith.index_cast %mul3A_2270 : i32 to index
        %swap3A_2273 = tpu.vector_load %arg6[%swap3A_2271, %swap3A_2272] {strides = array<i32>} : memref<20x128xi32, #tpu.memory_space<vmem>>, vector<1x16xi32>,
        %swap3A_2274 = vector.shape_cast %swap3A_2273 : vector<1x16xi32> to vector<16xi32>
        %swap3A_2275 = vector.shape_cast %add3A_2268 : vector<16xi32> to vector<1x16xi32>
        tpu.vector_store %arg6[%swap3A_2271, %swap3A_2272], %swap3A_2275 {strides = array<i32>} : memref<20x128xi32, #tpu.memory_space<vmem>>, vector<1x16xi32>,
      }
      %scan3A_188 = arith.constant 8 : i32
      %scan3A_189 = arith.constant 0 : i32
      %scan3A_190 = arith.constant 8 : i32
      %scan3A_191 = arith.addi %scan3A_189, %scan3A_190 : i32
      %scan3A_192 = arith.constant 1 : i32
      scf.for %scan3A_2256 = %scan3A_189 to %scan3A_191 step %scan3A_192  : i32 {
        %mul3A_2257 = arith.constant 1 : i32
        %mul3A_2258 = arith.muli %scan3A_2256, %mul3A_2257 : i32
        %add3A_2259 = arith.constant 0 : i32
        %add3A_2260 = arith.addi %add3A_2259, %mul3A_2258 : i32
        %mul3A_2261 = arith.constant 16 : i32
        %mul3A_2262 = arith.muli %add3A_2260, %mul3A_2261 : i32
        %get3A = arith.constant 6 : i32
        %get3A_2263 = arith.index_cast %get3A : i32 to index
        %get3A_2264 = arith.index_cast %mul3A_2262 : i32 to index
        %get3A_2265 = tpu.vector_load %arg6[%get3A_2263, %get3A_2264] {strides = array<i32>} : memref<20x128xi32, #tpu.memory_space<vmem>>, vector<1x16xi32>,
        %get3A_2266 = vector.shape_cast %get3A_2265 : vector<1x16xi32> to vector<16xi32>
        %add3A_2267 = arith.addi %get3A_2266, %get3A_2266 : vector<16xi32>
        %add3A_2268 = arith.addi %add3A_2267, %add3A_38 : vector<16xi32>
        %mul3A_2269 = arith.constant 16 : i32
        %mul3A_2270 = arith.muli %add3A_2260, %mul3A_2269 : i32
        %swap3A = arith.constant 6 : i32
        %swap3A_2271 = arith.index_cast %swap3A : i32 to index
        %swap3A_2272 = arith.index_cast %mul3A_2270 : i32 to index
        %swap3A_2273 = tpu.vector_load %arg6[%swap3A_2271, %swap3A_2272] {strides = array<i32>} : memref<20x128xi32, #tpu.memory_space<vmem>>, vector<1x16xi32>,
        %swap3A_2274 = vector.shape_cast %swap3A_2273 : vector<1x16xi32> to vector<16xi32>
        %swap3A_2275 = vector.shape_cast %add3A_2268 : vector<16xi32> to vector<1x16xi32>
        tpu.vector_store %arg6[%swap3A_2271, %swap3A_2272], %swap3A_2275 {strides = array<i32>} : memref<20x128xi32, #tpu.memory_space<vmem>>, vector<1x16xi32>,
      }
      %scan3A_193 = arith.constant 8 : i32
      %scan3A_194 = arith.constant 0 : i32
      %scan3A_195 = arith.constant 8 : i32
      %scan3A_196 = arith.addi %scan3A_194, %scan3A_195 : i32
      %scan3A_197 = arith.constant 1 : i32
      scf.for %scan3A_2256 = %scan3A_194 to %scan3A_196 step %scan3A_197  : i32 {
        %mul3A_2257 = arith.constant 1 : i32
        %mul3A_2258 = arith.muli %scan3A_2256, %mul3A_2257 : i32
        %add3A_2259 = arith.constant 0 : i32
        %add3A_2260 = arith.addi %add3A_2259, %mul3A_2258 : i32
        %mul3A_2261 = arith.constant 16 : i32
        %mul3A_2262 = arith.muli %add3A_2260, %mul3A_2261 : i32
        %get3A = arith.constant 7 : i32
        %get3A_2263 = arith.index_cast %get3A : i32 to index
        %get3A_2264 = arith.index_cast %mul3A_2262 : i32 to index
        %get3A_2265 = tpu.vector_load %arg6[%get3A_2263, %get3A_2264] {strides = array<i32>} : memref<20x128xi32, #tpu.memory_space<vmem>>, vector<1x16xi32>,
        %get3A_2266 = vector.shape_cast %get3A_2265 : vector<1x16xi32> to vector<16xi32>
        %add3A_2267 = arith.addi %get3A_2266, %get3A_2266 : vector<16xi32>
        %add3A_2268 = arith.addi %add3A_2267, %add3A_38 : vector<16xi32>
        %mul3A_2269 = arith.constant 16 : i32
        %mul3A_2270 = arith.muli %add3A_2260, %mul3A_2269 : i32
        %swap3A = arith.constant 7 : i32
        %swap3A_2271 = arith.index_cast %swap3A : i32 to index
        %swap3A_2272 = arith.index_cast %mul3A_2270 : i32 to index
        %swap3A_2273 = tpu.vector_load %arg6[%swap3A_2271, %swap3A_2272] {strides = array<i32>} : memref<20x128xi32, #tpu.memory_space<vmem>>, vector<1x16xi32>,
        %swap3A_2274 = vector.shape_cast %swap3A_2273 : vector<1x16xi32> to vector<16xi32>
        %swap3A_2275 = vector.shape_cast %add3A_2268 : vector<16xi32> to vector<1x16xi32>
        tpu.vector_store %arg6[%swap3A_2271, %swap3A_2272], %swap3A_2275 {strides = array<i32>} : memref<20x128xi32, #tpu.memory_space<vmem>>, vector<1x16xi32>,
      }
      %scan3A_198 = arith.constant 8 : i32
      %dma_start3A_199 = arith.constant 4 : i32
      %dma_start3A_200 = arith.constant 1 : i32
      %dma_start3A_201 = arith.constant 0 : i32
      %dma_start3A_202 = arith.constant 0 : i32
      %dma_start3A_203 = tpu.memref_slice %arg10[%dma_start3A_200, %dma_start3A_201, %dma_start3A_202] : memref<2x512x16xf32, #tpu.memory_space<vmem>> -> memref<1x128x16xf32, #tpu.memory_space<vmem>>
      %dma_start3A_204 = tpu.memref_squeeze %dma_start3A_203 : memref<1x128x16xf32, #tpu.memory_space<vmem>> -> memref<128x16xf32, #tpu.memory_space<vmem>>
      %dma_start3A_205 = arith.constant 0 : i32
      %dma_start3A_206 = tpu.memref_slice %arg6[%dma_start3A_199, %dma_start3A_205] : memref<20x128xi32, #tpu.memory_space<vmem>> -> memref<1x128xi32, #tpu.memory_space<vmem>>
      %dma_start3A_207 = tpu.memref_squeeze %dma_start3A_206 : memref<1x128xi32, #tpu.memory_space<vmem>> -> memref<128xi32, #tpu.memory_space<vmem>>
      %dma_start3A_208 = arith.constant 0 : i32
      %dma_start3A_209 = arith.constant 0 : i32
      %dma_start3A_210 = tpu.memref_slice %arg2[%dma_start3A_208, %dma_start3A_209] : memref<200002x16xf32, #tpu.memory_space<hbm>> -> memref<200002x16xf32, #tpu.memory_space<hbm>>
      tpu.enqueue_indirect_dma source(%dma_start3A_210 : memref<200002x16xf32, #tpu.memory_space<hbm>>) target(%dma_start3A_204 : memref<128x16xf32, #tpu.memory_space<vmem>>) offsets(%dma_start3A_207 : memref<128xi32, #tpu.memory_space<vmem>>) semaphore(%arg12 : memref<!tpu.dma_semaphore, #tpu.memory_space<semaphore_mem>>)
      %dma_start3A_211 = arith.constant 5 : i32
      %dma_start3A_212 = arith.constant 1 : i32
      %dma_start3A_213 = arith.constant 128 : i32
      %dma_start3A_214 = arith.constant 0 : i32
      %dma_start3A_215 = tpu.memref_slice %arg10[%dma_start3A_212, %dma_start3A_213, %dma_start3A_214] : memref<2x512x16xf32, #tpu.memory_space<vmem>> -> memref<1x128x16xf32, #tpu.memory_space<vmem>>
      %dma_start3A_216 = tpu.memref_squeeze %dma_start3A_215 : memref<1x128x16xf32, #tpu.memory_space<vmem>> -> memref<128x16xf32, #tpu.memory_space<vmem>>
      %dma_start3A_217 = arith.constant 0 : i32
      %dma_start3A_218 = tpu.memref_slice %arg6[%dma_start3A_211, %dma_start3A_217] : memref<20x128xi32, #tpu.memory_space<vmem>> -> memref<1x128xi32, #tpu.memory_space<vmem>>
      %dma_start3A_219 = tpu.memref_squeeze %dma_start3A_218 : memref<1x128xi32, #tpu.memory_space<vmem>> -> memref<128xi32, #tpu.memory_space<vmem>>
      %dma_start3A_220 = arith.constant 0 : i32
      %dma_start3A_221 = arith.constant 0 : i32
      %dma_start3A_222 = tpu.memref_slice %arg2[%dma_start3A_220, %dma_start3A_221] : memref<200002x16xf32, #tpu.memory_space<hbm>> -> memref<200002x16xf32, #tpu.memory_space<hbm>>
      tpu.enqueue_indirect_dma source(%dma_start3A_222 : memref<200002x16xf32, #tpu.memory_space<hbm>>) target(%dma_start3A_216 : memref<128x16xf32, #tpu.memory_space<vmem>>) offsets(%dma_start3A_219 : memref<128xi32, #tpu.memory_space<vmem>>) semaphore(%arg12 : memref<!tpu.dma_semaphore, #tpu.memory_space<semaphore_mem>>)
      %dma_start3A_223 = arith.constant 6 : i32
      %dma_start3A_224 = arith.constant 1 : i32
      %dma_start3A_225 = arith.constant 256 : i32
      %dma_start3A_226 = arith.constant 0 : i32
      %dma_start3A_227 = tpu.memref_slice %arg10[%dma_start3A_224, %dma_start3A_225, %dma_start3A_226] : memref<2x512x16xf32, #tpu.memory_space<vmem>> -> memref<1x128x16xf32, #tpu.memory_space<vmem>>
      %dma_start3A_228 = tpu.memref_squeeze %dma_start3A_227 : memref<1x128x16xf32, #tpu.memory_space<vmem>> -> memref<128x16xf32, #tpu.memory_space<vmem>>
      %dma_start3A_229 = arith.constant 0 : i32
      %dma_start3A_230 = tpu.memref_slice %arg6[%dma_start3A_223, %dma_start3A_229] : memref<20x128xi32, #tpu.memory_space<vmem>> -> memref<1x128xi32, #tpu.memory_space<vmem>>
      %dma_start3A_231 = tpu.memref_squeeze %dma_start3A_230 : memref<1x128xi32, #tpu.memory_space<vmem>> -> memref<128xi32, #tpu.memory_space<vmem>>
      %dma_start3A_232 = arith.constant 0 : i32
      %dma_start3A_233 = arith.constant 0 : i32
      %dma_start3A_234 = tpu.memref_slice %arg2[%dma_start3A_232, %dma_start3A_233] : memref<200002x16xf32, #tpu.memory_space<hbm>> -> memref<200002x16xf32, #tpu.memory_space<hbm>>
      tpu.enqueue_indirect_dma source(%dma_start3A_234 : memref<200002x16xf32, #tpu.memory_space<hbm>>) target(%dma_start3A_228 : memref<128x16xf32, #tpu.memory_space<vmem>>) offsets(%dma_start3A_231 : memref<128xi32, #tpu.memory_space<vmem>>) semaphore(%arg12 : memref<!tpu.dma_semaphore, #tpu.memory_space<semaphore_mem>>)
      %dma_start3A_235 = arith.constant 7 : i32
      %dma_start3A_236 = arith.constant 1 : i32
      %dma_start3A_237 = arith.constant 384 : i32
      %dma_start3A_238 = arith.constant 0 : i32
      %dma_start3A_239 = tpu.memref_slice %arg10[%dma_start3A_236, %dma_start3A_237, %dma_start3A_238] : memref<2x512x16xf32, #tpu.memory_space<vmem>> -> memref<1x128x16xf32, #tpu.memory_space<vmem>>
      %dma_start3A_240 = tpu.memref_squeeze %dma_start3A_239 : memref<1x128x16xf32, #tpu.memory_space<vmem>> -> memref<128x16xf32, #tpu.memory_space<vmem>>
      %dma_start3A_241 = arith.constant 0 : i32
      %dma_start3A_242 = tpu.memref_slice %arg6[%dma_start3A_235, %dma_start3A_241] : memref<20x128xi32, #tpu.memory_space<vmem>> -> memref<1x128xi32, #tpu.memory_space<vmem>>
      %dma_start3A_243 = tpu.memref_squeeze %dma_start3A_242 : memref<1x128xi32, #tpu.memory_space<vmem>> -> memref<128xi32, #tpu.memory_space<vmem>>
      %dma_start3A_244 = arith.constant 0 : i32
      %dma_start3A_245 = arith.constant 0 : i32
      %dma_start3A_246 = tpu.memref_slice %arg2[%dma_start3A_244, %dma_start3A_245] : memref<200002x16xf32, #tpu.memory_space<hbm>> -> memref<200002x16xf32, #tpu.memory_space<hbm>>
      tpu.enqueue_indirect_dma source(%dma_start3A_246 : memref<200002x16xf32, #tpu.memory_space<hbm>>) target(%dma_start3A_240 : memref<128x16xf32, #tpu.memory_space<vmem>>) offsets(%dma_start3A_243 : memref<128xi32, #tpu.memory_space<vmem>>) semaphore(%arg12 : memref<!tpu.dma_semaphore, #tpu.memory_space<semaphore_mem>>)
      %dma_wait3A_247 = arith.constant 0 : i32
      %dma_wait3A_248 = arith.constant 0 : i32
      %dma_wait3A_249 = arith.constant 0 : i32
      %dma_wait3A_250 = arith.constant 0 : i32
      %dma_wait3A_251 = tpu.memref_slice %arg10[%dma_wait3A_248, %dma_wait3A_249, %dma_wait3A_250] : memref<2x512x16xf32, #tpu.memory_space<vmem>> -> memref<1x128x16xf32, #tpu.memory_space<vmem>>
      %dma_wait3A_252 = tpu.memref_squeeze %dma_wait3A_251 : memref<1x128x16xf32, #tpu.memory_space<vmem>> -> memref<128x16xf32, #tpu.memory_space<vmem>>
      %dma_wait3A_253 = arith.constant 0 : i32
      %dma_wait3A_254 = tpu.memref_slice %arg6[%dma_wait3A_247, %dma_wait3A_253] : memref<20x128xi32, #tpu.memory_space<vmem>> -> memref<1x128xi32, #tpu.memory_space<vmem>>
      %dma_wait3A_255 = tpu.memref_squeeze %dma_wait3A_254 : memref<1x128xi32, #tpu.memory_space<vmem>> -> memref<128xi32, #tpu.memory_space<vmem>>
      %dma_wait3A_256 = arith.constant 0 : i32
      %dma_wait3A_257 = arith.constant 0 : i32
      %dma_wait3A_258 = tpu.memref_slice %arg2[%dma_wait3A_256, %dma_wait3A_257] : memref<200002x16xf32, #tpu.memory_space<hbm>> -> memref<200002x16xf32, #tpu.memory_space<hbm>>
      tpu.wait_indirect_dma semaphore(%arg11 : memref<!tpu.dma_semaphore, #tpu.memory_space<semaphore_mem>>) src(%dma_wait3A_258 : memref<200002x16xf32, #tpu.memory_space<hbm>>) dst(%dma_wait3A_252 : memref<128x16xf32, #tpu.memory_space<vmem>>)
      %dma_wait3A_259 = arith.constant 1 : i32
      %dma_wait3A_260 = arith.constant 0 : i32
      %dma_wait3A_261 = arith.constant 128 : i32
      %dma_wait3A_262 = arith.constant 0 : i32
      %dma_wait3A_263 = tpu.memref_slice %arg10[%dma_wait3A_260, %dma_wait3A_261, %dma_wait3A_262] : memref<2x512x16xf32, #tpu.memory_space<vmem>> -> memref<1x128x16xf32, #tpu.memory_space<vmem>>
      %dma_wait3A_264 = tpu.memref_squeeze %dma_wait3A_263 : memref<1x128x16xf32, #tpu.memory_space<vmem>> -> memref<128x16xf32, #tpu.memory_space<vmem>>
      %dma_wait3A_265 = arith.constant 0 : i32
      %dma_wait3A_266 = tpu.memref_slice %arg6[%dma_wait3A_259, %dma_wait3A_265] : memref<20x128xi32, #tpu.memory_space<vmem>> -> memref<1x128xi32, #tpu.memory_space<vmem>>
      %dma_wait3A_267 = tpu.memref_squeeze %dma_wait3A_266 : memref<1x128xi32, #tpu.memory_space<vmem>> -> memref<128xi32, #tpu.memory_space<vmem>>
      %dma_wait3A_268 = arith.constant 0 : i32
      %dma_wait3A_269 = arith.constant 0 : i32
      %dma_wait3A_270 = tpu.memref_slice %arg2[%dma_wait3A_268, %dma_wait3A_269] : memref<200002x16xf32, #tpu.memory_space<hbm>> -> memref<200002x16xf32, #tpu.memory_space<hbm>>
      tpu.wait_indirect_dma semaphore(%arg11 : memref<!tpu.dma_semaphore, #tpu.memory_space<semaphore_mem>>) src(%dma_wait3A_270 : memref<200002x16xf32, #tpu.memory_space<hbm>>) dst(%dma_wait3A_264 : memref<128x16xf32, #tpu.memory_space<vmem>>)
      %dma_wait3A_271 = arith.constant 2 : i32
      %dma_wait3A_272 = arith.constant 0 : i32
      %dma_wait3A_273 = arith.constant 256 : i32
      %dma_wait3A_274 = arith.constant 0 : i32
      %dma_wait3A_275 = tpu.memref_slice %arg10[%dma_wait3A_272, %dma_wait3A_273, %dma_wait3A_274] : memref<2x512x16xf32, #tpu.memory_space<vmem>> -> memref<1x128x16xf32, #tpu.memory_space<vmem>>
      %dma_wait3A_276 = tpu.memref_squeeze %dma_wait3A_275 : memref<1x128x16xf32, #tpu.memory_space<vmem>> -> memref<128x16xf32, #tpu.memory_space<vmem>>
      %dma_wait3A_277 = arith.constant 0 : i32
      %dma_wait3A_278 = tpu.memref_slice %arg6[%dma_wait3A_271, %dma_wait3A_277] : memref<20x128xi32, #tpu.memory_space<vmem>> -> memref<1x128xi32, #tpu.memory_space<vmem>>
      %dma_wait3A_279 = tpu.memref_squeeze %dma_wait3A_278 : memref<1x128xi32, #tpu.memory_space<vmem>> -> memref<128xi32, #tpu.memory_space<vmem>>
      %dma_wait3A_280 = arith.constant 0 : i32
      %dma_wait3A_281 = arith.constant 0 : i32
      %dma_wait3A_282 = tpu.memref_slice %arg2[%dma_wait3A_280, %dma_wait3A_281] : memref<200002x16xf32, #tpu.memory_space<hbm>> -> memref<200002x16xf32, #tpu.memory_space<hbm>>
      tpu.wait_indirect_dma semaphore(%arg11 : memref<!tpu.dma_semaphore, #tpu.memory_space<semaphore_mem>>) src(%dma_wait3A_282 : memref<200002x16xf32, #tpu.memory_space<hbm>>) dst(%dma_wait3A_276 : memref<128x16xf32, #tpu.memory_space<vmem>>)
      %dma_wait3A_283 = arith.constant 3 : i32
      %dma_wait3A_284 = arith.constant 0 : i32
      %dma_wait3A_285 = arith.constant 384 : i32
      %dma_wait3A_286 = arith.constant 0 : i32
      %dma_wait3A_287 = tpu.memref_slice %arg10[%dma_wait3A_284, %dma_wait3A_285, %dma_wait3A_286] : memref<2x512x16xf32, #tpu.memory_space<vmem>> -> memref<1x128x16xf32, #tpu.memory_space<vmem>>
      %dma_wait3A_288 = tpu.memref_squeeze %dma_wait3A_287 : memref<1x128x16xf32, #tpu.memory_space<vmem>> -> memref<128x16xf32, #tpu.memory_space<vmem>>
      %dma_wait3A_289 = arith.constant 0 : i32
      %dma_wait3A_290 = tpu.memref_slice %arg6[%dma_wait3A_283, %dma_wait3A_289] : memref<20x128xi32, #tpu.memory_space<vmem>> -> memref<1x128xi32, #tpu.memory_space<vmem>>
      %dma_wait3A_291 = tpu.memref_squeeze %dma_wait3A_290 : memref<1x128xi32, #tpu.memory_space<vmem>> -> memref<128xi32, #tpu.memory_space<vmem>>
      %dma_wait3A_292 = arith.constant 0 : i32
      %dma_wait3A_293 = arith.constant 0 : i32
      %dma_wait3A_294 = tpu.memref_slice %arg2[%dma_wait3A_292, %dma_wait3A_293] : memref<200002x16xf32, #tpu.memory_space<hbm>> -> memref<200002x16xf32, #tpu.memory_space<hbm>>
      tpu.wait_indirect_dma semaphore(%arg11 : memref<!tpu.dma_semaphore, #tpu.memory_space<semaphore_mem>>) src(%dma_wait3A_294 : memref<200002x16xf32, #tpu.memory_space<hbm>>) dst(%dma_wait3A_288 : memref<128x16xf32, #tpu.memory_space<vmem>>)
      %dma_start3A_295 = arith.constant 0 : i32
      %dma_start3A_296 = arith.constant 0 : i32
      %dma_start3A_297 = arith.constant 0 : i32
      %dma_start3A_298 = arith.constant 0 : i32
      %dma_start3A_299 = tpu.memref_slice %arg10[%dma_start3A_295, %dma_start3A_297, %dma_start3A_298] : memref<2x512x16xf32, #tpu.memory_space<vmem>> -> memref<1x128x16xf32, #tpu.memory_space<vmem>>
      %dma_start3A_300 = tpu.memref_squeeze %dma_start3A_299 : memref<1x128x16xf32, #tpu.memory_space<vmem>> -> memref<128x16xf32, #tpu.memory_space<vmem>>
      %dma_start3A_301 = arith.constant 0 : i32
      %dma_start3A_302 = tpu.memref_slice %arg7[%dma_start3A_296, %dma_start3A_301] : memref<20x128xi32, #tpu.memory_space<vmem>> -> memref<1x128xi32, #tpu.memory_space<vmem>>
      %dma_start3A_303 = tpu.memref_squeeze %dma_start3A_302 : memref<1x128xi32, #tpu.memory_space<vmem>> -> memref<128xi32, #tpu.memory_space<vmem>>
      %dma_start3A_304 = arith.constant 0 : i32
      %dma_start3A_305 = arith.constant 0 : i32
      %dma_start3A_306 = tpu.memref_slice %arg5[%dma_start3A_304, %dma_start3A_305] : memref<100352x16xf32, #tpu.memory_space<vmem_shared>> -> memref<100352x16xf32, #tpu.memory_space<vmem_shared>>
      tpu.enqueue_indirect_dma source(%dma_start3A_300 : memref<128x16xf32, #tpu.memory_space<vmem>>) target(%dma_start3A_306 : memref<100352x16xf32, #tpu.memory_space<vmem_shared>>) offsets(%dma_start3A_303 : memref<128xi32, #tpu.memory_space<vmem>>) semaphore(%arg15 : memref<!tpu.dma_semaphore, #tpu.memory_space<semaphore_mem>>) {add = true}
      %dma_start3A_307 = arith.constant 0 : i32
      %dma_start3A_308 = arith.constant 1 : i32
      %dma_start3A_309 = arith.constant 128 : i32
      %dma_start3A_310 = arith.constant 0 : i32
      %dma_start3A_311 = tpu.memref_slice %arg10[%dma_start3A_307, %dma_start3A_309, %dma_start3A_310] : memref<2x512x16xf32, #tpu.memory_space<vmem>> -> memref<1x128x16xf32, #tpu.memory_space<vmem>>
      %dma_start3A_312 = tpu.memref_squeeze %dma_start3A_311 : memref<1x128x16xf32, #tpu.memory_space<vmem>> -> memref<128x16xf32, #tpu.memory_space<vmem>>
      %dma_start3A_313 = arith.constant 0 : i32
      %dma_start3A_314 = tpu.memref_slice %arg7[%dma_start3A_308, %dma_start3A_313] : memref<20x128xi32, #tpu.memory_space<vmem>> -> memref<1x128xi32, #tpu.memory_space<vmem>>
      %dma_start3A_315 = tpu.memref_squeeze %dma_start3A_314 : memref<1x128xi32, #tpu.memory_space<vmem>> -> memref<128xi32, #tpu.memory_space<vmem>>
      %dma_start3A_316 = arith.constant 0 : i32
      %dma_start3A_317 = arith.constant 0 : i32
      %dma_start3A_318 = tpu.memref_slice %arg5[%dma_start3A_316, %dma_start3A_317] : memref<100352x16xf32, #tpu.memory_space<vmem_shared>> -> memref<100352x16xf32, #tpu.memory_space<vmem_shared>>
      tpu.enqueue_indirect_dma source(%dma_start3A_312 : memref<128x16xf32, #tpu.memory_space<vmem>>) target(%dma_start3A_318 : memref<100352x16xf32, #tpu.memory_space<vmem_shared>>) offsets(%dma_start3A_315 : memref<128xi32, #tpu.memory_space<vmem>>) semaphore(%arg15 : memref<!tpu.dma_semaphore, #tpu.memory_space<semaphore_mem>>) {add = true}
      %dma_start3A_319 = arith.constant 0 : i32
      %dma_start3A_320 = arith.constant 2 : i32
      %dma_start3A_321 = arith.constant 256 : i32
      %dma_start3A_322 = arith.constant 0 : i32
      %dma_start3A_323 = tpu.memref_slice %arg10[%dma_start3A_319, %dma_start3A_321, %dma_start3A_322] : memref<2x512x16xf32, #tpu.memory_space<vmem>> -> memref<1x128x16xf32, #tpu.memory_space<vmem>>
      %dma_start3A_324 = tpu.memref_squeeze %dma_start3A_323 : memref<1x128x16xf32, #tpu.memory_space<vmem>> -> memref<128x16xf32, #tpu.memory_space<vmem>>
      %dma_start3A_325 = arith.constant 0 : i32
      %dma_start3A_326 = tpu.memref_slice %arg7[%dma_start3A_320, %dma_start3A_325] : memref<20x128xi32, #tpu.memory_space<vmem>> -> memref<1x128xi32, #tpu.memory_space<vmem>>
      %dma_start3A_327 = tpu.memref_squeeze %dma_start3A_326 : memref<1x128xi32, #tpu.memory_space<vmem>> -> memref<128xi32, #tpu.memory_space<vmem>>
      %dma_start3A_328 = arith.constant 0 : i32
      %dma_start3A_329 = arith.constant 0 : i32
      %dma_start3A_330 = tpu.memref_slice %arg5[%dma_start3A_328, %dma_start3A_329] : memref<100352x16xf32, #tpu.memory_space<vmem_shared>> -> memref<100352x16xf32, #tpu.memory_space<vmem_shared>>
      tpu.enqueue_indirect_dma source(%dma_start3A_324 : memref<128x16xf32, #tpu.memory_space<vmem>>) target(%dma_start3A_330 : memref<100352x16xf32, #tpu.memory_space<vmem_shared>>) offsets(%dma_start3A_327 : memref<128xi32, #tpu.memory_space<vmem>>) semaphore(%arg15 : memref<!tpu.dma_semaphore, #tpu.memory_space<semaphore_mem>>) {add = true}
      %dma_start3A_331 = arith.constant 0 : i32
      %dma_start3A_332 = arith.constant 3 : i32
      %dma_start3A_333 = arith.constant 384 : i32
      %dma_start3A_334 = arith.constant 0 : i32
      %dma_start3A_335 = tpu.memref_slice %arg10[%dma_start3A_331, %dma_start3A_333, %dma_start3A_334] : memref<2x512x16xf32, #tpu.memory_space<vmem>> -> memref<1x128x16xf32, #tpu.memory_space<vmem>>
      %dma_start3A_336 = tpu.memref_squeeze %dma_start3A_335 : memref<1x128x16xf32, #tpu.memory_space<vmem>> -> memref<128x16xf32, #tpu.memory_space<vmem>>
      %dma_start3A_337 = arith.constant 0 : i32
      %dma_start3A_338 = tpu.memref_slice %arg7[%dma_start3A_332, %dma_start3A_337] : memref<20x128xi32, #tpu.memory_space<vmem>> -> memref<1x128xi32, #tpu.memory_space<vmem>>
      %dma_start3A_339 = tpu.memref_squeeze %dma_start3A_338 : memref<1x128xi32, #tpu.memory_space<vmem>> -> memref<128xi32, #tpu.memory_space<vmem>>
      %dma_start3A_340 = arith.constant 0 : i32
      %dma_start3A_341 = arith.constant 0 : i32
      %dma_start3A_342 = tpu.memref_slice %arg5[%dma_start3A_340, %dma_start3A_341] : memref<100352x16xf32, #tpu.memory_space<vmem_shared>> -> memref<100352x16xf32, #tpu.memory_space<vmem_shared>>
      tpu.enqueue_indirect_dma source(%dma_start3A_336 : memref<128x16xf32, #tpu.memory_space<vmem>>) target(%dma_start3A_342 : memref<100352x16xf32, #tpu.memory_space<vmem_shared>>) offsets(%dma_start3A_339 : memref<128xi32, #tpu.memory_space<vmem>>) semaphore(%arg15 : memref<!tpu.dma_semaphore, #tpu.memory_space<semaphore_mem>>) {add = true}
      %scan3A_343 = arith.constant 0 : i32
      %scan3A_344 = arith.constant 8 : i32
      %scan3A_345 = arith.addi %scan3A_343, %scan3A_344 : i32
      %scan3A_346 = arith.constant 1 : i32
      scf.for %scan3A_2256 = %scan3A_343 to %scan3A_345 step %scan3A_346  : i32 {
        %mul3A_2257 = arith.constant 1 : i32
        %mul3A_2258 = arith.muli %scan3A_2256, %mul3A_2257 : i32
        %add3A_2259 = arith.constant 0 : i32
        %add3A_2260 = arith.addi %add3A_2259, %mul3A_2258 : i32
        %mul3A_2261 = arith.constant 16 : i32
        %mul3A_2262 = arith.muli %add3A_2260, %mul3A_2261 : i32
        %get3A = arith.constant 8 : i32
        %get3A_2263 = arith.index_cast %get3A : i32 to index
        %get3A_2264 = arith.index_cast %mul3A_2262 : i32 to index
        %get3A_2265 = tpu.vector_load %arg6[%get3A_2263, %get3A_2264] {strides = array<i32>} : memref<20x128xi32, #tpu.memory_space<vmem>>, vector<1x16xi32>,
        %get3A_2266 = vector.shape_cast %get3A_2265 : vector<1x16xi32> to vector<16xi32>
        %add3A_2267 = arith.addi %get3A_2266, %get3A_2266 : vector<16xi32>
        %add3A_2268 = arith.addi %add3A_2267, %add3A_38 : vector<16xi32>
        %mul3A_2269 = arith.constant 16 : i32
        %mul3A_2270 = arith.muli %add3A_2260, %mul3A_2269 : i32
        %swap3A = arith.constant 8 : i32
        %swap3A_2271 = arith.index_cast %swap3A : i32 to index
        %swap3A_2272 = arith.index_cast %mul3A_2270 : i32 to index
        %swap3A_2273 = tpu.vector_load %arg6[%swap3A_2271, %swap3A_2272] {strides = array<i32>} : memref<20x128xi32, #tpu.memory_space<vmem>>, vector<1x16xi32>,
        %swap3A_2274 = vector.shape_cast %swap3A_2273 : vector<1x16xi32> to vector<16xi32>
        %swap3A_2275 = vector.shape_cast %add3A_2268 : vector<16xi32> to vector<1x16xi32>
        tpu.vector_store %arg6[%swap3A_2271, %swap3A_2272], %swap3A_2275 {strides = array<i32>} : memref<20x128xi32, #tpu.memory_space<vmem>>, vector<1x16xi32>,
      }
      %scan3A_347 = arith.constant 8 : i32
      %scan3A_348 = arith.constant 0 : i32
      %scan3A_349 = arith.constant 8 : i32
      %scan3A_350 = arith.addi %scan3A_348, %scan3A_349 : i32
      %scan3A_351 = arith.constant 1 : i32
      scf.for %scan3A_2256 = %scan3A_348 to %scan3A_350 step %scan3A_351  : i32 {
        %mul3A_2257 = arith.constant 1 : i32
        %mul3A_2258 = arith.muli %scan3A_2256, %mul3A_2257 : i32
        %add3A_2259 = arith.constant 0 : i32
        %add3A_2260 = arith.addi %add3A_2259, %mul3A_2258 : i32
        %mul3A_2261 = arith.constant 16 : i32
        %mul3A_2262 = arith.muli %add3A_2260, %mul3A_2261 : i32
        %get3A = arith.constant 9 : i32
        %get3A_2263 = arith.index_cast %get3A : i32 to index
        %get3A_2264 = arith.index_cast %mul3A_2262 : i32 to index
        %get3A_2265 = tpu.vector_load %arg6[%get3A_2263, %get3A_2264] {strides = array<i32>} : memref<20x128xi32, #tpu.memory_space<vmem>>, vector<1x16xi32>,
        %get3A_2266 = vector.shape_cast %get3A_2265 : vector<1x16xi32> to vector<16xi32>
        %add3A_2267 = arith.addi %get3A_2266, %get3A_2266 : vector<16xi32>
        %add3A_2268 = arith.addi %add3A_2267, %add3A_38 : vector<16xi32>
        %mul3A_2269 = arith.constant 16 : i32
        %mul3A_2270 = arith.muli %add3A_2260, %mul3A_2269 : i32
        %swap3A = arith.constant 9 : i32
        %swap3A_2271 = arith.index_cast %swap3A : i32 to index
        %swap3A_2272 = arith.index_cast %mul3A_2270 : i32 to index
        %swap3A_2273 = tpu.vector_load %arg6[%swap3A_2271, %swap3A_2272] {strides = array<i32>} : memref<20x128xi32, #tpu.memory_space<vmem>>, vector<1x16xi32>,
        %swap3A_2274 = vector.shape_cast %swap3A_2273 : vector<1x16xi32> to vector<16xi32>
        %swap3A_2275 = vector.shape_cast %add3A_2268 : vector<16xi32> to vector<1x16xi32>
        tpu.vector_store %arg6[%swap3A_2271, %swap3A_2272], %swap3A_2275 {strides = array<i32>} : memref<20x128xi32, #tpu.memory_space<vmem>>, vector<1x16xi32>,
      }
      %scan3A_352 = arith.constant 8 : i32
      %scan3A_353 = arith.constant 0 : i32
      %scan3A_354 = arith.constant 8 : i32
      %scan3A_355 = arith.addi %scan3A_353, %scan3A_354 : i32
      %scan3A_356 = arith.constant 1 : i32
      scf.for %scan3A_2256 = %scan3A_353 to %scan3A_355 step %scan3A_356  : i32 {
        %mul3A_2257 = arith.constant 1 : i32
        %mul3A_2258 = arith.muli %scan3A_2256, %mul3A_2257 : i32
        %add3A_2259 = arith.constant 0 : i32
        %add3A_2260 = arith.addi %add3A_2259, %mul3A_2258 : i32
        %mul3A_2261 = arith.constant 16 : i32
        %mul3A_2262 = arith.muli %add3A_2260, %mul3A_2261 : i32
        %get3A = arith.constant 10 : i32
        %get3A_2263 = arith.index_cast %get3A : i32 to index
        %get3A_2264 = arith.index_cast %mul3A_2262 : i32 to index
        %get3A_2265 = tpu.vector_load %arg6[%get3A_2263, %get3A_2264] {strides = array<i32>} : memref<20x128xi32, #tpu.memory_space<vmem>>, vector<1x16xi32>,
        %get3A_2266 = vector.shape_cast %get3A_2265 : vector<1x16xi32> to vector<16xi32>
        %add3A_2267 = arith.addi %get3A_2266, %get3A_2266 : vector<16xi32>
        %add3A_2268 = arith.addi %add3A_2267, %add3A_38 : vector<16xi32>
        %mul3A_2269 = arith.constant 16 : i32
        %mul3A_2270 = arith.muli %add3A_2260, %mul3A_2269 : i32
        %swap3A = arith.constant 10 : i32
        %swap3A_2271 = arith.index_cast %swap3A : i32 to index
        %swap3A_2272 = arith.index_cast %mul3A_2270 : i32 to index
        %swap3A_2273 = tpu.vector_load %arg6[%swap3A_2271, %swap3A_2272] {strides = array<i32>} : memref<20x128xi32, #tpu.memory_space<vmem>>, vector<1x16xi32>,
        %swap3A_2274 = vector.shape_cast %swap3A_2273 : vector<1x16xi32> to vector<16xi32>
        %swap3A_2275 = vector.shape_cast %add3A_2268 : vector<16xi32> to vector<1x16xi32>
        tpu.vector_store %arg6[%swap3A_2271, %swap3A_2272], %swap3A_2275 {strides = array<i32>} : memref<20x128xi32, #tpu.memory_space<vmem>>, vector<1x16xi32>,
      }
      %scan3A_357 = arith.constant 8 : i32
      %scan3A_358 = arith.constant 0 : i32
      %scan3A_359 = arith.constant 8 : i32
      %scan3A_360 = arith.addi %scan3A_358, %scan3A_359 : i32
      %scan3A_361 = arith.constant 1 : i32
      scf.for %scan3A_2256 = %scan3A_358 to %scan3A_360 step %scan3A_361  : i32 {
        %mul3A_2257 = arith.constant 1 : i32
        %mul3A_2258 = arith.muli %scan3A_2256, %mul3A_2257 : i32
        %add3A_2259 = arith.constant 0 : i32
        %add3A_2260 = arith.addi %add3A_2259, %mul3A_2258 : i32
        %mul3A_2261 = arith.constant 16 : i32
        %mul3A_2262 = arith.muli %add3A_2260, %mul3A_2261 : i32
        %get3A = arith.constant 11 : i32
        %get3A_2263 = arith.index_cast %get3A : i32 to index
        %get3A_2264 = arith.index_cast %mul3A_2262 : i32 to index
        %get3A_2265 = tpu.vector_load %arg6[%get3A_2263, %get3A_2264] {strides = array<i32>} : memref<20x128xi32, #tpu.memory_space<vmem>>, vector<1x16xi32>,
        %get3A_2266 = vector.shape_cast %get3A_2265 : vector<1x16xi32> to vector<16xi32>
        %add3A_2267 = arith.addi %get3A_2266, %get3A_2266 : vector<16xi32>
        %add3A_2268 = arith.addi %add3A_2267, %add3A_38 : vector<16xi32>
        %mul3A_2269 = arith.constant 16 : i32
        %mul3A_2270 = arith.muli %add3A_2260, %mul3A_2269 : i32
        %swap3A = arith.constant 11 : i32
        %swap3A_2271 = arith.index_cast %swap3A : i32 to index
        %swap3A_2272 = arith.index_cast %mul3A_2270 : i32 to index
        %swap3A_2273 = tpu.vector_load %arg6[%swap3A_2271, %swap3A_2272] {strides = array<i32>} : memref<20x128xi32, #tpu.memory_space<vmem>>, vector<1x16xi32>,
        %swap3A_2274 = vector.shape_cast %swap3A_2273 : vector<1x16xi32> to vector<16xi32>
        %swap3A_2275 = vector.shape_cast %add3A_2268 : vector<16xi32> to vector<1x16xi32>
        tpu.vector_store %arg6[%swap3A_2271, %swap3A_2272], %swap3A_2275 {strides = array<i32>} : memref<20x128xi32, #tpu.memory_space<vmem>>, vector<1x16xi32>,
      }
      %scan3A_362 = arith.constant 8 : i32
      %dma_wait3A_363 = arith.constant 0 : i32
      %dma_wait3A_364 = arith.constant 0 : i32
      %dma_wait3A_365 = arith.constant 0 : i32
      %dma_wait3A_366 = arith.constant 0 : i32
      %dma_wait3A_367 = tpu.memref_slice %arg10[%dma_wait3A_363, %dma_wait3A_365, %dma_wait3A_366] : memref<2x512x16xf32, #tpu.memory_space<vmem>> -> memref<1x128x16xf32, #tpu.memory_space<vmem>>
      %dma_wait3A_368 = tpu.memref_squeeze %dma_wait3A_367 : memref<1x128x16xf32, #tpu.memory_space<vmem>> -> memref<128x16xf32, #tpu.memory_space<vmem>>
      %dma_wait3A_369 = arith.constant 0 : i32
      %dma_wait3A_370 = tpu.memref_slice %arg7[%dma_wait3A_364, %dma_wait3A_369] : memref<20x128xi32, #tpu.memory_space<vmem>> -> memref<1x128xi32, #tpu.memory_space<vmem>>
      %dma_wait3A_371 = tpu.memref_squeeze %dma_wait3A_370 : memref<1x128xi32, #tpu.memory_space<vmem>> -> memref<128xi32, #tpu.memory_space<vmem>>
      %dma_wait3A_372 = arith.constant 0 : i32
      %dma_wait3A_373 = arith.constant 0 : i32
      %dma_wait3A_374 = tpu.memref_slice %arg5[%dma_wait3A_372, %dma_wait3A_373] : memref<100352x16xf32, #tpu.memory_space<vmem_shared>> -> memref<100352x16xf32, #tpu.memory_space<vmem_shared>>
      tpu.wait_indirect_dma semaphore(%arg15 : memref<!tpu.dma_semaphore, #tpu.memory_space<semaphore_mem>>) src(%dma_wait3A_368 : memref<128x16xf32, #tpu.memory_space<vmem>>) dst(%dma_wait3A_374 : memref<100352x16xf32, #tpu.memory_space<vmem_shared>>)
      %dma_wait3A_375 = arith.constant 0 : i32
      %dma_wait3A_376 = arith.constant 1 : i32
      %dma_wait3A_377 = arith.constant 128 : i32
      %dma_wait3A_378 = arith.constant 0 : i32
      %dma_wait3A_379 = tpu.memref_slice %arg10[%dma_wait3A_375, %dma_wait3A_377, %dma_wait3A_378] : memref<2x512x16xf32, #tpu.memory_space<vmem>> -> memref<1x128x16xf32, #tpu.memory_space<vmem>>
      %dma_wait3A_380 = tpu.memref_squeeze %dma_wait3A_379 : memref<1x128x16xf32, #tpu.memory_space<vmem>> -> memref<128x16xf32, #tpu.memory_space<vmem>>
      %dma_wait3A_381 = arith.constant 0 : i32
      %dma_wait3A_382 = tpu.memref_slice %arg7[%dma_wait3A_376, %dma_wait3A_381] : memref<20x128xi32, #tpu.memory_space<vmem>> -> memref<1x128xi32, #tpu.memory_space<vmem>>
      %dma_wait3A_383 = tpu.memref_squeeze %dma_wait3A_382 : memref<1x128xi32, #tpu.memory_space<vmem>> -> memref<128xi32, #tpu.memory_space<vmem>>
      %dma_wait3A_384 = arith.constant 0 : i32
      %dma_wait3A_385 = arith.constant 0 : i32
      %dma_wait3A_386 = tpu.memref_slice %arg5[%dma_wait3A_384, %dma_wait3A_385] : memref<100352x16xf32, #tpu.memory_space<vmem_shared>> -> memref<100352x16xf32, #tpu.memory_space<vmem_shared>>
      tpu.wait_indirect_dma semaphore(%arg15 : memref<!tpu.dma_semaphore, #tpu.memory_space<semaphore_mem>>) src(%dma_wait3A_380 : memref<128x16xf32, #tpu.memory_space<vmem>>) dst(%dma_wait3A_386 : memref<100352x16xf32, #tpu.memory_space<vmem_shared>>)
      %dma_wait3A_387 = arith.constant 0 : i32
      %dma_wait3A_388 = arith.constant 2 : i32
      %dma_wait3A_389 = arith.constant 256 : i32
      %dma_wait3A_390 = arith.constant 0 : i32
      %dma_wait3A_391 = tpu.memref_slice %arg10[%dma_wait3A_387, %dma_wait3A_389, %dma_wait3A_390] : memref<2x512x16xf32, #tpu.memory_space<vmem>> -> memref<1x128x16xf32, #tpu.memory_space<vmem>>
      %dma_wait3A_392 = tpu.memref_squeeze %dma_wait3A_391 : memref<1x128x16xf32, #tpu.memory_space<vmem>> -> memref<128x16xf32, #tpu.memory_space<vmem>>
      %dma_wait3A_393 = arith.constant 0 : i32
      %dma_wait3A_394 = tpu.memref_slice %arg7[%dma_wait3A_388, %dma_wait3A_393] : memref<20x128xi32, #tpu.memory_space<vmem>> -> memref<1x128xi32, #tpu.memory_space<vmem>>
      %dma_wait3A_395 = tpu.memref_squeeze %dma_wait3A_394 : memref<1x128xi32, #tpu.memory_space<vmem>> -> memref<128xi32, #tpu.memory_space<vmem>>
      %dma_wait3A_396 = arith.constant 0 : i32
      %dma_wait3A_397 = arith.constant 0 : i32
      %dma_wait3A_398 = tpu.memref_slice %arg5[%dma_wait3A_396, %dma_wait3A_397] : memref<100352x16xf32, #tpu.memory_space<vmem_shared>> -> memref<100352x16xf32, #tpu.memory_space<vmem_shared>>
      tpu.wait_indirect_dma semaphore(%arg15 : memref<!tpu.dma_semaphore, #tpu.memory_space<semaphore_mem>>) src(%dma_wait3A_392 : memref<128x16xf32, #tpu.memory_space<vmem>>) dst(%dma_wait3A_398 : memref<100352x16xf32, #tpu.memory_space<vmem_shared>>)
      %dma_wait3A_399 = arith.constant 0 : i32
      %dma_wait3A_400 = arith.constant 3 : i32
      %dma_wait3A_401 = arith.constant 384 : i32
      %dma_wait3A_402 = arith.constant 0 : i32
      %dma_wait3A_403 = tpu.memref_slice %arg10[%dma_wait3A_399, %dma_wait3A_401, %dma_wait3A_402] : memref<2x512x16xf32, #tpu.memory_space<vmem>> -> memref<1x128x16xf32, #tpu.memory_space<vmem>>
      %dma_wait3A_404 = tpu.memref_squeeze %dma_wait3A_403 : memref<1x128x16xf32, #tpu.memory_space<vmem>> -> memref<128x16xf32, #tpu.memory_space<vmem>>
      %dma_wait3A_405 = arith.constant 0 : i32
      %dma_wait3A_406 = tpu.memref_slice %arg7[%dma_wait3A_400, %dma_wait3A_405] : memref<20x128xi32, #tpu.memory_space<vmem>> -> memref<1x128xi32, #tpu.memory_space<vmem>>
      %dma_wait3A_407 = tpu.memref_squeeze %dma_wait3A_406 : memref<1x128xi32, #tpu.memory_space<vmem>> -> memref<128xi32, #tpu.memory_space<vmem>>
      %dma_wait3A_408 = arith.constant 0 : i32
      %dma_wait3A_409 = arith.constant 0 : i32
      %dma_wait3A_410 = tpu.memref_slice %arg5[%dma_wait3A_408, %dma_wait3A_409] : memref<100352x16xf32, #tpu.memory_space<vmem_shared>> -> memref<100352x16xf32, #tpu.memory_space<vmem_shared>>
      tpu.wait_indirect_dma semaphore(%arg15 : memref<!tpu.dma_semaphore, #tpu.memory_space<semaphore_mem>>) src(%dma_wait3A_404 : memref<128x16xf32, #tpu.memory_space<vmem>>) dst(%dma_wait3A_410 : memref<100352x16xf32, #tpu.memory_space<vmem_shared>>)
      %dma_start3A_411 = arith.constant 8 : i32
      %dma_start3A_412 = arith.constant 0 : i32
      %dma_start3A_413 = arith.constant 0 : i32
      %dma_start3A_414 = arith.constant 0 : i32
      %dma_start3A_415 = tpu.memref_slice %arg10[%dma_start3A_412, %dma_start3A_413, %dma_start3A_414] : memref<2x512x16xf32, #tpu.memory_space<vmem>> -> memref<1x128x16xf32, #tpu.memory_space<vmem>>
      %dma_start3A_416 = tpu.memref_squeeze %dma_start3A_415 : memref<1x128x16xf32, #tpu.memory_space<vmem>> -> memref<128x16xf32, #tpu.memory_space<vmem>>
      %dma_start3A_417 = arith.constant 0 : i32
      %dma_start3A_418 = tpu.memref_slice %arg6[%dma_start3A_411, %dma_start3A_417] : memref<20x128xi32, #tpu.memory_space<vmem>> -> memref<1x128xi32, #tpu.memory_space<vmem>>
      %dma_start3A_419 = tpu.memref_squeeze %dma_start3A_418 : memref<1x128xi32, #tpu.memory_space<vmem>> -> memref<128xi32, #tpu.memory_space<vmem>>
      %dma_start3A_420 = arith.constant 0 : i32
      %dma_start3A_421 = arith.constant 0 : i32
      %dma_start3A_422 = tpu.memref_slice %arg2[%dma_start3A_420, %dma_start3A_421] : memref<200002x16xf32, #tpu.memory_space<hbm>> -> memref<200002x16xf32, #tpu.memory_space<hbm>>
      tpu.enqueue_indirect_dma source(%dma_start3A_422 : memref<200002x16xf32, #tpu.memory_space<hbm>>) target(%dma_start3A_416 : memref<128x16xf32, #tpu.memory_space<vmem>>) offsets(%dma_start3A_419 : memref<128xi32, #tpu.memory_space<vmem>>) semaphore(%arg11 : memref<!tpu.dma_semaphore, #tpu.memory_space<semaphore_mem>>)
      %dma_start3A_423 = arith.constant 9 : i32
      %dma_start3A_424 = arith.constant 0 : i32
      %dma_start3A_425 = arith.constant 128 : i32
      %dma_start3A_426 = arith.constant 0 : i32
      %dma_start3A_427 = tpu.memref_slice %arg10[%dma_start3A_424, %dma_start3A_425, %dma_start3A_426] : memref<2x512x16xf32, #tpu.memory_space<vmem>> -> memref<1x128x16xf32, #tpu.memory_space<vmem>>
      %dma_start3A_428 = tpu.memref_squeeze %dma_start3A_427 : memref<1x128x16xf32, #tpu.memory_space<vmem>> -> memref<128x16xf32, #tpu.memory_space<vmem>>
      %dma_start3A_429 = arith.constant 0 : i32
      %dma_start3A_430 = tpu.memref_slice %arg6[%dma_start3A_423, %dma_start3A_429] : memref<20x128xi32, #tpu.memory_space<vmem>> -> memref<1x128xi32, #tpu.memory_space<vmem>>
      %dma_start3A_431 = tpu.memref_squeeze %dma_start3A_430 : memref<1x128xi32, #tpu.memory_space<vmem>> -> memref<128xi32, #tpu.memory_space<vmem>>
      %dma_start3A_432 = arith.constant 0 : i32
      %dma_start3A_433 = arith.constant 0 : i32
      %dma_start3A_434 = tpu.memref_slice %arg2[%dma_start3A_432, %dma_start3A_433] : memref<200002x16xf32, #tpu.memory_space<hbm>> -> memref<200002x16xf32, #tpu.memory_space<hbm>>
      tpu.enqueue_indirect_dma source(%dma_start3A_434 : memref<200002x16xf32, #tpu.memory_space<hbm>>) target(%dma_start3A_428 : memref<128x16xf32, #tpu.memory_space<vmem>>) offsets(%dma_start3A_431 : memref<128xi32, #tpu.memory_space<vmem>>) semaphore(%arg11 : memref<!tpu.dma_semaphore, #tpu.memory_space<semaphore_mem>>)
      %dma_start3A_435 = arith.constant 10 : i32
      %dma_start3A_436 = arith.constant 0 : i32
      %dma_start3A_437 = arith.constant 256 : i32
      %dma_start3A_438 = arith.constant 0 : i32
      %dma_start3A_439 = tpu.memref_slice %arg10[%dma_start3A_436, %dma_start3A_437, %dma_start3A_438] : memref<2x512x16xf32, #tpu.memory_space<vmem>> -> memref<1x128x16xf32, #tpu.memory_space<vmem>>
      %dma_start3A_440 = tpu.memref_squeeze %dma_start3A_439 : memref<1x128x16xf32, #tpu.memory_space<vmem>> -> memref<128x16xf32, #tpu.memory_space<vmem>>
      %dma_start3A_441 = arith.constant 0 : i32
      %dma_start3A_442 = tpu.memref_slice %arg6[%dma_start3A_435, %dma_start3A_441] : memref<20x128xi32, #tpu.memory_space<vmem>> -> memref<1x128xi32, #tpu.memory_space<vmem>>
      %dma_start3A_443 = tpu.memref_squeeze %dma_start3A_442 : memref<1x128xi32, #tpu.memory_space<vmem>> -> memref<128xi32, #tpu.memory_space<vmem>>
      %dma_start3A_444 = arith.constant 0 : i32
      %dma_start3A_445 = arith.constant 0 : i32
      %dma_start3A_446 = tpu.memref_slice %arg2[%dma_start3A_444, %dma_start3A_445] : memref<200002x16xf32, #tpu.memory_space<hbm>> -> memref<200002x16xf32, #tpu.memory_space<hbm>>
      tpu.enqueue_indirect_dma source(%dma_start3A_446 : memref<200002x16xf32, #tpu.memory_space<hbm>>) target(%dma_start3A_440 : memref<128x16xf32, #tpu.memory_space<vmem>>) offsets(%dma_start3A_443 : memref<128xi32, #tpu.memory_space<vmem>>) semaphore(%arg11 : memref<!tpu.dma_semaphore, #tpu.memory_space<semaphore_mem>>)
      %dma_start3A_447 = arith.constant 11 : i32
      %dma_start3A_448 = arith.constant 0 : i32
      %dma_start3A_449 = arith.constant 384 : i32
      %dma_start3A_450 = arith.constant 0 : i32
      %dma_start3A_451 = tpu.memref_slice %arg10[%dma_start3A_448, %dma_start3A_449, %dma_start3A_450] : memref<2x512x16xf32, #tpu.memory_space<vmem>> -> memref<1x128x16xf32, #tpu.memory_space<vmem>>
      %dma_start3A_452 = tpu.memref_squeeze %dma_start3A_451 : memref<1x128x16xf32, #tpu.memory_space<vmem>> -> memref<128x16xf32, #tpu.memory_space<vmem>>
      %dma_start3A_453 = arith.constant 0 : i32
      %dma_start3A_454 = tpu.memref_slice %arg6[%dma_start3A_447, %dma_start3A_453] : memref<20x128xi32, #tpu.memory_space<vmem>> -> memref<1x128xi32, #tpu.memory_space<vmem>>
      %dma_start3A_455 = tpu.memref_squeeze %dma_start3A_454 : memref<1x128xi32, #tpu.memory_space<vmem>> -> memref<128xi32, #tpu.memory_space<vmem>>
      %dma_start3A_456 = arith.constant 0 : i32
      %dma_start3A_457 = arith.constant 0 : i32
      %dma_start3A_458 = tpu.memref_slice %arg2[%dma_start3A_456, %dma_start3A_457] : memref<200002x16xf32, #tpu.memory_space<hbm>> -> memref<200002x16xf32, #tpu.memory_space<hbm>>
      tpu.enqueue_indirect_dma source(%dma_start3A_458 : memref<200002x16xf32, #tpu.memory_space<hbm>>) target(%dma_start3A_452 : memref<128x16xf32, #tpu.memory_space<vmem>>) offsets(%dma_start3A_455 : memref<128xi32, #tpu.memory_space<vmem>>) semaphore(%arg11 : memref<!tpu.dma_semaphore, #tpu.memory_space<semaphore_mem>>)
      %dma_wait3A_459 = arith.constant 4 : i32
      %dma_wait3A_460 = arith.constant 1 : i32
      %dma_wait3A_461 = arith.constant 0 : i32
      %dma_wait3A_462 = arith.constant 0 : i32
      %dma_wait3A_463 = tpu.memref_slice %arg10[%dma_wait3A_460, %dma_wait3A_461, %dma_wait3A_462] : memref<2x512x16xf32, #tpu.memory_space<vmem>> -> memref<1x128x16xf32, #tpu.memory_space<vmem>>
      %dma_wait3A_464 = tpu.memref_squeeze %dma_wait3A_463 : memref<1x128x16xf32, #tpu.memory_space<vmem>> -> memref<128x16xf32, #tpu.memory_space<vmem>>
      %dma_wait3A_465 = arith.constant 0 : i32
      %dma_wait3A_466 = tpu.memref_slice %arg6[%dma_wait3A_459, %dma_wait3A_465] : memref<20x128xi32, #tpu.memory_space<vmem>> -> memref<1x128xi32, #tpu.memory_space<vmem>>
      %dma_wait3A_467 = tpu.memref_squeeze %dma_wait3A_466 : memref<1x128xi32, #tpu.memory_space<vmem>> -> memref<128xi32, #tpu.memory_space<vmem>>
      %dma_wait3A_468 = arith.constant 0 : i32
      %dma_wait3A_469 = arith.constant 0 : i32
      %dma_wait3A_470 = tpu.memref_slice %arg2[%dma_wait3A_468, %dma_wait3A_469] : memref<200002x16xf32, #tpu.memory_space<hbm>> -> memref<200002x16xf32, #tpu.memory_space<hbm>>
      tpu.wait_indirect_dma semaphore(%arg12 : memref<!tpu.dma_semaphore, #tpu.memory_space<semaphore_mem>>) src(%dma_wait3A_470 : memref<200002x16xf32, #tpu.memory_space<hbm>>) dst(%dma_wait3A_464 : memref<128x16xf32, #tpu.memory_space<vmem>>)
      %dma_wait3A_471 = arith.constant 5 : i32
      %dma_wait3A_472 = arith.constant 1 : i32
      %dma_wait3A_473 = arith.constant 128 : i32
      %dma_wait3A_474 = arith.constant 0 : i32
      %dma_wait3A_475 = tpu.memref_slice %arg10[%dma_wait3A_472, %dma_wait3A_473, %dma_wait3A_474] : memref<2x512x16xf32, #tpu.memory_space<vmem>> -> memref<1x128x16xf32, #tpu.memory_space<vmem>>
      %dma_wait3A_476 = tpu.memref_squeeze %dma_wait3A_475 : memref<1x128x16xf32, #tpu.memory_space<vmem>> -> memref<128x16xf32, #tpu.memory_space<vmem>>
      %dma_wait3A_477 = arith.constant 0 : i32
      %dma_wait3A_478 = tpu.memref_slice %arg6[%dma_wait3A_471, %dma_wait3A_477] : memref<20x128xi32, #tpu.memory_space<vmem>> -> memref<1x128xi32, #tpu.memory_space<vmem>>
      %dma_wait3A_479 = tpu.memref_squeeze %dma_wait3A_478 : memref<1x128xi32, #tpu.memory_space<vmem>> -> memref<128xi32, #tpu.memory_space<vmem>>
      %dma_wait3A_480 = arith.constant 0 : i32
      %dma_wait3A_481 = arith.constant 0 : i32
      %dma_wait3A_482 = tpu.memref_slice %arg2[%dma_wait3A_480, %dma_wait3A_481] : memref<200002x16xf32, #tpu.memory_space<hbm>> -> memref<200002x16xf32, #tpu.memory_space<hbm>>
      tpu.wait_indirect_dma semaphore(%arg12 : memref<!tpu.dma_semaphore, #tpu.memory_space<semaphore_mem>>) src(%dma_wait3A_482 : memref<200002x16xf32, #tpu.memory_space<hbm>>) dst(%dma_wait3A_476 : memref<128x16xf32, #tpu.memory_space<vmem>>)
      %dma_wait3A_483 = arith.constant 6 : i32
      %dma_wait3A_484 = arith.constant 1 : i32
      %dma_wait3A_485 = arith.constant 256 : i32
      %dma_wait3A_486 = arith.constant 0 : i32
      %dma_wait3A_487 = tpu.memref_slice %arg10[%dma_wait3A_484, %dma_wait3A_485, %dma_wait3A_486] : memref<2x512x16xf32, #tpu.memory_space<vmem>> -> memref<1x128x16xf32, #tpu.memory_space<vmem>>
      %dma_wait3A_488 = tpu.memref_squeeze %dma_wait3A_487 : memref<1x128x16xf32, #tpu.memory_space<vmem>> -> memref<128x16xf32, #tpu.memory_space<vmem>>
      %dma_wait3A_489 = arith.constant 0 : i32
      %dma_wait3A_490 = tpu.memref_slice %arg6[%dma_wait3A_483, %dma_wait3A_489] : memref<20x128xi32, #tpu.memory_space<vmem>> -> memref<1x128xi32, #tpu.memory_space<vmem>>
      %dma_wait3A_491 = tpu.memref_squeeze %dma_wait3A_490 : memref<1x128xi32, #tpu.memory_space<vmem>> -> memref<128xi32, #tpu.memory_space<vmem>>
      %dma_wait3A_492 = arith.constant 0 : i32
      %dma_wait3A_493 = arith.constant 0 : i32
      %dma_wait3A_494 = tpu.memref_slice %arg2[%dma_wait3A_492, %dma_wait3A_493] : memref<200002x16xf32, #tpu.memory_space<hbm>> -> memref<200002x16xf32, #tpu.memory_space<hbm>>
      tpu.wait_indirect_dma semaphore(%arg12 : memref<!tpu.dma_semaphore, #tpu.memory_space<semaphore_mem>>) src(%dma_wait3A_494 : memref<200002x16xf32, #tpu.memory_space<hbm>>) dst(%dma_wait3A_488 : memref<128x16xf32, #tpu.memory_space<vmem>>)
      %dma_wait3A_495 = arith.constant 7 : i32
      %dma_wait3A_496 = arith.constant 1 : i32
      %dma_wait3A_497 = arith.constant 384 : i32
      %dma_wait3A_498 = arith.constant 0 : i32
      %dma_wait3A_499 = tpu.memref_slice %arg10[%dma_wait3A_496, %dma_wait3A_497, %dma_wait3A_498] : memref<2x512x16xf32, #tpu.memory_space<vmem>> -> memref<1x128x16xf32, #tpu.memory_space<vmem>>
      %dma_wait3A_500 = tpu.memref_squeeze %dma_wait3A_499 : memref<1x128x16xf32, #tpu.memory_space<vmem>> -> memref<128x16xf32, #tpu.memory_space<vmem>>
      %dma_wait3A_501 = arith.constant 0 : i32
      %dma_wait3A_502 = tpu.memref_slice %arg6[%dma_wait3A_495, %dma_wait3A_501] : memref<20x128xi32, #tpu.memory_space<vmem>> -> memref<1x128xi32, #tpu.memory_space<vmem>>
      %dma_wait3A_503 = tpu.memref_squeeze %dma_wait3A_502 : memref<1x128xi32, #tpu.memory_space<vmem>> -> memref<128xi32, #tpu.memory_space<vmem>>
      %dma_wait3A_504 = arith.constant 0 : i32
      %dma_wait3A_505 = arith.constant 0 : i32
      %dma_wait3A_506 = tpu.memref_slice %arg2[%dma_wait3A_504, %dma_wait3A_505] : memref<200002x16xf32, #tpu.memory_space<hbm>> -> memref<200002x16xf32, #tpu.memory_space<hbm>>
      tpu.wait_indirect_dma semaphore(%arg12 : memref<!tpu.dma_semaphore, #tpu.memory_space<semaphore_mem>>) src(%dma_wait3A_506 : memref<200002x16xf32, #tpu.memory_space<hbm>>) dst(%dma_wait3A_500 : memref<128x16xf32, #tpu.memory_space<vmem>>)
      %dma_start3A_507 = arith.constant 1 : i32
      %dma_start3A_508 = arith.constant 4 : i32
      %dma_start3A_509 = arith.constant 0 : i32
      %dma_start3A_510 = arith.constant 0 : i32
      %dma_start3A_511 = tpu.memref_slice %arg10[%dma_start3A_507, %dma_start3A_509, %dma_start3A_510] : memref<2x512x16xf32, #tpu.memory_space<vmem>> -> memref<1x128x16xf32, #tpu.memory_space<vmem>>
      %dma_start3A_512 = tpu.memref_squeeze %dma_start3A_511 : memref<1x128x16xf32, #tpu.memory_space<vmem>> -> memref<128x16xf32, #tpu.memory_space<vmem>>
      %dma_start3A_513 = arith.constant 0 : i32
      %dma_start3A_514 = tpu.memref_slice %arg7[%dma_start3A_508, %dma_start3A_513] : memref<20x128xi32, #tpu.memory_space<vmem>> -> memref<1x128xi32, #tpu.memory_space<vmem>>
      %dma_start3A_515 = tpu.memref_squeeze %dma_start3A_514 : memref<1x128xi32, #tpu.memory_space<vmem>> -> memref<128xi32, #tpu.memory_space<vmem>>
      %dma_start3A_516 = arith.constant 0 : i32
      %dma_start3A_517 = arith.constant 0 : i32
      %dma_start3A_518 = tpu.memref_slice %arg5[%dma_start3A_516, %dma_start3A_517] : memref<100352x16xf32, #tpu.memory_space<vmem_shared>> -> memref<100352x16xf32, #tpu.memory_space<vmem_shared>>
      tpu.enqueue_indirect_dma source(%dma_start3A_512 : memref<128x16xf32, #tpu.memory_space<vmem>>) target(%dma_start3A_518 : memref<100352x16xf32, #tpu.memory_space<vmem_shared>>) offsets(%dma_start3A_515 : memref<128xi32, #tpu.memory_space<vmem>>) semaphore(%arg16 : memref<!tpu.dma_semaphore, #tpu.memory_space<semaphore_mem>>) {add = true}
      %dma_start3A_519 = arith.constant 1 : i32
      %dma_start3A_520 = arith.constant 5 : i32
      %dma_start3A_521 = arith.constant 128 : i32
      %dma_start3A_522 = arith.constant 0 : i32
      %dma_start3A_523 = tpu.memref_slice %arg10[%dma_start3A_519, %dma_start3A_521, %dma_start3A_522] : memref<2x512x16xf32, #tpu.memory_space<vmem>> -> memref<1x128x16xf32, #tpu.memory_space<vmem>>
      %dma_start3A_524 = tpu.memref_squeeze %dma_start3A_523 : memref<1x128x16xf32, #tpu.memory_space<vmem>> -> memref<128x16xf32, #tpu.memory_space<vmem>>
      %dma_start3A_525 = arith.constant 0 : i32
      %dma_start3A_526 = tpu.memref_slice %arg7[%dma_start3A_520, %dma_start3A_525] : memref<20x128xi32, #tpu.memory_space<vmem>> -> memref<1x128xi32, #tpu.memory_space<vmem>>
      %dma_start3A_527 = tpu.memref_squeeze %dma_start3A_526 : memref<1x128xi32, #tpu.memory_space<vmem>> -> memref<128xi32, #tpu.memory_space<vmem>>
      %dma_start3A_528 = arith.constant 0 : i32
      %dma_start3A_529 = arith.constant 0 : i32
      %dma_start3A_530 = tpu.memref_slice %arg5[%dma_start3A_528, %dma_start3A_529] : memref<100352x16xf32, #tpu.memory_space<vmem_shared>> -> memref<100352x16xf32, #tpu.memory_space<vmem_shared>>
      tpu.enqueue_indirect_dma source(%dma_start3A_524 : memref<128x16xf32, #tpu.memory_space<vmem>>) target(%dma_start3A_530 : memref<100352x16xf32, #tpu.memory_space<vmem_shared>>) offsets(%dma_start3A_527 : memref<128xi32, #tpu.memory_space<vmem>>) semaphore(%arg16 : memref<!tpu.dma_semaphore, #tpu.memory_space<semaphore_mem>>) {add = true}
      %dma_start3A_531 = arith.constant 1 : i32
      %dma_start3A_532 = arith.constant 6 : i32
      %dma_start3A_533 = arith.constant 256 : i32
      %dma_start3A_534 = arith.constant 0 : i32
      %dma_start3A_535 = tpu.memref_slice %arg10[%dma_start3A_531, %dma_start3A_533, %dma_start3A_534] : memref<2x512x16xf32, #tpu.memory_space<vmem>> -> memref<1x128x16xf32, #tpu.memory_space<vmem>>
      %dma_start3A_536 = tpu.memref_squeeze %dma_start3A_535 : memref<1x128x16xf32, #tpu.memory_space<vmem>> -> memref<128x16xf32, #tpu.memory_space<vmem>>
      %dma_start3A_537 = arith.constant 0 : i32
      %dma_start3A_538 = tpu.memref_slice %arg7[%dma_start3A_532, %dma_start3A_537] : memref<20x128xi32, #tpu.memory_space<vmem>> -> memref<1x128xi32, #tpu.memory_space<vmem>>
      %dma_start3A_539 = tpu.memref_squeeze %dma_start3A_538 : memref<1x128xi32, #tpu.memory_space<vmem>> -> memref<128xi32, #tpu.memory_space<vmem>>
      %dma_start3A_540 = arith.constant 0 : i32
      %dma_start3A_541 = arith.constant 0 : i32
      %dma_start3A_542 = tpu.memref_slice %arg5[%dma_start3A_540, %dma_start3A_541] : memref<100352x16xf32, #tpu.memory_space<vmem_shared>> -> memref<100352x16xf32, #tpu.memory_space<vmem_shared>>
      tpu.enqueue_indirect_dma source(%dma_start3A_536 : memref<128x16xf32, #tpu.memory_space<vmem>>) target(%dma_start3A_542 : memref<100352x16xf32, #tpu.memory_space<vmem_shared>>) offsets(%dma_start3A_539 : memref<128xi32, #tpu.memory_space<vmem>>) semaphore(%arg16 : memref<!tpu.dma_semaphore, #tpu.memory_space<semaphore_mem>>) {add = true}
      %dma_start3A_543 = arith.constant 1 : i32
      %dma_start3A_544 = arith.constant 7 : i32
      %dma_start3A_545 = arith.constant 384 : i32
      %dma_start3A_546 = arith.constant 0 : i32
      %dma_start3A_547 = tpu.memref_slice %arg10[%dma_start3A_543, %dma_start3A_545, %dma_start3A_546] : memref<2x512x16xf32, #tpu.memory_space<vmem>> -> memref<1x128x16xf32, #tpu.memory_space<vmem>>
      %dma_start3A_548 = tpu.memref_squeeze %dma_start3A_547 : memref<1x128x16xf32, #tpu.memory_space<vmem>> -> memref<128x16xf32, #tpu.memory_space<vmem>>
      %dma_start3A_549 = arith.constant 0 : i32
      %dma_start3A_550 = tpu.memref_slice %arg7[%dma_start3A_544, %dma_start3A_549] : memref<20x128xi32, #tpu.memory_space<vmem>> -> memref<1x128xi32, #tpu.memory_space<vmem>>
      %dma_start3A_551 = tpu.memref_squeeze %dma_start3A_550 : memref<1x128xi32, #tpu.memory_space<vmem>> -> memref<128xi32, #tpu.memory_space<vmem>>
      %dma_start3A_552 = arith.constant 0 : i32
      %dma_start3A_553 = arith.constant 0 : i32
      %dma_start3A_554 = tpu.memref_slice %arg5[%dma_start3A_552, %dma_start3A_553] : memref<100352x16xf32, #tpu.memory_space<vmem_shared>> -> memref<100352x16xf32, #tpu.memory_space<vmem_shared>>
      tpu.enqueue_indirect_dma source(%dma_start3A_548 : memref<128x16xf32, #tpu.memory_space<vmem>>) target(%dma_start3A_554 : memref<100352x16xf32, #tpu.memory_space<vmem_shared>>) offsets(%dma_start3A_551 : memref<128xi32, #tpu.memory_space<vmem>>) semaphore(%arg16 : memref<!tpu.dma_semaphore, #tpu.memory_space<semaphore_mem>>) {add = true}
      %scan3A_555 = arith.constant 0 : i32
      %scan3A_556 = arith.constant 8 : i32
      %scan3A_557 = arith.addi %scan3A_555, %scan3A_556 : i32
      %scan3A_558 = arith.constant 1 : i32
      scf.for %scan3A_2256 = %scan3A_555 to %scan3A_557 step %scan3A_558  : i32 {
        %mul3A_2257 = arith.constant 1 : i32
        %mul3A_2258 = arith.muli %scan3A_2256, %mul3A_2257 : i32
        %add3A_2259 = arith.constant 0 : i32
        %add3A_2260 = arith.addi %add3A_2259, %mul3A_2258 : i32
        %mul3A_2261 = arith.constant 16 : i32
        %mul3A_2262 = arith.muli %add3A_2260, %mul3A_2261 : i32
        %get3A = arith.constant 12 : i32
        %get3A_2263 = arith.index_cast %get3A : i32 to index
        %get3A_2264 = arith.index_cast %mul3A_2262 : i32 to index
        %get3A_2265 = tpu.vector_load %arg6[%get3A_2263, %get3A_2264] {strides = array<i32>} : memref<20x128xi32, #tpu.memory_space<vmem>>, vector<1x16xi32>,
        %get3A_2266 = vector.shape_cast %get3A_2265 : vector<1x16xi32> to vector<16xi32>
        %add3A_2267 = arith.addi %get3A_2266, %get3A_2266 : vector<16xi32>
        %add3A_2268 = arith.addi %add3A_2267, %add3A_38 : vector<16xi32>
        %mul3A_2269 = arith.constant 16 : i32
        %mul3A_2270 = arith.muli %add3A_2260, %mul3A_2269 : i32
        %swap3A = arith.constant 12 : i32
        %swap3A_2271 = arith.index_cast %swap3A : i32 to index
        %swap3A_2272 = arith.index_cast %mul3A_2270 : i32 to index
        %swap3A_2273 = tpu.vector_load %arg6[%swap3A_2271, %swap3A_2272] {strides = array<i32>} : memref<20x128xi32, #tpu.memory_space<vmem>>, vector<1x16xi32>,
        %swap3A_2274 = vector.shape_cast %swap3A_2273 : vector<1x16xi32> to vector<16xi32>
        %swap3A_2275 = vector.shape_cast %add3A_2268 : vector<16xi32> to vector<1x16xi32>
        tpu.vector_store %arg6[%swap3A_2271, %swap3A_2272], %swap3A_2275 {strides = array<i32>} : memref<20x128xi32, #tpu.memory_space<vmem>>, vector<1x16xi32>,
      }
      %scan3A_559 = arith.constant 8 : i32
      %scan3A_560 = arith.constant 0 : i32
      %scan3A_561 = arith.constant 8 : i32
      %scan3A_562 = arith.addi %scan3A_560, %scan3A_561 : i32
      %scan3A_563 = arith.constant 1 : i32
      scf.for %scan3A_2256 = %scan3A_560 to %scan3A_562 step %scan3A_563  : i32 {
        %mul3A_2257 = arith.constant 1 : i32
        %mul3A_2258 = arith.muli %scan3A_2256, %mul3A_2257 : i32
        %add3A_2259 = arith.constant 0 : i32
        %add3A_2260 = arith.addi %add3A_2259, %mul3A_2258 : i32
        %mul3A_2261 = arith.constant 16 : i32
        %mul3A_2262 = arith.muli %add3A_2260, %mul3A_2261 : i32
        %get3A = arith.constant 13 : i32
        %get3A_2263 = arith.index_cast %get3A : i32 to index
        %get3A_2264 = arith.index_cast %mul3A_2262 : i32 to index
        %get3A_2265 = tpu.vector_load %arg6[%get3A_2263, %get3A_2264] {strides = array<i32>} : memref<20x128xi32, #tpu.memory_space<vmem>>, vector<1x16xi32>,
        %get3A_2266 = vector.shape_cast %get3A_2265 : vector<1x16xi32> to vector<16xi32>
        %add3A_2267 = arith.addi %get3A_2266, %get3A_2266 : vector<16xi32>
        %add3A_2268 = arith.addi %add3A_2267, %add3A_38 : vector<16xi32>
        %mul3A_2269 = arith.constant 16 : i32
        %mul3A_2270 = arith.muli %add3A_2260, %mul3A_2269 : i32
        %swap3A = arith.constant 13 : i32
        %swap3A_2271 = arith.index_cast %swap3A : i32 to index
        %swap3A_2272 = arith.index_cast %mul3A_2270 : i32 to index
        %swap3A_2273 = tpu.vector_load %arg6[%swap3A_2271, %swap3A_2272] {strides = array<i32>} : memref<20x128xi32, #tpu.memory_space<vmem>>, vector<1x16xi32>,
        %swap3A_2274 = vector.shape_cast %swap3A_2273 : vector<1x16xi32> to vector<16xi32>
        %swap3A_2275 = vector.shape_cast %add3A_2268 : vector<16xi32> to vector<1x16xi32>
        tpu.vector_store %arg6[%swap3A_2271, %swap3A_2272], %swap3A_2275 {strides = array<i32>} : memref<20x128xi32, #tpu.memory_space<vmem>>, vector<1x16xi32>,
      }
      %scan3A_564 = arith.constant 8 : i32
      %scan3A_565 = arith.constant 0 : i32
      %scan3A_566 = arith.constant 8 : i32
      %scan3A_567 = arith.addi %scan3A_565, %scan3A_566 : i32
      %scan3A_568 = arith.constant 1 : i32
      scf.for %scan3A_2256 = %scan3A_565 to %scan3A_567 step %scan3A_568  : i32 {
        %mul3A_2257 = arith.constant 1 : i32
        %mul3A_2258 = arith.muli %scan3A_2256, %mul3A_2257 : i32
        %add3A_2259 = arith.constant 0 : i32
        %add3A_2260 = arith.addi %add3A_2259, %mul3A_2258 : i32
        %mul3A_2261 = arith.constant 16 : i32
        %mul3A_2262 = arith.muli %add3A_2260, %mul3A_2261 : i32
        %get3A = arith.constant 14 : i32
        %get3A_2263 = arith.index_cast %get3A : i32 to index
        %get3A_2264 = arith.index_cast %mul3A_2262 : i32 to index
        %get3A_2265 = tpu.vector_load %arg6[%get3A_2263, %get3A_2264] {strides = array<i32>} : memref<20x128xi32, #tpu.memory_space<vmem>>, vector<1x16xi32>,
        %get3A_2266 = vector.shape_cast %get3A_2265 : vector<1x16xi32> to vector<16xi32>
        %add3A_2267 = arith.addi %get3A_2266, %get3A_2266 : vector<16xi32>
        %add3A_2268 = arith.addi %add3A_2267, %add3A_38 : vector<16xi32>
        %mul3A_2269 = arith.constant 16 : i32
        %mul3A_2270 = arith.muli %add3A_2260, %mul3A_2269 : i32
        %swap3A = arith.constant 14 : i32
        %swap3A_2271 = arith.index_cast %swap3A : i32 to index
        %swap3A_2272 = arith.index_cast %mul3A_2270 : i32 to index
        %swap3A_2273 = tpu.vector_load %arg6[%swap3A_2271, %swap3A_2272] {strides = array<i32>} : memref<20x128xi32, #tpu.memory_space<vmem>>, vector<1x16xi32>,
        %swap3A_2274 = vector.shape_cast %swap3A_2273 : vector<1x16xi32> to vector<16xi32>
        %swap3A_2275 = vector.shape_cast %add3A_2268 : vector<16xi32> to vector<1x16xi32>
        tpu.vector_store %arg6[%swap3A_2271, %swap3A_2272], %swap3A_2275 {strides = array<i32>} : memref<20x128xi32, #tpu.memory_space<vmem>>, vector<1x16xi32>,
      }
      %scan3A_569 = arith.constant 8 : i32
      %scan3A_570 = arith.constant 0 : i32
      %scan3A_571 = arith.constant 8 : i32
      %scan3A_572 = arith.addi %scan3A_570, %scan3A_571 : i32
      %scan3A_573 = arith.constant 1 : i32
      scf.for %scan3A_2256 = %scan3A_570 to %scan3A_572 step %scan3A_573  : i32 {
        %mul3A_2257 = arith.constant 1 : i32
        %mul3A_2258 = arith.muli %scan3A_2256, %mul3A_2257 : i32
        %add3A_2259 = arith.constant 0 : i32
        %add3A_2260 = arith.addi %add3A_2259, %mul3A_2258 : i32
        %mul3A_2261 = arith.constant 16 : i32
        %mul3A_2262 = arith.muli %add3A_2260, %mul3A_2261 : i32
        %get3A = arith.constant 15 : i32
        %get3A_2263 = arith.index_cast %get3A : i32 to index
        %get3A_2264 = arith.index_cast %mul3A_2262 : i32 to index
        %get3A_2265 = tpu.vector_load %arg6[%get3A_2263, %get3A_2264] {strides = array<i32>} : memref<20x128xi32, #tpu.memory_space<vmem>>, vector<1x16xi32>,
        %get3A_2266 = vector.shape_cast %get3A_2265 : vector<1x16xi32> to vector<16xi32>
        %add3A_2267 = arith.addi %get3A_2266, %get3A_2266 : vector<16xi32>
        %add3A_2268 = arith.addi %add3A_2267, %add3A_38 : vector<16xi32>
        %mul3A_2269 = arith.constant 16 : i32
        %mul3A_2270 = arith.muli %add3A_2260, %mul3A_2269 : i32
        %swap3A = arith.constant 15 : i32
        %swap3A_2271 = arith.index_cast %swap3A : i32 to index
        %swap3A_2272 = arith.index_cast %mul3A_2270 : i32 to index
        %swap3A_2273 = tpu.vector_load %arg6[%swap3A_2271, %swap3A_2272] {strides = array<i32>} : memref<20x128xi32, #tpu.memory_space<vmem>>, vector<1x16xi32>,
        %swap3A_2274 = vector.shape_cast %swap3A_2273 : vector<1x16xi32> to vector<16xi32>
        %swap3A_2275 = vector.shape_cast %add3A_2268 : vector<16xi32> to vector<1x16xi32>
        tpu.vector_store %arg6[%swap3A_2271, %swap3A_2272], %swap3A_2275 {strides = array<i32>} : memref<20x128xi32, #tpu.memory_space<vmem>>, vector<1x16xi32>,
      }
      %scan3A_574 = arith.constant 8 : i32
      %dma_wait3A_575 = arith.constant 1 : i32
      %dma_wait3A_576 = arith.constant 4 : i32
      %dma_wait3A_577 = arith.constant 0 : i32
      %dma_wait3A_578 = arith.constant 0 : i32
      %dma_wait3A_579 = tpu.memref_slice %arg10[%dma_wait3A_575, %dma_wait3A_577, %dma_wait3A_578] : memref<2x512x16xf32, #tpu.memory_space<vmem>> -> memref<1x128x16xf32, #tpu.memory_space<vmem>>
      %dma_wait3A_580 = tpu.memref_squeeze %dma_wait3A_579 : memref<1x128x16xf32, #tpu.memory_space<vmem>> -> memref<128x16xf32, #tpu.memory_space<vmem>>
      %dma_wait3A_581 = arith.constant 0 : i32
      %dma_wait3A_582 = tpu.memref_slice %arg7[%dma_wait3A_576, %dma_wait3A_581] : memref<20x128xi32, #tpu.memory_space<vmem>> -> memref<1x128xi32, #tpu.memory_space<vmem>>
      %dma_wait3A_583 = tpu.memref_squeeze %dma_wait3A_582 : memref<1x128xi32, #tpu.memory_space<vmem>> -> memref<128xi32, #tpu.memory_space<vmem>>
      %dma_wait3A_584 = arith.constant 0 : i32
      %dma_wait3A_585 = arith.constant 0 : i32
      %dma_wait3A_586 = tpu.memref_slice %arg5[%dma_wait3A_584, %dma_wait3A_585] : memref<100352x16xf32, #tpu.memory_space<vmem_shared>> -> memref<100352x16xf32, #tpu.memory_space<vmem_shared>>
      tpu.wait_indirect_dma semaphore(%arg16 : memref<!tpu.dma_semaphore, #tpu.memory_space<semaphore_mem>>) src(%dma_wait3A_580 : memref<128x16xf32, #tpu.memory_space<vmem>>) dst(%dma_wait3A_586 : memref<100352x16xf32, #tpu.memory_space<vmem_shared>>)
      %dma_wait3A_587 = arith.constant 1 : i32
      %dma_wait3A_588 = arith.constant 5 : i32
      %dma_wait3A_589 = arith.constant 128 : i32
      %dma_wait3A_590 = arith.constant 0 : i32
      %dma_wait3A_591 = tpu.memref_slice %arg10[%dma_wait3A_587, %dma_wait3A_589, %dma_wait3A_590] : memref<2x512x16xf32, #tpu.memory_space<vmem>> -> memref<1x128x16xf32, #tpu.memory_space<vmem>>
      %dma_wait3A_592 = tpu.memref_squeeze %dma_wait3A_591 : memref<1x128x16xf32, #tpu.memory_space<vmem>> -> memref<128x16xf32, #tpu.memory_space<vmem>>
      %dma_wait3A_593 = arith.constant 0 : i32
      %dma_wait3A_594 = tpu.memref_slice %arg7[%dma_wait3A_588, %dma_wait3A_593] : memref<20x128xi32, #tpu.memory_space<vmem>> -> memref<1x128xi32, #tpu.memory_space<vmem>>
      %dma_wait3A_595 = tpu.memref_squeeze %dma_wait3A_594 : memref<1x128xi32, #tpu.memory_space<vmem>> -> memref<128xi32, #tpu.memory_space<vmem>>
      %dma_wait3A_596 = arith.constant 0 : i32
      %dma_wait3A_597 = arith.constant 0 : i32
      %dma_wait3A_598 = tpu.memref_slice %arg5[%dma_wait3A_596, %dma_wait3A_597] : memref<100352x16xf32, #tpu.memory_space<vmem_shared>> -> memref<100352x16xf32, #tpu.memory_space<vmem_shared>>
      tpu.wait_indirect_dma semaphore(%arg16 : memref<!tpu.dma_semaphore, #tpu.memory_space<semaphore_mem>>) src(%dma_wait3A_592 : memref<128x16xf32, #tpu.memory_space<vmem>>) dst(%dma_wait3A_598 : memref<100352x16xf32, #tpu.memory_space<vmem_shared>>)
      %dma_wait3A_599 = arith.constant 1 : i32
      %dma_wait3A_600 = arith.constant 6 : i32
      %dma_wait3A_601 = arith.constant 256 : i32
      %dma_wait3A_602 = arith.constant 0 : i32
      %dma_wait3A_603 = tpu.memref_slice %arg10[%dma_wait3A_599, %dma_wait3A_601, %dma_wait3A_602] : memref<2x512x16xf32, #tpu.memory_space<vmem>> -> memref<1x128x16xf32, #tpu.memory_space<vmem>>
      %dma_wait3A_604 = tpu.memref_squeeze %dma_wait3A_603 : memref<1x128x16xf32, #tpu.memory_space<vmem>> -> memref<128x16xf32, #tpu.memory_space<vmem>>
      %dma_wait3A_605 = arith.constant 0 : i32
      %dma_wait3A_606 = tpu.memref_slice %arg7[%dma_wait3A_600, %dma_wait3A_605] : memref<20x128xi32, #tpu.memory_space<vmem>> -> memref<1x128xi32, #tpu.memory_space<vmem>>
      %dma_wait3A_607 = tpu.memref_squeeze %dma_wait3A_606 : memref<1x128xi32, #tpu.memory_space<vmem>> -> memref<128xi32, #tpu.memory_space<vmem>>
      %dma_wait3A_608 = arith.constant 0 : i32
      %dma_wait3A_609 = arith.constant 0 : i32
      %dma_wait3A_610 = tpu.memref_slice %arg5[%dma_wait3A_608, %dma_wait3A_609] : memref<100352x16xf32, #tpu.memory_space<vmem_shared>> -> memref<100352x16xf32, #tpu.memory_space<vmem_shared>>
      tpu.wait_indirect_dma semaphore(%arg16 : memref<!tpu.dma_semaphore, #tpu.memory_space<semaphore_mem>>) src(%dma_wait3A_604 : memref<128x16xf32, #tpu.memory_space<vmem>>) dst(%dma_wait3A_610 : memref<100352x16xf32, #tpu.memory_space<vmem_shared>>)
      %dma_wait3A_611 = arith.constant 1 : i32
      %dma_wait3A_612 = arith.constant 7 : i32
      %dma_wait3A_613 = arith.constant 384 : i32
      %dma_wait3A_614 = arith.constant 0 : i32
      %dma_wait3A_615 = tpu.memref_slice %arg10[%dma_wait3A_611, %dma_wait3A_613, %dma_wait3A_614] : memref<2x512x16xf32, #tpu.memory_space<vmem>> -> memref<1x128x16xf32, #tpu.memory_space<vmem>>
      %dma_wait3A_616 = tpu.memref_squeeze %dma_wait3A_615 : memref<1x128x16xf32, #tpu.memory_space<vmem>> -> memref<128x16xf32, #tpu.memory_space<vmem>>
      %dma_wait3A_617 = arith.constant 0 : i32
      %dma_wait3A_618 = tpu.memref_slice %arg7[%dma_wait3A_612, %dma_wait3A_617] : memref<20x128xi32, #tpu.memory_space<vmem>> -> memref<1x128xi32, #tpu.memory_space<vmem>>
      %dma_wait3A_619 = tpu.memref_squeeze %dma_wait3A_618 : memref<1x128xi32, #tpu.memory_space<vmem>> -> memref<128xi32, #tpu.memory_space<vmem>>
      %dma_wait3A_620 = arith.constant 0 : i32
      %dma_wait3A_621 = arith.constant 0 : i32
      %dma_wait3A_622 = tpu.memref_slice %arg5[%dma_wait3A_620, %dma_wait3A_621] : memref<100352x16xf32, #tpu.memory_space<vmem_shared>> -> memref<100352x16xf32, #tpu.memory_space<vmem_shared>>
      tpu.wait_indirect_dma semaphore(%arg16 : memref<!tpu.dma_semaphore, #tpu.memory_space<semaphore_mem>>) src(%dma_wait3A_616 : memref<128x16xf32, #tpu.memory_space<vmem>>) dst(%dma_wait3A_622 : memref<100352x16xf32, #tpu.memory_space<vmem_shared>>)
      %dma_start3A_623 = arith.constant 12 : i32
      %dma_start3A_624 = arith.constant 1 : i32
      %dma_start3A_625 = arith.constant 0 : i32
      %dma_start3A_626 = arith.constant 0 : i32
      %dma_start3A_627 = tpu.memref_slice %arg10[%dma_start3A_624, %dma_start3A_625, %dma_start3A_626] : memref<2x512x16xf32, #tpu.memory_space<vmem>> -> memref<1x128x16xf32, #tpu.memory_space<vmem>>
      %dma_start3A_628 = tpu.memref_squeeze %dma_start3A_627 : memref<1x128x16xf32, #tpu.memory_space<vmem>> -> memref<128x16xf32, #tpu.memory_space<vmem>>
      %dma_start3A_629 = arith.constant 0 : i32
      %dma_start3A_630 = tpu.memref_slice %arg6[%dma_start3A_623, %dma_start3A_629] : memref<20x128xi32, #tpu.memory_space<vmem>> -> memref<1x128xi32, #tpu.memory_space<vmem>>
      %dma_start3A_631 = tpu.memref_squeeze %dma_start3A_630 : memref<1x128xi32, #tpu.memory_space<vmem>> -> memref<128xi32, #tpu.memory_space<vmem>>
      %dma_start3A_632 = arith.constant 0 : i32
      %dma_start3A_633 = arith.constant 0 : i32
      %dma_start3A_634 = tpu.memref_slice %arg2[%dma_start3A_632, %dma_start3A_633] : memref<200002x16xf32, #tpu.memory_space<hbm>> -> memref<200002x16xf32, #tpu.memory_space<hbm>>
      tpu.enqueue_indirect_dma source(%dma_start3A_634 : memref<200002x16xf32, #tpu.memory_space<hbm>>) target(%dma_start3A_628 : memref<128x16xf32, #tpu.memory_space<vmem>>) offsets(%dma_start3A_631 : memref<128xi32, #tpu.memory_space<vmem>>) semaphore(%arg12 : memref<!tpu.dma_semaphore, #tpu.memory_space<semaphore_mem>>)
      %dma_start3A_635 = arith.constant 13 : i32
      %dma_start3A_636 = arith.constant 1 : i32
      %dma_start3A_637 = arith.constant 128 : i32
      %dma_start3A_638 = arith.constant 0 : i32
      %dma_start3A_639 = tpu.memref_slice %arg10[%dma_start3A_636, %dma_start3A_637, %dma_start3A_638] : memref<2x512x16xf32, #tpu.memory_space<vmem>> -> memref<1x128x16xf32, #tpu.memory_space<vmem>>
      %dma_start3A_640 = tpu.memref_squeeze %dma_start3A_639 : memref<1x128x16xf32, #tpu.memory_space<vmem>> -> memref<128x16xf32, #tpu.memory_space<vmem>>
      %dma_start3A_641 = arith.constant 0 : i32
      %dma_start3A_642 = tpu.memref_slice %arg6[%dma_start3A_635, %dma_start3A_641] : memref<20x128xi32, #tpu.memory_space<vmem>> -> memref<1x128xi32, #tpu.memory_space<vmem>>
      %dma_start3A_643 = tpu.memref_squeeze %dma_start3A_642 : memref<1x128xi32, #tpu.memory_space<vmem>> -> memref<128xi32, #tpu.memory_space<vmem>>
      %dma_start3A_644 = arith.constant 0 : i32
      %dma_start3A_645 = arith.constant 0 : i32
      %dma_start3A_646 = tpu.memref_slice %arg2[%dma_start3A_644, %dma_start3A_645] : memref<200002x16xf32, #tpu.memory_space<hbm>> -> memref<200002x16xf32, #tpu.memory_space<hbm>>
      tpu.enqueue_indirect_dma source(%dma_start3A_646 : memref<200002x16xf32, #tpu.memory_space<hbm>>) target(%dma_start3A_640 : memref<128x16xf32, #tpu.memory_space<vmem>>) offsets(%dma_start3A_643 : memref<128xi32, #tpu.memory_space<vmem>>) semaphore(%arg12 : memref<!tpu.dma_semaphore, #tpu.memory_space<semaphore_mem>>)
      %dma_start3A_647 = arith.constant 14 : i32
      %dma_start3A_648 = arith.constant 1 : i32
      %dma_start3A_649 = arith.constant 256 : i32
      %dma_start3A_650 = arith.constant 0 : i32
      %dma_start3A_651 = tpu.memref_slice %arg10[%dma_start3A_648, %dma_start3A_649, %dma_start3A_650] : memref<2x512x16xf32, #tpu.memory_space<vmem>> -> memref<1x128x16xf32, #tpu.memory_space<vmem>>
      %dma_start3A_652 = tpu.memref_squeeze %dma_start3A_651 : memref<1x128x16xf32, #tpu.memory_space<vmem>> -> memref<128x16xf32, #tpu.memory_space<vmem>>
      %dma_start3A_653 = arith.constant 0 : i32
      %dma_start3A_654 = tpu.memref_slice %arg6[%dma_start3A_647, %dma_start3A_653] : memref<20x128xi32, #tpu.memory_space<vmem>> -> memref<1x128xi32, #tpu.memory_space<vmem>>
      %dma_start3A_655 = tpu.memref_squeeze %dma_start3A_654 : memref<1x128xi32, #tpu.memory_space<vmem>> -> memref<128xi32, #tpu.memory_space<vmem>>
      %dma_start3A_656 = arith.constant 0 : i32
      %dma_start3A_657 = arith.constant 0 : i32
      %dma_start3A_658 = tpu.memref_slice %arg2[%dma_start3A_656, %dma_start3A_657] : memref<200002x16xf32, #tpu.memory_space<hbm>> -> memref<200002x16xf32, #tpu.memory_space<hbm>>
      tpu.enqueue_indirect_dma source(%dma_start3A_658 : memref<200002x16xf32, #tpu.memory_space<hbm>>) target(%dma_start3A_652 : memref<128x16xf32, #tpu.memory_space<vmem>>) offsets(%dma_start3A_655 : memref<128xi32, #tpu.memory_space<vmem>>) semaphore(%arg12 : memref<!tpu.dma_semaphore, #tpu.memory_space<semaphore_mem>>)
      %dma_start3A_659 = arith.constant 15 : i32
      %dma_start3A_660 = arith.constant 1 : i32
      %dma_start3A_661 = arith.constant 384 : i32
      %dma_start3A_662 = arith.constant 0 : i32
      %dma_start3A_663 = tpu.memref_slice %arg10[%dma_start3A_660, %dma_start3A_661, %dma_start3A_662] : memref<2x512x16xf32, #tpu.memory_space<vmem>> -> memref<1x128x16xf32, #tpu.memory_space<vmem>>
      %dma_start3A_664 = tpu.memref_squeeze %dma_start3A_663 : memref<1x128x16xf32, #tpu.memory_space<vmem>> -> memref<128x16xf32, #tpu.memory_space<vmem>>
      %dma_start3A_665 = arith.constant 0 : i32
      %dma_start3A_666 = tpu.memref_slice %arg6[%dma_start3A_659, %dma_start3A_665] : memref<20x128xi32, #tpu.memory_space<vmem>> -> memref<1x128xi32, #tpu.memory_space<vmem>>
      %dma_start3A_667 = tpu.memref_squeeze %dma_start3A_666 : memref<1x128xi32, #tpu.memory_space<vmem>> -> memref<128xi32, #tpu.memory_space<vmem>>
      %dma_start3A_668 = arith.constant 0 : i32
      %dma_start3A_669 = arith.constant 0 : i32
      %dma_start3A_670 = tpu.memref_slice %arg2[%dma_start3A_668, %dma_start3A_669] : memref<200002x16xf32, #tpu.memory_space<hbm>> -> memref<200002x16xf32, #tpu.memory_space<hbm>>
      tpu.enqueue_indirect_dma source(%dma_start3A_670 : memref<200002x16xf32, #tpu.memory_space<hbm>>) target(%dma_start3A_664 : memref<128x16xf32, #tpu.memory_space<vmem>>) offsets(%dma_start3A_667 : memref<128xi32, #tpu.memory_space<vmem>>) semaphore(%arg12 : memref<!tpu.dma_semaphore, #tpu.memory_space<semaphore_mem>>)
      %dma_wait3A_671 = arith.constant 8 : i32
      %dma_wait3A_672 = arith.constant 0 : i32
      %dma_wait3A_673 = arith.constant 0 : i32
      %dma_wait3A_674 = arith.constant 0 : i32
      %dma_wait3A_675 = tpu.memref_slice %arg10[%dma_wait3A_672, %dma_wait3A_673, %dma_wait3A_674] : memref<2x512x16xf32, #tpu.memory_space<vmem>> -> memref<1x128x16xf32, #tpu.memory_space<vmem>>
      %dma_wait3A_676 = tpu.memref_squeeze %dma_wait3A_675 : memref<1x128x16xf32, #tpu.memory_space<vmem>> -> memref<128x16xf32, #tpu.memory_space<vmem>>
      %dma_wait3A_677 = arith.constant 0 : i32
      %dma_wait3A_678 = tpu.memref_slice %arg6[%dma_wait3A_671, %dma_wait3A_677] : memref<20x128xi32, #tpu.memory_space<vmem>> -> memref<1x128xi32, #tpu.memory_space<vmem>>
      %dma_wait3A_679 = tpu.memref_squeeze %dma_wait3A_678 : memref<1x128xi32, #tpu.memory_space<vmem>> -> memref<128xi32, #tpu.memory_space<vmem>>
      %dma_wait3A_680 = arith.constant 0 : i32
      %dma_wait3A_681 = arith.constant 0 : i32
      %dma_wait3A_682 = tpu.memref_slice %arg2[%dma_wait3A_680, %dma_wait3A_681] : memref<200002x16xf32, #tpu.memory_space<hbm>> -> memref<200002x16xf32, #tpu.memory_space<hbm>>
      tpu.wait_indirect_dma semaphore(%arg11 : memref<!tpu.dma_semaphore, #tpu.memory_space<semaphore_mem>>) src(%dma_wait3A_682 : memref<200002x16xf32, #tpu.memory_space<hbm>>) dst(%dma_wait3A_676 : memref<128x16xf32, #tpu.memory_space<vmem>>)
      %dma_wait3A_683 = arith.constant 9 : i32
      %dma_wait3A_684 = arith.constant 0 : i32
      %dma_wait3A_685 = arith.constant 128 : i32
      %dma_wait3A_686 = arith.constant 0 : i32
      %dma_wait3A_687 = tpu.memref_slice %arg10[%dma_wait3A_684, %dma_wait3A_685, %dma_wait3A_686] : memref<2x512x16xf32, #tpu.memory_space<vmem>> -> memref<1x128x16xf32, #tpu.memory_space<vmem>>
      %dma_wait3A_688 = tpu.memref_squeeze %dma_wait3A_687 : memref<1x128x16xf32, #tpu.memory_space<vmem>> -> memref<128x16xf32, #tpu.memory_space<vmem>>
      %dma_wait3A_689 = arith.constant 0 : i32
      %dma_wait3A_690 = tpu.memref_slice %arg6[%dma_wait3A_683, %dma_wait3A_689] : memref<20x128xi32, #tpu.memory_space<vmem>> -> memref<1x128xi32, #tpu.memory_space<vmem>>
      %dma_wait3A_691 = tpu.memref_squeeze %dma_wait3A_690 : memref<1x128xi32, #tpu.memory_space<vmem>> -> memref<128xi32, #tpu.memory_space<vmem>>
      %dma_wait3A_692 = arith.constant 0 : i32
      %dma_wait3A_693 = arith.constant 0 : i32
      %dma_wait3A_694 = tpu.memref_slice %arg2[%dma_wait3A_692, %dma_wait3A_693] : memref<200002x16xf32, #tpu.memory_space<hbm>> -> memref<200002x16xf32, #tpu.memory_space<hbm>>
      tpu.wait_indirect_dma semaphore(%arg11 : memref<!tpu.dma_semaphore, #tpu.memory_space<semaphore_mem>>) src(%dma_wait3A_694 : memref<200002x16xf32, #tpu.memory_space<hbm>>) dst(%dma_wait3A_688 : memref<128x16xf32, #tpu.memory_space<vmem>>)
      %dma_wait3A_695 = arith.constant 10 : i32
      %dma_wait3A_696 = arith.constant 0 : i32
      %dma_wait3A_697 = arith.constant 256 : i32
      %dma_wait3A_698 = arith.constant 0 : i32
      %dma_wait3A_699 = tpu.memref_slice %arg10[%dma_wait3A_696, %dma_wait3A_697, %dma_wait3A_698] : memref<2x512x16xf32, #tpu.memory_space<vmem>> -> memref<1x128x16xf32, #tpu.memory_space<vmem>>
      %dma_wait3A_700 = tpu.memref_squeeze %dma_wait3A_699 : memref<1x128x16xf32, #tpu.memory_space<vmem>> -> memref<128x16xf32, #tpu.memory_space<vmem>>
      %dma_wait3A_701 = arith.constant 0 : i32
      %dma_wait3A_702 = tpu.memref_slice %arg6[%dma_wait3A_695, %dma_wait3A_701] : memref<20x128xi32, #tpu.memory_space<vmem>> -> memref<1x128xi32, #tpu.memory_space<vmem>>
      %dma_wait3A_703 = tpu.memref_squeeze %dma_wait3A_702 : memref<1x128xi32, #tpu.memory_space<vmem>> -> memref<128xi32, #tpu.memory_space<vmem>>
      %dma_wait3A_704 = arith.constant 0 : i32
      %dma_wait3A_705 = arith.constant 0 : i32
      %dma_wait3A_706 = tpu.memref_slice %arg2[%dma_wait3A_704, %dma_wait3A_705] : memref<200002x16xf32, #tpu.memory_space<hbm>> -> memref<200002x16xf32, #tpu.memory_space<hbm>>
      tpu.wait_indirect_dma semaphore(%arg11 : memref<!tpu.dma_semaphore, #tpu.memory_space<semaphore_mem>>) src(%dma_wait3A_706 : memref<200002x16xf32, #tpu.memory_space<hbm>>) dst(%dma_wait3A_700 : memref<128x16xf32, #tpu.memory_space<vmem>>)
      %dma_wait3A_707 = arith.constant 11 : i32
      %dma_wait3A_708 = arith.constant 0 : i32
      %dma_wait3A_709 = arith.constant 384 : i32
      %dma_wait3A_710 = arith.constant 0 : i32
      %dma_wait3A_711 = tpu.memref_slice %arg10[%dma_wait3A_708, %dma_wait3A_709, %dma_wait3A_710] : memref<2x512x16xf32, #tpu.memory_space<vmem>> -> memref<1x128x16xf32, #tpu.memory_space<vmem>>
      %dma_wait3A_712 = tpu.memref_squeeze %dma_wait3A_711 : memref<1x128x16xf32, #tpu.memory_space<vmem>> -> memref<128x16xf32, #tpu.memory_space<vmem>>
      %dma_wait3A_713 = arith.constant 0 : i32
      %dma_wait3A_714 = tpu.memref_slice %arg6[%dma_wait3A_707, %dma_wait3A_713] : memref<20x128xi32, #tpu.memory_space<vmem>> -> memref<1x128xi32, #tpu.memory_space<vmem>>
      %dma_wait3A_715 = tpu.memref_squeeze %dma_wait3A_714 : memref<1x128xi32, #tpu.memory_space<vmem>> -> memref<128xi32, #tpu.memory_space<vmem>>
      %dma_wait3A_716 = arith.constant 0 : i32
      %dma_wait3A_717 = arith.constant 0 : i32
      %dma_wait3A_718 = tpu.memref_slice %arg2[%dma_wait3A_716, %dma_wait3A_717] : memref<200002x16xf32, #tpu.memory_space<hbm>> -> memref<200002x16xf32, #tpu.memory_space<hbm>>
      tpu.wait_indirect_dma semaphore(%arg11 : memref<!tpu.dma_semaphore, #tpu.memory_space<semaphore_mem>>) src(%dma_wait3A_718 : memref<200002x16xf32, #tpu.memory_space<hbm>>) dst(%dma_wait3A_712 : memref<128x16xf32, #tpu.memory_space<vmem>>)
      %dma_start3A_719 = arith.constant 0 : i32
      %dma_start3A_720 = arith.constant 8 : i32
      %dma_start3A_721 = arith.constant 0 : i32
      %dma_start3A_722 = arith.constant 0 : i32
      %dma_start3A_723 = tpu.memref_slice %arg10[%dma_start3A_719, %dma_start3A_721, %dma_start3A_722] : memref<2x512x16xf32, #tpu.memory_space<vmem>> -> memref<1x128x16xf32, #tpu.memory_space<vmem>>
      %dma_start3A_724 = tpu.memref_squeeze %dma_start3A_723 : memref<1x128x16xf32, #tpu.memory_space<vmem>> -> memref<128x16xf32, #tpu.memory_space<vmem>>
      %dma_start3A_725 = arith.constant 0 : i32
      %dma_start3A_726 = tpu.memref_slice %arg7[%dma_start3A_720, %dma_start3A_725] : memref<20x128xi32, #tpu.memory_space<vmem>> -> memref<1x128xi32, #tpu.memory_space<vmem>>
      %dma_start3A_727 = tpu.memref_squeeze %dma_start3A_726 : memref<1x128xi32, #tpu.memory_space<vmem>> -> memref<128xi32, #tpu.memory_space<vmem>>
      %dma_start3A_728 = arith.constant 0 : i32
      %dma_start3A_729 = arith.constant 0 : i32
      %dma_start3A_730 = tpu.memref_slice %arg5[%dma_start3A_728, %dma_start3A_729] : memref<100352x16xf32, #tpu.memory_space<vmem_shared>> -> memref<100352x16xf32, #tpu.memory_space<vmem_shared>>
      tpu.enqueue_indirect_dma source(%dma_start3A_724 : memref<128x16xf32, #tpu.memory_space<vmem>>) target(%dma_start3A_730 : memref<100352x16xf32, #tpu.memory_space<vmem_shared>>) offsets(%dma_start3A_727 : memref<128xi32, #tpu.memory_space<vmem>>) semaphore(%arg15 : memref<!tpu.dma_semaphore, #tpu.memory_space<semaphore_mem>>) {add = true}
      %dma_start3A_731 = arith.constant 0 : i32
      %dma_start3A_732 = arith.constant 9 : i32
      %dma_start3A_733 = arith.constant 128 : i32
      %dma_start3A_734 = arith.constant 0 : i32
      %dma_start3A_735 = tpu.memref_slice %arg10[%dma_start3A_731, %dma_start3A_733, %dma_start3A_734] : memref<2x512x16xf32, #tpu.memory_space<vmem>> -> memref<1x128x16xf32, #tpu.memory_space<vmem>>
      %dma_start3A_736 = tpu.memref_squeeze %dma_start3A_735 : memref<1x128x16xf32, #tpu.memory_space<vmem>> -> memref<128x16xf32, #tpu.memory_space<vmem>>
      %dma_start3A_737 = arith.constant 0 : i32
      %dma_start3A_738 = tpu.memref_slice %arg7[%dma_start3A_732, %dma_start3A_737] : memref<20x128xi32, #tpu.memory_space<vmem>> -> memref<1x128xi32, #tpu.memory_space<vmem>>
      %dma_start3A_739 = tpu.memref_squeeze %dma_start3A_738 : memref<1x128xi32, #tpu.memory_space<vmem>> -> memref<128xi32, #tpu.memory_space<vmem>>
      %dma_start3A_740 = arith.constant 0 : i32
      %dma_start3A_741 = arith.constant 0 : i32
      %dma_start3A_742 = tpu.memref_slice %arg5[%dma_start3A_740, %dma_start3A_741] : memref<100352x16xf32, #tpu.memory_space<vmem_shared>> -> memref<100352x16xf32, #tpu.memory_space<vmem_shared>>
      tpu.enqueue_indirect_dma source(%dma_start3A_736 : memref<128x16xf32, #tpu.memory_space<vmem>>) target(%dma_start3A_742 : memref<100352x16xf32, #tpu.memory_space<vmem_shared>>) offsets(%dma_start3A_739 : memref<128xi32, #tpu.memory_space<vmem>>) semaphore(%arg15 : memref<!tpu.dma_semaphore, #tpu.memory_space<semaphore_mem>>) {add = true}
      %dma_start3A_743 = arith.constant 0 : i32
      %dma_start3A_744 = arith.constant 10 : i32
      %dma_start3A_745 = arith.constant 256 : i32
      %dma_start3A_746 = arith.constant 0 : i32
      %dma_start3A_747 = tpu.memref_slice %arg10[%dma_start3A_743, %dma_start3A_745, %dma_start3A_746] : memref<2x512x16xf32, #tpu.memory_space<vmem>> -> memref<1x128x16xf32, #tpu.memory_space<vmem>>
      %dma_start3A_748 = tpu.memref_squeeze %dma_start3A_747 : memref<1x128x16xf32, #tpu.memory_space<vmem>> -> memref<128x16xf32, #tpu.memory_space<vmem>>
      %dma_start3A_749 = arith.constant 0 : i32
      %dma_start3A_750 = tpu.memref_slice %arg7[%dma_start3A_744, %dma_start3A_749] : memref<20x128xi32, #tpu.memory_space<vmem>> -> memref<1x128xi32, #tpu.memory_space<vmem>>
      %dma_start3A_751 = tpu.memref_squeeze %dma_start3A_750 : memref<1x128xi32, #tpu.memory_space<vmem>> -> memref<128xi32, #tpu.memory_space<vmem>>
      %dma_start3A_752 = arith.constant 0 : i32
      %dma_start3A_753 = arith.constant 0 : i32
      %dma_start3A_754 = tpu.memref_slice %arg5[%dma_start3A_752, %dma_start3A_753] : memref<100352x16xf32, #tpu.memory_space<vmem_shared>> -> memref<100352x16xf32, #tpu.memory_space<vmem_shared>>
      tpu.enqueue_indirect_dma source(%dma_start3A_748 : memref<128x16xf32, #tpu.memory_space<vmem>>) target(%dma_start3A_754 : memref<100352x16xf32, #tpu.memory_space<vmem_shared>>) offsets(%dma_start3A_751 : memref<128xi32, #tpu.memory_space<vmem>>) semaphore(%arg15 : memref<!tpu.dma_semaphore, #tpu.memory_space<semaphore_mem>>) {add = true}
      %dma_start3A_755 = arith.constant 0 : i32
      %dma_start3A_756 = arith.constant 11 : i32
      %dma_start3A_757 = arith.constant 384 : i32
      %dma_start3A_758 = arith.constant 0 : i32
      %dma_start3A_759 = tpu.memref_slice %arg10[%dma_start3A_755, %dma_start3A_757, %dma_start3A_758] : memref<2x512x16xf32, #tpu.memory_space<vmem>> -> memref<1x128x16xf32, #tpu.memory_space<vmem>>
      %dma_start3A_760 = tpu.memref_squeeze %dma_start3A_759 : memref<1x128x16xf32, #tpu.memory_space<vmem>> -> memref<128x16xf32, #tpu.memory_space<vmem>>
      %dma_start3A_761 = arith.constant 0 : i32
      %dma_start3A_762 = tpu.memref_slice %arg7[%dma_start3A_756, %dma_start3A_761] : memref<20x128xi32, #tpu.memory_space<vmem>> -> memref<1x128xi32, #tpu.memory_space<vmem>>
      %dma_start3A_763 = tpu.memref_squeeze %dma_start3A_762 : memref<1x128xi32, #tpu.memory_space<vmem>> -> memref<128xi32, #tpu.memory_space<vmem>>
      %dma_start3A_764 = arith.constant 0 : i32
      %dma_start3A_765 = arith.constant 0 : i32
      %dma_start3A_766 = tpu.memref_slice %arg5[%dma_start3A_764, %dma_start3A_765] : memref<100352x16xf32, #tpu.memory_space<vmem_shared>> -> memref<100352x16xf32, #tpu.memory_space<vmem_shared>>
      tpu.enqueue_indirect_dma source(%dma_start3A_760 : memref<128x16xf32, #tpu.memory_space<vmem>>) target(%dma_start3A_766 : memref<100352x16xf32, #tpu.memory_space<vmem_shared>>) offsets(%dma_start3A_763 : memref<128xi32, #tpu.memory_space<vmem>>) semaphore(%arg15 : memref<!tpu.dma_semaphore, #tpu.memory_space<semaphore_mem>>) {add = true}
      %scan3A_767 = arith.constant 0 : i32
      %scan3A_768 = arith.constant 8 : i32
      %scan3A_769 = arith.addi %scan3A_767, %scan3A_768 : i32
      %scan3A_770 = arith.constant 1 : i32
      scf.for %scan3A_2256 = %scan3A_767 to %scan3A_769 step %scan3A_770  : i32 {
        %mul3A_2257 = arith.constant 1 : i32
        %mul3A_2258 = arith.muli %scan3A_2256, %mul3A_2257 : i32
        %add3A_2259 = arith.constant 0 : i32
        %add3A_2260 = arith.addi %add3A_2259, %mul3A_2258 : i32
        %mul3A_2261 = arith.constant 16 : i32
        %mul3A_2262 = arith.muli %add3A_2260, %mul3A_2261 : i32
        %get3A = arith.constant 16 : i32
        %get3A_2263 = arith.index_cast %get3A : i32 to index
        %get3A_2264 = arith.index_cast %mul3A_2262 : i32 to index
        %get3A_2265 = tpu.vector_load %arg6[%get3A_2263, %get3A_2264] {strides = array<i32>} : memref<20x128xi32, #tpu.memory_space<vmem>>, vector<1x16xi32>,
        %get3A_2266 = vector.shape_cast %get3A_2265 : vector<1x16xi32> to vector<16xi32>
        %add3A_2267 = arith.addi %get3A_2266, %get3A_2266 : vector<16xi32>
        %add3A_2268 = arith.addi %add3A_2267, %add3A_38 : vector<16xi32>
        %mul3A_2269 = arith.constant 16 : i32
        %mul3A_2270 = arith.muli %add3A_2260, %mul3A_2269 : i32
        %swap3A = arith.constant 16 : i32
        %swap3A_2271 = arith.index_cast %swap3A : i32 to index
        %swap3A_2272 = arith.index_cast %mul3A_2270 : i32 to index
        %swap3A_2273 = tpu.vector_load %arg6[%swap3A_2271, %swap3A_2272] {strides = array<i32>} : memref<20x128xi32, #tpu.memory_space<vmem>>, vector<1x16xi32>,
        %swap3A_2274 = vector.shape_cast %swap3A_2273 : vector<1x16xi32> to vector<16xi32>
        %swap3A_2275 = vector.shape_cast %add3A_2268 : vector<16xi32> to vector<1x16xi32>
        tpu.vector_store %arg6[%swap3A_2271, %swap3A_2272], %swap3A_2275 {strides = array<i32>} : memref<20x128xi32, #tpu.memory_space<vmem>>, vector<1x16xi32>,
      }
      %scan3A_771 = arith.constant 8 : i32
      %scan3A_772 = arith.constant 0 : i32
      %scan3A_773 = arith.constant 8 : i32
      %scan3A_774 = arith.addi %scan3A_772, %scan3A_773 : i32
      %scan3A_775 = arith.constant 1 : i32
      scf.for %scan3A_2256 = %scan3A_772 to %scan3A_774 step %scan3A_775  : i32 {
        %mul3A_2257 = arith.constant 1 : i32
        %mul3A_2258 = arith.muli %scan3A_2256, %mul3A_2257 : i32
        %add3A_2259 = arith.constant 0 : i32
        %add3A_2260 = arith.addi %add3A_2259, %mul3A_2258 : i32
        %mul3A_2261 = arith.constant 16 : i32
        %mul3A_2262 = arith.muli %add3A_2260, %mul3A_2261 : i32
        %get3A = arith.constant 17 : i32
        %get3A_2263 = arith.index_cast %get3A : i32 to index
        %get3A_2264 = arith.index_cast %mul3A_2262 : i32 to index
        %get3A_2265 = tpu.vector_load %arg6[%get3A_2263, %get3A_2264] {strides = array<i32>} : memref<20x128xi32, #tpu.memory_space<vmem>>, vector<1x16xi32>,
        %get3A_2266 = vector.shape_cast %get3A_2265 : vector<1x16xi32> to vector<16xi32>
        %add3A_2267 = arith.addi %get3A_2266, %get3A_2266 : vector<16xi32>
        %add3A_2268 = arith.addi %add3A_2267, %add3A_38 : vector<16xi32>
        %mul3A_2269 = arith.constant 16 : i32
        %mul3A_2270 = arith.muli %add3A_2260, %mul3A_2269 : i32
        %swap3A = arith.constant 17 : i32
        %swap3A_2271 = arith.index_cast %swap3A : i32 to index
        %swap3A_2272 = arith.index_cast %mul3A_2270 : i32 to index
        %swap3A_2273 = tpu.vector_load %arg6[%swap3A_2271, %swap3A_2272] {strides = array<i32>} : memref<20x128xi32, #tpu.memory_space<vmem>>, vector<1x16xi32>,
        %swap3A_2274 = vector.shape_cast %swap3A_2273 : vector<1x16xi32> to vector<16xi32>
        %swap3A_2275 = vector.shape_cast %add3A_2268 : vector<16xi32> to vector<1x16xi32>
        tpu.vector_store %arg6[%swap3A_2271, %swap3A_2272], %swap3A_2275 {strides = array<i32>} : memref<20x128xi32, #tpu.memory_space<vmem>>, vector<1x16xi32>,
      }
      %scan3A_776 = arith.constant 8 : i32
      %scan3A_777 = arith.constant 0 : i32
      %scan3A_778 = arith.constant 8 : i32
      %scan3A_779 = arith.addi %scan3A_777, %scan3A_778 : i32
      %scan3A_780 = arith.constant 1 : i32
      scf.for %scan3A_2256 = %scan3A_777 to %scan3A_779 step %scan3A_780  : i32 {
        %mul3A_2257 = arith.constant 1 : i32
        %mul3A_2258 = arith.muli %scan3A_2256, %mul3A_2257 : i32
        %add3A_2259 = arith.constant 0 : i32
        %add3A_2260 = arith.addi %add3A_2259, %mul3A_2258 : i32
        %mul3A_2261 = arith.constant 16 : i32
        %mul3A_2262 = arith.muli %add3A_2260, %mul3A_2261 : i32
        %get3A = arith.constant 18 : i32
        %get3A_2263 = arith.index_cast %get3A : i32 to index
        %get3A_2264 = arith.index_cast %mul3A_2262 : i32 to index
        %get3A_2265 = tpu.vector_load %arg6[%get3A_2263, %get3A_2264] {strides = array<i32>} : memref<20x128xi32, #tpu.memory_space<vmem>>, vector<1x16xi32>,
        %get3A_2266 = vector.shape_cast %get3A_2265 : vector<1x16xi32> to vector<16xi32>
        %add3A_2267 = arith.addi %get3A_2266, %get3A_2266 : vector<16xi32>
        %add3A_2268 = arith.addi %add3A_2267, %add3A_38 : vector<16xi32>
        %mul3A_2269 = arith.constant 16 : i32
        %mul3A_2270 = arith.muli %add3A_2260, %mul3A_2269 : i32
        %swap3A = arith.constant 18 : i32
        %swap3A_2271 = arith.index_cast %swap3A : i32 to index
        %swap3A_2272 = arith.index_cast %mul3A_2270 : i32 to index
        %swap3A_2273 = tpu.vector_load %arg6[%swap3A_2271, %swap3A_2272] {strides = array<i32>} : memref<20x128xi32, #tpu.memory_space<vmem>>, vector<1x16xi32>,
        %swap3A_2274 = vector.shape_cast %swap3A_2273 : vector<1x16xi32> to vector<16xi32>
        %swap3A_2275 = vector.shape_cast %add3A_2268 : vector<16xi32> to vector<1x16xi32>
        tpu.vector_store %arg6[%swap3A_2271, %swap3A_2272], %swap3A_2275 {strides = array<i32>} : memref<20x128xi32, #tpu.memory_space<vmem>>, vector<1x16xi32>,
      }
      %scan3A_781 = arith.constant 8 : i32
      %scan3A_782 = arith.constant 0 : i32
      %scan3A_783 = arith.constant 8 : i32
      %scan3A_784 = arith.addi %scan3A_782, %scan3A_783 : i32
      %scan3A_785 = arith.constant 1 : i32
      scf.for %scan3A_2256 = %scan3A_782 to %scan3A_784 step %scan3A_785  : i32 {
        %mul3A_2257 = arith.constant 1 : i32
        %mul3A_2258 = arith.muli %scan3A_2256, %mul3A_2257 : i32
        %add3A_2259 = arith.constant 0 : i32
        %add3A_2260 = arith.addi %add3A_2259, %mul3A_2258 : i32
        %mul3A_2261 = arith.constant 16 : i32
        %mul3A_2262 = arith.muli %add3A_2260, %mul3A_2261 : i32
        %get3A = arith.constant 19 : i32
        %get3A_2263 = arith.index_cast %get3A : i32 to index
        %get3A_2264 = arith.index_cast %mul3A_2262 : i32 to index
        %get3A_2265 = tpu.vector_load %arg6[%get3A_2263, %get3A_2264] {strides = array<i32>} : memref<20x128xi32, #tpu.memory_space<vmem>>, vector<1x16xi32>,
        %get3A_2266 = vector.shape_cast %get3A_2265 : vector<1x16xi32> to vector<16xi32>
        %add3A_2267 = arith.addi %get3A_2266, %get3A_2266 : vector<16xi32>
        %add3A_2268 = arith.addi %add3A_2267, %add3A_38 : vector<16xi32>
        %mul3A_2269 = arith.constant 16 : i32
        %mul3A_2270 = arith.muli %add3A_2260, %mul3A_2269 : i32
        %swap3A = arith.constant 19 : i32
        %swap3A_2271 = arith.index_cast %swap3A : i32 to index
        %swap3A_2272 = arith.index_cast %mul3A_2270 : i32 to index
        %swap3A_2273 = tpu.vector_load %arg6[%swap3A_2271, %swap3A_2272] {strides = array<i32>} : memref<20x128xi32, #tpu.memory_space<vmem>>, vector<1x16xi32>,
        %swap3A_2274 = vector.shape_cast %swap3A_2273 : vector<1x16xi32> to vector<16xi32>
        %swap3A_2275 = vector.shape_cast %add3A_2268 : vector<16xi32> to vector<1x16xi32>
        tpu.vector_store %arg6[%swap3A_2271, %swap3A_2272], %swap3A_2275 {strides = array<i32>} : memref<20x128xi32, #tpu.memory_space<vmem>>, vector<1x16xi32>,
      }
      %scan3A_786 = arith.constant 8 : i32
      %dma_wait3A_787 = arith.constant 0 : i32
      %dma_wait3A_788 = arith.constant 8 : i32
      %dma_wait3A_789 = arith.constant 0 : i32
      %dma_wait3A_790 = arith.constant 0 : i32
      %dma_wait3A_791 = tpu.memref_slice %arg10[%dma_wait3A_787, %dma_wait3A_789, %dma_wait3A_790] : memref<2x512x16xf32, #tpu.memory_space<vmem>> -> memref<1x128x16xf32, #tpu.memory_space<vmem>>
      %dma_wait3A_792 = tpu.memref_squeeze %dma_wait3A_791 : memref<1x128x16xf32, #tpu.memory_space<vmem>> -> memref<128x16xf32, #tpu.memory_space<vmem>>
      %dma_wait3A_793 = arith.constant 0 : i32
      %dma_wait3A_794 = tpu.memref_slice %arg7[%dma_wait3A_788, %dma_wait3A_793] : memref<20x128xi32, #tpu.memory_space<vmem>> -> memref<1x128xi32, #tpu.memory_space<vmem>>
      %dma_wait3A_795 = tpu.memref_squeeze %dma_wait3A_794 : memref<1x128xi32, #tpu.memory_space<vmem>> -> memref<128xi32, #tpu.memory_space<vmem>>
      %dma_wait3A_796 = arith.constant 0 : i32
      %dma_wait3A_797 = arith.constant 0 : i32
      %dma_wait3A_798 = tpu.memref_slice %arg5[%dma_wait3A_796, %dma_wait3A_797] : memref<100352x16xf32, #tpu.memory_space<vmem_shared>> -> memref<100352x16xf32, #tpu.memory_space<vmem_shared>>
      tpu.wait_indirect_dma semaphore(%arg15 : memref<!tpu.dma_semaphore, #tpu.memory_space<semaphore_mem>>) src(%dma_wait3A_792 : memref<128x16xf32, #tpu.memory_space<vmem>>) dst(%dma_wait3A_798 : memref<100352x16xf32, #tpu.memory_space<vmem_shared>>)
      %dma_wait3A_799 = arith.constant 0 : i32
      %dma_wait3A_800 = arith.constant 9 : i32
      %dma_wait3A_801 = arith.constant 128 : i32
      %dma_wait3A_802 = arith.constant 0 : i32
      %dma_wait3A_803 = tpu.memref_slice %arg10[%dma_wait3A_799, %dma_wait3A_801, %dma_wait3A_802] : memref<2x512x16xf32, #tpu.memory_space<vmem>> -> memref<1x128x16xf32, #tpu.memory_space<vmem>>
      %dma_wait3A_804 = tpu.memref_squeeze %dma_wait3A_803 : memref<1x128x16xf32, #tpu.memory_space<vmem>> -> memref<128x16xf32, #tpu.memory_space<vmem>>
      %dma_wait3A_805 = arith.constant 0 : i32
      %dma_wait3A_806 = tpu.memref_slice %arg7[%dma_wait3A_800, %dma_wait3A_805] : memref<20x128xi32, #tpu.memory_space<vmem>> -> memref<1x128xi32, #tpu.memory_space<vmem>>
      %dma_wait3A_807 = tpu.memref_squeeze %dma_wait3A_806 : memref<1x128xi32, #tpu.memory_space<vmem>> -> memref<128xi32, #tpu.memory_space<vmem>>
      %dma_wait3A_808 = arith.constant 0 : i32
      %dma_wait3A_809 = arith.constant 0 : i32
      %dma_wait3A_810 = tpu.memref_slice %arg5[%dma_wait3A_808, %dma_wait3A_809] : memref<100352x16xf32, #tpu.memory_space<vmem_shared>> -> memref<100352x16xf32, #tpu.memory_space<vmem_shared>>
      tpu.wait_indirect_dma semaphore(%arg15 : memref<!tpu.dma_semaphore, #tpu.memory_space<semaphore_mem>>) src(%dma_wait3A_804 : memref<128x16xf32, #tpu.memory_space<vmem>>) dst(%dma_wait3A_810 : memref<100352x16xf32, #tpu.memory_space<vmem_shared>>)
      %dma_wait3A_811 = arith.constant 0 : i32
      %dma_wait3A_812 = arith.constant 10 : i32
      %dma_wait3A_813 = arith.constant 256 : i32
      %dma_wait3A_814 = arith.constant 0 : i32
      %dma_wait3A_815 = tpu.memref_slice %arg10[%dma_wait3A_811, %dma_wait3A_813, %dma_wait3A_814] : memref<2x512x16xf32, #tpu.memory_space<vmem>> -> memref<1x128x16xf32, #tpu.memory_space<vmem>>
      %dma_wait3A_816 = tpu.memref_squeeze %dma_wait3A_815 : memref<1x128x16xf32, #tpu.memory_space<vmem>> -> memref<128x16xf32, #tpu.memory_space<vmem>>
      %dma_wait3A_817 = arith.constant 0 : i32
      %dma_wait3A_818 = tpu.memref_slice %arg7[%dma_wait3A_812, %dma_wait3A_817] : memref<20x128xi32, #tpu.memory_space<vmem>> -> memref<1x128xi32, #tpu.memory_space<vmem>>
      %dma_wait3A_819 = tpu.memref_squeeze %dma_wait3A_818 : memref<1x128xi32, #tpu.memory_space<vmem>> -> memref<128xi32, #tpu.memory_space<vmem>>
      %dma_wait3A_820 = arith.constant 0 : i32
      %dma_wait3A_821 = arith.constant 0 : i32
      %dma_wait3A_822 = tpu.memref_slice %arg5[%dma_wait3A_820, %dma_wait3A_821] : memref<100352x16xf32, #tpu.memory_space<vmem_shared>> -> memref<100352x16xf32, #tpu.memory_space<vmem_shared>>
      tpu.wait_indirect_dma semaphore(%arg15 : memref<!tpu.dma_semaphore, #tpu.memory_space<semaphore_mem>>) src(%dma_wait3A_816 : memref<128x16xf32, #tpu.memory_space<vmem>>) dst(%dma_wait3A_822 : memref<100352x16xf32, #tpu.memory_space<vmem_shared>>)
      %dma_wait3A_823 = arith.constant 0 : i32
      %dma_wait3A_824 = arith.constant 11 : i32
      %dma_wait3A_825 = arith.constant 384 : i32
      %dma_wait3A_826 = arith.constant 0 : i32
      %dma_wait3A_827 = tpu.memref_slice %arg10[%dma_wait3A_823, %dma_wait3A_825, %dma_wait3A_826] : memref<2x512x16xf32, #tpu.memory_space<vmem>> -> memref<1x128x16xf32, #tpu.memory_space<vmem>>
      %dma_wait3A_828 = tpu.memref_squeeze %dma_wait3A_827 : memref<1x128x16xf32, #tpu.memory_space<vmem>> -> memref<128x16xf32, #tpu.memory_space<vmem>>
      %dma_wait3A_829 = arith.constant 0 : i32
      %dma_wait3A_830 = tpu.memref_slice %arg7[%dma_wait3A_824, %dma_wait3A_829] : memref<20x128xi32, #tpu.memory_space<vmem>> -> memref<1x128xi32, #tpu.memory_space<vmem>>
      %dma_wait3A_831 = tpu.memref_squeeze %dma_wait3A_830 : memref<1x128xi32, #tpu.memory_space<vmem>> -> memref<128xi32, #tpu.memory_space<vmem>>
      %dma_wait3A_832 = arith.constant 0 : i32
      %dma_wait3A_833 = arith.constant 0 : i32
      %dma_wait3A_834 = tpu.memref_slice %arg5[%dma_wait3A_832, %dma_wait3A_833] : memref<100352x16xf32, #tpu.memory_space<vmem_shared>> -> memref<100352x16xf32, #tpu.memory_space<vmem_shared>>
      tpu.wait_indirect_dma semaphore(%arg15 : memref<!tpu.dma_semaphore, #tpu.memory_space<semaphore_mem>>) src(%dma_wait3A_828 : memref<128x16xf32, #tpu.memory_space<vmem>>) dst(%dma_wait3A_834 : memref<100352x16xf32, #tpu.memory_space<vmem_shared>>)
      %dma_start3A_835 = arith.constant 16 : i32
      %dma_start3A_836 = arith.constant 0 : i32
      %dma_start3A_837 = arith.constant 0 : i32
      %dma_start3A_838 = arith.constant 0 : i32
      %dma_start3A_839 = tpu.memref_slice %arg10[%dma_start3A_836, %dma_start3A_837, %dma_start3A_838] : memref<2x512x16xf32, #tpu.memory_space<vmem>> -> memref<1x128x16xf32, #tpu.memory_space<vmem>>
      %dma_start3A_840 = tpu.memref_squeeze %dma_start3A_839 : memref<1x128x16xf32, #tpu.memory_space<vmem>> -> memref<128x16xf32, #tpu.memory_space<vmem>>
      %dma_start3A_841 = arith.constant 0 : i32
      %dma_start3A_842 = tpu.memref_slice %arg6[%dma_start3A_835, %dma_start3A_841] : memref<20x128xi32, #tpu.memory_space<vmem>> -> memref<1x128xi32, #tpu.memory_space<vmem>>
      %dma_start3A_843 = tpu.memref_squeeze %dma_start3A_842 : memref<1x128xi32, #tpu.memory_space<vmem>> -> memref<128xi32, #tpu.memory_space<vmem>>
      %dma_start3A_844 = arith.constant 0 : i32
      %dma_start3A_845 = arith.constant 0 : i32
      %dma_start3A_846 = tpu.memref_slice %arg2[%dma_start3A_844, %dma_start3A_845] : memref<200002x16xf32, #tpu.memory_space<hbm>> -> memref<200002x16xf32, #tpu.memory_space<hbm>>
      tpu.enqueue_indirect_dma source(%dma_start3A_846 : memref<200002x16xf32, #tpu.memory_space<hbm>>) target(%dma_start3A_840 : memref<128x16xf32, #tpu.memory_space<vmem>>) offsets(%dma_start3A_843 : memref<128xi32, #tpu.memory_space<vmem>>) semaphore(%arg11 : memref<!tpu.dma_semaphore, #tpu.memory_space<semaphore_mem>>)
      %dma_start3A_847 = arith.constant 17 : i32
      %dma_start3A_848 = arith.constant 0 : i32
      %dma_start3A_849 = arith.constant 128 : i32
      %dma_start3A_850 = arith.constant 0 : i32
      %dma_start3A_851 = tpu.memref_slice %arg10[%dma_start3A_848, %dma_start3A_849, %dma_start3A_850] : memref<2x512x16xf32, #tpu.memory_space<vmem>> -> memref<1x128x16xf32, #tpu.memory_space<vmem>>
      %dma_start3A_852 = tpu.memref_squeeze %dma_start3A_851 : memref<1x128x16xf32, #tpu.memory_space<vmem>> -> memref<128x16xf32, #tpu.memory_space<vmem>>
      %dma_start3A_853 = arith.constant 0 : i32
      %dma_start3A_854 = tpu.memref_slice %arg6[%dma_start3A_847, %dma_start3A_853] : memref<20x128xi32, #tpu.memory_space<vmem>> -> memref<1x128xi32, #tpu.memory_space<vmem>>
      %dma_start3A_855 = tpu.memref_squeeze %dma_start3A_854 : memref<1x128xi32, #tpu.memory_space<vmem>> -> memref<128xi32, #tpu.memory_space<vmem>>
      %dma_start3A_856 = arith.constant 0 : i32
      %dma_start3A_857 = arith.constant 0 : i32
      %dma_start3A_858 = tpu.memref_slice %arg2[%dma_start3A_856, %dma_start3A_857] : memref<200002x16xf32, #tpu.memory_space<hbm>> -> memref<200002x16xf32, #tpu.memory_space<hbm>>
      tpu.enqueue_indirect_dma source(%dma_start3A_858 : memref<200002x16xf32, #tpu.memory_space<hbm>>) target(%dma_start3A_852 : memref<128x16xf32, #tpu.memory_space<vmem>>) offsets(%dma_start3A_855 : memref<128xi32, #tpu.memory_space<vmem>>) semaphore(%arg11 : memref<!tpu.dma_semaphore, #tpu.memory_space<semaphore_mem>>)
      %dma_start3A_859 = arith.constant 18 : i32
      %dma_start3A_860 = arith.constant 0 : i32
      %dma_start3A_861 = arith.constant 256 : i32
      %dma_start3A_862 = arith.constant 0 : i32
      %dma_start3A_863 = tpu.memref_slice %arg10[%dma_start3A_860, %dma_start3A_861, %dma_start3A_862] : memref<2x512x16xf32, #tpu.memory_space<vmem>> -> memref<1x128x16xf32, #tpu.memory_space<vmem>>
      %dma_start3A_864 = tpu.memref_squeeze %dma_start3A_863 : memref<1x128x16xf32, #tpu.memory_space<vmem>> -> memref<128x16xf32, #tpu.memory_space<vmem>>
      %dma_start3A_865 = arith.constant 0 : i32
      %dma_start3A_866 = tpu.memref_slice %arg6[%dma_start3A_859, %dma_start3A_865] : memref<20x128xi32, #tpu.memory_space<vmem>> -> memref<1x128xi32, #tpu.memory_space<vmem>>
      %dma_start3A_867 = tpu.memref_squeeze %dma_start3A_866 : memref<1x128xi32, #tpu.memory_space<vmem>> -> memref<128xi32, #tpu.memory_space<vmem>>
      %dma_start3A_868 = arith.constant 0 : i32
      %dma_start3A_869 = arith.constant 0 : i32
      %dma_start3A_870 = tpu.memref_slice %arg2[%dma_start3A_868, %dma_start3A_869] : memref<200002x16xf32, #tpu.memory_space<hbm>> -> memref<200002x16xf32, #tpu.memory_space<hbm>>
      tpu.enqueue_indirect_dma source(%dma_start3A_870 : memref<200002x16xf32, #tpu.memory_space<hbm>>) target(%dma_start3A_864 : memref<128x16xf32, #tpu.memory_space<vmem>>) offsets(%dma_start3A_867 : memref<128xi32, #tpu.memory_space<vmem>>) semaphore(%arg11 : memref<!tpu.dma_semaphore, #tpu.memory_space<semaphore_mem>>)
      %dma_start3A_871 = arith.constant 19 : i32
      %dma_start3A_872 = arith.constant 0 : i32
      %dma_start3A_873 = arith.constant 384 : i32
      %dma_start3A_874 = arith.constant 0 : i32
      %dma_start3A_875 = tpu.memref_slice %arg10[%dma_start3A_872, %dma_start3A_873, %dma_start3A_874] : memref<2x512x16xf32, #tpu.memory_space<vmem>> -> memref<1x128x16xf32, #tpu.memory_space<vmem>>
      %dma_start3A_876 = tpu.memref_squeeze %dma_start3A_875 : memref<1x128x16xf32, #tpu.memory_space<vmem>> -> memref<128x16xf32, #tpu.memory_space<vmem>>
      %dma_start3A_877 = arith.constant 0 : i32
      %dma_start3A_878 = tpu.memref_slice %arg6[%dma_start3A_871, %dma_start3A_877] : memref<20x128xi32, #tpu.memory_space<vmem>> -> memref<1x128xi32, #tpu.memory_space<vmem>>
      %dma_start3A_879 = tpu.memref_squeeze %dma_start3A_878 : memref<1x128xi32, #tpu.memory_space<vmem>> -> memref<128xi32, #tpu.memory_space<vmem>>
      %dma_start3A_880 = arith.constant 0 : i32
      %dma_start3A_881 = arith.constant 0 : i32
      %dma_start3A_882 = tpu.memref_slice %arg2[%dma_start3A_880, %dma_start3A_881] : memref<200002x16xf32, #tpu.memory_space<hbm>> -> memref<200002x16xf32, #tpu.memory_space<hbm>>
      tpu.enqueue_indirect_dma source(%dma_start3A_882 : memref<200002x16xf32, #tpu.memory_space<hbm>>) target(%dma_start3A_876 : memref<128x16xf32, #tpu.memory_space<vmem>>) offsets(%dma_start3A_879 : memref<128xi32, #tpu.memory_space<vmem>>) semaphore(%arg11 : memref<!tpu.dma_semaphore, #tpu.memory_space<semaphore_mem>>)
      %dma_wait3A_883 = arith.constant 12 : i32
      %dma_wait3A_884 = arith.constant 1 : i32
      %dma_wait3A_885 = arith.constant 0 : i32
      %dma_wait3A_886 = arith.constant 0 : i32
      %dma_wait3A_887 = tpu.memref_slice %arg10[%dma_wait3A_884, %dma_wait3A_885, %dma_wait3A_886] : memref<2x512x16xf32, #tpu.memory_space<vmem>> -> memref<1x128x16xf32, #tpu.memory_space<vmem>>
      %dma_wait3A_888 = tpu.memref_squeeze %dma_wait3A_887 : memref<1x128x16xf32, #tpu.memory_space<vmem>> -> memref<128x16xf32, #tpu.memory_space<vmem>>
      %dma_wait3A_889 = arith.constant 0 : i32
      %dma_wait3A_890 = tpu.memref_slice %arg6[%dma_wait3A_883, %dma_wait3A_889] : memref<20x128xi32, #tpu.memory_space<vmem>> -> memref<1x128xi32, #tpu.memory_space<vmem>>
      %dma_wait3A_891 = tpu.memref_squeeze %dma_wait3A_890 : memref<1x128xi32, #tpu.memory_space<vmem>> -> memref<128xi32, #tpu.memory_space<vmem>>
      %dma_wait3A_892 = arith.constant 0 : i32
      %dma_wait3A_893 = arith.constant 0 : i32
      %dma_wait3A_894 = tpu.memref_slice %arg2[%dma_wait3A_892, %dma_wait3A_893] : memref<200002x16xf32, #tpu.memory_space<hbm>> -> memref<200002x16xf32, #tpu.memory_space<hbm>>
      tpu.wait_indirect_dma semaphore(%arg12 : memref<!tpu.dma_semaphore, #tpu.memory_space<semaphore_mem>>) src(%dma_wait3A_894 : memref<200002x16xf32, #tpu.memory_space<hbm>>) dst(%dma_wait3A_888 : memref<128x16xf32, #tpu.memory_space<vmem>>)
      %dma_wait3A_895 = arith.constant 13 : i32
      %dma_wait3A_896 = arith.constant 1 : i32
      %dma_wait3A_897 = arith.constant 128 : i32
      %dma_wait3A_898 = arith.constant 0 : i32
      %dma_wait3A_899 = tpu.memref_slice %arg10[%dma_wait3A_896, %dma_wait3A_897, %dma_wait3A_898] : memref<2x512x16xf32, #tpu.memory_space<vmem>> -> memref<1x128x16xf32, #tpu.memory_space<vmem>>
      %dma_wait3A_900 = tpu.memref_squeeze %dma_wait3A_899 : memref<1x128x16xf32, #tpu.memory_space<vmem>> -> memref<128x16xf32, #tpu.memory_space<vmem>>
      %dma_wait3A_901 = arith.constant 0 : i32
      %dma_wait3A_902 = tpu.memref_slice %arg6[%dma_wait3A_895, %dma_wait3A_901] : memref<20x128xi32, #tpu.memory_space<vmem>> -> memref<1x128xi32, #tpu.memory_space<vmem>>
      %dma_wait3A_903 = tpu.memref_squeeze %dma_wait3A_902 : memref<1x128xi32, #tpu.memory_space<vmem>> -> memref<128xi32, #tpu.memory_space<vmem>>
      %dma_wait3A_904 = arith.constant 0 : i32
      %dma_wait3A_905 = arith.constant 0 : i32
      %dma_wait3A_906 = tpu.memref_slice %arg2[%dma_wait3A_904, %dma_wait3A_905] : memref<200002x16xf32, #tpu.memory_space<hbm>> -> memref<200002x16xf32, #tpu.memory_space<hbm>>
      tpu.wait_indirect_dma semaphore(%arg12 : memref<!tpu.dma_semaphore, #tpu.memory_space<semaphore_mem>>) src(%dma_wait3A_906 : memref<200002x16xf32, #tpu.memory_space<hbm>>) dst(%dma_wait3A_900 : memref<128x16xf32, #tpu.memory_space<vmem>>)
      %dma_wait3A_907 = arith.constant 14 : i32
      %dma_wait3A_908 = arith.constant 1 : i32
      %dma_wait3A_909 = arith.constant 256 : i32
      %dma_wait3A_910 = arith.constant 0 : i32
      %dma_wait3A_911 = tpu.memref_slice %arg10[%dma_wait3A_908, %dma_wait3A_909, %dma_wait3A_910] : memref<2x512x16xf32, #tpu.memory_space<vmem>> -> memref<1x128x16xf32, #tpu.memory_space<vmem>>
      %dma_wait3A_912 = tpu.memref_squeeze %dma_wait3A_911 : memref<1x128x16xf32, #tpu.memory_space<vmem>> -> memref<128x16xf32, #tpu.memory_space<vmem>>
      %dma_wait3A_913 = arith.constant 0 : i32
      %dma_wait3A_914 = tpu.memref_slice %arg6[%dma_wait3A_907, %dma_wait3A_913] : memref<20x128xi32, #tpu.memory_space<vmem>> -> memref<1x128xi32, #tpu.memory_space<vmem>>
      %dma_wait3A_915 = tpu.memref_squeeze %dma_wait3A_914 : memref<1x128xi32, #tpu.memory_space<vmem>> -> memref<128xi32, #tpu.memory_space<vmem>>
      %dma_wait3A_916 = arith.constant 0 : i32
      %dma_wait3A_917 = arith.constant 0 : i32
      %dma_wait3A_918 = tpu.memref_slice %arg2[%dma_wait3A_916, %dma_wait3A_917] : memref<200002x16xf32, #tpu.memory_space<hbm>> -> memref<200002x16xf32, #tpu.memory_space<hbm>>
      tpu.wait_indirect_dma semaphore(%arg12 : memref<!tpu.dma_semaphore, #tpu.memory_space<semaphore_mem>>) src(%dma_wait3A_918 : memref<200002x16xf32, #tpu.memory_space<hbm>>) dst(%dma_wait3A_912 : memref<128x16xf32, #tpu.memory_space<vmem>>)
      %dma_wait3A_919 = arith.constant 15 : i32
      %dma_wait3A_920 = arith.constant 1 : i32
      %dma_wait3A_921 = arith.constant 384 : i32
      %dma_wait3A_922 = arith.constant 0 : i32
      %dma_wait3A_923 = tpu.memref_slice %arg10[%dma_wait3A_920, %dma_wait3A_921, %dma_wait3A_922] : memref<2x512x16xf32, #tpu.memory_space<vmem>> -> memref<1x128x16xf32, #tpu.memory_space<vmem>>
      %dma_wait3A_924 = tpu.memref_squeeze %dma_wait3A_923 : memref<1x128x16xf32, #tpu.memory_space<vmem>> -> memref<128x16xf32, #tpu.memory_space<vmem>>
      %dma_wait3A_925 = arith.constant 0 : i32
      %dma_wait3A_926 = tpu.memref_slice %arg6[%dma_wait3A_919, %dma_wait3A_925] : memref<20x128xi32, #tpu.memory_space<vmem>> -> memref<1x128xi32, #tpu.memory_space<vmem>>
      %dma_wait3A_927 = tpu.memref_squeeze %dma_wait3A_926 : memref<1x128xi32, #tpu.memory_space<vmem>> -> memref<128xi32, #tpu.memory_space<vmem>>
      %dma_wait3A_928 = arith.constant 0 : i32
      %dma_wait3A_929 = arith.constant 0 : i32
      %dma_wait3A_930 = tpu.memref_slice %arg2[%dma_wait3A_928, %dma_wait3A_929] : memref<200002x16xf32, #tpu.memory_space<hbm>> -> memref<200002x16xf32, #tpu.memory_space<hbm>>
      tpu.wait_indirect_dma semaphore(%arg12 : memref<!tpu.dma_semaphore, #tpu.memory_space<semaphore_mem>>) src(%dma_wait3A_930 : memref<200002x16xf32, #tpu.memory_space<hbm>>) dst(%dma_wait3A_924 : memref<128x16xf32, #tpu.memory_space<vmem>>)
      %dma_start3A_931 = arith.constant 1 : i32
      %dma_start3A_932 = arith.constant 12 : i32
      %dma_start3A_933 = arith.constant 0 : i32
      %dma_start3A_934 = arith.constant 0 : i32
      %dma_start3A_935 = tpu.memref_slice %arg10[%dma_start3A_931, %dma_start3A_933, %dma_start3A_934] : memref<2x512x16xf32, #tpu.memory_space<vmem>> -> memref<1x128x16xf32, #tpu.memory_space<vmem>>
      %dma_start3A_936 = tpu.memref_squeeze %dma_start3A_935 : memref<1x128x16xf32, #tpu.memory_space<vmem>> -> memref<128x16xf32, #tpu.memory_space<vmem>>
      %dma_start3A_937 = arith.constant 0 : i32
      %dma_start3A_938 = tpu.memref_slice %arg7[%dma_start3A_932, %dma_start3A_937] : memref<20x128xi32, #tpu.memory_space<vmem>> -> memref<1x128xi32, #tpu.memory_space<vmem>>
      %dma_start3A_939 = tpu.memref_squeeze %dma_start3A_938 : memref<1x128xi32, #tpu.memory_space<vmem>> -> memref<128xi32, #tpu.memory_space<vmem>>
      %dma_start3A_940 = arith.constant 0 : i32
      %dma_start3A_941 = arith.constant 0 : i32
      %dma_start3A_942 = tpu.memref_slice %arg5[%dma_start3A_940, %dma_start3A_941] : memref<100352x16xf32, #tpu.memory_space<vmem_shared>> -> memref<100352x16xf32, #tpu.memory_space<vmem_shared>>
      tpu.enqueue_indirect_dma source(%dma_start3A_936 : memref<128x16xf32, #tpu.memory_space<vmem>>) target(%dma_start3A_942 : memref<100352x16xf32, #tpu.memory_space<vmem_shared>>) offsets(%dma_start3A_939 : memref<128xi32, #tpu.memory_space<vmem>>) semaphore(%arg16 : memref<!tpu.dma_semaphore, #tpu.memory_space<semaphore_mem>>) {add = true}
      %dma_start3A_943 = arith.constant 1 : i32
      %dma_start3A_944 = arith.constant 13 : i32
      %dma_start3A_945 = arith.constant 128 : i32
      %dma_start3A_946 = arith.constant 0 : i32
      %dma_start3A_947 = tpu.memref_slice %arg10[%dma_start3A_943, %dma_start3A_945, %dma_start3A_946] : memref<2x512x16xf32, #tpu.memory_space<vmem>> -> memref<1x128x16xf32, #tpu.memory_space<vmem>>
      %dma_start3A_948 = tpu.memref_squeeze %dma_start3A_947 : memref<1x128x16xf32, #tpu.memory_space<vmem>> -> memref<128x16xf32, #tpu.memory_space<vmem>>
      %dma_start3A_949 = arith.constant 0 : i32
      %dma_start3A_950 = tpu.memref_slice %arg7[%dma_start3A_944, %dma_start3A_949] : memref<20x128xi32, #tpu.memory_space<vmem>> -> memref<1x128xi32, #tpu.memory_space<vmem>>
      %dma_start3A_951 = tpu.memref_squeeze %dma_start3A_950 : memref<1x128xi32, #tpu.memory_space<vmem>> -> memref<128xi32, #tpu.memory_space<vmem>>
      %dma_start3A_952 = arith.constant 0 : i32
      %dma_start3A_953 = arith.constant 0 : i32
      %dma_start3A_954 = tpu.memref_slice %arg5[%dma_start3A_952, %dma_start3A_953] : memref<100352x16xf32, #tpu.memory_space<vmem_shared>> -> memref<100352x16xf32, #tpu.memory_space<vmem_shared>>
      tpu.enqueue_indirect_dma source(%dma_start3A_948 : memref<128x16xf32, #tpu.memory_space<vmem>>) target(%dma_start3A_954 : memref<100352x16xf32, #tpu.memory_space<vmem_shared>>) offsets(%dma_start3A_951 : memref<128xi32, #tpu.memory_space<vmem>>) semaphore(%arg16 : memref<!tpu.dma_semaphore, #tpu.memory_space<semaphore_mem>>) {add = true}
      %dma_start3A_955 = arith.constant 1 : i32
      %dma_start3A_956 = arith.constant 14 : i32
      %dma_start3A_957 = arith.constant 256 : i32
      %dma_start3A_958 = arith.constant 0 : i32
      %dma_start3A_959 = tpu.memref_slice %arg10[%dma_start3A_955, %dma_start3A_957, %dma_start3A_958] : memref<2x512x16xf32, #tpu.memory_space<vmem>> -> memref<1x128x16xf32, #tpu.memory_space<vmem>>
      %dma_start3A_960 = tpu.memref_squeeze %dma_start3A_959 : memref<1x128x16xf32, #tpu.memory_space<vmem>> -> memref<128x16xf32, #tpu.memory_space<vmem>>
      %dma_start3A_961 = arith.constant 0 : i32
      %dma_start3A_962 = tpu.memref_slice %arg7[%dma_start3A_956, %dma_start3A_961] : memref<20x128xi32, #tpu.memory_space<vmem>> -> memref<1x128xi32, #tpu.memory_space<vmem>>
      %dma_start3A_963 = tpu.memref_squeeze %dma_start3A_962 : memref<1x128xi32, #tpu.memory_space<vmem>> -> memref<128xi32, #tpu.memory_space<vmem>>
      %dma_start3A_964 = arith.constant 0 : i32
      %dma_start3A_965 = arith.constant 0 : i32
      %dma_start3A_966 = tpu.memref_slice %arg5[%dma_start3A_964, %dma_start3A_965] : memref<100352x16xf32, #tpu.memory_space<vmem_shared>> -> memref<100352x16xf32, #tpu.memory_space<vmem_shared>>
      tpu.enqueue_indirect_dma source(%dma_start3A_960 : memref<128x16xf32, #tpu.memory_space<vmem>>) target(%dma_start3A_966 : memref<100352x16xf32, #tpu.memory_space<vmem_shared>>) offsets(%dma_start3A_963 : memref<128xi32, #tpu.memory_space<vmem>>) semaphore(%arg16 : memref<!tpu.dma_semaphore, #tpu.memory_space<semaphore_mem>>) {add = true}
      %dma_start3A_967 = arith.constant 1 : i32
      %dma_start3A_968 = arith.constant 15 : i32
      %dma_start3A_969 = arith.constant 384 : i32
      %dma_start3A_970 = arith.constant 0 : i32
      %dma_start3A_971 = tpu.memref_slice %arg10[%dma_start3A_967, %dma_start3A_969, %dma_start3A_970] : memref<2x512x16xf32, #tpu.memory_space<vmem>> -> memref<1x128x16xf32, #tpu.memory_space<vmem>>
      %dma_start3A_972 = tpu.memref_squeeze %dma_start3A_971 : memref<1x128x16xf32, #tpu.memory_space<vmem>> -> memref<128x16xf32, #tpu.memory_space<vmem>>
      %dma_start3A_973 = arith.constant 0 : i32
      %dma_start3A_974 = tpu.memref_slice %arg7[%dma_start3A_968, %dma_start3A_973] : memref<20x128xi32, #tpu.memory_space<vmem>> -> memref<1x128xi32, #tpu.memory_space<vmem>>
      %dma_start3A_975 = tpu.memref_squeeze %dma_start3A_974 : memref<1x128xi32, #tpu.memory_space<vmem>> -> memref<128xi32, #tpu.memory_space<vmem>>
      %dma_start3A_976 = arith.constant 0 : i32
      %dma_start3A_977 = arith.constant 0 : i32
      %dma_start3A_978 = tpu.memref_slice %arg5[%dma_start3A_976, %dma_start3A_977] : memref<100352x16xf32, #tpu.memory_space<vmem_shared>> -> memref<100352x16xf32, #tpu.memory_space<vmem_shared>>
      tpu.enqueue_indirect_dma source(%dma_start3A_972 : memref<128x16xf32, #tpu.memory_space<vmem>>) target(%dma_start3A_978 : memref<100352x16xf32, #tpu.memory_space<vmem_shared>>) offsets(%dma_start3A_975 : memref<128xi32, #tpu.memory_space<vmem>>) semaphore(%arg16 : memref<!tpu.dma_semaphore, #tpu.memory_space<semaphore_mem>>) {add = true}
      %dma_wait3A_979 = arith.constant 16 : i32
      %dma_wait3A_980 = arith.constant 0 : i32
      %dma_wait3A_981 = arith.constant 0 : i32
      %dma_wait3A_982 = arith.constant 0 : i32
      %dma_wait3A_983 = tpu.memref_slice %arg10[%dma_wait3A_980, %dma_wait3A_981, %dma_wait3A_982] : memref<2x512x16xf32, #tpu.memory_space<vmem>> -> memref<1x128x16xf32, #tpu.memory_space<vmem>>
      %dma_wait3A_984 = tpu.memref_squeeze %dma_wait3A_983 : memref<1x128x16xf32, #tpu.memory_space<vmem>> -> memref<128x16xf32, #tpu.memory_space<vmem>>
      %dma_wait3A_985 = arith.constant 0 : i32
      %dma_wait3A_986 = tpu.memref_slice %arg6[%dma_wait3A_979, %dma_wait3A_985] : memref<20x128xi32, #tpu.memory_space<vmem>> -> memref<1x128xi32, #tpu.memory_space<vmem>>
      %dma_wait3A_987 = tpu.memref_squeeze %dma_wait3A_986 : memref<1x128xi32, #tpu.memory_space<vmem>> -> memref<128xi32, #tpu.memory_space<vmem>>
      %dma_wait3A_988 = arith.constant 0 : i32
      %dma_wait3A_989 = arith.constant 0 : i32
      %dma_wait3A_990 = tpu.memref_slice %arg2[%dma_wait3A_988, %dma_wait3A_989] : memref<200002x16xf32, #tpu.memory_space<hbm>> -> memref<200002x16xf32, #tpu.memory_space<hbm>>
      tpu.wait_indirect_dma semaphore(%arg11 : memref<!tpu.dma_semaphore, #tpu.memory_space<semaphore_mem>>) src(%dma_wait3A_990 : memref<200002x16xf32, #tpu.memory_space<hbm>>) dst(%dma_wait3A_984 : memref<128x16xf32, #tpu.memory_space<vmem>>)
      %dma_wait3A_991 = arith.constant 17 : i32
      %dma_wait3A_992 = arith.constant 0 : i32
      %dma_wait3A_993 = arith.constant 128 : i32
      %dma_wait3A_994 = arith.constant 0 : i32
      %dma_wait3A_995 = tpu.memref_slice %arg10[%dma_wait3A_992, %dma_wait3A_993, %dma_wait3A_994] : memref<2x512x16xf32, #tpu.memory_space<vmem>> -> memref<1x128x16xf32, #tpu.memory_space<vmem>>
      %dma_wait3A_996 = tpu.memref_squeeze %dma_wait3A_995 : memref<1x128x16xf32, #tpu.memory_space<vmem>> -> memref<128x16xf32, #tpu.memory_space<vmem>>
      %dma_wait3A_997 = arith.constant 0 : i32
      %dma_wait3A_998 = tpu.memref_slice %arg6[%dma_wait3A_991, %dma_wait3A_997] : memref<20x128xi32, #tpu.memory_space<vmem>> -> memref<1x128xi32, #tpu.memory_space<vmem>>
      %dma_wait3A_999 = tpu.memref_squeeze %dma_wait3A_998 : memref<1x128xi32, #tpu.memory_space<vmem>> -> memref<128xi32, #tpu.memory_space<vmem>>
      %dma_wait3A_1000 = arith.constant 0 : i32
      %dma_wait3A_1001 = arith.constant 0 : i32
      %dma_wait3A_1002 = tpu.memref_slice %arg2[%dma_wait3A_1000, %dma_wait3A_1001] : memref<200002x16xf32, #tpu.memory_space<hbm>> -> memref<200002x16xf32, #tpu.memory_space<hbm>>
      tpu.wait_indirect_dma semaphore(%arg11 : memref<!tpu.dma_semaphore, #tpu.memory_space<semaphore_mem>>) src(%dma_wait3A_1002 : memref<200002x16xf32, #tpu.memory_space<hbm>>) dst(%dma_wait3A_996 : memref<128x16xf32, #tpu.memory_space<vmem>>)
      %dma_wait3A_1003 = arith.constant 18 : i32
      %dma_wait3A_1004 = arith.constant 0 : i32
      %dma_wait3A_1005 = arith.constant 256 : i32
      %dma_wait3A_1006 = arith.constant 0 : i32
      %dma_wait3A_1007 = tpu.memref_slice %arg10[%dma_wait3A_1004, %dma_wait3A_1005, %dma_wait3A_1006] : memref<2x512x16xf32, #tpu.memory_space<vmem>> -> memref<1x128x16xf32, #tpu.memory_space<vmem>>
      %dma_wait3A_1008 = tpu.memref_squeeze %dma_wait3A_1007 : memref<1x128x16xf32, #tpu.memory_space<vmem>> -> memref<128x16xf32, #tpu.memory_space<vmem>>
      %dma_wait3A_1009 = arith.constant 0 : i32
      %dma_wait3A_1010 = tpu.memref_slice %arg6[%dma_wait3A_1003, %dma_wait3A_1009] : memref<20x128xi32, #tpu.memory_space<vmem>> -> memref<1x128xi32, #tpu.memory_space<vmem>>
      %dma_wait3A_1011 = tpu.memref_squeeze %dma_wait3A_1010 : memref<1x128xi32, #tpu.memory_space<vmem>> -> memref<128xi32, #tpu.memory_space<vmem>>
      %dma_wait3A_1012 = arith.constant 0 : i32
      %dma_wait3A_1013 = arith.constant 0 : i32
      %dma_wait3A_1014 = tpu.memref_slice %arg2[%dma_wait3A_1012, %dma_wait3A_1013] : memref<200002x16xf32, #tpu.memory_space<hbm>> -> memref<200002x16xf32, #tpu.memory_space<hbm>>
      tpu.wait_indirect_dma semaphore(%arg11 : memref<!tpu.dma_semaphore, #tpu.memory_space<semaphore_mem>>) src(%dma_wait3A_1014 : memref<200002x16xf32, #tpu.memory_space<hbm>>) dst(%dma_wait3A_1008 : memref<128x16xf32, #tpu.memory_space<vmem>>)
      %dma_wait3A_1015 = arith.constant 19 : i32
      %dma_wait3A_1016 = arith.constant 0 : i32
      %dma_wait3A_1017 = arith.constant 384 : i32
      %dma_wait3A_1018 = arith.constant 0 : i32
      %dma_wait3A_1019 = tpu.memref_slice %arg10[%dma_wait3A_1016, %dma_wait3A_1017, %dma_wait3A_1018] : memref<2x512x16xf32, #tpu.memory_space<vmem>> -> memref<1x128x16xf32, #tpu.memory_space<vmem>>
      %dma_wait3A_1020 = tpu.memref_squeeze %dma_wait3A_1019 : memref<1x128x16xf32, #tpu.memory_space<vmem>> -> memref<128x16xf32, #tpu.memory_space<vmem>>
      %dma_wait3A_1021 = arith.constant 0 : i32
      %dma_wait3A_1022 = tpu.memref_slice %arg6[%dma_wait3A_1015, %dma_wait3A_1021] : memref<20x128xi32, #tpu.memory_space<vmem>> -> memref<1x128xi32, #tpu.memory_space<vmem>>
      %dma_wait3A_1023 = tpu.memref_squeeze %dma_wait3A_1022 : memref<1x128xi32, #tpu.memory_space<vmem>> -> memref<128xi32, #tpu.memory_space<vmem>>
      %dma_wait3A_1024 = arith.constant 0 : i32
      %dma_wait3A_1025 = arith.constant 0 : i32
      %dma_wait3A_1026 = tpu.memref_slice %arg2[%dma_wait3A_1024, %dma_wait3A_1025] : memref<200002x16xf32, #tpu.memory_space<hbm>> -> memref<200002x16xf32, #tpu.memory_space<hbm>>
      tpu.wait_indirect_dma semaphore(%arg11 : memref<!tpu.dma_semaphore, #tpu.memory_space<semaphore_mem>>) src(%dma_wait3A_1026 : memref<200002x16xf32, #tpu.memory_space<hbm>>) dst(%dma_wait3A_1020 : memref<128x16xf32, #tpu.memory_space<vmem>>)
      %dma_start3A_1027 = arith.constant 0 : i32
      %dma_start3A_1028 = arith.constant 16 : i32
      %dma_start3A_1029 = arith.constant 0 : i32
      %dma_start3A_1030 = arith.constant 0 : i32
      %dma_start3A_1031 = tpu.memref_slice %arg10[%dma_start3A_1027, %dma_start3A_1029, %dma_start3A_1030] : memref<2x512x16xf32, #tpu.memory_space<vmem>> -> memref<1x128x16xf32, #tpu.memory_space<vmem>>
      %dma_start3A_1032 = tpu.memref_squeeze %dma_start3A_1031 : memref<1x128x16xf32, #tpu.memory_space<vmem>> -> memref<128x16xf32, #tpu.memory_space<vmem>>
      %dma_start3A_1033 = arith.constant 0 : i32
      %dma_start3A_1034 = tpu.memref_slice %arg7[%dma_start3A_1028, %dma_start3A_1033] : memref<20x128xi32, #tpu.memory_space<vmem>> -> memref<1x128xi32, #tpu.memory_space<vmem>>
      %dma_start3A_1035 = tpu.memref_squeeze %dma_start3A_1034 : memref<1x128xi32, #tpu.memory_space<vmem>> -> memref<128xi32, #tpu.memory_space<vmem>>
      %dma_start3A_1036 = arith.constant 0 : i32
      %dma_start3A_1037 = arith.constant 0 : i32
      %dma_start3A_1038 = tpu.memref_slice %arg5[%dma_start3A_1036, %dma_start3A_1037] : memref<100352x16xf32, #tpu.memory_space<vmem_shared>> -> memref<100352x16xf32, #tpu.memory_space<vmem_shared>>
      tpu.enqueue_indirect_dma source(%dma_start3A_1032 : memref<128x16xf32, #tpu.memory_space<vmem>>) target(%dma_start3A_1038 : memref<100352x16xf32, #tpu.memory_space<vmem_shared>>) offsets(%dma_start3A_1035 : memref<128xi32, #tpu.memory_space<vmem>>) semaphore(%arg15 : memref<!tpu.dma_semaphore, #tpu.memory_space<semaphore_mem>>) {add = true}
      %dma_start3A_1039 = arith.constant 0 : i32
      %dma_start3A_1040 = arith.constant 17 : i32
      %dma_start3A_1041 = arith.constant 128 : i32
      %dma_start3A_1042 = arith.constant 0 : i32
      %dma_start3A_1043 = tpu.memref_slice %arg10[%dma_start3A_1039, %dma_start3A_1041, %dma_start3A_1042] : memref<2x512x16xf32, #tpu.memory_space<vmem>> -> memref<1x128x16xf32, #tpu.memory_space<vmem>>
      %dma_start3A_1044 = tpu.memref_squeeze %dma_start3A_1043 : memref<1x128x16xf32, #tpu.memory_space<vmem>> -> memref<128x16xf32, #tpu.memory_space<vmem>>
      %dma_start3A_1045 = arith.constant 0 : i32
      %dma_start3A_1046 = tpu.memref_slice %arg7[%dma_start3A_1040, %dma_start3A_1045] : memref<20x128xi32, #tpu.memory_space<vmem>> -> memref<1x128xi32, #tpu.memory_space<vmem>>
      %dma_start3A_1047 = tpu.memref_squeeze %dma_start3A_1046 : memref<1x128xi32, #tpu.memory_space<vmem>> -> memref<128xi32, #tpu.memory_space<vmem>>
      %dma_start3A_1048 = arith.constant 0 : i32
      %dma_start3A_1049 = arith.constant 0 : i32
      %dma_start3A_1050 = tpu.memref_slice %arg5[%dma_start3A_1048, %dma_start3A_1049] : memref<100352x16xf32, #tpu.memory_space<vmem_shared>> -> memref<100352x16xf32, #tpu.memory_space<vmem_shared>>
      tpu.enqueue_indirect_dma source(%dma_start3A_1044 : memref<128x16xf32, #tpu.memory_space<vmem>>) target(%dma_start3A_1050 : memref<100352x16xf32, #tpu.memory_space<vmem_shared>>) offsets(%dma_start3A_1047 : memref<128xi32, #tpu.memory_space<vmem>>) semaphore(%arg15 : memref<!tpu.dma_semaphore, #tpu.memory_space<semaphore_mem>>) {add = true}
      %dma_start3A_1051 = arith.constant 0 : i32
      %dma_start3A_1052 = arith.constant 18 : i32
      %dma_start3A_1053 = arith.constant 256 : i32
      %dma_start3A_1054 = arith.constant 0 : i32
      %dma_start3A_1055 = tpu.memref_slice %arg10[%dma_start3A_1051, %dma_start3A_1053, %dma_start3A_1054] : memref<2x512x16xf32, #tpu.memory_space<vmem>> -> memref<1x128x16xf32, #tpu.memory_space<vmem>>
      %dma_start3A_1056 = tpu.memref_squeeze %dma_start3A_1055 : memref<1x128x16xf32, #tpu.memory_space<vmem>> -> memref<128x16xf32, #tpu.memory_space<vmem>>
      %dma_start3A_1057 = arith.constant 0 : i32
      %dma_start3A_1058 = tpu.memref_slice %arg7[%dma_start3A_1052, %dma_start3A_1057] : memref<20x128xi32, #tpu.memory_space<vmem>> -> memref<1x128xi32, #tpu.memory_space<vmem>>
      %dma_start3A_1059 = tpu.memref_squeeze %dma_start3A_1058 : memref<1x128xi32, #tpu.memory_space<vmem>> -> memref<128xi32, #tpu.memory_space<vmem>>
      %dma_start3A_1060 = arith.constant 0 : i32
      %dma_start3A_1061 = arith.constant 0 : i32
      %dma_start3A_1062 = tpu.memref_slice %arg5[%dma_start3A_1060, %dma_start3A_1061] : memref<100352x16xf32, #tpu.memory_space<vmem_shared>> -> memref<100352x16xf32, #tpu.memory_space<vmem_shared>>
      tpu.enqueue_indirect_dma source(%dma_start3A_1056 : memref<128x16xf32, #tpu.memory_space<vmem>>) target(%dma_start3A_1062 : memref<100352x16xf32, #tpu.memory_space<vmem_shared>>) offsets(%dma_start3A_1059 : memref<128xi32, #tpu.memory_space<vmem>>) semaphore(%arg15 : memref<!tpu.dma_semaphore, #tpu.memory_space<semaphore_mem>>) {add = true}
      %dma_start3A_1063 = arith.constant 0 : i32
      %dma_start3A_1064 = arith.constant 19 : i32
      %dma_start3A_1065 = arith.constant 384 : i32
      %dma_start3A_1066 = arith.constant 0 : i32
      %dma_start3A_1067 = tpu.memref_slice %arg10[%dma_start3A_1063, %dma_start3A_1065, %dma_start3A_1066] : memref<2x512x16xf32, #tpu.memory_space<vmem>> -> memref<1x128x16xf32, #tpu.memory_space<vmem>>
      %dma_start3A_1068 = tpu.memref_squeeze %dma_start3A_1067 : memref<1x128x16xf32, #tpu.memory_space<vmem>> -> memref<128x16xf32, #tpu.memory_space<vmem>>
      %dma_start3A_1069 = arith.constant 0 : i32
      %dma_start3A_1070 = tpu.memref_slice %arg7[%dma_start3A_1064, %dma_start3A_1069] : memref<20x128xi32, #tpu.memory_space<vmem>> -> memref<1x128xi32, #tpu.memory_space<vmem>>
      %dma_start3A_1071 = tpu.memref_squeeze %dma_start3A_1070 : memref<1x128xi32, #tpu.memory_space<vmem>> -> memref<128xi32, #tpu.memory_space<vmem>>
      %dma_start3A_1072 = arith.constant 0 : i32
      %dma_start3A_1073 = arith.constant 0 : i32
      %dma_start3A_1074 = tpu.memref_slice %arg5[%dma_start3A_1072, %dma_start3A_1073] : memref<100352x16xf32, #tpu.memory_space<vmem_shared>> -> memref<100352x16xf32, #tpu.memory_space<vmem_shared>>
      tpu.enqueue_indirect_dma source(%dma_start3A_1068 : memref<128x16xf32, #tpu.memory_space<vmem>>) target(%dma_start3A_1074 : memref<100352x16xf32, #tpu.memory_space<vmem_shared>>) offsets(%dma_start3A_1071 : memref<128xi32, #tpu.memory_space<vmem>>) semaphore(%arg15 : memref<!tpu.dma_semaphore, #tpu.memory_space<semaphore_mem>>) {add = true}
      %dma_wait3A_1075 = arith.constant 1 : i32
      %dma_wait3A_1076 = arith.constant 12 : i32
      %dma_wait3A_1077 = arith.constant 0 : i32
      %dma_wait3A_1078 = arith.constant 0 : i32
      %dma_wait3A_1079 = tpu.memref_slice %arg10[%dma_wait3A_1075, %dma_wait3A_1077, %dma_wait3A_1078] : memref<2x512x16xf32, #tpu.memory_space<vmem>> -> memref<1x128x16xf32, #tpu.memory_space<vmem>>
      %dma_wait3A_1080 = tpu.memref_squeeze %dma_wait3A_1079 : memref<1x128x16xf32, #tpu.memory_space<vmem>> -> memref<128x16xf32, #tpu.memory_space<vmem>>
      %dma_wait3A_1081 = arith.constant 0 : i32
      %dma_wait3A_1082 = tpu.memref_slice %arg7[%dma_wait3A_1076, %dma_wait3A_1081] : memref<20x128xi32, #tpu.memory_space<vmem>> -> memref<1x128xi32, #tpu.memory_space<vmem>>
      %dma_wait3A_1083 = tpu.memref_squeeze %dma_wait3A_1082 : memref<1x128xi32, #tpu.memory_space<vmem>> -> memref<128xi32, #tpu.memory_space<vmem>>
      %dma_wait3A_1084 = arith.constant 0 : i32
      %dma_wait3A_1085 = arith.constant 0 : i32
      %dma_wait3A_1086 = tpu.memref_slice %arg5[%dma_wait3A_1084, %dma_wait3A_1085] : memref<100352x16xf32, #tpu.memory_space<vmem_shared>> -> memref<100352x16xf32, #tpu.memory_space<vmem_shared>>
      tpu.wait_indirect_dma semaphore(%arg16 : memref<!tpu.dma_semaphore, #tpu.memory_space<semaphore_mem>>) src(%dma_wait3A_1080 : memref<128x16xf32, #tpu.memory_space<vmem>>) dst(%dma_wait3A_1086 : memref<100352x16xf32, #tpu.memory_space<vmem_shared>>)
      %dma_wait3A_1087 = arith.constant 1 : i32
      %dma_wait3A_1088 = arith.constant 13 : i32
      %dma_wait3A_1089 = arith.constant 128 : i32
      %dma_wait3A_1090 = arith.constant 0 : i32
      %dma_wait3A_1091 = tpu.memref_slice %arg10[%dma_wait3A_1087, %dma_wait3A_1089, %dma_wait3A_1090] : memref<2x512x16xf32, #tpu.memory_space<vmem>> -> memref<1x128x16xf32, #tpu.memory_space<vmem>>
      %dma_wait3A_1092 = tpu.memref_squeeze %dma_wait3A_1091 : memref<1x128x16xf32, #tpu.memory_space<vmem>> -> memref<128x16xf32, #tpu.memory_space<vmem>>
      %dma_wait3A_1093 = arith.constant 0 : i32
      %dma_wait3A_1094 = tpu.memref_slice %arg7[%dma_wait3A_1088, %dma_wait3A_1093] : memref<20x128xi32, #tpu.memory_space<vmem>> -> memref<1x128xi32, #tpu.memory_space<vmem>>
      %dma_wait3A_1095 = tpu.memref_squeeze %dma_wait3A_1094 : memref<1x128xi32, #tpu.memory_space<vmem>> -> memref<128xi32, #tpu.memory_space<vmem>>
      %dma_wait3A_1096 = arith.constant 0 : i32
      %dma_wait3A_1097 = arith.constant 0 : i32
      %dma_wait3A_1098 = tpu.memref_slice %arg5[%dma_wait3A_1096, %dma_wait3A_1097] : memref<100352x16xf32, #tpu.memory_space<vmem_shared>> -> memref<100352x16xf32, #tpu.memory_space<vmem_shared>>
      tpu.wait_indirect_dma semaphore(%arg16 : memref<!tpu.dma_semaphore, #tpu.memory_space<semaphore_mem>>) src(%dma_wait3A_1092 : memref<128x16xf32, #tpu.memory_space<vmem>>) dst(%dma_wait3A_1098 : memref<100352x16xf32, #tpu.memory_space<vmem_shared>>)
      %dma_wait3A_1099 = arith.constant 1 : i32
      %dma_wait3A_1100 = arith.constant 14 : i32
      %dma_wait3A_1101 = arith.constant 256 : i32
      %dma_wait3A_1102 = arith.constant 0 : i32
      %dma_wait3A_1103 = tpu.memref_slice %arg10[%dma_wait3A_1099, %dma_wait3A_1101, %dma_wait3A_1102] : memref<2x512x16xf32, #tpu.memory_space<vmem>> -> memref<1x128x16xf32, #tpu.memory_space<vmem>>
      %dma_wait3A_1104 = tpu.memref_squeeze %dma_wait3A_1103 : memref<1x128x16xf32, #tpu.memory_space<vmem>> -> memref<128x16xf32, #tpu.memory_space<vmem>>
      %dma_wait3A_1105 = arith.constant 0 : i32
      %dma_wait3A_1106 = tpu.memref_slice %arg7[%dma_wait3A_1100, %dma_wait3A_1105] : memref<20x128xi32, #tpu.memory_space<vmem>> -> memref<1x128xi32, #tpu.memory_space<vmem>>
      %dma_wait3A_1107 = tpu.memref_squeeze %dma_wait3A_1106 : memref<1x128xi32, #tpu.memory_space<vmem>> -> memref<128xi32, #tpu.memory_space<vmem>>
      %dma_wait3A_1108 = arith.constant 0 : i32
      %dma_wait3A_1109 = arith.constant 0 : i32
      %dma_wait3A_1110 = tpu.memref_slice %arg5[%dma_wait3A_1108, %dma_wait3A_1109] : memref<100352x16xf32, #tpu.memory_space<vmem_shared>> -> memref<100352x16xf32, #tpu.memory_space<vmem_shared>>
      tpu.wait_indirect_dma semaphore(%arg16 : memref<!tpu.dma_semaphore, #tpu.memory_space<semaphore_mem>>) src(%dma_wait3A_1104 : memref<128x16xf32, #tpu.memory_space<vmem>>) dst(%dma_wait3A_1110 : memref<100352x16xf32, #tpu.memory_space<vmem_shared>>)
      %dma_wait3A_1111 = arith.constant 1 : i32
      %dma_wait3A_1112 = arith.constant 15 : i32
      %dma_wait3A_1113 = arith.constant 384 : i32
      %dma_wait3A_1114 = arith.constant 0 : i32
      %dma_wait3A_1115 = tpu.memref_slice %arg10[%dma_wait3A_1111, %dma_wait3A_1113, %dma_wait3A_1114] : memref<2x512x16xf32, #tpu.memory_space<vmem>> -> memref<1x128x16xf32, #tpu.memory_space<vmem>>
      %dma_wait3A_1116 = tpu.memref_squeeze %dma_wait3A_1115 : memref<1x128x16xf32, #tpu.memory_space<vmem>> -> memref<128x16xf32, #tpu.memory_space<vmem>>
      %dma_wait3A_1117 = arith.constant 0 : i32
      %dma_wait3A_1118 = tpu.memref_slice %arg7[%dma_wait3A_1112, %dma_wait3A_1117] : memref<20x128xi32, #tpu.memory_space<vmem>> -> memref<1x128xi32, #tpu.memory_space<vmem>>
      %dma_wait3A_1119 = tpu.memref_squeeze %dma_wait3A_1118 : memref<1x128xi32, #tpu.memory_space<vmem>> -> memref<128xi32, #tpu.memory_space<vmem>>
      %dma_wait3A_1120 = arith.constant 0 : i32
      %dma_wait3A_1121 = arith.constant 0 : i32
      %dma_wait3A_1122 = tpu.memref_slice %arg5[%dma_wait3A_1120, %dma_wait3A_1121] : memref<100352x16xf32, #tpu.memory_space<vmem_shared>> -> memref<100352x16xf32, #tpu.memory_space<vmem_shared>>
      tpu.wait_indirect_dma semaphore(%arg16 : memref<!tpu.dma_semaphore, #tpu.memory_space<semaphore_mem>>) src(%dma_wait3A_1116 : memref<128x16xf32, #tpu.memory_space<vmem>>) dst(%dma_wait3A_1122 : memref<100352x16xf32, #tpu.memory_space<vmem_shared>>)
      %dma_wait3A_1123 = arith.constant 0 : i32
      %dma_wait3A_1124 = arith.constant 16 : i32
      %dma_wait3A_1125 = arith.constant 0 : i32
      %dma_wait3A_1126 = arith.constant 0 : i32
      %dma_wait3A_1127 = tpu.memref_slice %arg10[%dma_wait3A_1123, %dma_wait3A_1125, %dma_wait3A_1126] : memref<2x512x16xf32, #tpu.memory_space<vmem>> -> memref<1x128x16xf32, #tpu.memory_space<vmem>>
      %dma_wait3A_1128 = tpu.memref_squeeze %dma_wait3A_1127 : memref<1x128x16xf32, #tpu.memory_space<vmem>> -> memref<128x16xf32, #tpu.memory_space<vmem>>
      %dma_wait3A_1129 = arith.constant 0 : i32
      %dma_wait3A_1130 = tpu.memref_slice %arg7[%dma_wait3A_1124, %dma_wait3A_1129] : memref<20x128xi32, #tpu.memory_space<vmem>> -> memref<1x128xi32, #tpu.memory_space<vmem>>
      %dma_wait3A_1131 = tpu.memref_squeeze %dma_wait3A_1130 : memref<1x128xi32, #tpu.memory_space<vmem>> -> memref<128xi32, #tpu.memory_space<vmem>>
      %dma_wait3A_1132 = arith.constant 0 : i32
      %dma_wait3A_1133 = arith.constant 0 : i32
      %dma_wait3A_1134 = tpu.memref_slice %arg5[%dma_wait3A_1132, %dma_wait3A_1133] : memref<100352x16xf32, #tpu.memory_space<vmem_shared>> -> memref<100352x16xf32, #tpu.memory_space<vmem_shared>>
      tpu.wait_indirect_dma semaphore(%arg15 : memref<!tpu.dma_semaphore, #tpu.memory_space<semaphore_mem>>) src(%dma_wait3A_1128 : memref<128x16xf32, #tpu.memory_space<vmem>>) dst(%dma_wait3A_1134 : memref<100352x16xf32, #tpu.memory_space<vmem_shared>>)
      %dma_wait3A_1135 = arith.constant 0 : i32
      %dma_wait3A_1136 = arith.constant 17 : i32
      %dma_wait3A_1137 = arith.constant 128 : i32
      %dma_wait3A_1138 = arith.constant 0 : i32
      %dma_wait3A_1139 = tpu.memref_slice %arg10[%dma_wait3A_1135, %dma_wait3A_1137, %dma_wait3A_1138] : memref<2x512x16xf32, #tpu.memory_space<vmem>> -> memref<1x128x16xf32, #tpu.memory_space<vmem>>
      %dma_wait3A_1140 = tpu.memref_squeeze %dma_wait3A_1139 : memref<1x128x16xf32, #tpu.memory_space<vmem>> -> memref<128x16xf32, #tpu.memory_space<vmem>>
      %dma_wait3A_1141 = arith.constant 0 : i32
      %dma_wait3A_1142 = tpu.memref_slice %arg7[%dma_wait3A_1136, %dma_wait3A_1141] : memref<20x128xi32, #tpu.memory_space<vmem>> -> memref<1x128xi32, #tpu.memory_space<vmem>>
      %dma_wait3A_1143 = tpu.memref_squeeze %dma_wait3A_1142 : memref<1x128xi32, #tpu.memory_space<vmem>> -> memref<128xi32, #tpu.memory_space<vmem>>
      %dma_wait3A_1144 = arith.constant 0 : i32
      %dma_wait3A_1145 = arith.constant 0 : i32
      %dma_wait3A_1146 = tpu.memref_slice %arg5[%dma_wait3A_1144, %dma_wait3A_1145] : memref<100352x16xf32, #tpu.memory_space<vmem_shared>> -> memref<100352x16xf32, #tpu.memory_space<vmem_shared>>
      tpu.wait_indirect_dma semaphore(%arg15 : memref<!tpu.dma_semaphore, #tpu.memory_space<semaphore_mem>>) src(%dma_wait3A_1140 : memref<128x16xf32, #tpu.memory_space<vmem>>) dst(%dma_wait3A_1146 : memref<100352x16xf32, #tpu.memory_space<vmem_shared>>)
      %dma_wait3A_1147 = arith.constant 0 : i32
      %dma_wait3A_1148 = arith.constant 18 : i32
      %dma_wait3A_1149 = arith.constant 256 : i32
      %dma_wait3A_1150 = arith.constant 0 : i32
      %dma_wait3A_1151 = tpu.memref_slice %arg10[%dma_wait3A_1147, %dma_wait3A_1149, %dma_wait3A_1150] : memref<2x512x16xf32, #tpu.memory_space<vmem>> -> memref<1x128x16xf32, #tpu.memory_space<vmem>>
      %dma_wait3A_1152 = tpu.memref_squeeze %dma_wait3A_1151 : memref<1x128x16xf32, #tpu.memory_space<vmem>> -> memref<128x16xf32, #tpu.memory_space<vmem>>
      %dma_wait3A_1153 = arith.constant 0 : i32
      %dma_wait3A_1154 = tpu.memref_slice %arg7[%dma_wait3A_1148, %dma_wait3A_1153] : memref<20x128xi32, #tpu.memory_space<vmem>> -> memref<1x128xi32, #tpu.memory_space<vmem>>
      %dma_wait3A_1155 = tpu.memref_squeeze %dma_wait3A_1154 : memref<1x128xi32, #tpu.memory_space<vmem>> -> memref<128xi32, #tpu.memory_space<vmem>>
      %dma_wait3A_1156 = arith.constant 0 : i32
      %dma_wait3A_1157 = arith.constant 0 : i32
      %dma_wait3A_1158 = tpu.memref_slice %arg5[%dma_wait3A_1156, %dma_wait3A_1157] : memref<100352x16xf32, #tpu.memory_space<vmem_shared>> -> memref<100352x16xf32, #tpu.memory_space<vmem_shared>>
      tpu.wait_indirect_dma semaphore(%arg15 : memref<!tpu.dma_semaphore, #tpu.memory_space<semaphore_mem>>) src(%dma_wait3A_1152 : memref<128x16xf32, #tpu.memory_space<vmem>>) dst(%dma_wait3A_1158 : memref<100352x16xf32, #tpu.memory_space<vmem_shared>>)
      %dma_wait3A_1159 = arith.constant 0 : i32
      %dma_wait3A_1160 = arith.constant 19 : i32
      %dma_wait3A_1161 = arith.constant 384 : i32
      %dma_wait3A_1162 = arith.constant 0 : i32
      %dma_wait3A_1163 = tpu.memref_slice %arg10[%dma_wait3A_1159, %dma_wait3A_1161, %dma_wait3A_1162] : memref<2x512x16xf32, #tpu.memory_space<vmem>> -> memref<1x128x16xf32, #tpu.memory_space<vmem>>
      %dma_wait3A_1164 = tpu.memref_squeeze %dma_wait3A_1163 : memref<1x128x16xf32, #tpu.memory_space<vmem>> -> memref<128x16xf32, #tpu.memory_space<vmem>>
      %dma_wait3A_1165 = arith.constant 0 : i32
      %dma_wait3A_1166 = tpu.memref_slice %arg7[%dma_wait3A_1160, %dma_wait3A_1165] : memref<20x128xi32, #tpu.memory_space<vmem>> -> memref<1x128xi32, #tpu.memory_space<vmem>>
      %dma_wait3A_1167 = tpu.memref_squeeze %dma_wait3A_1166 : memref<1x128xi32, #tpu.memory_space<vmem>> -> memref<128xi32, #tpu.memory_space<vmem>>
      %dma_wait3A_1168 = arith.constant 0 : i32
      %dma_wait3A_1169 = arith.constant 0 : i32
      %dma_wait3A_1170 = tpu.memref_slice %arg5[%dma_wait3A_1168, %dma_wait3A_1169] : memref<100352x16xf32, #tpu.memory_space<vmem_shared>> -> memref<100352x16xf32, #tpu.memory_space<vmem_shared>>
      tpu.wait_indirect_dma semaphore(%arg15 : memref<!tpu.dma_semaphore, #tpu.memory_space<semaphore_mem>>) src(%dma_wait3A_1164 : memref<128x16xf32, #tpu.memory_space<vmem>>) dst(%dma_wait3A_1170 : memref<100352x16xf32, #tpu.memory_space<vmem_shared>>)
      %add3A_1171 = arith.constant 1 : i32
      %add3A_1172 = arith.addi %mul3A_71, %add3A_1171 : i32
      %mul3A_1173 = arith.constant 800 : i32
      %mul3A_1174 = arith.muli %arg1, %mul3A_1173 : i32
      %mul3A_1175 = arith.constant 20 : i32
      %mul3A_1176 = arith.muli %add3A_1172, %mul3A_1175 : i32
      %add3A_1177 = arith.addi %mul3A_1174, %mul3A_1176 : i32
      %dma_wait3A_1178 = arith.constant 0 : i32
      %dma_wait3A_1179 = arith.constant 0 : i32
      %dma_wait3A_1180 = tpu.memref_slice %arg3[%dma_wait3A_1178, %add3A_1177, %dma_wait3A_1179] : memref<2x12800x128xi32, #tpu.memory_space<hbm>> -> memref<1x20x128xi32, #tpu.memory_space<hbm>>
      %dma_wait3A_1181 = tpu.memref_squeeze %dma_wait3A_1180 : memref<1x20x128xi32, #tpu.memory_space<hbm>> -> memref<20x128xi32, #tpu.memory_space<hbm>>
      %dma_wait3A_1182 = arith.constant 0 : i32
      %dma_wait3A_1183 = tpu.memref_slice %arg3[%dma_wait3A_1178, %add3A_1177, %dma_wait3A_1182] : memref<2x12800x128xi32, #tpu.memory_space<hbm>> -> memref<1x20x128xi32, #tpu.memory_space<hbm>>
      %dma_wait3A_1184 = tpu.memref_squeeze %dma_wait3A_1183 : memref<1x20x128xi32, #tpu.memory_space<hbm>> -> memref<20x128xi32, #tpu.memory_space<hbm>>
      tpu.wait_dma2 semaphore(%arg19 : memref<!tpu.dma_semaphore, #tpu.memory_space<semaphore_mem>>) src(%dma_wait3A_1184 : memref<20x128xi32, #tpu.memory_space<hbm>>) dst(%arg8 : memref<20x128xi32, #tpu.memory_space<vmem>>)
      %dma_wait3A_1185 = arith.constant 1 : i32
      %dma_wait3A_1186 = arith.constant 0 : i32
      %dma_wait3A_1187 = tpu.memref_slice %arg3[%dma_wait3A_1185, %add3A_1177, %dma_wait3A_1186] : memref<2x12800x128xi32, #tpu.memory_space<hbm>> -> memref<1x20x128xi32, #tpu.memory_space<hbm>>
      %dma_wait3A_1188 = tpu.memref_squeeze %dma_wait3A_1187 : memref<1x20x128xi32, #tpu.memory_space<hbm>> -> memref<20x128xi32, #tpu.memory_space<hbm>>
      %dma_wait3A_1189 = arith.constant 0 : i32
      %dma_wait3A_1190 = tpu.memref_slice %arg3[%dma_wait3A_1185, %add3A_1177, %dma_wait3A_1189] : memref<2x12800x128xi32, #tpu.memory_space<hbm>> -> memref<1x20x128xi32, #tpu.memory_space<hbm>>
      %dma_wait3A_1191 = tpu.memref_squeeze %dma_wait3A_1190 : memref<1x20x128xi32, #tpu.memory_space<hbm>> -> memref<20x128xi32, #tpu.memory_space<hbm>>
      tpu.wait_dma2 semaphore(%arg19 : memref<!tpu.dma_semaphore, #tpu.memory_space<semaphore_mem>>) src(%dma_wait3A_1191 : memref<20x128xi32, #tpu.memory_space<hbm>>) dst(%arg9 : memref<20x128xi32, #tpu.memory_space<vmem>>)
      %add3A_1192 = arith.constant 2 : i32
      %add3A_1193 = arith.addi %mul3A_71, %add3A_1192 : i32
      %lt3A = arith.constant 40 : i32
      %lt3A_1194 = arith.cmpi slt, %add3A_1193, %lt3A : i32
      %convert_element_type3A = arith.extui %lt3A_1194 : i1 to i32
      %cond3A = arith.constant 0 : i32
      %cond3A_1195 = arith.cmpi ne, %convert_element_type3A, %cond3A : i32
      scf.if %cond3A_1195 {
        %add3A_2256 = arith.constant 2 : i32
        %add3A_2257 = arith.addi %mul3A_71, %add3A_2256 : i32
        %mul3A_2258 = arith.constant 800 : i32
        %mul3A_2259 = arith.muli %arg1, %mul3A_2258 : i32
        %mul3A_2260 = arith.constant 20 : i32
        %mul3A_2261 = arith.muli %add3A_2257, %mul3A_2260 : i32
        %add3A_2262 = arith.addi %mul3A_2259, %mul3A_2261 : i32
        %dma_start3A_2263 = arith.constant 0 : i32
        %dma_start3A_2264 = arith.constant 0 : i32
        %dma_start3A_2265 = tpu.memref_slice %arg3[%dma_start3A_2263, %add3A_2262, %dma_start3A_2264] : memref<2x12800x128xi32, #tpu.memory_space<hbm>> -> memref<1x20x128xi32, #tpu.memory_space<hbm>>
        %dma_start3A_2266 = tpu.memref_squeeze %dma_start3A_2265 : memref<1x20x128xi32, #tpu.memory_space<hbm>> -> memref<20x128xi32, #tpu.memory_space<hbm>>
        %dma_start3A_2267 = arith.constant 0 : i32
        %dma_start3A_2268 = tpu.memref_slice %arg3[%dma_start3A_2263, %add3A_2262, %dma_start3A_2267] : memref<2x12800x128xi32, #tpu.memory_space<hbm>> -> memref<1x20x128xi32, #tpu.memory_space<hbm>>
        %dma_start3A_2269 = tpu.memref_squeeze %dma_start3A_2268 : memref<1x20x128xi32, #tpu.memory_space<hbm>> -> memref<20x128xi32, #tpu.memory_space<hbm>>
        tpu.enqueue_dma source(%dma_start3A_2269 : memref<20x128xi32, #tpu.memory_space<hbm>>) target(%arg6 : memref<20x128xi32, #tpu.memory_space<vmem>>) target_semaphore(%arg19 : memref<!tpu.dma_semaphore, #tpu.memory_space<semaphore_mem>>)
        %dma_start3A_2270 = arith.constant 1 : i32
        %dma_start3A_2271 = arith.constant 0 : i32
        %dma_start3A_2272 = tpu.memref_slice %arg3[%dma_start3A_2270, %add3A_2262, %dma_start3A_2271] : memref<2x12800x128xi32, #tpu.memory_space<hbm>> -> memref<1x20x128xi32, #tpu.memory_space<hbm>>
        %dma_start3A_2273 = tpu.memref_squeeze %dma_start3A_2272 : memref<1x20x128xi32, #tpu.memory_space<hbm>> -> memref<20x128xi32, #tpu.memory_space<hbm>>
        %dma_start3A_2274 = arith.constant 0 : i32
        %dma_start3A_2275 = tpu.memref_slice %arg3[%dma_start3A_2270, %add3A_2262, %dma_start3A_2274] : memref<2x12800x128xi32, #tpu.memory_space<hbm>> -> memref<1x20x128xi32, #tpu.memory_space<hbm>>
        %dma_start3A_2276 = tpu.memref_squeeze %dma_start3A_2275 : memref<1x20x128xi32, #tpu.memory_space<hbm>> -> memref<20x128xi32, #tpu.memory_space<hbm>>
        tpu.enqueue_dma source(%dma_start3A_2276 : memref<20x128xi32, #tpu.memory_space<hbm>>) target(%arg7 : memref<20x128xi32, #tpu.memory_space<vmem>>) target_semaphore(%arg19 : memref<!tpu.dma_semaphore, #tpu.memory_space<semaphore_mem>>)
      } else {
      }
      %scan3A_1196 = arith.constant 0 : i32
      %scan3A_1197 = arith.constant 8 : i32
      %scan3A_1198 = arith.addi %scan3A_1196, %scan3A_1197 : i32
      %scan3A_1199 = arith.constant 1 : i32
      scf.for %scan3A_2256 = %scan3A_1196 to %scan3A_1198 step %scan3A_1199  : i32 {
        %mul3A_2257 = arith.constant 1 : i32
        %mul3A_2258 = arith.muli %scan3A_2256, %mul3A_2257 : i32
        %add3A_2259 = arith.constant 0 : i32
        %add3A_2260 = arith.addi %add3A_2259, %mul3A_2258 : i32
        %mul3A_2261 = arith.constant 16 : i32
        %mul3A_2262 = arith.muli %add3A_2260, %mul3A_2261 : i32
        %get3A = arith.constant 0 : i32
        %get3A_2263 = arith.index_cast %get3A : i32 to index
        %get3A_2264 = arith.index_cast %mul3A_2262 : i32 to index
        %get3A_2265 = tpu.vector_load %arg8[%get3A_2263, %get3A_2264] {strides = array<i32>} : memref<20x128xi32, #tpu.memory_space<vmem>>, vector<1x16xi32>,
        %get3A_2266 = vector.shape_cast %get3A_2265 : vector<1x16xi32> to vector<16xi32>
        %add3A_2267 = arith.addi %get3A_2266, %get3A_2266 : vector<16xi32>
        %add3A_2268 = arith.addi %add3A_2267, %add3A_38 : vector<16xi32>
        %mul3A_2269 = arith.constant 16 : i32
        %mul3A_2270 = arith.muli %add3A_2260, %mul3A_2269 : i32
        %swap3A = arith.constant 0 : i32
        %swap3A_2271 = arith.index_cast %swap3A : i32 to index
        %swap3A_2272 = arith.index_cast %mul3A_2270 : i32 to index
        %swap3A_2273 = tpu.vector_load %arg8[%swap3A_2271, %swap3A_2272] {strides = array<i32>} : memref<20x128xi32, #tpu.memory_space<vmem>>, vector<1x16xi32>,
        %swap3A_2274 = vector.shape_cast %swap3A_2273 : vector<1x16xi32> to vector<16xi32>
        %swap3A_2275 = vector.shape_cast %add3A_2268 : vector<16xi32> to vector<1x16xi32>
        tpu.vector_store %arg8[%swap3A_2271, %swap3A_2272], %swap3A_2275 {strides = array<i32>} : memref<20x128xi32, #tpu.memory_space<vmem>>, vector<1x16xi32>,
      }
      %scan3A_1200 = arith.constant 8 : i32
      %scan3A_1201 = arith.constant 0 : i32
      %scan3A_1202 = arith.constant 8 : i32
      %scan3A_1203 = arith.addi %scan3A_1201, %scan3A_1202 : i32
      %scan3A_1204 = arith.constant 1 : i32
      scf.for %scan3A_2256 = %scan3A_1201 to %scan3A_1203 step %scan3A_1204  : i32 {
        %mul3A_2257 = arith.constant 1 : i32
        %mul3A_2258 = arith.muli %scan3A_2256, %mul3A_2257 : i32
        %add3A_2259 = arith.constant 0 : i32
        %add3A_2260 = arith.addi %add3A_2259, %mul3A_2258 : i32
        %mul3A_2261 = arith.constant 16 : i32
        %mul3A_2262 = arith.muli %add3A_2260, %mul3A_2261 : i32
        %get3A = arith.constant 1 : i32
        %get3A_2263 = arith.index_cast %get3A : i32 to index
        %get3A_2264 = arith.index_cast %mul3A_2262 : i32 to index
        %get3A_2265 = tpu.vector_load %arg8[%get3A_2263, %get3A_2264] {strides = array<i32>} : memref<20x128xi32, #tpu.memory_space<vmem>>, vector<1x16xi32>,
        %get3A_2266 = vector.shape_cast %get3A_2265 : vector<1x16xi32> to vector<16xi32>
        %add3A_2267 = arith.addi %get3A_2266, %get3A_2266 : vector<16xi32>
        %add3A_2268 = arith.addi %add3A_2267, %add3A_38 : vector<16xi32>
        %mul3A_2269 = arith.constant 16 : i32
        %mul3A_2270 = arith.muli %add3A_2260, %mul3A_2269 : i32
        %swap3A = arith.constant 1 : i32
        %swap3A_2271 = arith.index_cast %swap3A : i32 to index
        %swap3A_2272 = arith.index_cast %mul3A_2270 : i32 to index
        %swap3A_2273 = tpu.vector_load %arg8[%swap3A_2271, %swap3A_2272] {strides = array<i32>} : memref<20x128xi32, #tpu.memory_space<vmem>>, vector<1x16xi32>,
        %swap3A_2274 = vector.shape_cast %swap3A_2273 : vector<1x16xi32> to vector<16xi32>
        %swap3A_2275 = vector.shape_cast %add3A_2268 : vector<16xi32> to vector<1x16xi32>
        tpu.vector_store %arg8[%swap3A_2271, %swap3A_2272], %swap3A_2275 {strides = array<i32>} : memref<20x128xi32, #tpu.memory_space<vmem>>, vector<1x16xi32>,
      }
      %scan3A_1205 = arith.constant 8 : i32
      %scan3A_1206 = arith.constant 0 : i32
      %scan3A_1207 = arith.constant 8 : i32
      %scan3A_1208 = arith.addi %scan3A_1206, %scan3A_1207 : i32
      %scan3A_1209 = arith.constant 1 : i32
      scf.for %scan3A_2256 = %scan3A_1206 to %scan3A_1208 step %scan3A_1209  : i32 {
        %mul3A_2257 = arith.constant 1 : i32
        %mul3A_2258 = arith.muli %scan3A_2256, %mul3A_2257 : i32
        %add3A_2259 = arith.constant 0 : i32
        %add3A_2260 = arith.addi %add3A_2259, %mul3A_2258 : i32
        %mul3A_2261 = arith.constant 16 : i32
        %mul3A_2262 = arith.muli %add3A_2260, %mul3A_2261 : i32
        %get3A = arith.constant 2 : i32
        %get3A_2263 = arith.index_cast %get3A : i32 to index
        %get3A_2264 = arith.index_cast %mul3A_2262 : i32 to index
        %get3A_2265 = tpu.vector_load %arg8[%get3A_2263, %get3A_2264] {strides = array<i32>} : memref<20x128xi32, #tpu.memory_space<vmem>>, vector<1x16xi32>,
        %get3A_2266 = vector.shape_cast %get3A_2265 : vector<1x16xi32> to vector<16xi32>
        %add3A_2267 = arith.addi %get3A_2266, %get3A_2266 : vector<16xi32>
        %add3A_2268 = arith.addi %add3A_2267, %add3A_38 : vector<16xi32>
        %mul3A_2269 = arith.constant 16 : i32
        %mul3A_2270 = arith.muli %add3A_2260, %mul3A_2269 : i32
        %swap3A = arith.constant 2 : i32
        %swap3A_2271 = arith.index_cast %swap3A : i32 to index
        %swap3A_2272 = arith.index_cast %mul3A_2270 : i32 to index
        %swap3A_2273 = tpu.vector_load %arg8[%swap3A_2271, %swap3A_2272] {strides = array<i32>} : memref<20x128xi32, #tpu.memory_space<vmem>>, vector<1x16xi32>,
        %swap3A_2274 = vector.shape_cast %swap3A_2273 : vector<1x16xi32> to vector<16xi32>
        %swap3A_2275 = vector.shape_cast %add3A_2268 : vector<16xi32> to vector<1x16xi32>
        tpu.vector_store %arg8[%swap3A_2271, %swap3A_2272], %swap3A_2275 {strides = array<i32>} : memref<20x128xi32, #tpu.memory_space<vmem>>, vector<1x16xi32>,
      }
      %scan3A_1210 = arith.constant 8 : i32
      %scan3A_1211 = arith.constant 0 : i32
      %scan3A_1212 = arith.constant 8 : i32
      %scan3A_1213 = arith.addi %scan3A_1211, %scan3A_1212 : i32
      %scan3A_1214 = arith.constant 1 : i32
      scf.for %scan3A_2256 = %scan3A_1211 to %scan3A_1213 step %scan3A_1214  : i32 {
        %mul3A_2257 = arith.constant 1 : i32
        %mul3A_2258 = arith.muli %scan3A_2256, %mul3A_2257 : i32
        %add3A_2259 = arith.constant 0 : i32
        %add3A_2260 = arith.addi %add3A_2259, %mul3A_2258 : i32
        %mul3A_2261 = arith.constant 16 : i32
        %mul3A_2262 = arith.muli %add3A_2260, %mul3A_2261 : i32
        %get3A = arith.constant 3 : i32
        %get3A_2263 = arith.index_cast %get3A : i32 to index
        %get3A_2264 = arith.index_cast %mul3A_2262 : i32 to index
        %get3A_2265 = tpu.vector_load %arg8[%get3A_2263, %get3A_2264] {strides = array<i32>} : memref<20x128xi32, #tpu.memory_space<vmem>>, vector<1x16xi32>,
        %get3A_2266 = vector.shape_cast %get3A_2265 : vector<1x16xi32> to vector<16xi32>
        %add3A_2267 = arith.addi %get3A_2266, %get3A_2266 : vector<16xi32>
        %add3A_2268 = arith.addi %add3A_2267, %add3A_38 : vector<16xi32>
        %mul3A_2269 = arith.constant 16 : i32
        %mul3A_2270 = arith.muli %add3A_2260, %mul3A_2269 : i32
        %swap3A = arith.constant 3 : i32
        %swap3A_2271 = arith.index_cast %swap3A : i32 to index
        %swap3A_2272 = arith.index_cast %mul3A_2270 : i32 to index
        %swap3A_2273 = tpu.vector_load %arg8[%swap3A_2271, %swap3A_2272] {strides = array<i32>} : memref<20x128xi32, #tpu.memory_space<vmem>>, vector<1x16xi32>,
        %swap3A_2274 = vector.shape_cast %swap3A_2273 : vector<1x16xi32> to vector<16xi32>
        %swap3A_2275 = vector.shape_cast %add3A_2268 : vector<16xi32> to vector<1x16xi32>
        tpu.vector_store %arg8[%swap3A_2271, %swap3A_2272], %swap3A_2275 {strides = array<i32>} : memref<20x128xi32, #tpu.memory_space<vmem>>, vector<1x16xi32>,
      }
      %scan3A_1215 = arith.constant 8 : i32
      %dma_start3A_1216 = arith.constant 0 : i32
      %dma_start3A_1217 = arith.constant 0 : i32
      %dma_start3A_1218 = arith.constant 0 : i32
      %dma_start3A_1219 = arith.constant 0 : i32
      %dma_start3A_1220 = tpu.memref_slice %arg10[%dma_start3A_1217, %dma_start3A_1218, %dma_start3A_1219] : memref<2x512x16xf32, #tpu.memory_space<vmem>> -> memref<1x128x16xf32, #tpu.memory_space<vmem>>
      %dma_start3A_1221 = tpu.memref_squeeze %dma_start3A_1220 : memref<1x128x16xf32, #tpu.memory_space<vmem>> -> memref<128x16xf32, #tpu.memory_space<vmem>>
      %dma_start3A_1222 = arith.constant 0 : i32
      %dma_start3A_1223 = tpu.memref_slice %arg8[%dma_start3A_1216, %dma_start3A_1222] : memref<20x128xi32, #tpu.memory_space<vmem>> -> memref<1x128xi32, #tpu.memory_space<vmem>>
      %dma_start3A_1224 = tpu.memref_squeeze %dma_start3A_1223 : memref<1x128xi32, #tpu.memory_space<vmem>> -> memref<128xi32, #tpu.memory_space<vmem>>
      %dma_start3A_1225 = arith.constant 0 : i32
      %dma_start3A_1226 = arith.constant 0 : i32
      %dma_start3A_1227 = tpu.memref_slice %arg2[%dma_start3A_1225, %dma_start3A_1226] : memref<200002x16xf32, #tpu.memory_space<hbm>> -> memref<200002x16xf32, #tpu.memory_space<hbm>>
      tpu.enqueue_indirect_dma source(%dma_start3A_1227 : memref<200002x16xf32, #tpu.memory_space<hbm>>) target(%dma_start3A_1221 : memref<128x16xf32, #tpu.memory_space<vmem>>) offsets(%dma_start3A_1224 : memref<128xi32, #tpu.memory_space<vmem>>) semaphore(%arg11 : memref<!tpu.dma_semaphore, #tpu.memory_space<semaphore_mem>>)
      %dma_start3A_1228 = arith.constant 1 : i32
      %dma_start3A_1229 = arith.constant 0 : i32
      %dma_start3A_1230 = arith.constant 128 : i32
      %dma_start3A_1231 = arith.constant 0 : i32
      %dma_start3A_1232 = tpu.memref_slice %arg10[%dma_start3A_1229, %dma_start3A_1230, %dma_start3A_1231] : memref<2x512x16xf32, #tpu.memory_space<vmem>> -> memref<1x128x16xf32, #tpu.memory_space<vmem>>
      %dma_start3A_1233 = tpu.memref_squeeze %dma_start3A_1232 : memref<1x128x16xf32, #tpu.memory_space<vmem>> -> memref<128x16xf32, #tpu.memory_space<vmem>>
      %dma_start3A_1234 = arith.constant 0 : i32
      %dma_start3A_1235 = tpu.memref_slice %arg8[%dma_start3A_1228, %dma_start3A_1234] : memref<20x128xi32, #tpu.memory_space<vmem>> -> memref<1x128xi32, #tpu.memory_space<vmem>>
      %dma_start3A_1236 = tpu.memref_squeeze %dma_start3A_1235 : memref<1x128xi32, #tpu.memory_space<vmem>> -> memref<128xi32, #tpu.memory_space<vmem>>
      %dma_start3A_1237 = arith.constant 0 : i32
      %dma_start3A_1238 = arith.constant 0 : i32
      %dma_start3A_1239 = tpu.memref_slice %arg2[%dma_start3A_1237, %dma_start3A_1238] : memref<200002x16xf32, #tpu.memory_space<hbm>> -> memref<200002x16xf32, #tpu.memory_space<hbm>>
      tpu.enqueue_indirect_dma source(%dma_start3A_1239 : memref<200002x16xf32, #tpu.memory_space<hbm>>) target(%dma_start3A_1233 : memref<128x16xf32, #tpu.memory_space<vmem>>) offsets(%dma_start3A_1236 : memref<128xi32, #tpu.memory_space<vmem>>) semaphore(%arg11 : memref<!tpu.dma_semaphore, #tpu.memory_space<semaphore_mem>>)
      %dma_start3A_1240 = arith.constant 2 : i32
      %dma_start3A_1241 = arith.constant 0 : i32
      %dma_start3A_1242 = arith.constant 256 : i32
      %dma_start3A_1243 = arith.constant 0 : i32
      %dma_start3A_1244 = tpu.memref_slice %arg10[%dma_start3A_1241, %dma_start3A_1242, %dma_start3A_1243] : memref<2x512x16xf32, #tpu.memory_space<vmem>> -> memref<1x128x16xf32, #tpu.memory_space<vmem>>
      %dma_start3A_1245 = tpu.memref_squeeze %dma_start3A_1244 : memref<1x128x16xf32, #tpu.memory_space<vmem>> -> memref<128x16xf32, #tpu.memory_space<vmem>>
      %dma_start3A_1246 = arith.constant 0 : i32
      %dma_start3A_1247 = tpu.memref_slice %arg8[%dma_start3A_1240, %dma_start3A_1246] : memref<20x128xi32, #tpu.memory_space<vmem>> -> memref<1x128xi32, #tpu.memory_space<vmem>>
      %dma_start3A_1248 = tpu.memref_squeeze %dma_start3A_1247 : memref<1x128xi32, #tpu.memory_space<vmem>> -> memref<128xi32, #tpu.memory_space<vmem>>
      %dma_start3A_1249 = arith.constant 0 : i32
      %dma_start3A_1250 = arith.constant 0 : i32
      %dma_start3A_1251 = tpu.memref_slice %arg2[%dma_start3A_1249, %dma_start3A_1250] : memref<200002x16xf32, #tpu.memory_space<hbm>> -> memref<200002x16xf32, #tpu.memory_space<hbm>>
      tpu.enqueue_indirect_dma source(%dma_start3A_1251 : memref<200002x16xf32, #tpu.memory_space<hbm>>) target(%dma_start3A_1245 : memref<128x16xf32, #tpu.memory_space<vmem>>) offsets(%dma_start3A_1248 : memref<128xi32, #tpu.memory_space<vmem>>) semaphore(%arg11 : memref<!tpu.dma_semaphore, #tpu.memory_space<semaphore_mem>>)
      %dma_start3A_1252 = arith.constant 3 : i32
      %dma_start3A_1253 = arith.constant 0 : i32
      %dma_start3A_1254 = arith.constant 384 : i32
      %dma_start3A_1255 = arith.constant 0 : i32
      %dma_start3A_1256 = tpu.memref_slice %arg10[%dma_start3A_1253, %dma_start3A_1254, %dma_start3A_1255] : memref<2x512x16xf32, #tpu.memory_space<vmem>> -> memref<1x128x16xf32, #tpu.memory_space<vmem>>
      %dma_start3A_1257 = tpu.memref_squeeze %dma_start3A_1256 : memref<1x128x16xf32, #tpu.memory_space<vmem>> -> memref<128x16xf32, #tpu.memory_space<vmem>>
      %dma_start3A_1258 = arith.constant 0 : i32
      %dma_start3A_1259 = tpu.memref_slice %arg8[%dma_start3A_1252, %dma_start3A_1258] : memref<20x128xi32, #tpu.memory_space<vmem>> -> memref<1x128xi32, #tpu.memory_space<vmem>>
      %dma_start3A_1260 = tpu.memref_squeeze %dma_start3A_1259 : memref<1x128xi32, #tpu.memory_space<vmem>> -> memref<128xi32, #tpu.memory_space<vmem>>
      %dma_start3A_1261 = arith.constant 0 : i32
      %dma_start3A_1262 = arith.constant 0 : i32
      %dma_start3A_1263 = tpu.memref_slice %arg2[%dma_start3A_1261, %dma_start3A_1262] : memref<200002x16xf32, #tpu.memory_space<hbm>> -> memref<200002x16xf32, #tpu.memory_space<hbm>>
      tpu.enqueue_indirect_dma source(%dma_start3A_1263 : memref<200002x16xf32, #tpu.memory_space<hbm>>) target(%dma_start3A_1257 : memref<128x16xf32, #tpu.memory_space<vmem>>) offsets(%dma_start3A_1260 : memref<128xi32, #tpu.memory_space<vmem>>) semaphore(%arg11 : memref<!tpu.dma_semaphore, #tpu.memory_space<semaphore_mem>>)
      %scan3A_1264 = arith.constant 0 : i32
      %scan3A_1265 = arith.constant 8 : i32
      %scan3A_1266 = arith.addi %scan3A_1264, %scan3A_1265 : i32
      %scan3A_1267 = arith.constant 1 : i32
      scf.for %scan3A_2256 = %scan3A_1264 to %scan3A_1266 step %scan3A_1267  : i32 {
        %mul3A_2257 = arith.constant 1 : i32
        %mul3A_2258 = arith.muli %scan3A_2256, %mul3A_2257 : i32
        %add3A_2259 = arith.constant 0 : i32
        %add3A_2260 = arith.addi %add3A_2259, %mul3A_2258 : i32
        %mul3A_2261 = arith.constant 16 : i32
        %mul3A_2262 = arith.muli %add3A_2260, %mul3A_2261 : i32
        %get3A = arith.constant 4 : i32
        %get3A_2263 = arith.index_cast %get3A : i32 to index
        %get3A_2264 = arith.index_cast %mul3A_2262 : i32 to index
        %get3A_2265 = tpu.vector_load %arg8[%get3A_2263, %get3A_2264] {strides = array<i32>} : memref<20x128xi32, #tpu.memory_space<vmem>>, vector<1x16xi32>,
        %get3A_2266 = vector.shape_cast %get3A_2265 : vector<1x16xi32> to vector<16xi32>
        %add3A_2267 = arith.addi %get3A_2266, %get3A_2266 : vector<16xi32>
        %add3A_2268 = arith.addi %add3A_2267, %add3A_38 : vector<16xi32>
        %mul3A_2269 = arith.constant 16 : i32
        %mul3A_2270 = arith.muli %add3A_2260, %mul3A_2269 : i32
        %swap3A = arith.constant 4 : i32
        %swap3A_2271 = arith.index_cast %swap3A : i32 to index
        %swap3A_2272 = arith.index_cast %mul3A_2270 : i32 to index
        %swap3A_2273 = tpu.vector_load %arg8[%swap3A_2271, %swap3A_2272] {strides = array<i32>} : memref<20x128xi32, #tpu.memory_space<vmem>>, vector<1x16xi32>,
        %swap3A_2274 = vector.shape_cast %swap3A_2273 : vector<1x16xi32> to vector<16xi32>
        %swap3A_2275 = vector.shape_cast %add3A_2268 : vector<16xi32> to vector<1x16xi32>
        tpu.vector_store %arg8[%swap3A_2271, %swap3A_2272], %swap3A_2275 {strides = array<i32>} : memref<20x128xi32, #tpu.memory_space<vmem>>, vector<1x16xi32>,
      }
      %scan3A_1268 = arith.constant 8 : i32
      %scan3A_1269 = arith.constant 0 : i32
      %scan3A_1270 = arith.constant 8 : i32
      %scan3A_1271 = arith.addi %scan3A_1269, %scan3A_1270 : i32
      %scan3A_1272 = arith.constant 1 : i32
      scf.for %scan3A_2256 = %scan3A_1269 to %scan3A_1271 step %scan3A_1272  : i32 {
        %mul3A_2257 = arith.constant 1 : i32
        %mul3A_2258 = arith.muli %scan3A_2256, %mul3A_2257 : i32
        %add3A_2259 = arith.constant 0 : i32
        %add3A_2260 = arith.addi %add3A_2259, %mul3A_2258 : i32
        %mul3A_2261 = arith.constant 16 : i32
        %mul3A_2262 = arith.muli %add3A_2260, %mul3A_2261 : i32
        %get3A = arith.constant 5 : i32
        %get3A_2263 = arith.index_cast %get3A : i32 to index
        %get3A_2264 = arith.index_cast %mul3A_2262 : i32 to index
        %get3A_2265 = tpu.vector_load %arg8[%get3A_2263, %get3A_2264] {strides = array<i32>} : memref<20x128xi32, #tpu.memory_space<vmem>>, vector<1x16xi32>,
        %get3A_2266 = vector.shape_cast %get3A_2265 : vector<1x16xi32> to vector<16xi32>
        %add3A_2267 = arith.addi %get3A_2266, %get3A_2266 : vector<16xi32>
        %add3A_2268 = arith.addi %add3A_2267, %add3A_38 : vector<16xi32>
        %mul3A_2269 = arith.constant 16 : i32
        %mul3A_2270 = arith.muli %add3A_2260, %mul3A_2269 : i32
        %swap3A = arith.constant 5 : i32
        %swap3A_2271 = arith.index_cast %swap3A : i32 to index
        %swap3A_2272 = arith.index_cast %mul3A_2270 : i32 to index
        %swap3A_2273 = tpu.vector_load %arg8[%swap3A_2271, %swap3A_2272] {strides = array<i32>} : memref<20x128xi32, #tpu.memory_space<vmem>>, vector<1x16xi32>,
        %swap3A_2274 = vector.shape_cast %swap3A_2273 : vector<1x16xi32> to vector<16xi32>
        %swap3A_2275 = vector.shape_cast %add3A_2268 : vector<16xi32> to vector<1x16xi32>
        tpu.vector_store %arg8[%swap3A_2271, %swap3A_2272], %swap3A_2275 {strides = array<i32>} : memref<20x128xi32, #tpu.memory_space<vmem>>, vector<1x16xi32>,
      }
      %scan3A_1273 = arith.constant 8 : i32
      %scan3A_1274 = arith.constant 0 : i32
      %scan3A_1275 = arith.constant 8 : i32
      %scan3A_1276 = arith.addi %scan3A_1274, %scan3A_1275 : i32
      %scan3A_1277 = arith.constant 1 : i32
      scf.for %scan3A_2256 = %scan3A_1274 to %scan3A_1276 step %scan3A_1277  : i32 {
        %mul3A_2257 = arith.constant 1 : i32
        %mul3A_2258 = arith.muli %scan3A_2256, %mul3A_2257 : i32
        %add3A_2259 = arith.constant 0 : i32
        %add3A_2260 = arith.addi %add3A_2259, %mul3A_2258 : i32
        %mul3A_2261 = arith.constant 16 : i32
        %mul3A_2262 = arith.muli %add3A_2260, %mul3A_2261 : i32
        %get3A = arith.constant 6 : i32
        %get3A_2263 = arith.index_cast %get3A : i32 to index
        %get3A_2264 = arith.index_cast %mul3A_2262 : i32 to index
        %get3A_2265 = tpu.vector_load %arg8[%get3A_2263, %get3A_2264] {strides = array<i32>} : memref<20x128xi32, #tpu.memory_space<vmem>>, vector<1x16xi32>,
        %get3A_2266 = vector.shape_cast %get3A_2265 : vector<1x16xi32> to vector<16xi32>
        %add3A_2267 = arith.addi %get3A_2266, %get3A_2266 : vector<16xi32>
        %add3A_2268 = arith.addi %add3A_2267, %add3A_38 : vector<16xi32>
        %mul3A_2269 = arith.constant 16 : i32
        %mul3A_2270 = arith.muli %add3A_2260, %mul3A_2269 : i32
        %swap3A = arith.constant 6 : i32
        %swap3A_2271 = arith.index_cast %swap3A : i32 to index
        %swap3A_2272 = arith.index_cast %mul3A_2270 : i32 to index
        %swap3A_2273 = tpu.vector_load %arg8[%swap3A_2271, %swap3A_2272] {strides = array<i32>} : memref<20x128xi32, #tpu.memory_space<vmem>>, vector<1x16xi32>,
        %swap3A_2274 = vector.shape_cast %swap3A_2273 : vector<1x16xi32> to vector<16xi32>
        %swap3A_2275 = vector.shape_cast %add3A_2268 : vector<16xi32> to vector<1x16xi32>
        tpu.vector_store %arg8[%swap3A_2271, %swap3A_2272], %swap3A_2275 {strides = array<i32>} : memref<20x128xi32, #tpu.memory_space<vmem>>, vector<1x16xi32>,
      }
      %scan3A_1278 = arith.constant 8 : i32
      %scan3A_1279 = arith.constant 0 : i32
      %scan3A_1280 = arith.constant 8 : i32
      %scan3A_1281 = arith.addi %scan3A_1279, %scan3A_1280 : i32
      %scan3A_1282 = arith.constant 1 : i32
      scf.for %scan3A_2256 = %scan3A_1279 to %scan3A_1281 step %scan3A_1282  : i32 {
        %mul3A_2257 = arith.constant 1 : i32
        %mul3A_2258 = arith.muli %scan3A_2256, %mul3A_2257 : i32
        %add3A_2259 = arith.constant 0 : i32
        %add3A_2260 = arith.addi %add3A_2259, %mul3A_2258 : i32
        %mul3A_2261 = arith.constant 16 : i32
        %mul3A_2262 = arith.muli %add3A_2260, %mul3A_2261 : i32
        %get3A = arith.constant 7 : i32
        %get3A_2263 = arith.index_cast %get3A : i32 to index
        %get3A_2264 = arith.index_cast %mul3A_2262 : i32 to index
        %get3A_2265 = tpu.vector_load %arg8[%get3A_2263, %get3A_2264] {strides = array<i32>} : memref<20x128xi32, #tpu.memory_space<vmem>>, vector<1x16xi32>,
        %get3A_2266 = vector.shape_cast %get3A_2265 : vector<1x16xi32> to vector<16xi32>
        %add3A_2267 = arith.addi %get3A_2266, %get3A_2266 : vector<16xi32>
        %add3A_2268 = arith.addi %add3A_2267, %add3A_38 : vector<16xi32>
        %mul3A_2269 = arith.constant 16 : i32
        %mul3A_2270 = arith.muli %add3A_2260, %mul3A_2269 : i32
        %swap3A = arith.constant 7 : i32
        %swap3A_2271 = arith.index_cast %swap3A : i32 to index
        %swap3A_2272 = arith.index_cast %mul3A_2270 : i32 to index
        %swap3A_2273 = tpu.vector_load %arg8[%swap3A_2271, %swap3A_2272] {strides = array<i32>} : memref<20x128xi32, #tpu.memory_space<vmem>>, vector<1x16xi32>,
        %swap3A_2274 = vector.shape_cast %swap3A_2273 : vector<1x16xi32> to vector<16xi32>
        %swap3A_2275 = vector.shape_cast %add3A_2268 : vector<16xi32> to vector<1x16xi32>
        tpu.vector_store %arg8[%swap3A_2271, %swap3A_2272], %swap3A_2275 {strides = array<i32>} : memref<20x128xi32, #tpu.memory_space<vmem>>, vector<1x16xi32>,
      }
      %scan3A_1283 = arith.constant 8 : i32
      %dma_start3A_1284 = arith.constant 4 : i32
      %dma_start3A_1285 = arith.constant 1 : i32
      %dma_start3A_1286 = arith.constant 0 : i32
      %dma_start3A_1287 = arith.constant 0 : i32
      %dma_start3A_1288 = tpu.memref_slice %arg10[%dma_start3A_1285, %dma_start3A_1286, %dma_start3A_1287] : memref<2x512x16xf32, #tpu.memory_space<vmem>> -> memref<1x128x16xf32, #tpu.memory_space<vmem>>
      %dma_start3A_1289 = tpu.memref_squeeze %dma_start3A_1288 : memref<1x128x16xf32, #tpu.memory_space<vmem>> -> memref<128x16xf32, #tpu.memory_space<vmem>>
      %dma_start3A_1290 = arith.constant 0 : i32
      %dma_start3A_1291 = tpu.memref_slice %arg8[%dma_start3A_1284, %dma_start3A_1290] : memref<20x128xi32, #tpu.memory_space<vmem>> -> memref<1x128xi32, #tpu.memory_space<vmem>>
      %dma_start3A_1292 = tpu.memref_squeeze %dma_start3A_1291 : memref<1x128xi32, #tpu.memory_space<vmem>> -> memref<128xi32, #tpu.memory_space<vmem>>
      %dma_start3A_1293 = arith.constant 0 : i32
      %dma_start3A_1294 = arith.constant 0 : i32
      %dma_start3A_1295 = tpu.memref_slice %arg2[%dma_start3A_1293, %dma_start3A_1294] : memref<200002x16xf32, #tpu.memory_space<hbm>> -> memref<200002x16xf32, #tpu.memory_space<hbm>>
      tpu.enqueue_indirect_dma source(%dma_start3A_1295 : memref<200002x16xf32, #tpu.memory_space<hbm>>) target(%dma_start3A_1289 : memref<128x16xf32, #tpu.memory_space<vmem>>) offsets(%dma_start3A_1292 : memref<128xi32, #tpu.memory_space<vmem>>) semaphore(%arg12 : memref<!tpu.dma_semaphore, #tpu.memory_space<semaphore_mem>>)
      %dma_start3A_1296 = arith.constant 5 : i32
      %dma_start3A_1297 = arith.constant 1 : i32
      %dma_start3A_1298 = arith.constant 128 : i32
      %dma_start3A_1299 = arith.constant 0 : i32
      %dma_start3A_1300 = tpu.memref_slice %arg10[%dma_start3A_1297, %dma_start3A_1298, %dma_start3A_1299] : memref<2x512x16xf32, #tpu.memory_space<vmem>> -> memref<1x128x16xf32, #tpu.memory_space<vmem>>
      %dma_start3A_1301 = tpu.memref_squeeze %dma_start3A_1300 : memref<1x128x16xf32, #tpu.memory_space<vmem>> -> memref<128x16xf32, #tpu.memory_space<vmem>>
      %dma_start3A_1302 = arith.constant 0 : i32
      %dma_start3A_1303 = tpu.memref_slice %arg8[%dma_start3A_1296, %dma_start3A_1302] : memref<20x128xi32, #tpu.memory_space<vmem>> -> memref<1x128xi32, #tpu.memory_space<vmem>>
      %dma_start3A_1304 = tpu.memref_squeeze %dma_start3A_1303 : memref<1x128xi32, #tpu.memory_space<vmem>> -> memref<128xi32, #tpu.memory_space<vmem>>
      %dma_start3A_1305 = arith.constant 0 : i32
      %dma_start3A_1306 = arith.constant 0 : i32
      %dma_start3A_1307 = tpu.memref_slice %arg2[%dma_start3A_1305, %dma_start3A_1306] : memref<200002x16xf32, #tpu.memory_space<hbm>> -> memref<200002x16xf32, #tpu.memory_space<hbm>>
      tpu.enqueue_indirect_dma source(%dma_start3A_1307 : memref<200002x16xf32, #tpu.memory_space<hbm>>) target(%dma_start3A_1301 : memref<128x16xf32, #tpu.memory_space<vmem>>) offsets(%dma_start3A_1304 : memref<128xi32, #tpu.memory_space<vmem>>) semaphore(%arg12 : memref<!tpu.dma_semaphore, #tpu.memory_space<semaphore_mem>>)
      %dma_start3A_1308 = arith.constant 6 : i32
      %dma_start3A_1309 = arith.constant 1 : i32
      %dma_start3A_1310 = arith.constant 256 : i32
      %dma_start3A_1311 = arith.constant 0 : i32
      %dma_start3A_1312 = tpu.memref_slice %arg10[%dma_start3A_1309, %dma_start3A_1310, %dma_start3A_1311] : memref<2x512x16xf32, #tpu.memory_space<vmem>> -> memref<1x128x16xf32, #tpu.memory_space<vmem>>
      %dma_start3A_1313 = tpu.memref_squeeze %dma_start3A_1312 : memref<1x128x16xf32, #tpu.memory_space<vmem>> -> memref<128x16xf32, #tpu.memory_space<vmem>>
      %dma_start3A_1314 = arith.constant 0 : i32
      %dma_start3A_1315 = tpu.memref_slice %arg8[%dma_start3A_1308, %dma_start3A_1314] : memref<20x128xi32, #tpu.memory_space<vmem>> -> memref<1x128xi32, #tpu.memory_space<vmem>>
      %dma_start3A_1316 = tpu.memref_squeeze %dma_start3A_1315 : memref<1x128xi32, #tpu.memory_space<vmem>> -> memref<128xi32, #tpu.memory_space<vmem>>
      %dma_start3A_1317 = arith.constant 0 : i32
      %dma_start3A_1318 = arith.constant 0 : i32
      %dma_start3A_1319 = tpu.memref_slice %arg2[%dma_start3A_1317, %dma_start3A_1318] : memref<200002x16xf32, #tpu.memory_space<hbm>> -> memref<200002x16xf32, #tpu.memory_space<hbm>>
      tpu.enqueue_indirect_dma source(%dma_start3A_1319 : memref<200002x16xf32, #tpu.memory_space<hbm>>) target(%dma_start3A_1313 : memref<128x16xf32, #tpu.memory_space<vmem>>) offsets(%dma_start3A_1316 : memref<128xi32, #tpu.memory_space<vmem>>) semaphore(%arg12 : memref<!tpu.dma_semaphore, #tpu.memory_space<semaphore_mem>>)
      %dma_start3A_1320 = arith.constant 7 : i32
      %dma_start3A_1321 = arith.constant 1 : i32
      %dma_start3A_1322 = arith.constant 384 : i32
      %dma_start3A_1323 = arith.constant 0 : i32
      %dma_start3A_1324 = tpu.memref_slice %arg10[%dma_start3A_1321, %dma_start3A_1322, %dma_start3A_1323] : memref<2x512x16xf32, #tpu.memory_space<vmem>> -> memref<1x128x16xf32, #tpu.memory_space<vmem>>
      %dma_start3A_1325 = tpu.memref_squeeze %dma_start3A_1324 : memref<1x128x16xf32, #tpu.memory_space<vmem>> -> memref<128x16xf32, #tpu.memory_space<vmem>>
      %dma_start3A_1326 = arith.constant 0 : i32
      %dma_start3A_1327 = tpu.memref_slice %arg8[%dma_start3A_1320, %dma_start3A_1326] : memref<20x128xi32, #tpu.memory_space<vmem>> -> memref<1x128xi32, #tpu.memory_space<vmem>>
      %dma_start3A_1328 = tpu.memref_squeeze %dma_start3A_1327 : memref<1x128xi32, #tpu.memory_space<vmem>> -> memref<128xi32, #tpu.memory_space<vmem>>
      %dma_start3A_1329 = arith.constant 0 : i32
      %dma_start3A_1330 = arith.constant 0 : i32
      %dma_start3A_1331 = tpu.memref_slice %arg2[%dma_start3A_1329, %dma_start3A_1330] : memref<200002x16xf32, #tpu.memory_space<hbm>> -> memref<200002x16xf32, #tpu.memory_space<hbm>>
      tpu.enqueue_indirect_dma source(%dma_start3A_1331 : memref<200002x16xf32, #tpu.memory_space<hbm>>) target(%dma_start3A_1325 : memref<128x16xf32, #tpu.memory_space<vmem>>) offsets(%dma_start3A_1328 : memref<128xi32, #tpu.memory_space<vmem>>) semaphore(%arg12 : memref<!tpu.dma_semaphore, #tpu.memory_space<semaphore_mem>>)
      %dma_wait3A_1332 = arith.constant 0 : i32
      %dma_wait3A_1333 = arith.constant 0 : i32
      %dma_wait3A_1334 = arith.constant 0 : i32
      %dma_wait3A_1335 = arith.constant 0 : i32
      %dma_wait3A_1336 = tpu.memref_slice %arg10[%dma_wait3A_1333, %dma_wait3A_1334, %dma_wait3A_1335] : memref<2x512x16xf32, #tpu.memory_space<vmem>> -> memref<1x128x16xf32, #tpu.memory_space<vmem>>
      %dma_wait3A_1337 = tpu.memref_squeeze %dma_wait3A_1336 : memref<1x128x16xf32, #tpu.memory_space<vmem>> -> memref<128x16xf32, #tpu.memory_space<vmem>>
      %dma_wait3A_1338 = arith.constant 0 : i32
      %dma_wait3A_1339 = tpu.memref_slice %arg8[%dma_wait3A_1332, %dma_wait3A_1338] : memref<20x128xi32, #tpu.memory_space<vmem>> -> memref<1x128xi32, #tpu.memory_space<vmem>>
      %dma_wait3A_1340 = tpu.memref_squeeze %dma_wait3A_1339 : memref<1x128xi32, #tpu.memory_space<vmem>> -> memref<128xi32, #tpu.memory_space<vmem>>
      %dma_wait3A_1341 = arith.constant 0 : i32
      %dma_wait3A_1342 = arith.constant 0 : i32
      %dma_wait3A_1343 = tpu.memref_slice %arg2[%dma_wait3A_1341, %dma_wait3A_1342] : memref<200002x16xf32, #tpu.memory_space<hbm>> -> memref<200002x16xf32, #tpu.memory_space<hbm>>
      tpu.wait_indirect_dma semaphore(%arg11 : memref<!tpu.dma_semaphore, #tpu.memory_space<semaphore_mem>>) src(%dma_wait3A_1343 : memref<200002x16xf32, #tpu.memory_space<hbm>>) dst(%dma_wait3A_1337 : memref<128x16xf32, #tpu.memory_space<vmem>>)
      %dma_wait3A_1344 = arith.constant 1 : i32
      %dma_wait3A_1345 = arith.constant 0 : i32
      %dma_wait3A_1346 = arith.constant 128 : i32
      %dma_wait3A_1347 = arith.constant 0 : i32
      %dma_wait3A_1348 = tpu.memref_slice %arg10[%dma_wait3A_1345, %dma_wait3A_1346, %dma_wait3A_1347] : memref<2x512x16xf32, #tpu.memory_space<vmem>> -> memref<1x128x16xf32, #tpu.memory_space<vmem>>
      %dma_wait3A_1349 = tpu.memref_squeeze %dma_wait3A_1348 : memref<1x128x16xf32, #tpu.memory_space<vmem>> -> memref<128x16xf32, #tpu.memory_space<vmem>>
      %dma_wait3A_1350 = arith.constant 0 : i32
      %dma_wait3A_1351 = tpu.memref_slice %arg8[%dma_wait3A_1344, %dma_wait3A_1350] : memref<20x128xi32, #tpu.memory_space<vmem>> -> memref<1x128xi32, #tpu.memory_space<vmem>>
      %dma_wait3A_1352 = tpu.memref_squeeze %dma_wait3A_1351 : memref<1x128xi32, #tpu.memory_space<vmem>> -> memref<128xi32, #tpu.memory_space<vmem>>
      %dma_wait3A_1353 = arith.constant 0 : i32
      %dma_wait3A_1354 = arith.constant 0 : i32
      %dma_wait3A_1355 = tpu.memref_slice %arg2[%dma_wait3A_1353, %dma_wait3A_1354] : memref<200002x16xf32, #tpu.memory_space<hbm>> -> memref<200002x16xf32, #tpu.memory_space<hbm>>
      tpu.wait_indirect_dma semaphore(%arg11 : memref<!tpu.dma_semaphore, #tpu.memory_space<semaphore_mem>>) src(%dma_wait3A_1355 : memref<200002x16xf32, #tpu.memory_space<hbm>>) dst(%dma_wait3A_1349 : memref<128x16xf32, #tpu.memory_space<vmem>>)
      %dma_wait3A_1356 = arith.constant 2 : i32
      %dma_wait3A_1357 = arith.constant 0 : i32
      %dma_wait3A_1358 = arith.constant 256 : i32
      %dma_wait3A_1359 = arith.constant 0 : i32
      %dma_wait3A_1360 = tpu.memref_slice %arg10[%dma_wait3A_1357, %dma_wait3A_1358, %dma_wait3A_1359] : memref<2x512x16xf32, #tpu.memory_space<vmem>> -> memref<1x128x16xf32, #tpu.memory_space<vmem>>
      %dma_wait3A_1361 = tpu.memref_squeeze %dma_wait3A_1360 : memref<1x128x16xf32, #tpu.memory_space<vmem>> -> memref<128x16xf32, #tpu.memory_space<vmem>>
      %dma_wait3A_1362 = arith.constant 0 : i32
      %dma_wait3A_1363 = tpu.memref_slice %arg8[%dma_wait3A_1356, %dma_wait3A_1362] : memref<20x128xi32, #tpu.memory_space<vmem>> -> memref<1x128xi32, #tpu.memory_space<vmem>>
      %dma_wait3A_1364 = tpu.memref_squeeze %dma_wait3A_1363 : memref<1x128xi32, #tpu.memory_space<vmem>> -> memref<128xi32, #tpu.memory_space<vmem>>
      %dma_wait3A_1365 = arith.constant 0 : i32
      %dma_wait3A_1366 = arith.constant 0 : i32
      %dma_wait3A_1367 = tpu.memref_slice %arg2[%dma_wait3A_1365, %dma_wait3A_1366] : memref<200002x16xf32, #tpu.memory_space<hbm>> -> memref<200002x16xf32, #tpu.memory_space<hbm>>
      tpu.wait_indirect_dma semaphore(%arg11 : memref<!tpu.dma_semaphore, #tpu.memory_space<semaphore_mem>>) src(%dma_wait3A_1367 : memref<200002x16xf32, #tpu.memory_space<hbm>>) dst(%dma_wait3A_1361 : memref<128x16xf32, #tpu.memory_space<vmem>>)
      %dma_wait3A_1368 = arith.constant 3 : i32
      %dma_wait3A_1369 = arith.constant 0 : i32
      %dma_wait3A_1370 = arith.constant 384 : i32
      %dma_wait3A_1371 = arith.constant 0 : i32
      %dma_wait3A_1372 = tpu.memref_slice %arg10[%dma_wait3A_1369, %dma_wait3A_1370, %dma_wait3A_1371] : memref<2x512x16xf32, #tpu.memory_space<vmem>> -> memref<1x128x16xf32, #tpu.memory_space<vmem>>
      %dma_wait3A_1373 = tpu.memref_squeeze %dma_wait3A_1372 : memref<1x128x16xf32, #tpu.memory_space<vmem>> -> memref<128x16xf32, #tpu.memory_space<vmem>>
      %dma_wait3A_1374 = arith.constant 0 : i32
      %dma_wait3A_1375 = tpu.memref_slice %arg8[%dma_wait3A_1368, %dma_wait3A_1374] : memref<20x128xi32, #tpu.memory_space<vmem>> -> memref<1x128xi32, #tpu.memory_space<vmem>>
      %dma_wait3A_1376 = tpu.memref_squeeze %dma_wait3A_1375 : memref<1x128xi32, #tpu.memory_space<vmem>> -> memref<128xi32, #tpu.memory_space<vmem>>
      %dma_wait3A_1377 = arith.constant 0 : i32
      %dma_wait3A_1378 = arith.constant 0 : i32
      %dma_wait3A_1379 = tpu.memref_slice %arg2[%dma_wait3A_1377, %dma_wait3A_1378] : memref<200002x16xf32, #tpu.memory_space<hbm>> -> memref<200002x16xf32, #tpu.memory_space<hbm>>
      tpu.wait_indirect_dma semaphore(%arg11 : memref<!tpu.dma_semaphore, #tpu.memory_space<semaphore_mem>>) src(%dma_wait3A_1379 : memref<200002x16xf32, #tpu.memory_space<hbm>>) dst(%dma_wait3A_1373 : memref<128x16xf32, #tpu.memory_space<vmem>>)
      %dma_start3A_1380 = arith.constant 0 : i32
      %dma_start3A_1381 = arith.constant 0 : i32
      %dma_start3A_1382 = arith.constant 0 : i32
      %dma_start3A_1383 = arith.constant 0 : i32
      %dma_start3A_1384 = tpu.memref_slice %arg10[%dma_start3A_1380, %dma_start3A_1382, %dma_start3A_1383] : memref<2x512x16xf32, #tpu.memory_space<vmem>> -> memref<1x128x16xf32, #tpu.memory_space<vmem>>
      %dma_start3A_1385 = tpu.memref_squeeze %dma_start3A_1384 : memref<1x128x16xf32, #tpu.memory_space<vmem>> -> memref<128x16xf32, #tpu.memory_space<vmem>>
      %dma_start3A_1386 = arith.constant 0 : i32
      %dma_start3A_1387 = tpu.memref_slice %arg9[%dma_start3A_1381, %dma_start3A_1386] : memref<20x128xi32, #tpu.memory_space<vmem>> -> memref<1x128xi32, #tpu.memory_space<vmem>>
      %dma_start3A_1388 = tpu.memref_squeeze %dma_start3A_1387 : memref<1x128xi32, #tpu.memory_space<vmem>> -> memref<128xi32, #tpu.memory_space<vmem>>
      %dma_start3A_1389 = arith.constant 0 : i32
      %dma_start3A_1390 = arith.constant 0 : i32
      %dma_start3A_1391 = tpu.memref_slice %arg5[%dma_start3A_1389, %dma_start3A_1390] : memref<100352x16xf32, #tpu.memory_space<vmem_shared>> -> memref<100352x16xf32, #tpu.memory_space<vmem_shared>>
      tpu.enqueue_indirect_dma source(%dma_start3A_1385 : memref<128x16xf32, #tpu.memory_space<vmem>>) target(%dma_start3A_1391 : memref<100352x16xf32, #tpu.memory_space<vmem_shared>>) offsets(%dma_start3A_1388 : memref<128xi32, #tpu.memory_space<vmem>>) semaphore(%arg15 : memref<!tpu.dma_semaphore, #tpu.memory_space<semaphore_mem>>) {add = true}
      %dma_start3A_1392 = arith.constant 0 : i32
      %dma_start3A_1393 = arith.constant 1 : i32
      %dma_start3A_1394 = arith.constant 128 : i32
      %dma_start3A_1395 = arith.constant 0 : i32
      %dma_start3A_1396 = tpu.memref_slice %arg10[%dma_start3A_1392, %dma_start3A_1394, %dma_start3A_1395] : memref<2x512x16xf32, #tpu.memory_space<vmem>> -> memref<1x128x16xf32, #tpu.memory_space<vmem>>
      %dma_start3A_1397 = tpu.memref_squeeze %dma_start3A_1396 : memref<1x128x16xf32, #tpu.memory_space<vmem>> -> memref<128x16xf32, #tpu.memory_space<vmem>>
      %dma_start3A_1398 = arith.constant 0 : i32
      %dma_start3A_1399 = tpu.memref_slice %arg9[%dma_start3A_1393, %dma_start3A_1398] : memref<20x128xi32, #tpu.memory_space<vmem>> -> memref<1x128xi32, #tpu.memory_space<vmem>>
      %dma_start3A_1400 = tpu.memref_squeeze %dma_start3A_1399 : memref<1x128xi32, #tpu.memory_space<vmem>> -> memref<128xi32, #tpu.memory_space<vmem>>
      %dma_start3A_1401 = arith.constant 0 : i32
      %dma_start3A_1402 = arith.constant 0 : i32
      %dma_start3A_1403 = tpu.memref_slice %arg5[%dma_start3A_1401, %dma_start3A_1402] : memref<100352x16xf32, #tpu.memory_space<vmem_shared>> -> memref<100352x16xf32, #tpu.memory_space<vmem_shared>>
      tpu.enqueue_indirect_dma source(%dma_start3A_1397 : memref<128x16xf32, #tpu.memory_space<vmem>>) target(%dma_start3A_1403 : memref<100352x16xf32, #tpu.memory_space<vmem_shared>>) offsets(%dma_start3A_1400 : memref<128xi32, #tpu.memory_space<vmem>>) semaphore(%arg15 : memref<!tpu.dma_semaphore, #tpu.memory_space<semaphore_mem>>) {add = true}
      %dma_start3A_1404 = arith.constant 0 : i32
      %dma_start3A_1405 = arith.constant 2 : i32
      %dma_start3A_1406 = arith.constant 256 : i32
      %dma_start3A_1407 = arith.constant 0 : i32
      %dma_start3A_1408 = tpu.memref_slice %arg10[%dma_start3A_1404, %dma_start3A_1406, %dma_start3A_1407] : memref<2x512x16xf32, #tpu.memory_space<vmem>> -> memref<1x128x16xf32, #tpu.memory_space<vmem>>
      %dma_start3A_1409 = tpu.memref_squeeze %dma_start3A_1408 : memref<1x128x16xf32, #tpu.memory_space<vmem>> -> memref<128x16xf32, #tpu.memory_space<vmem>>
      %dma_start3A_1410 = arith.constant 0 : i32
      %dma_start3A_1411 = tpu.memref_slice %arg9[%dma_start3A_1405, %dma_start3A_1410] : memref<20x128xi32, #tpu.memory_space<vmem>> -> memref<1x128xi32, #tpu.memory_space<vmem>>
      %dma_start3A_1412 = tpu.memref_squeeze %dma_start3A_1411 : memref<1x128xi32, #tpu.memory_space<vmem>> -> memref<128xi32, #tpu.memory_space<vmem>>
      %dma_start3A_1413 = arith.constant 0 : i32
      %dma_start3A_1414 = arith.constant 0 : i32
      %dma_start3A_1415 = tpu.memref_slice %arg5[%dma_start3A_1413, %dma_start3A_1414] : memref<100352x16xf32, #tpu.memory_space<vmem_shared>> -> memref<100352x16xf32, #tpu.memory_space<vmem_shared>>
      tpu.enqueue_indirect_dma source(%dma_start3A_1409 : memref<128x16xf32, #tpu.memory_space<vmem>>) target(%dma_start3A_1415 : memref<100352x16xf32, #tpu.memory_space<vmem_shared>>) offsets(%dma_start3A_1412 : memref<128xi32, #tpu.memory_space<vmem>>) semaphore(%arg15 : memref<!tpu.dma_semaphore, #tpu.memory_space<semaphore_mem>>) {add = true}
      %dma_start3A_1416 = arith.constant 0 : i32
      %dma_start3A_1417 = arith.constant 3 : i32
      %dma_start3A_1418 = arith.constant 384 : i32
      %dma_start3A_1419 = arith.constant 0 : i32
      %dma_start3A_1420 = tpu.memref_slice %arg10[%dma_start3A_1416, %dma_start3A_1418, %dma_start3A_1419] : memref<2x512x16xf32, #tpu.memory_space<vmem>> -> memref<1x128x16xf32, #tpu.memory_space<vmem>>
      %dma_start3A_1421 = tpu.memref_squeeze %dma_start3A_1420 : memref<1x128x16xf32, #tpu.memory_space<vmem>> -> memref<128x16xf32, #tpu.memory_space<vmem>>
      %dma_start3A_1422 = arith.constant 0 : i32
      %dma_start3A_1423 = tpu.memref_slice %arg9[%dma_start3A_1417, %dma_start3A_1422] : memref<20x128xi32, #tpu.memory_space<vmem>> -> memref<1x128xi32, #tpu.memory_space<vmem>>
      %dma_start3A_1424 = tpu.memref_squeeze %dma_start3A_1423 : memref<1x128xi32, #tpu.memory_space<vmem>> -> memref<128xi32, #tpu.memory_space<vmem>>
      %dma_start3A_1425 = arith.constant 0 : i32
      %dma_start3A_1426 = arith.constant 0 : i32
      %dma_start3A_1427 = tpu.memref_slice %arg5[%dma_start3A_1425, %dma_start3A_1426] : memref<100352x16xf32, #tpu.memory_space<vmem_shared>> -> memref<100352x16xf32, #tpu.memory_space<vmem_shared>>
      tpu.enqueue_indirect_dma source(%dma_start3A_1421 : memref<128x16xf32, #tpu.memory_space<vmem>>) target(%dma_start3A_1427 : memref<100352x16xf32, #tpu.memory_space<vmem_shared>>) offsets(%dma_start3A_1424 : memref<128xi32, #tpu.memory_space<vmem>>) semaphore(%arg15 : memref<!tpu.dma_semaphore, #tpu.memory_space<semaphore_mem>>) {add = true}
      %scan3A_1428 = arith.constant 0 : i32
      %scan3A_1429 = arith.constant 8 : i32
      %scan3A_1430 = arith.addi %scan3A_1428, %scan3A_1429 : i32
      %scan3A_1431 = arith.constant 1 : i32
      scf.for %scan3A_2256 = %scan3A_1428 to %scan3A_1430 step %scan3A_1431  : i32 {
        %mul3A_2257 = arith.constant 1 : i32
        %mul3A_2258 = arith.muli %scan3A_2256, %mul3A_2257 : i32
        %add3A_2259 = arith.constant 0 : i32
        %add3A_2260 = arith.addi %add3A_2259, %mul3A_2258 : i32
        %mul3A_2261 = arith.constant 16 : i32
        %mul3A_2262 = arith.muli %add3A_2260, %mul3A_2261 : i32
        %get3A = arith.constant 8 : i32
        %get3A_2263 = arith.index_cast %get3A : i32 to index
        %get3A_2264 = arith.index_cast %mul3A_2262 : i32 to index
        %get3A_2265 = tpu.vector_load %arg8[%get3A_2263, %get3A_2264] {strides = array<i32>} : memref<20x128xi32, #tpu.memory_space<vmem>>, vector<1x16xi32>,
        %get3A_2266 = vector.shape_cast %get3A_2265 : vector<1x16xi32> to vector<16xi32>
        %add3A_2267 = arith.addi %get3A_2266, %get3A_2266 : vector<16xi32>
        %add3A_2268 = arith.addi %add3A_2267, %add3A_38 : vector<16xi32>
        %mul3A_2269 = arith.constant 16 : i32
        %mul3A_2270 = arith.muli %add3A_2260, %mul3A_2269 : i32
        %swap3A = arith.constant 8 : i32
        %swap3A_2271 = arith.index_cast %swap3A : i32 to index
        %swap3A_2272 = arith.index_cast %mul3A_2270 : i32 to index
        %swap3A_2273 = tpu.vector_load %arg8[%swap3A_2271, %swap3A_2272] {strides = array<i32>} : memref<20x128xi32, #tpu.memory_space<vmem>>, vector<1x16xi32>,
        %swap3A_2274 = vector.shape_cast %swap3A_2273 : vector<1x16xi32> to vector<16xi32>
        %swap3A_2275 = vector.shape_cast %add3A_2268 : vector<16xi32> to vector<1x16xi32>
        tpu.vector_store %arg8[%swap3A_2271, %swap3A_2272], %swap3A_2275 {strides = array<i32>} : memref<20x128xi32, #tpu.memory_space<vmem>>, vector<1x16xi32>,
      }
      %scan3A_1432 = arith.constant 8 : i32
      %scan3A_1433 = arith.constant 0 : i32
      %scan3A_1434 = arith.constant 8 : i32
      %scan3A_1435 = arith.addi %scan3A_1433, %scan3A_1434 : i32
      %scan3A_1436 = arith.constant 1 : i32
      scf.for %scan3A_2256 = %scan3A_1433 to %scan3A_1435 step %scan3A_1436  : i32 {
        %mul3A_2257 = arith.constant 1 : i32
        %mul3A_2258 = arith.muli %scan3A_2256, %mul3A_2257 : i32
        %add3A_2259 = arith.constant 0 : i32
        %add3A_2260 = arith.addi %add3A_2259, %mul3A_2258 : i32
        %mul3A_2261 = arith.constant 16 : i32
        %mul3A_2262 = arith.muli %add3A_2260, %mul3A_2261 : i32
        %get3A = arith.constant 9 : i32
        %get3A_2263 = arith.index_cast %get3A : i32 to index
        %get3A_2264 = arith.index_cast %mul3A_2262 : i32 to index
        %get3A_2265 = tpu.vector_load %arg8[%get3A_2263, %get3A_2264] {strides = array<i32>} : memref<20x128xi32, #tpu.memory_space<vmem>>, vector<1x16xi32>,
        %get3A_2266 = vector.shape_cast %get3A_2265 : vector<1x16xi32> to vector<16xi32>
        %add3A_2267 = arith.addi %get3A_2266, %get3A_2266 : vector<16xi32>
        %add3A_2268 = arith.addi %add3A_2267, %add3A_38 : vector<16xi32>
        %mul3A_2269 = arith.constant 16 : i32
        %mul3A_2270 = arith.muli %add3A_2260, %mul3A_2269 : i32
        %swap3A = arith.constant 9 : i32
        %swap3A_2271 = arith.index_cast %swap3A : i32 to index
        %swap3A_2272 = arith.index_cast %mul3A_2270 : i32 to index
        %swap3A_2273 = tpu.vector_load %arg8[%swap3A_2271, %swap3A_2272] {strides = array<i32>} : memref<20x128xi32, #tpu.memory_space<vmem>>, vector<1x16xi32>,
        %swap3A_2274 = vector.shape_cast %swap3A_2273 : vector<1x16xi32> to vector<16xi32>
        %swap3A_2275 = vector.shape_cast %add3A_2268 : vector<16xi32> to vector<1x16xi32>
        tpu.vector_store %arg8[%swap3A_2271, %swap3A_2272], %swap3A_2275 {strides = array<i32>} : memref<20x128xi32, #tpu.memory_space<vmem>>, vector<1x16xi32>,
      }
      %scan3A_1437 = arith.constant 8 : i32
      %scan3A_1438 = arith.constant 0 : i32
      %scan3A_1439 = arith.constant 8 : i32
      %scan3A_1440 = arith.addi %scan3A_1438, %scan3A_1439 : i32
      %scan3A_1441 = arith.constant 1 : i32
      scf.for %scan3A_2256 = %scan3A_1438 to %scan3A_1440 step %scan3A_1441  : i32 {
        %mul3A_2257 = arith.constant 1 : i32
        %mul3A_2258 = arith.muli %scan3A_2256, %mul3A_2257 : i32
        %add3A_2259 = arith.constant 0 : i32
        %add3A_2260 = arith.addi %add3A_2259, %mul3A_2258 : i32
        %mul3A_2261 = arith.constant 16 : i32
        %mul3A_2262 = arith.muli %add3A_2260, %mul3A_2261 : i32
        %get3A = arith.constant 10 : i32
        %get3A_2263 = arith.index_cast %get3A : i32 to index
        %get3A_2264 = arith.index_cast %mul3A_2262 : i32 to index
        %get3A_2265 = tpu.vector_load %arg8[%get3A_2263, %get3A_2264] {strides = array<i32>} : memref<20x128xi32, #tpu.memory_space<vmem>>, vector<1x16xi32>,
        %get3A_2266 = vector.shape_cast %get3A_2265 : vector<1x16xi32> to vector<16xi32>
        %add3A_2267 = arith.addi %get3A_2266, %get3A_2266 : vector<16xi32>
        %add3A_2268 = arith.addi %add3A_2267, %add3A_38 : vector<16xi32>
        %mul3A_2269 = arith.constant 16 : i32
        %mul3A_2270 = arith.muli %add3A_2260, %mul3A_2269 : i32
        %swap3A = arith.constant 10 : i32
        %swap3A_2271 = arith.index_cast %swap3A : i32 to index
        %swap3A_2272 = arith.index_cast %mul3A_2270 : i32 to index
        %swap3A_2273 = tpu.vector_load %arg8[%swap3A_2271, %swap3A_2272] {strides = array<i32>} : memref<20x128xi32, #tpu.memory_space<vmem>>, vector<1x16xi32>,
        %swap3A_2274 = vector.shape_cast %swap3A_2273 : vector<1x16xi32> to vector<16xi32>
        %swap3A_2275 = vector.shape_cast %add3A_2268 : vector<16xi32> to vector<1x16xi32>
        tpu.vector_store %arg8[%swap3A_2271, %swap3A_2272], %swap3A_2275 {strides = array<i32>} : memref<20x128xi32, #tpu.memory_space<vmem>>, vector<1x16xi32>,
      }
      %scan3A_1442 = arith.constant 8 : i32
      %scan3A_1443 = arith.constant 0 : i32
      %scan3A_1444 = arith.constant 8 : i32
      %scan3A_1445 = arith.addi %scan3A_1443, %scan3A_1444 : i32
      %scan3A_1446 = arith.constant 1 : i32
      scf.for %scan3A_2256 = %scan3A_1443 to %scan3A_1445 step %scan3A_1446  : i32 {
        %mul3A_2257 = arith.constant 1 : i32
        %mul3A_2258 = arith.muli %scan3A_2256, %mul3A_2257 : i32
        %add3A_2259 = arith.constant 0 : i32
        %add3A_2260 = arith.addi %add3A_2259, %mul3A_2258 : i32
        %mul3A_2261 = arith.constant 16 : i32
        %mul3A_2262 = arith.muli %add3A_2260, %mul3A_2261 : i32
        %get3A = arith.constant 11 : i32
        %get3A_2263 = arith.index_cast %get3A : i32 to index
        %get3A_2264 = arith.index_cast %mul3A_2262 : i32 to index
        %get3A_2265 = tpu.vector_load %arg8[%get3A_2263, %get3A_2264] {strides = array<i32>} : memref<20x128xi32, #tpu.memory_space<vmem>>, vector<1x16xi32>,
        %get3A_2266 = vector.shape_cast %get3A_2265 : vector<1x16xi32> to vector<16xi32>
        %add3A_2267 = arith.addi %get3A_2266, %get3A_2266 : vector<16xi32>
        %add3A_2268 = arith.addi %add3A_2267, %add3A_38 : vector<16xi32>
        %mul3A_2269 = arith.constant 16 : i32
        %mul3A_2270 = arith.muli %add3A_2260, %mul3A_2269 : i32
        %swap3A = arith.constant 11 : i32
        %swap3A_2271 = arith.index_cast %swap3A : i32 to index
        %swap3A_2272 = arith.index_cast %mul3A_2270 : i32 to index
        %swap3A_2273 = tpu.vector_load %arg8[%swap3A_2271, %swap3A_2272] {strides = array<i32>} : memref<20x128xi32, #tpu.memory_space<vmem>>, vector<1x16xi32>,
        %swap3A_2274 = vector.shape_cast %swap3A_2273 : vector<1x16xi32> to vector<16xi32>
        %swap3A_2275 = vector.shape_cast %add3A_2268 : vector<16xi32> to vector<1x16xi32>
        tpu.vector_store %arg8[%swap3A_2271, %swap3A_2272], %swap3A_2275 {strides = array<i32>} : memref<20x128xi32, #tpu.memory_space<vmem>>, vector<1x16xi32>,
      }
      %scan3A_1447 = arith.constant 8 : i32
      %dma_wait3A_1448 = arith.constant 0 : i32
      %dma_wait3A_1449 = arith.constant 0 : i32
      %dma_wait3A_1450 = arith.constant 0 : i32
      %dma_wait3A_1451 = arith.constant 0 : i32
      %dma_wait3A_1452 = tpu.memref_slice %arg10[%dma_wait3A_1448, %dma_wait3A_1450, %dma_wait3A_1451] : memref<2x512x16xf32, #tpu.memory_space<vmem>> -> memref<1x128x16xf32, #tpu.memory_space<vmem>>
      %dma_wait3A_1453 = tpu.memref_squeeze %dma_wait3A_1452 : memref<1x128x16xf32, #tpu.memory_space<vmem>> -> memref<128x16xf32, #tpu.memory_space<vmem>>
      %dma_wait3A_1454 = arith.constant 0 : i32
      %dma_wait3A_1455 = tpu.memref_slice %arg9[%dma_wait3A_1449, %dma_wait3A_1454] : memref<20x128xi32, #tpu.memory_space<vmem>> -> memref<1x128xi32, #tpu.memory_space<vmem>>
      %dma_wait3A_1456 = tpu.memref_squeeze %dma_wait3A_1455 : memref<1x128xi32, #tpu.memory_space<vmem>> -> memref<128xi32, #tpu.memory_space<vmem>>
      %dma_wait3A_1457 = arith.constant 0 : i32
      %dma_wait3A_1458 = arith.constant 0 : i32
      %dma_wait3A_1459 = tpu.memref_slice %arg5[%dma_wait3A_1457, %dma_wait3A_1458] : memref<100352x16xf32, #tpu.memory_space<vmem_shared>> -> memref<100352x16xf32, #tpu.memory_space<vmem_shared>>
      tpu.wait_indirect_dma semaphore(%arg15 : memref<!tpu.dma_semaphore, #tpu.memory_space<semaphore_mem>>) src(%dma_wait3A_1453 : memref<128x16xf32, #tpu.memory_space<vmem>>) dst(%dma_wait3A_1459 : memref<100352x16xf32, #tpu.memory_space<vmem_shared>>)
      %dma_wait3A_1460 = arith.constant 0 : i32
      %dma_wait3A_1461 = arith.constant 1 : i32
      %dma_wait3A_1462 = arith.constant 128 : i32
      %dma_wait3A_1463 = arith.constant 0 : i32
      %dma_wait3A_1464 = tpu.memref_slice %arg10[%dma_wait3A_1460, %dma_wait3A_1462, %dma_wait3A_1463] : memref<2x512x16xf32, #tpu.memory_space<vmem>> -> memref<1x128x16xf32, #tpu.memory_space<vmem>>
      %dma_wait3A_1465 = tpu.memref_squeeze %dma_wait3A_1464 : memref<1x128x16xf32, #tpu.memory_space<vmem>> -> memref<128x16xf32, #tpu.memory_space<vmem>>
      %dma_wait3A_1466 = arith.constant 0 : i32
      %dma_wait3A_1467 = tpu.memref_slice %arg9[%dma_wait3A_1461, %dma_wait3A_1466] : memref<20x128xi32, #tpu.memory_space<vmem>> -> memref<1x128xi32, #tpu.memory_space<vmem>>
      %dma_wait3A_1468 = tpu.memref_squeeze %dma_wait3A_1467 : memref<1x128xi32, #tpu.memory_space<vmem>> -> memref<128xi32, #tpu.memory_space<vmem>>
      %dma_wait3A_1469 = arith.constant 0 : i32
      %dma_wait3A_1470 = arith.constant 0 : i32
      %dma_wait3A_1471 = tpu.memref_slice %arg5[%dma_wait3A_1469, %dma_wait3A_1470] : memref<100352x16xf32, #tpu.memory_space<vmem_shared>> -> memref<100352x16xf32, #tpu.memory_space<vmem_shared>>
      tpu.wait_indirect_dma semaphore(%arg15 : memref<!tpu.dma_semaphore, #tpu.memory_space<semaphore_mem>>) src(%dma_wait3A_1465 : memref<128x16xf32, #tpu.memory_space<vmem>>) dst(%dma_wait3A_1471 : memref<100352x16xf32, #tpu.memory_space<vmem_shared>>)
      %dma_wait3A_1472 = arith.constant 0 : i32
      %dma_wait3A_1473 = arith.constant 2 : i32
      %dma_wait3A_1474 = arith.constant 256 : i32
      %dma_wait3A_1475 = arith.constant 0 : i32
      %dma_wait3A_1476 = tpu.memref_slice %arg10[%dma_wait3A_1472, %dma_wait3A_1474, %dma_wait3A_1475] : memref<2x512x16xf32, #tpu.memory_space<vmem>> -> memref<1x128x16xf32, #tpu.memory_space<vmem>>
      %dma_wait3A_1477 = tpu.memref_squeeze %dma_wait3A_1476 : memref<1x128x16xf32, #tpu.memory_space<vmem>> -> memref<128x16xf32, #tpu.memory_space<vmem>>
      %dma_wait3A_1478 = arith.constant 0 : i32
      %dma_wait3A_1479 = tpu.memref_slice %arg9[%dma_wait3A_1473, %dma_wait3A_1478] : memref<20x128xi32, #tpu.memory_space<vmem>> -> memref<1x128xi32, #tpu.memory_space<vmem>>
      %dma_wait3A_1480 = tpu.memref_squeeze %dma_wait3A_1479 : memref<1x128xi32, #tpu.memory_space<vmem>> -> memref<128xi32, #tpu.memory_space<vmem>>
      %dma_wait3A_1481 = arith.constant 0 : i32
      %dma_wait3A_1482 = arith.constant 0 : i32
      %dma_wait3A_1483 = tpu.memref_slice %arg5[%dma_wait3A_1481, %dma_wait3A_1482] : memref<100352x16xf32, #tpu.memory_space<vmem_shared>> -> memref<100352x16xf32, #tpu.memory_space<vmem_shared>>
      tpu.wait_indirect_dma semaphore(%arg15 : memref<!tpu.dma_semaphore, #tpu.memory_space<semaphore_mem>>) src(%dma_wait3A_1477 : memref<128x16xf32, #tpu.memory_space<vmem>>) dst(%dma_wait3A_1483 : memref<100352x16xf32, #tpu.memory_space<vmem_shared>>)
      %dma_wait3A_1484 = arith.constant 0 : i32
      %dma_wait3A_1485 = arith.constant 3 : i32
      %dma_wait3A_1486 = arith.constant 384 : i32
      %dma_wait3A_1487 = arith.constant 0 : i32
      %dma_wait3A_1488 = tpu.memref_slice %arg10[%dma_wait3A_1484, %dma_wait3A_1486, %dma_wait3A_1487] : memref<2x512x16xf32, #tpu.memory_space<vmem>> -> memref<1x128x16xf32, #tpu.memory_space<vmem>>
      %dma_wait3A_1489 = tpu.memref_squeeze %dma_wait3A_1488 : memref<1x128x16xf32, #tpu.memory_space<vmem>> -> memref<128x16xf32, #tpu.memory_space<vmem>>
      %dma_wait3A_1490 = arith.constant 0 : i32
      %dma_wait3A_1491 = tpu.memref_slice %arg9[%dma_wait3A_1485, %dma_wait3A_1490] : memref<20x128xi32, #tpu.memory_space<vmem>> -> memref<1x128xi32, #tpu.memory_space<vmem>>
      %dma_wait3A_1492 = tpu.memref_squeeze %dma_wait3A_1491 : memref<1x128xi32, #tpu.memory_space<vmem>> -> memref<128xi32, #tpu.memory_space<vmem>>
      %dma_wait3A_1493 = arith.constant 0 : i32
      %dma_wait3A_1494 = arith.constant 0 : i32
      %dma_wait3A_1495 = tpu.memref_slice %arg5[%dma_wait3A_1493, %dma_wait3A_1494] : memref<100352x16xf32, #tpu.memory_space<vmem_shared>> -> memref<100352x16xf32, #tpu.memory_space<vmem_shared>>
      tpu.wait_indirect_dma semaphore(%arg15 : memref<!tpu.dma_semaphore, #tpu.memory_space<semaphore_mem>>) src(%dma_wait3A_1489 : memref<128x16xf32, #tpu.memory_space<vmem>>) dst(%dma_wait3A_1495 : memref<100352x16xf32, #tpu.memory_space<vmem_shared>>)
      %dma_start3A_1496 = arith.constant 8 : i32
      %dma_start3A_1497 = arith.constant 0 : i32
      %dma_start3A_1498 = arith.constant 0 : i32
      %dma_start3A_1499 = arith.constant 0 : i32
      %dma_start3A_1500 = tpu.memref_slice %arg10[%dma_start3A_1497, %dma_start3A_1498, %dma_start3A_1499] : memref<2x512x16xf32, #tpu.memory_space<vmem>> -> memref<1x128x16xf32, #tpu.memory_space<vmem>>
      %dma_start3A_1501 = tpu.memref_squeeze %dma_start3A_1500 : memref<1x128x16xf32, #tpu.memory_space<vmem>> -> memref<128x16xf32, #tpu.memory_space<vmem>>
      %dma_start3A_1502 = arith.constant 0 : i32
      %dma_start3A_1503 = tpu.memref_slice %arg8[%dma_start3A_1496, %dma_start3A_1502] : memref<20x128xi32, #tpu.memory_space<vmem>> -> memref<1x128xi32, #tpu.memory_space<vmem>>
      %dma_start3A_1504 = tpu.memref_squeeze %dma_start3A_1503 : memref<1x128xi32, #tpu.memory_space<vmem>> -> memref<128xi32, #tpu.memory_space<vmem>>
      %dma_start3A_1505 = arith.constant 0 : i32
      %dma_start3A_1506 = arith.constant 0 : i32
      %dma_start3A_1507 = tpu.memref_slice %arg2[%dma_start3A_1505, %dma_start3A_1506] : memref<200002x16xf32, #tpu.memory_space<hbm>> -> memref<200002x16xf32, #tpu.memory_space<hbm>>
      tpu.enqueue_indirect_dma source(%dma_start3A_1507 : memref<200002x16xf32, #tpu.memory_space<hbm>>) target(%dma_start3A_1501 : memref<128x16xf32, #tpu.memory_space<vmem>>) offsets(%dma_start3A_1504 : memref<128xi32, #tpu.memory_space<vmem>>) semaphore(%arg11 : memref<!tpu.dma_semaphore, #tpu.memory_space<semaphore_mem>>)
      %dma_start3A_1508 = arith.constant 9 : i32
      %dma_start3A_1509 = arith.constant 0 : i32
      %dma_start3A_1510 = arith.constant 128 : i32
      %dma_start3A_1511 = arith.constant 0 : i32
      %dma_start3A_1512 = tpu.memref_slice %arg10[%dma_start3A_1509, %dma_start3A_1510, %dma_start3A_1511] : memref<2x512x16xf32, #tpu.memory_space<vmem>> -> memref<1x128x16xf32, #tpu.memory_space<vmem>>
      %dma_start3A_1513 = tpu.memref_squeeze %dma_start3A_1512 : memref<1x128x16xf32, #tpu.memory_space<vmem>> -> memref<128x16xf32, #tpu.memory_space<vmem>>
      %dma_start3A_1514 = arith.constant 0 : i32
      %dma_start3A_1515 = tpu.memref_slice %arg8[%dma_start3A_1508, %dma_start3A_1514] : memref<20x128xi32, #tpu.memory_space<vmem>> -> memref<1x128xi32, #tpu.memory_space<vmem>>
      %dma_start3A_1516 = tpu.memref_squeeze %dma_start3A_1515 : memref<1x128xi32, #tpu.memory_space<vmem>> -> memref<128xi32, #tpu.memory_space<vmem>>
      %dma_start3A_1517 = arith.constant 0 : i32
      %dma_start3A_1518 = arith.constant 0 : i32
      %dma_start3A_1519 = tpu.memref_slice %arg2[%dma_start3A_1517, %dma_start3A_1518] : memref<200002x16xf32, #tpu.memory_space<hbm>> -> memref<200002x16xf32, #tpu.memory_space<hbm>>
      tpu.enqueue_indirect_dma source(%dma_start3A_1519 : memref<200002x16xf32, #tpu.memory_space<hbm>>) target(%dma_start3A_1513 : memref<128x16xf32, #tpu.memory_space<vmem>>) offsets(%dma_start3A_1516 : memref<128xi32, #tpu.memory_space<vmem>>) semaphore(%arg11 : memref<!tpu.dma_semaphore, #tpu.memory_space<semaphore_mem>>)
      %dma_start3A_1520 = arith.constant 10 : i32
      %dma_start3A_1521 = arith.constant 0 : i32
      %dma_start3A_1522 = arith.constant 256 : i32
      %dma_start3A_1523 = arith.constant 0 : i32
      %dma_start3A_1524 = tpu.memref_slice %arg10[%dma_start3A_1521, %dma_start3A_1522, %dma_start3A_1523] : memref<2x512x16xf32, #tpu.memory_space<vmem>> -> memref<1x128x16xf32, #tpu.memory_space<vmem>>
      %dma_start3A_1525 = tpu.memref_squeeze %dma_start3A_1524 : memref<1x128x16xf32, #tpu.memory_space<vmem>> -> memref<128x16xf32, #tpu.memory_space<vmem>>
      %dma_start3A_1526 = arith.constant 0 : i32
      %dma_start3A_1527 = tpu.memref_slice %arg8[%dma_start3A_1520, %dma_start3A_1526] : memref<20x128xi32, #tpu.memory_space<vmem>> -> memref<1x128xi32, #tpu.memory_space<vmem>>
      %dma_start3A_1528 = tpu.memref_squeeze %dma_start3A_1527 : memref<1x128xi32, #tpu.memory_space<vmem>> -> memref<128xi32, #tpu.memory_space<vmem>>
      %dma_start3A_1529 = arith.constant 0 : i32
      %dma_start3A_1530 = arith.constant 0 : i32
      %dma_start3A_1531 = tpu.memref_slice %arg2[%dma_start3A_1529, %dma_start3A_1530] : memref<200002x16xf32, #tpu.memory_space<hbm>> -> memref<200002x16xf32, #tpu.memory_space<hbm>>
      tpu.enqueue_indirect_dma source(%dma_start3A_1531 : memref<200002x16xf32, #tpu.memory_space<hbm>>) target(%dma_start3A_1525 : memref<128x16xf32, #tpu.memory_space<vmem>>) offsets(%dma_start3A_1528 : memref<128xi32, #tpu.memory_space<vmem>>) semaphore(%arg11 : memref<!tpu.dma_semaphore, #tpu.memory_space<semaphore_mem>>)
      %dma_start3A_1532 = arith.constant 11 : i32
      %dma_start3A_1533 = arith.constant 0 : i32
      %dma_start3A_1534 = arith.constant 384 : i32
      %dma_start3A_1535 = arith.constant 0 : i32
      %dma_start3A_1536 = tpu.memref_slice %arg10[%dma_start3A_1533, %dma_start3A_1534, %dma_start3A_1535] : memref<2x512x16xf32, #tpu.memory_space<vmem>> -> memref<1x128x16xf32, #tpu.memory_space<vmem>>
      %dma_start3A_1537 = tpu.memref_squeeze %dma_start3A_1536 : memref<1x128x16xf32, #tpu.memory_space<vmem>> -> memref<128x16xf32, #tpu.memory_space<vmem>>
      %dma_start3A_1538 = arith.constant 0 : i32
      %dma_start3A_1539 = tpu.memref_slice %arg8[%dma_start3A_1532, %dma_start3A_1538] : memref<20x128xi32, #tpu.memory_space<vmem>> -> memref<1x128xi32, #tpu.memory_space<vmem>>
      %dma_start3A_1540 = tpu.memref_squeeze %dma_start3A_1539 : memref<1x128xi32, #tpu.memory_space<vmem>> -> memref<128xi32, #tpu.memory_space<vmem>>
      %dma_start3A_1541 = arith.constant 0 : i32
      %dma_start3A_1542 = arith.constant 0 : i32
      %dma_start3A_1543 = tpu.memref_slice %arg2[%dma_start3A_1541, %dma_start3A_1542] : memref<200002x16xf32, #tpu.memory_space<hbm>> -> memref<200002x16xf32, #tpu.memory_space<hbm>>
      tpu.enqueue_indirect_dma source(%dma_start3A_1543 : memref<200002x16xf32, #tpu.memory_space<hbm>>) target(%dma_start3A_1537 : memref<128x16xf32, #tpu.memory_space<vmem>>) offsets(%dma_start3A_1540 : memref<128xi32, #tpu.memory_space<vmem>>) semaphore(%arg11 : memref<!tpu.dma_semaphore, #tpu.memory_space<semaphore_mem>>)
      %dma_wait3A_1544 = arith.constant 4 : i32
      %dma_wait3A_1545 = arith.constant 1 : i32
      %dma_wait3A_1546 = arith.constant 0 : i32
      %dma_wait3A_1547 = arith.constant 0 : i32
      %dma_wait3A_1548 = tpu.memref_slice %arg10[%dma_wait3A_1545, %dma_wait3A_1546, %dma_wait3A_1547] : memref<2x512x16xf32, #tpu.memory_space<vmem>> -> memref<1x128x16xf32, #tpu.memory_space<vmem>>
      %dma_wait3A_1549 = tpu.memref_squeeze %dma_wait3A_1548 : memref<1x128x16xf32, #tpu.memory_space<vmem>> -> memref<128x16xf32, #tpu.memory_space<vmem>>
      %dma_wait3A_1550 = arith.constant 0 : i32
      %dma_wait3A_1551 = tpu.memref_slice %arg8[%dma_wait3A_1544, %dma_wait3A_1550] : memref<20x128xi32, #tpu.memory_space<vmem>> -> memref<1x128xi32, #tpu.memory_space<vmem>>
      %dma_wait3A_1552 = tpu.memref_squeeze %dma_wait3A_1551 : memref<1x128xi32, #tpu.memory_space<vmem>> -> memref<128xi32, #tpu.memory_space<vmem>>
      %dma_wait3A_1553 = arith.constant 0 : i32
      %dma_wait3A_1554 = arith.constant 0 : i32
      %dma_wait3A_1555 = tpu.memref_slice %arg2[%dma_wait3A_1553, %dma_wait3A_1554] : memref<200002x16xf32, #tpu.memory_space<hbm>> -> memref<200002x16xf32, #tpu.memory_space<hbm>>
      tpu.wait_indirect_dma semaphore(%arg12 : memref<!tpu.dma_semaphore, #tpu.memory_space<semaphore_mem>>) src(%dma_wait3A_1555 : memref<200002x16xf32, #tpu.memory_space<hbm>>) dst(%dma_wait3A_1549 : memref<128x16xf32, #tpu.memory_space<vmem>>)
      %dma_wait3A_1556 = arith.constant 5 : i32
      %dma_wait3A_1557 = arith.constant 1 : i32
      %dma_wait3A_1558 = arith.constant 128 : i32
      %dma_wait3A_1559 = arith.constant 0 : i32
      %dma_wait3A_1560 = tpu.memref_slice %arg10[%dma_wait3A_1557, %dma_wait3A_1558, %dma_wait3A_1559] : memref<2x512x16xf32, #tpu.memory_space<vmem>> -> memref<1x128x16xf32, #tpu.memory_space<vmem>>
      %dma_wait3A_1561 = tpu.memref_squeeze %dma_wait3A_1560 : memref<1x128x16xf32, #tpu.memory_space<vmem>> -> memref<128x16xf32, #tpu.memory_space<vmem>>
      %dma_wait3A_1562 = arith.constant 0 : i32
      %dma_wait3A_1563 = tpu.memref_slice %arg8[%dma_wait3A_1556, %dma_wait3A_1562] : memref<20x128xi32, #tpu.memory_space<vmem>> -> memref<1x128xi32, #tpu.memory_space<vmem>>
      %dma_wait3A_1564 = tpu.memref_squeeze %dma_wait3A_1563 : memref<1x128xi32, #tpu.memory_space<vmem>> -> memref<128xi32, #tpu.memory_space<vmem>>
      %dma_wait3A_1565 = arith.constant 0 : i32
      %dma_wait3A_1566 = arith.constant 0 : i32
      %dma_wait3A_1567 = tpu.memref_slice %arg2[%dma_wait3A_1565, %dma_wait3A_1566] : memref<200002x16xf32, #tpu.memory_space<hbm>> -> memref<200002x16xf32, #tpu.memory_space<hbm>>
      tpu.wait_indirect_dma semaphore(%arg12 : memref<!tpu.dma_semaphore, #tpu.memory_space<semaphore_mem>>) src(%dma_wait3A_1567 : memref<200002x16xf32, #tpu.memory_space<hbm>>) dst(%dma_wait3A_1561 : memref<128x16xf32, #tpu.memory_space<vmem>>)
      %dma_wait3A_1568 = arith.constant 6 : i32
      %dma_wait3A_1569 = arith.constant 1 : i32
      %dma_wait3A_1570 = arith.constant 256 : i32
      %dma_wait3A_1571 = arith.constant 0 : i32
      %dma_wait3A_1572 = tpu.memref_slice %arg10[%dma_wait3A_1569, %dma_wait3A_1570, %dma_wait3A_1571] : memref<2x512x16xf32, #tpu.memory_space<vmem>> -> memref<1x128x16xf32, #tpu.memory_space<vmem>>
      %dma_wait3A_1573 = tpu.memref_squeeze %dma_wait3A_1572 : memref<1x128x16xf32, #tpu.memory_space<vmem>> -> memref<128x16xf32, #tpu.memory_space<vmem>>
      %dma_wait3A_1574 = arith.constant 0 : i32
      %dma_wait3A_1575 = tpu.memref_slice %arg8[%dma_wait3A_1568, %dma_wait3A_1574] : memref<20x128xi32, #tpu.memory_space<vmem>> -> memref<1x128xi32, #tpu.memory_space<vmem>>
      %dma_wait3A_1576 = tpu.memref_squeeze %dma_wait3A_1575 : memref<1x128xi32, #tpu.memory_space<vmem>> -> memref<128xi32, #tpu.memory_space<vmem>>
      %dma_wait3A_1577 = arith.constant 0 : i32
      %dma_wait3A_1578 = arith.constant 0 : i32
      %dma_wait3A_1579 = tpu.memref_slice %arg2[%dma_wait3A_1577, %dma_wait3A_1578] : memref<200002x16xf32, #tpu.memory_space<hbm>> -> memref<200002x16xf32, #tpu.memory_space<hbm>>
      tpu.wait_indirect_dma semaphore(%arg12 : memref<!tpu.dma_semaphore, #tpu.memory_space<semaphore_mem>>) src(%dma_wait3A_1579 : memref<200002x16xf32, #tpu.memory_space<hbm>>) dst(%dma_wait3A_1573 : memref<128x16xf32, #tpu.memory_space<vmem>>)
      %dma_wait3A_1580 = arith.constant 7 : i32
      %dma_wait3A_1581 = arith.constant 1 : i32
      %dma_wait3A_1582 = arith.constant 384 : i32
      %dma_wait3A_1583 = arith.constant 0 : i32
      %dma_wait3A_1584 = tpu.memref_slice %arg10[%dma_wait3A_1581, %dma_wait3A_1582, %dma_wait3A_1583] : memref<2x512x16xf32, #tpu.memory_space<vmem>> -> memref<1x128x16xf32, #tpu.memory_space<vmem>>
      %dma_wait3A_1585 = tpu.memref_squeeze %dma_wait3A_1584 : memref<1x128x16xf32, #tpu.memory_space<vmem>> -> memref<128x16xf32, #tpu.memory_space<vmem>>
      %dma_wait3A_1586 = arith.constant 0 : i32
      %dma_wait3A_1587 = tpu.memref_slice %arg8[%dma_wait3A_1580, %dma_wait3A_1586] : memref<20x128xi32, #tpu.memory_space<vmem>> -> memref<1x128xi32, #tpu.memory_space<vmem>>
      %dma_wait3A_1588 = tpu.memref_squeeze %dma_wait3A_1587 : memref<1x128xi32, #tpu.memory_space<vmem>> -> memref<128xi32, #tpu.memory_space<vmem>>
      %dma_wait3A_1589 = arith.constant 0 : i32
      %dma_wait3A_1590 = arith.constant 0 : i32
      %dma_wait3A_1591 = tpu.memref_slice %arg2[%dma_wait3A_1589, %dma_wait3A_1590] : memref<200002x16xf32, #tpu.memory_space<hbm>> -> memref<200002x16xf32, #tpu.memory_space<hbm>>
      tpu.wait_indirect_dma semaphore(%arg12 : memref<!tpu.dma_semaphore, #tpu.memory_space<semaphore_mem>>) src(%dma_wait3A_1591 : memref<200002x16xf32, #tpu.memory_space<hbm>>) dst(%dma_wait3A_1585 : memref<128x16xf32, #tpu.memory_space<vmem>>)
      %dma_start3A_1592 = arith.constant 1 : i32
      %dma_start3A_1593 = arith.constant 4 : i32
      %dma_start3A_1594 = arith.constant 0 : i32
      %dma_start3A_1595 = arith.constant 0 : i32
      %dma_start3A_1596 = tpu.memref_slice %arg10[%dma_start3A_1592, %dma_start3A_1594, %dma_start3A_1595] : memref<2x512x16xf32, #tpu.memory_space<vmem>> -> memref<1x128x16xf32, #tpu.memory_space<vmem>>
      %dma_start3A_1597 = tpu.memref_squeeze %dma_start3A_1596 : memref<1x128x16xf32, #tpu.memory_space<vmem>> -> memref<128x16xf32, #tpu.memory_space<vmem>>
      %dma_start3A_1598 = arith.constant 0 : i32
      %dma_start3A_1599 = tpu.memref_slice %arg9[%dma_start3A_1593, %dma_start3A_1598] : memref<20x128xi32, #tpu.memory_space<vmem>> -> memref<1x128xi32, #tpu.memory_space<vmem>>
      %dma_start3A_1600 = tpu.memref_squeeze %dma_start3A_1599 : memref<1x128xi32, #tpu.memory_space<vmem>> -> memref<128xi32, #tpu.memory_space<vmem>>
      %dma_start3A_1601 = arith.constant 0 : i32
      %dma_start3A_1602 = arith.constant 0 : i32
      %dma_start3A_1603 = tpu.memref_slice %arg5[%dma_start3A_1601, %dma_start3A_1602] : memref<100352x16xf32, #tpu.memory_space<vmem_shared>> -> memref<100352x16xf32, #tpu.memory_space<vmem_shared>>
      tpu.enqueue_indirect_dma source(%dma_start3A_1597 : memref<128x16xf32, #tpu.memory_space<vmem>>) target(%dma_start3A_1603 : memref<100352x16xf32, #tpu.memory_space<vmem_shared>>) offsets(%dma_start3A_1600 : memref<128xi32, #tpu.memory_space<vmem>>) semaphore(%arg16 : memref<!tpu.dma_semaphore, #tpu.memory_space<semaphore_mem>>) {add = true}
      %dma_start3A_1604 = arith.constant 1 : i32
      %dma_start3A_1605 = arith.constant 5 : i32
      %dma_start3A_1606 = arith.constant 128 : i32
      %dma_start3A_1607 = arith.constant 0 : i32
      %dma_start3A_1608 = tpu.memref_slice %arg10[%dma_start3A_1604, %dma_start3A_1606, %dma_start3A_1607] : memref<2x512x16xf32, #tpu.memory_space<vmem>> -> memref<1x128x16xf32, #tpu.memory_space<vmem>>
      %dma_start3A_1609 = tpu.memref_squeeze %dma_start3A_1608 : memref<1x128x16xf32, #tpu.memory_space<vmem>> -> memref<128x16xf32, #tpu.memory_space<vmem>>
      %dma_start3A_1610 = arith.constant 0 : i32
      %dma_start3A_1611 = tpu.memref_slice %arg9[%dma_start3A_1605, %dma_start3A_1610] : memref<20x128xi32, #tpu.memory_space<vmem>> -> memref<1x128xi32, #tpu.memory_space<vmem>>
      %dma_start3A_1612 = tpu.memref_squeeze %dma_start3A_1611 : memref<1x128xi32, #tpu.memory_space<vmem>> -> memref<128xi32, #tpu.memory_space<vmem>>
      %dma_start3A_1613 = arith.constant 0 : i32
      %dma_start3A_1614 = arith.constant 0 : i32
      %dma_start3A_1615 = tpu.memref_slice %arg5[%dma_start3A_1613, %dma_start3A_1614] : memref<100352x16xf32, #tpu.memory_space<vmem_shared>> -> memref<100352x16xf32, #tpu.memory_space<vmem_shared>>
      tpu.enqueue_indirect_dma source(%dma_start3A_1609 : memref<128x16xf32, #tpu.memory_space<vmem>>) target(%dma_start3A_1615 : memref<100352x16xf32, #tpu.memory_space<vmem_shared>>) offsets(%dma_start3A_1612 : memref<128xi32, #tpu.memory_space<vmem>>) semaphore(%arg16 : memref<!tpu.dma_semaphore, #tpu.memory_space<semaphore_mem>>) {add = true}
      %dma_start3A_1616 = arith.constant 1 : i32
      %dma_start3A_1617 = arith.constant 6 : i32
      %dma_start3A_1618 = arith.constant 256 : i32
      %dma_start3A_1619 = arith.constant 0 : i32
      %dma_start3A_1620 = tpu.memref_slice %arg10[%dma_start3A_1616, %dma_start3A_1618, %dma_start3A_1619] : memref<2x512x16xf32, #tpu.memory_space<vmem>> -> memref<1x128x16xf32, #tpu.memory_space<vmem>>
      %dma_start3A_1621 = tpu.memref_squeeze %dma_start3A_1620 : memref<1x128x16xf32, #tpu.memory_space<vmem>> -> memref<128x16xf32, #tpu.memory_space<vmem>>
      %dma_start3A_1622 = arith.constant 0 : i32
      %dma_start3A_1623 = tpu.memref_slice %arg9[%dma_start3A_1617, %dma_start3A_1622] : memref<20x128xi32, #tpu.memory_space<vmem>> -> memref<1x128xi32, #tpu.memory_space<vmem>>
      %dma_start3A_1624 = tpu.memref_squeeze %dma_start3A_1623 : memref<1x128xi32, #tpu.memory_space<vmem>> -> memref<128xi32, #tpu.memory_space<vmem>>
      %dma_start3A_1625 = arith.constant 0 : i32
      %dma_start3A_1626 = arith.constant 0 : i32
      %dma_start3A_1627 = tpu.memref_slice %arg5[%dma_start3A_1625, %dma_start3A_1626] : memref<100352x16xf32, #tpu.memory_space<vmem_shared>> -> memref<100352x16xf32, #tpu.memory_space<vmem_shared>>
      tpu.enqueue_indirect_dma source(%dma_start3A_1621 : memref<128x16xf32, #tpu.memory_space<vmem>>) target(%dma_start3A_1627 : memref<100352x16xf32, #tpu.memory_space<vmem_shared>>) offsets(%dma_start3A_1624 : memref<128xi32, #tpu.memory_space<vmem>>) semaphore(%arg16 : memref<!tpu.dma_semaphore, #tpu.memory_space<semaphore_mem>>) {add = true}
      %dma_start3A_1628 = arith.constant 1 : i32
      %dma_start3A_1629 = arith.constant 7 : i32
      %dma_start3A_1630 = arith.constant 384 : i32
      %dma_start3A_1631 = arith.constant 0 : i32
      %dma_start3A_1632 = tpu.memref_slice %arg10[%dma_start3A_1628, %dma_start3A_1630, %dma_start3A_1631] : memref<2x512x16xf32, #tpu.memory_space<vmem>> -> memref<1x128x16xf32, #tpu.memory_space<vmem>>
      %dma_start3A_1633 = tpu.memref_squeeze %dma_start3A_1632 : memref<1x128x16xf32, #tpu.memory_space<vmem>> -> memref<128x16xf32, #tpu.memory_space<vmem>>
      %dma_start3A_1634 = arith.constant 0 : i32
      %dma_start3A_1635 = tpu.memref_slice %arg9[%dma_start3A_1629, %dma_start3A_1634] : memref<20x128xi32, #tpu.memory_space<vmem>> -> memref<1x128xi32, #tpu.memory_space<vmem>>
      %dma_start3A_1636 = tpu.memref_squeeze %dma_start3A_1635 : memref<1x128xi32, #tpu.memory_space<vmem>> -> memref<128xi32, #tpu.memory_space<vmem>>
      %dma_start3A_1637 = arith.constant 0 : i32
      %dma_start3A_1638 = arith.constant 0 : i32
      %dma_start3A_1639 = tpu.memref_slice %arg5[%dma_start3A_1637, %dma_start3A_1638] : memref<100352x16xf32, #tpu.memory_space<vmem_shared>> -> memref<100352x16xf32, #tpu.memory_space<vmem_shared>>
      tpu.enqueue_indirect_dma source(%dma_start3A_1633 : memref<128x16xf32, #tpu.memory_space<vmem>>) target(%dma_start3A_1639 : memref<100352x16xf32, #tpu.memory_space<vmem_shared>>) offsets(%dma_start3A_1636 : memref<128xi32, #tpu.memory_space<vmem>>) semaphore(%arg16 : memref<!tpu.dma_semaphore, #tpu.memory_space<semaphore_mem>>) {add = true}
      %scan3A_1640 = arith.constant 0 : i32
      %scan3A_1641 = arith.constant 8 : i32
      %scan3A_1642 = arith.addi %scan3A_1640, %scan3A_1641 : i32
      %scan3A_1643 = arith.constant 1 : i32
      scf.for %scan3A_2256 = %scan3A_1640 to %scan3A_1642 step %scan3A_1643  : i32 {
        %mul3A_2257 = arith.constant 1 : i32
        %mul3A_2258 = arith.muli %scan3A_2256, %mul3A_2257 : i32
        %add3A_2259 = arith.constant 0 : i32
        %add3A_2260 = arith.addi %add3A_2259, %mul3A_2258 : i32
        %mul3A_2261 = arith.constant 16 : i32
        %mul3A_2262 = arith.muli %add3A_2260, %mul3A_2261 : i32
        %get3A = arith.constant 12 : i32
        %get3A_2263 = arith.index_cast %get3A : i32 to index
        %get3A_2264 = arith.index_cast %mul3A_2262 : i32 to index
        %get3A_2265 = tpu.vector_load %arg8[%get3A_2263, %get3A_2264] {strides = array<i32>} : memref<20x128xi32, #tpu.memory_space<vmem>>, vector<1x16xi32>,
        %get3A_2266 = vector.shape_cast %get3A_2265 : vector<1x16xi32> to vector<16xi32>
        %add3A_2267 = arith.addi %get3A_2266, %get3A_2266 : vector<16xi32>
        %add3A_2268 = arith.addi %add3A_2267, %add3A_38 : vector<16xi32>
        %mul3A_2269 = arith.constant 16 : i32
        %mul3A_2270 = arith.muli %add3A_2260, %mul3A_2269 : i32
        %swap3A = arith.constant 12 : i32
        %swap3A_2271 = arith.index_cast %swap3A : i32 to index
        %swap3A_2272 = arith.index_cast %mul3A_2270 : i32 to index
        %swap3A_2273 = tpu.vector_load %arg8[%swap3A_2271, %swap3A_2272] {strides = array<i32>} : memref<20x128xi32, #tpu.memory_space<vmem>>, vector<1x16xi32>,
        %swap3A_2274 = vector.shape_cast %swap3A_2273 : vector<1x16xi32> to vector<16xi32>
        %swap3A_2275 = vector.shape_cast %add3A_2268 : vector<16xi32> to vector<1x16xi32>
        tpu.vector_store %arg8[%swap3A_2271, %swap3A_2272], %swap3A_2275 {strides = array<i32>} : memref<20x128xi32, #tpu.memory_space<vmem>>, vector<1x16xi32>,
      }
      %scan3A_1644 = arith.constant 8 : i32
      %scan3A_1645 = arith.constant 0 : i32
      %scan3A_1646 = arith.constant 8 : i32
      %scan3A_1647 = arith.addi %scan3A_1645, %scan3A_1646 : i32
      %scan3A_1648 = arith.constant 1 : i32
      scf.for %scan3A_2256 = %scan3A_1645 to %scan3A_1647 step %scan3A_1648  : i32 {
        %mul3A_2257 = arith.constant 1 : i32
        %mul3A_2258 = arith.muli %scan3A_2256, %mul3A_2257 : i32
        %add3A_2259 = arith.constant 0 : i32
        %add3A_2260 = arith.addi %add3A_2259, %mul3A_2258 : i32
        %mul3A_2261 = arith.constant 16 : i32
        %mul3A_2262 = arith.muli %add3A_2260, %mul3A_2261 : i32
        %get3A = arith.constant 13 : i32
        %get3A_2263 = arith.index_cast %get3A : i32 to index
        %get3A_2264 = arith.index_cast %mul3A_2262 : i32 to index
        %get3A_2265 = tpu.vector_load %arg8[%get3A_2263, %get3A_2264] {strides = array<i32>} : memref<20x128xi32, #tpu.memory_space<vmem>>, vector<1x16xi32>,
        %get3A_2266 = vector.shape_cast %get3A_2265 : vector<1x16xi32> to vector<16xi32>
        %add3A_2267 = arith.addi %get3A_2266, %get3A_2266 : vector<16xi32>
        %add3A_2268 = arith.addi %add3A_2267, %add3A_38 : vector<16xi32>
        %mul3A_2269 = arith.constant 16 : i32
        %mul3A_2270 = arith.muli %add3A_2260, %mul3A_2269 : i32
        %swap3A = arith.constant 13 : i32
        %swap3A_2271 = arith.index_cast %swap3A : i32 to index
        %swap3A_2272 = arith.index_cast %mul3A_2270 : i32 to index
        %swap3A_2273 = tpu.vector_load %arg8[%swap3A_2271, %swap3A_2272] {strides = array<i32>} : memref<20x128xi32, #tpu.memory_space<vmem>>, vector<1x16xi32>,
        %swap3A_2274 = vector.shape_cast %swap3A_2273 : vector<1x16xi32> to vector<16xi32>
        %swap3A_2275 = vector.shape_cast %add3A_2268 : vector<16xi32> to vector<1x16xi32>
        tpu.vector_store %arg8[%swap3A_2271, %swap3A_2272], %swap3A_2275 {strides = array<i32>} : memref<20x128xi32, #tpu.memory_space<vmem>>, vector<1x16xi32>,
      }
      %scan3A_1649 = arith.constant 8 : i32
      %scan3A_1650 = arith.constant 0 : i32
      %scan3A_1651 = arith.constant 8 : i32
      %scan3A_1652 = arith.addi %scan3A_1650, %scan3A_1651 : i32
      %scan3A_1653 = arith.constant 1 : i32
      scf.for %scan3A_2256 = %scan3A_1650 to %scan3A_1652 step %scan3A_1653  : i32 {
        %mul3A_2257 = arith.constant 1 : i32
        %mul3A_2258 = arith.muli %scan3A_2256, %mul3A_2257 : i32
        %add3A_2259 = arith.constant 0 : i32
        %add3A_2260 = arith.addi %add3A_2259, %mul3A_2258 : i32
        %mul3A_2261 = arith.constant 16 : i32
        %mul3A_2262 = arith.muli %add3A_2260, %mul3A_2261 : i32
        %get3A = arith.constant 14 : i32
        %get3A_2263 = arith.index_cast %get3A : i32 to index
        %get3A_2264 = arith.index_cast %mul3A_2262 : i32 to index
        %get3A_2265 = tpu.vector_load %arg8[%get3A_2263, %get3A_2264] {strides = array<i32>} : memref<20x128xi32, #tpu.memory_space<vmem>>, vector<1x16xi32>,
        %get3A_2266 = vector.shape_cast %get3A_2265 : vector<1x16xi32> to vector<16xi32>
        %add3A_2267 = arith.addi %get3A_2266, %get3A_2266 : vector<16xi32>
        %add3A_2268 = arith.addi %add3A_2267, %add3A_38 : vector<16xi32>
        %mul3A_2269 = arith.constant 16 : i32
        %mul3A_2270 = arith.muli %add3A_2260, %mul3A_2269 : i32
        %swap3A = arith.constant 14 : i32
        %swap3A_2271 = arith.index_cast %swap3A : i32 to index
        %swap3A_2272 = arith.index_cast %mul3A_2270 : i32 to index
        %swap3A_2273 = tpu.vector_load %arg8[%swap3A_2271, %swap3A_2272] {strides = array<i32>} : memref<20x128xi32, #tpu.memory_space<vmem>>, vector<1x16xi32>,
        %swap3A_2274 = vector.shape_cast %swap3A_2273 : vector<1x16xi32> to vector<16xi32>
        %swap3A_2275 = vector.shape_cast %add3A_2268 : vector<16xi32> to vector<1x16xi32>
        tpu.vector_store %arg8[%swap3A_2271, %swap3A_2272], %swap3A_2275 {strides = array<i32>} : memref<20x128xi32, #tpu.memory_space<vmem>>, vector<1x16xi32>,
      }
      %scan3A_1654 = arith.constant 8 : i32
      %scan3A_1655 = arith.constant 0 : i32
      %scan3A_1656 = arith.constant 8 : i32
      %scan3A_1657 = arith.addi %scan3A_1655, %scan3A_1656 : i32
      %scan3A_1658 = arith.constant 1 : i32
      scf.for %scan3A_2256 = %scan3A_1655 to %scan3A_1657 step %scan3A_1658  : i32 {
        %mul3A_2257 = arith.constant 1 : i32
        %mul3A_2258 = arith.muli %scan3A_2256, %mul3A_2257 : i32
        %add3A_2259 = arith.constant 0 : i32
        %add3A_2260 = arith.addi %add3A_2259, %mul3A_2258 : i32
        %mul3A_2261 = arith.constant 16 : i32
        %mul3A_2262 = arith.muli %add3A_2260, %mul3A_2261 : i32
        %get3A = arith.constant 15 : i32
        %get3A_2263 = arith.index_cast %get3A : i32 to index
        %get3A_2264 = arith.index_cast %mul3A_2262 : i32 to index
        %get3A_2265 = tpu.vector_load %arg8[%get3A_2263, %get3A_2264] {strides = array<i32>} : memref<20x128xi32, #tpu.memory_space<vmem>>, vector<1x16xi32>,
        %get3A_2266 = vector.shape_cast %get3A_2265 : vector<1x16xi32> to vector<16xi32>
        %add3A_2267 = arith.addi %get3A_2266, %get3A_2266 : vector<16xi32>
        %add3A_2268 = arith.addi %add3A_2267, %add3A_38 : vector<16xi32>
        %mul3A_2269 = arith.constant 16 : i32
        %mul3A_2270 = arith.muli %add3A_2260, %mul3A_2269 : i32
        %swap3A = arith.constant 15 : i32
        %swap3A_2271 = arith.index_cast %swap3A : i32 to index
        %swap3A_2272 = arith.index_cast %mul3A_2270 : i32 to index
        %swap3A_2273 = tpu.vector_load %arg8[%swap3A_2271, %swap3A_2272] {strides = array<i32>} : memref<20x128xi32, #tpu.memory_space<vmem>>, vector<1x16xi32>,
        %swap3A_2274 = vector.shape_cast %swap3A_2273 : vector<1x16xi32> to vector<16xi32>
        %swap3A_2275 = vector.shape_cast %add3A_2268 : vector<16xi32> to vector<1x16xi32>
        tpu.vector_store %arg8[%swap3A_2271, %swap3A_2272], %swap3A_2275 {strides = array<i32>} : memref<20x128xi32, #tpu.memory_space<vmem>>, vector<1x16xi32>,
      }
      %scan3A_1659 = arith.constant 8 : i32
      %dma_wait3A_1660 = arith.constant 1 : i32
      %dma_wait3A_1661 = arith.constant 4 : i32
      %dma_wait3A_1662 = arith.constant 0 : i32
      %dma_wait3A_1663 = arith.constant 0 : i32
      %dma_wait3A_1664 = tpu.memref_slice %arg10[%dma_wait3A_1660, %dma_wait3A_1662, %dma_wait3A_1663] : memref<2x512x16xf32, #tpu.memory_space<vmem>> -> memref<1x128x16xf32, #tpu.memory_space<vmem>>
      %dma_wait3A_1665 = tpu.memref_squeeze %dma_wait3A_1664 : memref<1x128x16xf32, #tpu.memory_space<vmem>> -> memref<128x16xf32, #tpu.memory_space<vmem>>
      %dma_wait3A_1666 = arith.constant 0 : i32
      %dma_wait3A_1667 = tpu.memref_slice %arg9[%dma_wait3A_1661, %dma_wait3A_1666] : memref<20x128xi32, #tpu.memory_space<vmem>> -> memref<1x128xi32, #tpu.memory_space<vmem>>
      %dma_wait3A_1668 = tpu.memref_squeeze %dma_wait3A_1667 : memref<1x128xi32, #tpu.memory_space<vmem>> -> memref<128xi32, #tpu.memory_space<vmem>>
      %dma_wait3A_1669 = arith.constant 0 : i32
      %dma_wait3A_1670 = arith.constant 0 : i32
      %dma_wait3A_1671 = tpu.memref_slice %arg5[%dma_wait3A_1669, %dma_wait3A_1670] : memref<100352x16xf32, #tpu.memory_space<vmem_shared>> -> memref<100352x16xf32, #tpu.memory_space<vmem_shared>>
      tpu.wait_indirect_dma semaphore(%arg16 : memref<!tpu.dma_semaphore, #tpu.memory_space<semaphore_mem>>) src(%dma_wait3A_1665 : memref<128x16xf32, #tpu.memory_space<vmem>>) dst(%dma_wait3A_1671 : memref<100352x16xf32, #tpu.memory_space<vmem_shared>>)
      %dma_wait3A_1672 = arith.constant 1 : i32
      %dma_wait3A_1673 = arith.constant 5 : i32
      %dma_wait3A_1674 = arith.constant 128 : i32
      %dma_wait3A_1675 = arith.constant 0 : i32
      %dma_wait3A_1676 = tpu.memref_slice %arg10[%dma_wait3A_1672, %dma_wait3A_1674, %dma_wait3A_1675] : memref<2x512x16xf32, #tpu.memory_space<vmem>> -> memref<1x128x16xf32, #tpu.memory_space<vmem>>
      %dma_wait3A_1677 = tpu.memref_squeeze %dma_wait3A_1676 : memref<1x128x16xf32, #tpu.memory_space<vmem>> -> memref<128x16xf32, #tpu.memory_space<vmem>>
      %dma_wait3A_1678 = arith.constant 0 : i32
      %dma_wait3A_1679 = tpu.memref_slice %arg9[%dma_wait3A_1673, %dma_wait3A_1678] : memref<20x128xi32, #tpu.memory_space<vmem>> -> memref<1x128xi32, #tpu.memory_space<vmem>>
      %dma_wait3A_1680 = tpu.memref_squeeze %dma_wait3A_1679 : memref<1x128xi32, #tpu.memory_space<vmem>> -> memref<128xi32, #tpu.memory_space<vmem>>
      %dma_wait3A_1681 = arith.constant 0 : i32
      %dma_wait3A_1682 = arith.constant 0 : i32
      %dma_wait3A_1683 = tpu.memref_slice %arg5[%dma_wait3A_1681, %dma_wait3A_1682] : memref<100352x16xf32, #tpu.memory_space<vmem_shared>> -> memref<100352x16xf32, #tpu.memory_space<vmem_shared>>
      tpu.wait_indirect_dma semaphore(%arg16 : memref<!tpu.dma_semaphore, #tpu.memory_space<semaphore_mem>>) src(%dma_wait3A_1677 : memref<128x16xf32, #tpu.memory_space<vmem>>) dst(%dma_wait3A_1683 : memref<100352x16xf32, #tpu.memory_space<vmem_shared>>)
      %dma_wait3A_1684 = arith.constant 1 : i32
      %dma_wait3A_1685 = arith.constant 6 : i32
      %dma_wait3A_1686 = arith.constant 256 : i32
      %dma_wait3A_1687 = arith.constant 0 : i32
      %dma_wait3A_1688 = tpu.memref_slice %arg10[%dma_wait3A_1684, %dma_wait3A_1686, %dma_wait3A_1687] : memref<2x512x16xf32, #tpu.memory_space<vmem>> -> memref<1x128x16xf32, #tpu.memory_space<vmem>>
      %dma_wait3A_1689 = tpu.memref_squeeze %dma_wait3A_1688 : memref<1x128x16xf32, #tpu.memory_space<vmem>> -> memref<128x16xf32, #tpu.memory_space<vmem>>
      %dma_wait3A_1690 = arith.constant 0 : i32
      %dma_wait3A_1691 = tpu.memref_slice %arg9[%dma_wait3A_1685, %dma_wait3A_1690] : memref<20x128xi32, #tpu.memory_space<vmem>> -> memref<1x128xi32, #tpu.memory_space<vmem>>
      %dma_wait3A_1692 = tpu.memref_squeeze %dma_wait3A_1691 : memref<1x128xi32, #tpu.memory_space<vmem>> -> memref<128xi32, #tpu.memory_space<vmem>>
      %dma_wait3A_1693 = arith.constant 0 : i32
      %dma_wait3A_1694 = arith.constant 0 : i32
      %dma_wait3A_1695 = tpu.memref_slice %arg5[%dma_wait3A_1693, %dma_wait3A_1694] : memref<100352x16xf32, #tpu.memory_space<vmem_shared>> -> memref<100352x16xf32, #tpu.memory_space<vmem_shared>>
      tpu.wait_indirect_dma semaphore(%arg16 : memref<!tpu.dma_semaphore, #tpu.memory_space<semaphore_mem>>) src(%dma_wait3A_1689 : memref<128x16xf32, #tpu.memory_space<vmem>>) dst(%dma_wait3A_1695 : memref<100352x16xf32, #tpu.memory_space<vmem_shared>>)
      %dma_wait3A_1696 = arith.constant 1 : i32
      %dma_wait3A_1697 = arith.constant 7 : i32
      %dma_wait3A_1698 = arith.constant 384 : i32
      %dma_wait3A_1699 = arith.constant 0 : i32
      %dma_wait3A_1700 = tpu.memref_slice %arg10[%dma_wait3A_1696, %dma_wait3A_1698, %dma_wait3A_1699] : memref<2x512x16xf32, #tpu.memory_space<vmem>> -> memref<1x128x16xf32, #tpu.memory_space<vmem>>
      %dma_wait3A_1701 = tpu.memref_squeeze %dma_wait3A_1700 : memref<1x128x16xf32, #tpu.memory_space<vmem>> -> memref<128x16xf32, #tpu.memory_space<vmem>>
      %dma_wait3A_1702 = arith.constant 0 : i32
      %dma_wait3A_1703 = tpu.memref_slice %arg9[%dma_wait3A_1697, %dma_wait3A_1702] : memref<20x128xi32, #tpu.memory_space<vmem>> -> memref<1x128xi32, #tpu.memory_space<vmem>>
      %dma_wait3A_1704 = tpu.memref_squeeze %dma_wait3A_1703 : memref<1x128xi32, #tpu.memory_space<vmem>> -> memref<128xi32, #tpu.memory_space<vmem>>
      %dma_wait3A_1705 = arith.constant 0 : i32
      %dma_wait3A_1706 = arith.constant 0 : i32
      %dma_wait3A_1707 = tpu.memref_slice %arg5[%dma_wait3A_1705, %dma_wait3A_1706] : memref<100352x16xf32, #tpu.memory_space<vmem_shared>> -> memref<100352x16xf32, #tpu.memory_space<vmem_shared>>
      tpu.wait_indirect_dma semaphore(%arg16 : memref<!tpu.dma_semaphore, #tpu.memory_space<semaphore_mem>>) src(%dma_wait3A_1701 : memref<128x16xf32, #tpu.memory_space<vmem>>) dst(%dma_wait3A_1707 : memref<100352x16xf32, #tpu.memory_space<vmem_shared>>)
      %dma_start3A_1708 = arith.constant 12 : i32
      %dma_start3A_1709 = arith.constant 1 : i32
      %dma_start3A_1710 = arith.constant 0 : i32
      %dma_start3A_1711 = arith.constant 0 : i32
      %dma_start3A_1712 = tpu.memref_slice %arg10[%dma_start3A_1709, %dma_start3A_1710, %dma_start3A_1711] : memref<2x512x16xf32, #tpu.memory_space<vmem>> -> memref<1x128x16xf32, #tpu.memory_space<vmem>>
      %dma_start3A_1713 = tpu.memref_squeeze %dma_start3A_1712 : memref<1x128x16xf32, #tpu.memory_space<vmem>> -> memref<128x16xf32, #tpu.memory_space<vmem>>
      %dma_start3A_1714 = arith.constant 0 : i32
      %dma_start3A_1715 = tpu.memref_slice %arg8[%dma_start3A_1708, %dma_start3A_1714] : memref<20x128xi32, #tpu.memory_space<vmem>> -> memref<1x128xi32, #tpu.memory_space<vmem>>
      %dma_start3A_1716 = tpu.memref_squeeze %dma_start3A_1715 : memref<1x128xi32, #tpu.memory_space<vmem>> -> memref<128xi32, #tpu.memory_space<vmem>>
      %dma_start3A_1717 = arith.constant 0 : i32
      %dma_start3A_1718 = arith.constant 0 : i32
      %dma_start3A_1719 = tpu.memref_slice %arg2[%dma_start3A_1717, %dma_start3A_1718] : memref<200002x16xf32, #tpu.memory_space<hbm>> -> memref<200002x16xf32, #tpu.memory_space<hbm>>
      tpu.enqueue_indirect_dma source(%dma_start3A_1719 : memref<200002x16xf32, #tpu.memory_space<hbm>>) target(%dma_start3A_1713 : memref<128x16xf32, #tpu.memory_space<vmem>>) offsets(%dma_start3A_1716 : memref<128xi32, #tpu.memory_space<vmem>>) semaphore(%arg12 : memref<!tpu.dma_semaphore, #tpu.memory_space<semaphore_mem>>)
      %dma_start3A_1720 = arith.constant 13 : i32
      %dma_start3A_1721 = arith.constant 1 : i32
      %dma_start3A_1722 = arith.constant 128 : i32
      %dma_start3A_1723 = arith.constant 0 : i32
      %dma_start3A_1724 = tpu.memref_slice %arg10[%dma_start3A_1721, %dma_start3A_1722, %dma_start3A_1723] : memref<2x512x16xf32, #tpu.memory_space<vmem>> -> memref<1x128x16xf32, #tpu.memory_space<vmem>>
      %dma_start3A_1725 = tpu.memref_squeeze %dma_start3A_1724 : memref<1x128x16xf32, #tpu.memory_space<vmem>> -> memref<128x16xf32, #tpu.memory_space<vmem>>
      %dma_start3A_1726 = arith.constant 0 : i32
      %dma_start3A_1727 = tpu.memref_slice %arg8[%dma_start3A_1720, %dma_start3A_1726] : memref<20x128xi32, #tpu.memory_space<vmem>> -> memref<1x128xi32, #tpu.memory_space<vmem>>
      %dma_start3A_1728 = tpu.memref_squeeze %dma_start3A_1727 : memref<1x128xi32, #tpu.memory_space<vmem>> -> memref<128xi32, #tpu.memory_space<vmem>>
      %dma_start3A_1729 = arith.constant 0 : i32
      %dma_start3A_1730 = arith.constant 0 : i32
      %dma_start3A_1731 = tpu.memref_slice %arg2[%dma_start3A_1729, %dma_start3A_1730] : memref<200002x16xf32, #tpu.memory_space<hbm>> -> memref<200002x16xf32, #tpu.memory_space<hbm>>
      tpu.enqueue_indirect_dma source(%dma_start3A_1731 : memref<200002x16xf32, #tpu.memory_space<hbm>>) target(%dma_start3A_1725 : memref<128x16xf32, #tpu.memory_space<vmem>>) offsets(%dma_start3A_1728 : memref<128xi32, #tpu.memory_space<vmem>>) semaphore(%arg12 : memref<!tpu.dma_semaphore, #tpu.memory_space<semaphore_mem>>)
      %dma_start3A_1732 = arith.constant 14 : i32
      %dma_start3A_1733 = arith.constant 1 : i32
      %dma_start3A_1734 = arith.constant 256 : i32
      %dma_start3A_1735 = arith.constant 0 : i32
      %dma_start3A_1736 = tpu.memref_slice %arg10[%dma_start3A_1733, %dma_start3A_1734, %dma_start3A_1735] : memref<2x512x16xf32, #tpu.memory_space<vmem>> -> memref<1x128x16xf32, #tpu.memory_space<vmem>>
      %dma_start3A_1737 = tpu.memref_squeeze %dma_start3A_1736 : memref<1x128x16xf32, #tpu.memory_space<vmem>> -> memref<128x16xf32, #tpu.memory_space<vmem>>
      %dma_start3A_1738 = arith.constant 0 : i32
      %dma_start3A_1739 = tpu.memref_slice %arg8[%dma_start3A_1732, %dma_start3A_1738] : memref<20x128xi32, #tpu.memory_space<vmem>> -> memref<1x128xi32, #tpu.memory_space<vmem>>
      %dma_start3A_1740 = tpu.memref_squeeze %dma_start3A_1739 : memref<1x128xi32, #tpu.memory_space<vmem>> -> memref<128xi32, #tpu.memory_space<vmem>>
      %dma_start3A_1741 = arith.constant 0 : i32
      %dma_start3A_1742 = arith.constant 0 : i32
      %dma_start3A_1743 = tpu.memref_slice %arg2[%dma_start3A_1741, %dma_start3A_1742] : memref<200002x16xf32, #tpu.memory_space<hbm>> -> memref<200002x16xf32, #tpu.memory_space<hbm>>
      tpu.enqueue_indirect_dma source(%dma_start3A_1743 : memref<200002x16xf32, #tpu.memory_space<hbm>>) target(%dma_start3A_1737 : memref<128x16xf32, #tpu.memory_space<vmem>>) offsets(%dma_start3A_1740 : memref<128xi32, #tpu.memory_space<vmem>>) semaphore(%arg12 : memref<!tpu.dma_semaphore, #tpu.memory_space<semaphore_mem>>)
      %dma_start3A_1744 = arith.constant 15 : i32
      %dma_start3A_1745 = arith.constant 1 : i32
      %dma_start3A_1746 = arith.constant 384 : i32
      %dma_start3A_1747 = arith.constant 0 : i32
      %dma_start3A_1748 = tpu.memref_slice %arg10[%dma_start3A_1745, %dma_start3A_1746, %dma_start3A_1747] : memref<2x512x16xf32, #tpu.memory_space<vmem>> -> memref<1x128x16xf32, #tpu.memory_space<vmem>>
      %dma_start3A_1749 = tpu.memref_squeeze %dma_start3A_1748 : memref<1x128x16xf32, #tpu.memory_space<vmem>> -> memref<128x16xf32, #tpu.memory_space<vmem>>
      %dma_start3A_1750 = arith.constant 0 : i32
      %dma_start3A_1751 = tpu.memref_slice %arg8[%dma_start3A_1744, %dma_start3A_1750] : memref<20x128xi32, #tpu.memory_space<vmem>> -> memref<1x128xi32, #tpu.memory_space<vmem>>
      %dma_start3A_1752 = tpu.memref_squeeze %dma_start3A_1751 : memref<1x128xi32, #tpu.memory_space<vmem>> -> memref<128xi32, #tpu.memory_space<vmem>>
      %dma_start3A_1753 = arith.constant 0 : i32
      %dma_start3A_1754 = arith.constant 0 : i32
      %dma_start3A_1755 = tpu.memref_slice %arg2[%dma_start3A_1753, %dma_start3A_1754] : memref<200002x16xf32, #tpu.memory_space<hbm>> -> memref<200002x16xf32, #tpu.memory_space<hbm>>
      tpu.enqueue_indirect_dma source(%dma_start3A_1755 : memref<200002x16xf32, #tpu.memory_space<hbm>>) target(%dma_start3A_1749 : memref<128x16xf32, #tpu.memory_space<vmem>>) offsets(%dma_start3A_1752 : memref<128xi32, #tpu.memory_space<vmem>>) semaphore(%arg12 : memref<!tpu.dma_semaphore, #tpu.memory_space<semaphore_mem>>)
      %dma_wait3A_1756 = arith.constant 8 : i32
      %dma_wait3A_1757 = arith.constant 0 : i32
      %dma_wait3A_1758 = arith.constant 0 : i32
      %dma_wait3A_1759 = arith.constant 0 : i32
      %dma_wait3A_1760 = tpu.memref_slice %arg10[%dma_wait3A_1757, %dma_wait3A_1758, %dma_wait3A_1759] : memref<2x512x16xf32, #tpu.memory_space<vmem>> -> memref<1x128x16xf32, #tpu.memory_space<vmem>>
      %dma_wait3A_1761 = tpu.memref_squeeze %dma_wait3A_1760 : memref<1x128x16xf32, #tpu.memory_space<vmem>> -> memref<128x16xf32, #tpu.memory_space<vmem>>
      %dma_wait3A_1762 = arith.constant 0 : i32
      %dma_wait3A_1763 = tpu.memref_slice %arg8[%dma_wait3A_1756, %dma_wait3A_1762] : memref<20x128xi32, #tpu.memory_space<vmem>> -> memref<1x128xi32, #tpu.memory_space<vmem>>
      %dma_wait3A_1764 = tpu.memref_squeeze %dma_wait3A_1763 : memref<1x128xi32, #tpu.memory_space<vmem>> -> memref<128xi32, #tpu.memory_space<vmem>>
      %dma_wait3A_1765 = arith.constant 0 : i32
      %dma_wait3A_1766 = arith.constant 0 : i32
      %dma_wait3A_1767 = tpu.memref_slice %arg2[%dma_wait3A_1765, %dma_wait3A_1766] : memref<200002x16xf32, #tpu.memory_space<hbm>> -> memref<200002x16xf32, #tpu.memory_space<hbm>>
      tpu.wait_indirect_dma semaphore(%arg11 : memref<!tpu.dma_semaphore, #tpu.memory_space<semaphore_mem>>) src(%dma_wait3A_1767 : memref<200002x16xf32, #tpu.memory_space<hbm>>) dst(%dma_wait3A_1761 : memref<128x16xf32, #tpu.memory_space<vmem>>)
      %dma_wait3A_1768 = arith.constant 9 : i32
      %dma_wait3A_1769 = arith.constant 0 : i32
      %dma_wait3A_1770 = arith.constant 128 : i32
      %dma_wait3A_1771 = arith.constant 0 : i32
      %dma_wait3A_1772 = tpu.memref_slice %arg10[%dma_wait3A_1769, %dma_wait3A_1770, %dma_wait3A_1771] : memref<2x512x16xf32, #tpu.memory_space<vmem>> -> memref<1x128x16xf32, #tpu.memory_space<vmem>>
      %dma_wait3A_1773 = tpu.memref_squeeze %dma_wait3A_1772 : memref<1x128x16xf32, #tpu.memory_space<vmem>> -> memref<128x16xf32, #tpu.memory_space<vmem>>
      %dma_wait3A_1774 = arith.constant 0 : i32
      %dma_wait3A_1775 = tpu.memref_slice %arg8[%dma_wait3A_1768, %dma_wait3A_1774] : memref<20x128xi32, #tpu.memory_space<vmem>> -> memref<1x128xi32, #tpu.memory_space<vmem>>
      %dma_wait3A_1776 = tpu.memref_squeeze %dma_wait3A_1775 : memref<1x128xi32, #tpu.memory_space<vmem>> -> memref<128xi32, #tpu.memory_space<vmem>>
      %dma_wait3A_1777 = arith.constant 0 : i32
      %dma_wait3A_1778 = arith.constant 0 : i32
      %dma_wait3A_1779 = tpu.memref_slice %arg2[%dma_wait3A_1777, %dma_wait3A_1778] : memref<200002x16xf32, #tpu.memory_space<hbm>> -> memref<200002x16xf32, #tpu.memory_space<hbm>>
      tpu.wait_indirect_dma semaphore(%arg11 : memref<!tpu.dma_semaphore, #tpu.memory_space<semaphore_mem>>) src(%dma_wait3A_1779 : memref<200002x16xf32, #tpu.memory_space<hbm>>) dst(%dma_wait3A_1773 : memref<128x16xf32, #tpu.memory_space<vmem>>)
      %dma_wait3A_1780 = arith.constant 10 : i32
      %dma_wait3A_1781 = arith.constant 0 : i32
      %dma_wait3A_1782 = arith.constant 256 : i32
      %dma_wait3A_1783 = arith.constant 0 : i32
      %dma_wait3A_1784 = tpu.memref_slice %arg10[%dma_wait3A_1781, %dma_wait3A_1782, %dma_wait3A_1783] : memref<2x512x16xf32, #tpu.memory_space<vmem>> -> memref<1x128x16xf32, #tpu.memory_space<vmem>>
      %dma_wait3A_1785 = tpu.memref_squeeze %dma_wait3A_1784 : memref<1x128x16xf32, #tpu.memory_space<vmem>> -> memref<128x16xf32, #tpu.memory_space<vmem>>
      %dma_wait3A_1786 = arith.constant 0 : i32
      %dma_wait3A_1787 = tpu.memref_slice %arg8[%dma_wait3A_1780, %dma_wait3A_1786] : memref<20x128xi32, #tpu.memory_space<vmem>> -> memref<1x128xi32, #tpu.memory_space<vmem>>
      %dma_wait3A_1788 = tpu.memref_squeeze %dma_wait3A_1787 : memref<1x128xi32, #tpu.memory_space<vmem>> -> memref<128xi32, #tpu.memory_space<vmem>>
      %dma_wait3A_1789 = arith.constant 0 : i32
      %dma_wait3A_1790 = arith.constant 0 : i32
      %dma_wait3A_1791 = tpu.memref_slice %arg2[%dma_wait3A_1789, %dma_wait3A_1790] : memref<200002x16xf32, #tpu.memory_space<hbm>> -> memref<200002x16xf32, #tpu.memory_space<hbm>>
      tpu.wait_indirect_dma semaphore(%arg11 : memref<!tpu.dma_semaphore, #tpu.memory_space<semaphore_mem>>) src(%dma_wait3A_1791 : memref<200002x16xf32, #tpu.memory_space<hbm>>) dst(%dma_wait3A_1785 : memref<128x16xf32, #tpu.memory_space<vmem>>)
      %dma_wait3A_1792 = arith.constant 11 : i32
      %dma_wait3A_1793 = arith.constant 0 : i32
      %dma_wait3A_1794 = arith.constant 384 : i32
      %dma_wait3A_1795 = arith.constant 0 : i32
      %dma_wait3A_1796 = tpu.memref_slice %arg10[%dma_wait3A_1793, %dma_wait3A_1794, %dma_wait3A_1795] : memref<2x512x16xf32, #tpu.memory_space<vmem>> -> memref<1x128x16xf32, #tpu.memory_space<vmem>>
      %dma_wait3A_1797 = tpu.memref_squeeze %dma_wait3A_1796 : memref<1x128x16xf32, #tpu.memory_space<vmem>> -> memref<128x16xf32, #tpu.memory_space<vmem>>
      %dma_wait3A_1798 = arith.constant 0 : i32
      %dma_wait3A_1799 = tpu.memref_slice %arg8[%dma_wait3A_1792, %dma_wait3A_1798] : memref<20x128xi32, #tpu.memory_space<vmem>> -> memref<1x128xi32, #tpu.memory_space<vmem>>
      %dma_wait3A_1800 = tpu.memref_squeeze %dma_wait3A_1799 : memref<1x128xi32, #tpu.memory_space<vmem>> -> memref<128xi32, #tpu.memory_space<vmem>>
      %dma_wait3A_1801 = arith.constant 0 : i32
      %dma_wait3A_1802 = arith.constant 0 : i32
      %dma_wait3A_1803 = tpu.memref_slice %arg2[%dma_wait3A_1801, %dma_wait3A_1802] : memref<200002x16xf32, #tpu.memory_space<hbm>> -> memref<200002x16xf32, #tpu.memory_space<hbm>>
      tpu.wait_indirect_dma semaphore(%arg11 : memref<!tpu.dma_semaphore, #tpu.memory_space<semaphore_mem>>) src(%dma_wait3A_1803 : memref<200002x16xf32, #tpu.memory_space<hbm>>) dst(%dma_wait3A_1797 : memref<128x16xf32, #tpu.memory_space<vmem>>)
      %dma_start3A_1804 = arith.constant 0 : i32
      %dma_start3A_1805 = arith.constant 8 : i32
      %dma_start3A_1806 = arith.constant 0 : i32
      %dma_start3A_1807 = arith.constant 0 : i32
      %dma_start3A_1808 = tpu.memref_slice %arg10[%dma_start3A_1804, %dma_start3A_1806, %dma_start3A_1807] : memref<2x512x16xf32, #tpu.memory_space<vmem>> -> memref<1x128x16xf32, #tpu.memory_space<vmem>>
      %dma_start3A_1809 = tpu.memref_squeeze %dma_start3A_1808 : memref<1x128x16xf32, #tpu.memory_space<vmem>> -> memref<128x16xf32, #tpu.memory_space<vmem>>
      %dma_start3A_1810 = arith.constant 0 : i32
      %dma_start3A_1811 = tpu.memref_slice %arg9[%dma_start3A_1805, %dma_start3A_1810] : memref<20x128xi32, #tpu.memory_space<vmem>> -> memref<1x128xi32, #tpu.memory_space<vmem>>
      %dma_start3A_1812 = tpu.memref_squeeze %dma_start3A_1811 : memref<1x128xi32, #tpu.memory_space<vmem>> -> memref<128xi32, #tpu.memory_space<vmem>>
      %dma_start3A_1813 = arith.constant 0 : i32
      %dma_start3A_1814 = arith.constant 0 : i32
      %dma_start3A_1815 = tpu.memref_slice %arg5[%dma_start3A_1813, %dma_start3A_1814] : memref<100352x16xf32, #tpu.memory_space<vmem_shared>> -> memref<100352x16xf32, #tpu.memory_space<vmem_shared>>
      tpu.enqueue_indirect_dma source(%dma_start3A_1809 : memref<128x16xf32, #tpu.memory_space<vmem>>) target(%dma_start3A_1815 : memref<100352x16xf32, #tpu.memory_space<vmem_shared>>) offsets(%dma_start3A_1812 : memref<128xi32, #tpu.memory_space<vmem>>) semaphore(%arg15 : memref<!tpu.dma_semaphore, #tpu.memory_space<semaphore_mem>>) {add = true}
      %dma_start3A_1816 = arith.constant 0 : i32
      %dma_start3A_1817 = arith.constant 9 : i32
      %dma_start3A_1818 = arith.constant 128 : i32
      %dma_start3A_1819 = arith.constant 0 : i32
      %dma_start3A_1820 = tpu.memref_slice %arg10[%dma_start3A_1816, %dma_start3A_1818, %dma_start3A_1819] : memref<2x512x16xf32, #tpu.memory_space<vmem>> -> memref<1x128x16xf32, #tpu.memory_space<vmem>>
      %dma_start3A_1821 = tpu.memref_squeeze %dma_start3A_1820 : memref<1x128x16xf32, #tpu.memory_space<vmem>> -> memref<128x16xf32, #tpu.memory_space<vmem>>
      %dma_start3A_1822 = arith.constant 0 : i32
      %dma_start3A_1823 = tpu.memref_slice %arg9[%dma_start3A_1817, %dma_start3A_1822] : memref<20x128xi32, #tpu.memory_space<vmem>> -> memref<1x128xi32, #tpu.memory_space<vmem>>
      %dma_start3A_1824 = tpu.memref_squeeze %dma_start3A_1823 : memref<1x128xi32, #tpu.memory_space<vmem>> -> memref<128xi32, #tpu.memory_space<vmem>>
      %dma_start3A_1825 = arith.constant 0 : i32
      %dma_start3A_1826 = arith.constant 0 : i32
      %dma_start3A_1827 = tpu.memref_slice %arg5[%dma_start3A_1825, %dma_start3A_1826] : memref<100352x16xf32, #tpu.memory_space<vmem_shared>> -> memref<100352x16xf32, #tpu.memory_space<vmem_shared>>
      tpu.enqueue_indirect_dma source(%dma_start3A_1821 : memref<128x16xf32, #tpu.memory_space<vmem>>) target(%dma_start3A_1827 : memref<100352x16xf32, #tpu.memory_space<vmem_shared>>) offsets(%dma_start3A_1824 : memref<128xi32, #tpu.memory_space<vmem>>) semaphore(%arg15 : memref<!tpu.dma_semaphore, #tpu.memory_space<semaphore_mem>>) {add = true}
      %dma_start3A_1828 = arith.constant 0 : i32
      %dma_start3A_1829 = arith.constant 10 : i32
      %dma_start3A_1830 = arith.constant 256 : i32
      %dma_start3A_1831 = arith.constant 0 : i32
      %dma_start3A_1832 = tpu.memref_slice %arg10[%dma_start3A_1828, %dma_start3A_1830, %dma_start3A_1831] : memref<2x512x16xf32, #tpu.memory_space<vmem>> -> memref<1x128x16xf32, #tpu.memory_space<vmem>>
      %dma_start3A_1833 = tpu.memref_squeeze %dma_start3A_1832 : memref<1x128x16xf32, #tpu.memory_space<vmem>> -> memref<128x16xf32, #tpu.memory_space<vmem>>
      %dma_start3A_1834 = arith.constant 0 : i32
      %dma_start3A_1835 = tpu.memref_slice %arg9[%dma_start3A_1829, %dma_start3A_1834] : memref<20x128xi32, #tpu.memory_space<vmem>> -> memref<1x128xi32, #tpu.memory_space<vmem>>
      %dma_start3A_1836 = tpu.memref_squeeze %dma_start3A_1835 : memref<1x128xi32, #tpu.memory_space<vmem>> -> memref<128xi32, #tpu.memory_space<vmem>>
      %dma_start3A_1837 = arith.constant 0 : i32
      %dma_start3A_1838 = arith.constant 0 : i32
      %dma_start3A_1839 = tpu.memref_slice %arg5[%dma_start3A_1837, %dma_start3A_1838] : memref<100352x16xf32, #tpu.memory_space<vmem_shared>> -> memref<100352x16xf32, #tpu.memory_space<vmem_shared>>
      tpu.enqueue_indirect_dma source(%dma_start3A_1833 : memref<128x16xf32, #tpu.memory_space<vmem>>) target(%dma_start3A_1839 : memref<100352x16xf32, #tpu.memory_space<vmem_shared>>) offsets(%dma_start3A_1836 : memref<128xi32, #tpu.memory_space<vmem>>) semaphore(%arg15 : memref<!tpu.dma_semaphore, #tpu.memory_space<semaphore_mem>>) {add = true}
      %dma_start3A_1840 = arith.constant 0 : i32
      %dma_start3A_1841 = arith.constant 11 : i32
      %dma_start3A_1842 = arith.constant 384 : i32
      %dma_start3A_1843 = arith.constant 0 : i32
      %dma_start3A_1844 = tpu.memref_slice %arg10[%dma_start3A_1840, %dma_start3A_1842, %dma_start3A_1843] : memref<2x512x16xf32, #tpu.memory_space<vmem>> -> memref<1x128x16xf32, #tpu.memory_space<vmem>>
      %dma_start3A_1845 = tpu.memref_squeeze %dma_start3A_1844 : memref<1x128x16xf32, #tpu.memory_space<vmem>> -> memref<128x16xf32, #tpu.memory_space<vmem>>
      %dma_start3A_1846 = arith.constant 0 : i32
      %dma_start3A_1847 = tpu.memref_slice %arg9[%dma_start3A_1841, %dma_start3A_1846] : memref<20x128xi32, #tpu.memory_space<vmem>> -> memref<1x128xi32, #tpu.memory_space<vmem>>
      %dma_start3A_1848 = tpu.memref_squeeze %dma_start3A_1847 : memref<1x128xi32, #tpu.memory_space<vmem>> -> memref<128xi32, #tpu.memory_space<vmem>>
      %dma_start3A_1849 = arith.constant 0 : i32
      %dma_start3A_1850 = arith.constant 0 : i32
      %dma_start3A_1851 = tpu.memref_slice %arg5[%dma_start3A_1849, %dma_start3A_1850] : memref<100352x16xf32, #tpu.memory_space<vmem_shared>> -> memref<100352x16xf32, #tpu.memory_space<vmem_shared>>
      tpu.enqueue_indirect_dma source(%dma_start3A_1845 : memref<128x16xf32, #tpu.memory_space<vmem>>) target(%dma_start3A_1851 : memref<100352x16xf32, #tpu.memory_space<vmem_shared>>) offsets(%dma_start3A_1848 : memref<128xi32, #tpu.memory_space<vmem>>) semaphore(%arg15 : memref<!tpu.dma_semaphore, #tpu.memory_space<semaphore_mem>>) {add = true}
      %scan3A_1852 = arith.constant 0 : i32
      %scan3A_1853 = arith.constant 8 : i32
      %scan3A_1854 = arith.addi %scan3A_1852, %scan3A_1853 : i32
      %scan3A_1855 = arith.constant 1 : i32
      scf.for %scan3A_2256 = %scan3A_1852 to %scan3A_1854 step %scan3A_1855  : i32 {
        %mul3A_2257 = arith.constant 1 : i32
        %mul3A_2258 = arith.muli %scan3A_2256, %mul3A_2257 : i32
        %add3A_2259 = arith.constant 0 : i32
        %add3A_2260 = arith.addi %add3A_2259, %mul3A_2258 : i32
        %mul3A_2261 = arith.constant 16 : i32
        %mul3A_2262 = arith.muli %add3A_2260, %mul3A_2261 : i32
        %get3A = arith.constant 16 : i32
        %get3A_2263 = arith.index_cast %get3A : i32 to index
        %get3A_2264 = arith.index_cast %mul3A_2262 : i32 to index
        %get3A_2265 = tpu.vector_load %arg8[%get3A_2263, %get3A_2264] {strides = array<i32>} : memref<20x128xi32, #tpu.memory_space<vmem>>, vector<1x16xi32>,
        %get3A_2266 = vector.shape_cast %get3A_2265 : vector<1x16xi32> to vector<16xi32>
        %add3A_2267 = arith.addi %get3A_2266, %get3A_2266 : vector<16xi32>
        %add3A_2268 = arith.addi %add3A_2267, %add3A_38 : vector<16xi32>
        %mul3A_2269 = arith.constant 16 : i32
        %mul3A_2270 = arith.muli %add3A_2260, %mul3A_2269 : i32
        %swap3A = arith.constant 16 : i32
        %swap3A_2271 = arith.index_cast %swap3A : i32 to index
        %swap3A_2272 = arith.index_cast %mul3A_2270 : i32 to index
        %swap3A_2273 = tpu.vector_load %arg8[%swap3A_2271, %swap3A_2272] {strides = array<i32>} : memref<20x128xi32, #tpu.memory_space<vmem>>, vector<1x16xi32>,
        %swap3A_2274 = vector.shape_cast %swap3A_2273 : vector<1x16xi32> to vector<16xi32>
        %swap3A_2275 = vector.shape_cast %add3A_2268 : vector<16xi32> to vector<1x16xi32>
        tpu.vector_store %arg8[%swap3A_2271, %swap3A_2272], %swap3A_2275 {strides = array<i32>} : memref<20x128xi32, #tpu.memory_space<vmem>>, vector<1x16xi32>,
      }
      %scan3A_1856 = arith.constant 8 : i32
      %scan3A_1857 = arith.constant 0 : i32
      %scan3A_1858 = arith.constant 8 : i32
      %scan3A_1859 = arith.addi %scan3A_1857, %scan3A_1858 : i32
      %scan3A_1860 = arith.constant 1 : i32
      scf.for %scan3A_2256 = %scan3A_1857 to %scan3A_1859 step %scan3A_1860  : i32 {
        %mul3A_2257 = arith.constant 1 : i32
        %mul3A_2258 = arith.muli %scan3A_2256, %mul3A_2257 : i32
        %add3A_2259 = arith.constant 0 : i32
        %add3A_2260 = arith.addi %add3A_2259, %mul3A_2258 : i32
        %mul3A_2261 = arith.constant 16 : i32
        %mul3A_2262 = arith.muli %add3A_2260, %mul3A_2261 : i32
        %get3A = arith.constant 17 : i32
        %get3A_2263 = arith.index_cast %get3A : i32 to index
        %get3A_2264 = arith.index_cast %mul3A_2262 : i32 to index
        %get3A_2265 = tpu.vector_load %arg8[%get3A_2263, %get3A_2264] {strides = array<i32>} : memref<20x128xi32, #tpu.memory_space<vmem>>, vector<1x16xi32>,
        %get3A_2266 = vector.shape_cast %get3A_2265 : vector<1x16xi32> to vector<16xi32>
        %add3A_2267 = arith.addi %get3A_2266, %get3A_2266 : vector<16xi32>
        %add3A_2268 = arith.addi %add3A_2267, %add3A_38 : vector<16xi32>
        %mul3A_2269 = arith.constant 16 : i32
        %mul3A_2270 = arith.muli %add3A_2260, %mul3A_2269 : i32
        %swap3A = arith.constant 17 : i32
        %swap3A_2271 = arith.index_cast %swap3A : i32 to index
        %swap3A_2272 = arith.index_cast %mul3A_2270 : i32 to index
        %swap3A_2273 = tpu.vector_load %arg8[%swap3A_2271, %swap3A_2272] {strides = array<i32>} : memref<20x128xi32, #tpu.memory_space<vmem>>, vector<1x16xi32>,
        %swap3A_2274 = vector.shape_cast %swap3A_2273 : vector<1x16xi32> to vector<16xi32>
        %swap3A_2275 = vector.shape_cast %add3A_2268 : vector<16xi32> to vector<1x16xi32>
        tpu.vector_store %arg8[%swap3A_2271, %swap3A_2272], %swap3A_2275 {strides = array<i32>} : memref<20x128xi32, #tpu.memory_space<vmem>>, vector<1x16xi32>,
      }
      %scan3A_1861 = arith.constant 8 : i32
      %scan3A_1862 = arith.constant 0 : i32
      %scan3A_1863 = arith.constant 8 : i32
      %scan3A_1864 = arith.addi %scan3A_1862, %scan3A_1863 : i32
      %scan3A_1865 = arith.constant 1 : i32
      scf.for %scan3A_2256 = %scan3A_1862 to %scan3A_1864 step %scan3A_1865  : i32 {
        %mul3A_2257 = arith.constant 1 : i32
        %mul3A_2258 = arith.muli %scan3A_2256, %mul3A_2257 : i32
        %add3A_2259 = arith.constant 0 : i32
        %add3A_2260 = arith.addi %add3A_2259, %mul3A_2258 : i32
        %mul3A_2261 = arith.constant 16 : i32
        %mul3A_2262 = arith.muli %add3A_2260, %mul3A_2261 : i32
        %get3A = arith.constant 18 : i32
        %get3A_2263 = arith.index_cast %get3A : i32 to index
        %get3A_2264 = arith.index_cast %mul3A_2262 : i32 to index
        %get3A_2265 = tpu.vector_load %arg8[%get3A_2263, %get3A_2264] {strides = array<i32>} : memref<20x128xi32, #tpu.memory_space<vmem>>, vector<1x16xi32>,
        %get3A_2266 = vector.shape_cast %get3A_2265 : vector<1x16xi32> to vector<16xi32>
        %add3A_2267 = arith.addi %get3A_2266, %get3A_2266 : vector<16xi32>
        %add3A_2268 = arith.addi %add3A_2267, %add3A_38 : vector<16xi32>
        %mul3A_2269 = arith.constant 16 : i32
        %mul3A_2270 = arith.muli %add3A_2260, %mul3A_2269 : i32
        %swap3A = arith.constant 18 : i32
        %swap3A_2271 = arith.index_cast %swap3A : i32 to index
        %swap3A_2272 = arith.index_cast %mul3A_2270 : i32 to index
        %swap3A_2273 = tpu.vector_load %arg8[%swap3A_2271, %swap3A_2272] {strides = array<i32>} : memref<20x128xi32, #tpu.memory_space<vmem>>, vector<1x16xi32>,
        %swap3A_2274 = vector.shape_cast %swap3A_2273 : vector<1x16xi32> to vector<16xi32>
        %swap3A_2275 = vector.shape_cast %add3A_2268 : vector<16xi32> to vector<1x16xi32>
        tpu.vector_store %arg8[%swap3A_2271, %swap3A_2272], %swap3A_2275 {strides = array<i32>} : memref<20x128xi32, #tpu.memory_space<vmem>>, vector<1x16xi32>,
      }
      %scan3A_1866 = arith.constant 8 : i32
      %scan3A_1867 = arith.constant 0 : i32
      %scan3A_1868 = arith.constant 8 : i32
      %scan3A_1869 = arith.addi %scan3A_1867, %scan3A_1868 : i32
      %scan3A_1870 = arith.constant 1 : i32
      scf.for %scan3A_2256 = %scan3A_1867 to %scan3A_1869 step %scan3A_1870  : i32 {
        %mul3A_2257 = arith.constant 1 : i32
        %mul3A_2258 = arith.muli %scan3A_2256, %mul3A_2257 : i32
        %add3A_2259 = arith.constant 0 : i32
        %add3A_2260 = arith.addi %add3A_2259, %mul3A_2258 : i32
        %mul3A_2261 = arith.constant 16 : i32
        %mul3A_2262 = arith.muli %add3A_2260, %mul3A_2261 : i32
        %get3A = arith.constant 19 : i32
        %get3A_2263 = arith.index_cast %get3A : i32 to index
        %get3A_2264 = arith.index_cast %mul3A_2262 : i32 to index
        %get3A_2265 = tpu.vector_load %arg8[%get3A_2263, %get3A_2264] {strides = array<i32>} : memref<20x128xi32, #tpu.memory_space<vmem>>, vector<1x16xi32>,
        %get3A_2266 = vector.shape_cast %get3A_2265 : vector<1x16xi32> to vector<16xi32>
        %add3A_2267 = arith.addi %get3A_2266, %get3A_2266 : vector<16xi32>
        %add3A_2268 = arith.addi %add3A_2267, %add3A_38 : vector<16xi32>
        %mul3A_2269 = arith.constant 16 : i32
        %mul3A_2270 = arith.muli %add3A_2260, %mul3A_2269 : i32
        %swap3A = arith.constant 19 : i32
        %swap3A_2271 = arith.index_cast %swap3A : i32 to index
        %swap3A_2272 = arith.index_cast %mul3A_2270 : i32 to index
        %swap3A_2273 = tpu.vector_load %arg8[%swap3A_2271, %swap3A_2272] {strides = array<i32>} : memref<20x128xi32, #tpu.memory_space<vmem>>, vector<1x16xi32>,
        %swap3A_2274 = vector.shape_cast %swap3A_2273 : vector<1x16xi32> to vector<16xi32>
        %swap3A_2275 = vector.shape_cast %add3A_2268 : vector<16xi32> to vector<1x16xi32>
        tpu.vector_store %arg8[%swap3A_2271, %swap3A_2272], %swap3A_2275 {strides = array<i32>} : memref<20x128xi32, #tpu.memory_space<vmem>>, vector<1x16xi32>,
      }
      %scan3A_1871 = arith.constant 8 : i32
      %dma_wait3A_1872 = arith.constant 0 : i32
      %dma_wait3A_1873 = arith.constant 8 : i32
      %dma_wait3A_1874 = arith.constant 0 : i32
      %dma_wait3A_1875 = arith.constant 0 : i32
      %dma_wait3A_1876 = tpu.memref_slice %arg10[%dma_wait3A_1872, %dma_wait3A_1874, %dma_wait3A_1875] : memref<2x512x16xf32, #tpu.memory_space<vmem>> -> memref<1x128x16xf32, #tpu.memory_space<vmem>>
      %dma_wait3A_1877 = tpu.memref_squeeze %dma_wait3A_1876 : memref<1x128x16xf32, #tpu.memory_space<vmem>> -> memref<128x16xf32, #tpu.memory_space<vmem>>
      %dma_wait3A_1878 = arith.constant 0 : i32
      %dma_wait3A_1879 = tpu.memref_slice %arg9[%dma_wait3A_1873, %dma_wait3A_1878] : memref<20x128xi32, #tpu.memory_space<vmem>> -> memref<1x128xi32, #tpu.memory_space<vmem>>
      %dma_wait3A_1880 = tpu.memref_squeeze %dma_wait3A_1879 : memref<1x128xi32, #tpu.memory_space<vmem>> -> memref<128xi32, #tpu.memory_space<vmem>>
      %dma_wait3A_1881 = arith.constant 0 : i32
      %dma_wait3A_1882 = arith.constant 0 : i32
      %dma_wait3A_1883 = tpu.memref_slice %arg5[%dma_wait3A_1881, %dma_wait3A_1882] : memref<100352x16xf32, #tpu.memory_space<vmem_shared>> -> memref<100352x16xf32, #tpu.memory_space<vmem_shared>>
      tpu.wait_indirect_dma semaphore(%arg15 : memref<!tpu.dma_semaphore, #tpu.memory_space<semaphore_mem>>) src(%dma_wait3A_1877 : memref<128x16xf32, #tpu.memory_space<vmem>>) dst(%dma_wait3A_1883 : memref<100352x16xf32, #tpu.memory_space<vmem_shared>>)
      %dma_wait3A_1884 = arith.constant 0 : i32
      %dma_wait3A_1885 = arith.constant 9 : i32
      %dma_wait3A_1886 = arith.constant 128 : i32
      %dma_wait3A_1887 = arith.constant 0 : i32
      %dma_wait3A_1888 = tpu.memref_slice %arg10[%dma_wait3A_1884, %dma_wait3A_1886, %dma_wait3A_1887] : memref<2x512x16xf32, #tpu.memory_space<vmem>> -> memref<1x128x16xf32, #tpu.memory_space<vmem>>
      %dma_wait3A_1889 = tpu.memref_squeeze %dma_wait3A_1888 : memref<1x128x16xf32, #tpu.memory_space<vmem>> -> memref<128x16xf32, #tpu.memory_space<vmem>>
      %dma_wait3A_1890 = arith.constant 0 : i32
      %dma_wait3A_1891 = tpu.memref_slice %arg9[%dma_wait3A_1885, %dma_wait3A_1890] : memref<20x128xi32, #tpu.memory_space<vmem>> -> memref<1x128xi32, #tpu.memory_space<vmem>>
      %dma_wait3A_1892 = tpu.memref_squeeze %dma_wait3A_1891 : memref<1x128xi32, #tpu.memory_space<vmem>> -> memref<128xi32, #tpu.memory_space<vmem>>
      %dma_wait3A_1893 = arith.constant 0 : i32
      %dma_wait3A_1894 = arith.constant 0 : i32
      %dma_wait3A_1895 = tpu.memref_slice %arg5[%dma_wait3A_1893, %dma_wait3A_1894] : memref<100352x16xf32, #tpu.memory_space<vmem_shared>> -> memref<100352x16xf32, #tpu.memory_space<vmem_shared>>
      tpu.wait_indirect_dma semaphore(%arg15 : memref<!tpu.dma_semaphore, #tpu.memory_space<semaphore_mem>>) src(%dma_wait3A_1889 : memref<128x16xf32, #tpu.memory_space<vmem>>) dst(%dma_wait3A_1895 : memref<100352x16xf32, #tpu.memory_space<vmem_shared>>)
      %dma_wait3A_1896 = arith.constant 0 : i32
      %dma_wait3A_1897 = arith.constant 10 : i32
      %dma_wait3A_1898 = arith.constant 256 : i32
      %dma_wait3A_1899 = arith.constant 0 : i32
      %dma_wait3A_1900 = tpu.memref_slice %arg10[%dma_wait3A_1896, %dma_wait3A_1898, %dma_wait3A_1899] : memref<2x512x16xf32, #tpu.memory_space<vmem>> -> memref<1x128x16xf32, #tpu.memory_space<vmem>>
      %dma_wait3A_1901 = tpu.memref_squeeze %dma_wait3A_1900 : memref<1x128x16xf32, #tpu.memory_space<vmem>> -> memref<128x16xf32, #tpu.memory_space<vmem>>
      %dma_wait3A_1902 = arith.constant 0 : i32
      %dma_wait3A_1903 = tpu.memref_slice %arg9[%dma_wait3A_1897, %dma_wait3A_1902] : memref<20x128xi32, #tpu.memory_space<vmem>> -> memref<1x128xi32, #tpu.memory_space<vmem>>
      %dma_wait3A_1904 = tpu.memref_squeeze %dma_wait3A_1903 : memref<1x128xi32, #tpu.memory_space<vmem>> -> memref<128xi32, #tpu.memory_space<vmem>>
      %dma_wait3A_1905 = arith.constant 0 : i32
      %dma_wait3A_1906 = arith.constant 0 : i32
      %dma_wait3A_1907 = tpu.memref_slice %arg5[%dma_wait3A_1905, %dma_wait3A_1906] : memref<100352x16xf32, #tpu.memory_space<vmem_shared>> -> memref<100352x16xf32, #tpu.memory_space<vmem_shared>>
      tpu.wait_indirect_dma semaphore(%arg15 : memref<!tpu.dma_semaphore, #tpu.memory_space<semaphore_mem>>) src(%dma_wait3A_1901 : memref<128x16xf32, #tpu.memory_space<vmem>>) dst(%dma_wait3A_1907 : memref<100352x16xf32, #tpu.memory_space<vmem_shared>>)
      %dma_wait3A_1908 = arith.constant 0 : i32
      %dma_wait3A_1909 = arith.constant 11 : i32
      %dma_wait3A_1910 = arith.constant 384 : i32
      %dma_wait3A_1911 = arith.constant 0 : i32
      %dma_wait3A_1912 = tpu.memref_slice %arg10[%dma_wait3A_1908, %dma_wait3A_1910, %dma_wait3A_1911] : memref<2x512x16xf32, #tpu.memory_space<vmem>> -> memref<1x128x16xf32, #tpu.memory_space<vmem>>
      %dma_wait3A_1913 = tpu.memref_squeeze %dma_wait3A_1912 : memref<1x128x16xf32, #tpu.memory_space<vmem>> -> memref<128x16xf32, #tpu.memory_space<vmem>>
      %dma_wait3A_1914 = arith.constant 0 : i32
      %dma_wait3A_1915 = tpu.memref_slice %arg9[%dma_wait3A_1909, %dma_wait3A_1914] : memref<20x128xi32, #tpu.memory_space<vmem>> -> memref<1x128xi32, #tpu.memory_space<vmem>>
      %dma_wait3A_1916 = tpu.memref_squeeze %dma_wait3A_1915 : memref<1x128xi32, #tpu.memory_space<vmem>> -> memref<128xi32, #tpu.memory_space<vmem>>
      %dma_wait3A_1917 = arith.constant 0 : i32
      %dma_wait3A_1918 = arith.constant 0 : i32
      %dma_wait3A_1919 = tpu.memref_slice %arg5[%dma_wait3A_1917, %dma_wait3A_1918] : memref<100352x16xf32, #tpu.memory_space<vmem_shared>> -> memref<100352x16xf32, #tpu.memory_space<vmem_shared>>
      tpu.wait_indirect_dma semaphore(%arg15 : memref<!tpu.dma_semaphore, #tpu.memory_space<semaphore_mem>>) src(%dma_wait3A_1913 : memref<128x16xf32, #tpu.memory_space<vmem>>) dst(%dma_wait3A_1919 : memref<100352x16xf32, #tpu.memory_space<vmem_shared>>)
      %dma_start3A_1920 = arith.constant 16 : i32
      %dma_start3A_1921 = arith.constant 0 : i32
      %dma_start3A_1922 = arith.constant 0 : i32
      %dma_start3A_1923 = arith.constant 0 : i32
      %dma_start3A_1924 = tpu.memref_slice %arg10[%dma_start3A_1921, %dma_start3A_1922, %dma_start3A_1923] : memref<2x512x16xf32, #tpu.memory_space<vmem>> -> memref<1x128x16xf32, #tpu.memory_space<vmem>>
      %dma_start3A_1925 = tpu.memref_squeeze %dma_start3A_1924 : memref<1x128x16xf32, #tpu.memory_space<vmem>> -> memref<128x16xf32, #tpu.memory_space<vmem>>
      %dma_start3A_1926 = arith.constant 0 : i32
      %dma_start3A_1927 = tpu.memref_slice %arg8[%dma_start3A_1920, %dma_start3A_1926] : memref<20x128xi32, #tpu.memory_space<vmem>> -> memref<1x128xi32, #tpu.memory_space<vmem>>
      %dma_start3A_1928 = tpu.memref_squeeze %dma_start3A_1927 : memref<1x128xi32, #tpu.memory_space<vmem>> -> memref<128xi32, #tpu.memory_space<vmem>>
      %dma_start3A_1929 = arith.constant 0 : i32
      %dma_start3A_1930 = arith.constant 0 : i32
      %dma_start3A_1931 = tpu.memref_slice %arg2[%dma_start3A_1929, %dma_start3A_1930] : memref<200002x16xf32, #tpu.memory_space<hbm>> -> memref<200002x16xf32, #tpu.memory_space<hbm>>
      tpu.enqueue_indirect_dma source(%dma_start3A_1931 : memref<200002x16xf32, #tpu.memory_space<hbm>>) target(%dma_start3A_1925 : memref<128x16xf32, #tpu.memory_space<vmem>>) offsets(%dma_start3A_1928 : memref<128xi32, #tpu.memory_space<vmem>>) semaphore(%arg11 : memref<!tpu.dma_semaphore, #tpu.memory_space<semaphore_mem>>)
      %dma_start3A_1932 = arith.constant 17 : i32
      %dma_start3A_1933 = arith.constant 0 : i32
      %dma_start3A_1934 = arith.constant 128 : i32
      %dma_start3A_1935 = arith.constant 0 : i32
      %dma_start3A_1936 = tpu.memref_slice %arg10[%dma_start3A_1933, %dma_start3A_1934, %dma_start3A_1935] : memref<2x512x16xf32, #tpu.memory_space<vmem>> -> memref<1x128x16xf32, #tpu.memory_space<vmem>>
      %dma_start3A_1937 = tpu.memref_squeeze %dma_start3A_1936 : memref<1x128x16xf32, #tpu.memory_space<vmem>> -> memref<128x16xf32, #tpu.memory_space<vmem>>
      %dma_start3A_1938 = arith.constant 0 : i32
      %dma_start3A_1939 = tpu.memref_slice %arg8[%dma_start3A_1932, %dma_start3A_1938] : memref<20x128xi32, #tpu.memory_space<vmem>> -> memref<1x128xi32, #tpu.memory_space<vmem>>
      %dma_start3A_1940 = tpu.memref_squeeze %dma_start3A_1939 : memref<1x128xi32, #tpu.memory_space<vmem>> -> memref<128xi32, #tpu.memory_space<vmem>>
      %dma_start3A_1941 = arith.constant 0 : i32
      %dma_start3A_1942 = arith.constant 0 : i32
      %dma_start3A_1943 = tpu.memref_slice %arg2[%dma_start3A_1941, %dma_start3A_1942] : memref<200002x16xf32, #tpu.memory_space<hbm>> -> memref<200002x16xf32, #tpu.memory_space<hbm>>
      tpu.enqueue_indirect_dma source(%dma_start3A_1943 : memref<200002x16xf32, #tpu.memory_space<hbm>>) target(%dma_start3A_1937 : memref<128x16xf32, #tpu.memory_space<vmem>>) offsets(%dma_start3A_1940 : memref<128xi32, #tpu.memory_space<vmem>>) semaphore(%arg11 : memref<!tpu.dma_semaphore, #tpu.memory_space<semaphore_mem>>)
      %dma_start3A_1944 = arith.constant 18 : i32
      %dma_start3A_1945 = arith.constant 0 : i32
      %dma_start3A_1946 = arith.constant 256 : i32
      %dma_start3A_1947 = arith.constant 0 : i32
      %dma_start3A_1948 = tpu.memref_slice %arg10[%dma_start3A_1945, %dma_start3A_1946, %dma_start3A_1947] : memref<2x512x16xf32, #tpu.memory_space<vmem>> -> memref<1x128x16xf32, #tpu.memory_space<vmem>>
      %dma_start3A_1949 = tpu.memref_squeeze %dma_start3A_1948 : memref<1x128x16xf32, #tpu.memory_space<vmem>> -> memref<128x16xf32, #tpu.memory_space<vmem>>
      %dma_start3A_1950 = arith.constant 0 : i32
      %dma_start3A_1951 = tpu.memref_slice %arg8[%dma_start3A_1944, %dma_start3A_1950] : memref<20x128xi32, #tpu.memory_space<vmem>> -> memref<1x128xi32, #tpu.memory_space<vmem>>
      %dma_start3A_1952 = tpu.memref_squeeze %dma_start3A_1951 : memref<1x128xi32, #tpu.memory_space<vmem>> -> memref<128xi32, #tpu.memory_space<vmem>>
      %dma_start3A_1953 = arith.constant 0 : i32
      %dma_start3A_1954 = arith.constant 0 : i32
      %dma_start3A_1955 = tpu.memref_slice %arg2[%dma_start3A_1953, %dma_start3A_1954] : memref<200002x16xf32, #tpu.memory_space<hbm>> -> memref<200002x16xf32, #tpu.memory_space<hbm>>
      tpu.enqueue_indirect_dma source(%dma_start3A_1955 : memref<200002x16xf32, #tpu.memory_space<hbm>>) target(%dma_start3A_1949 : memref<128x16xf32, #tpu.memory_space<vmem>>) offsets(%dma_start3A_1952 : memref<128xi32, #tpu.memory_space<vmem>>) semaphore(%arg11 : memref<!tpu.dma_semaphore, #tpu.memory_space<semaphore_mem>>)
      %dma_start3A_1956 = arith.constant 19 : i32
      %dma_start3A_1957 = arith.constant 0 : i32
      %dma_start3A_1958 = arith.constant 384 : i32
      %dma_start3A_1959 = arith.constant 0 : i32
      %dma_start3A_1960 = tpu.memref_slice %arg10[%dma_start3A_1957, %dma_start3A_1958, %dma_start3A_1959] : memref<2x512x16xf32, #tpu.memory_space<vmem>> -> memref<1x128x16xf32, #tpu.memory_space<vmem>>
      %dma_start3A_1961 = tpu.memref_squeeze %dma_start3A_1960 : memref<1x128x16xf32, #tpu.memory_space<vmem>> -> memref<128x16xf32, #tpu.memory_space<vmem>>
      %dma_start3A_1962 = arith.constant 0 : i32
      %dma_start3A_1963 = tpu.memref_slice %arg8[%dma_start3A_1956, %dma_start3A_1962] : memref<20x128xi32, #tpu.memory_space<vmem>> -> memref<1x128xi32, #tpu.memory_space<vmem>>
      %dma_start3A_1964 = tpu.memref_squeeze %dma_start3A_1963 : memref<1x128xi32, #tpu.memory_space<vmem>> -> memref<128xi32, #tpu.memory_space<vmem>>
      %dma_start3A_1965 = arith.constant 0 : i32
      %dma_start3A_1966 = arith.constant 0 : i32
      %dma_start3A_1967 = tpu.memref_slice %arg2[%dma_start3A_1965, %dma_start3A_1966] : memref<200002x16xf32, #tpu.memory_space<hbm>> -> memref<200002x16xf32, #tpu.memory_space<hbm>>
      tpu.enqueue_indirect_dma source(%dma_start3A_1967 : memref<200002x16xf32, #tpu.memory_space<hbm>>) target(%dma_start3A_1961 : memref<128x16xf32, #tpu.memory_space<vmem>>) offsets(%dma_start3A_1964 : memref<128xi32, #tpu.memory_space<vmem>>) semaphore(%arg11 : memref<!tpu.dma_semaphore, #tpu.memory_space<semaphore_mem>>)
      %dma_wait3A_1968 = arith.constant 12 : i32
      %dma_wait3A_1969 = arith.constant 1 : i32
      %dma_wait3A_1970 = arith.constant 0 : i32
      %dma_wait3A_1971 = arith.constant 0 : i32
      %dma_wait3A_1972 = tpu.memref_slice %arg10[%dma_wait3A_1969, %dma_wait3A_1970, %dma_wait3A_1971] : memref<2x512x16xf32, #tpu.memory_space<vmem>> -> memref<1x128x16xf32, #tpu.memory_space<vmem>>
      %dma_wait3A_1973 = tpu.memref_squeeze %dma_wait3A_1972 : memref<1x128x16xf32, #tpu.memory_space<vmem>> -> memref<128x16xf32, #tpu.memory_space<vmem>>
      %dma_wait3A_1974 = arith.constant 0 : i32
      %dma_wait3A_1975 = tpu.memref_slice %arg8[%dma_wait3A_1968, %dma_wait3A_1974] : memref<20x128xi32, #tpu.memory_space<vmem>> -> memref<1x128xi32, #tpu.memory_space<vmem>>
      %dma_wait3A_1976 = tpu.memref_squeeze %dma_wait3A_1975 : memref<1x128xi32, #tpu.memory_space<vmem>> -> memref<128xi32, #tpu.memory_space<vmem>>
      %dma_wait3A_1977 = arith.constant 0 : i32
      %dma_wait3A_1978 = arith.constant 0 : i32
      %dma_wait3A_1979 = tpu.memref_slice %arg2[%dma_wait3A_1977, %dma_wait3A_1978] : memref<200002x16xf32, #tpu.memory_space<hbm>> -> memref<200002x16xf32, #tpu.memory_space<hbm>>
      tpu.wait_indirect_dma semaphore(%arg12 : memref<!tpu.dma_semaphore, #tpu.memory_space<semaphore_mem>>) src(%dma_wait3A_1979 : memref<200002x16xf32, #tpu.memory_space<hbm>>) dst(%dma_wait3A_1973 : memref<128x16xf32, #tpu.memory_space<vmem>>)
      %dma_wait3A_1980 = arith.constant 13 : i32
      %dma_wait3A_1981 = arith.constant 1 : i32
      %dma_wait3A_1982 = arith.constant 128 : i32
      %dma_wait3A_1983 = arith.constant 0 : i32
      %dma_wait3A_1984 = tpu.memref_slice %arg10[%dma_wait3A_1981, %dma_wait3A_1982, %dma_wait3A_1983] : memref<2x512x16xf32, #tpu.memory_space<vmem>> -> memref<1x128x16xf32, #tpu.memory_space<vmem>>
      %dma_wait3A_1985 = tpu.memref_squeeze %dma_wait3A_1984 : memref<1x128x16xf32, #tpu.memory_space<vmem>> -> memref<128x16xf32, #tpu.memory_space<vmem>>
      %dma_wait3A_1986 = arith.constant 0 : i32
      %dma_wait3A_1987 = tpu.memref_slice %arg8[%dma_wait3A_1980, %dma_wait3A_1986] : memref<20x128xi32, #tpu.memory_space<vmem>> -> memref<1x128xi32, #tpu.memory_space<vmem>>
      %dma_wait3A_1988 = tpu.memref_squeeze %dma_wait3A_1987 : memref<1x128xi32, #tpu.memory_space<vmem>> -> memref<128xi32, #tpu.memory_space<vmem>>
      %dma_wait3A_1989 = arith.constant 0 : i32
      %dma_wait3A_1990 = arith.constant 0 : i32
      %dma_wait3A_1991 = tpu.memref_slice %arg2[%dma_wait3A_1989, %dma_wait3A_1990] : memref<200002x16xf32, #tpu.memory_space<hbm>> -> memref<200002x16xf32, #tpu.memory_space<hbm>>
      tpu.wait_indirect_dma semaphore(%arg12 : memref<!tpu.dma_semaphore, #tpu.memory_space<semaphore_mem>>) src(%dma_wait3A_1991 : memref<200002x16xf32, #tpu.memory_space<hbm>>) dst(%dma_wait3A_1985 : memref<128x16xf32, #tpu.memory_space<vmem>>)
      %dma_wait3A_1992 = arith.constant 14 : i32
      %dma_wait3A_1993 = arith.constant 1 : i32
      %dma_wait3A_1994 = arith.constant 256 : i32
      %dma_wait3A_1995 = arith.constant 0 : i32
      %dma_wait3A_1996 = tpu.memref_slice %arg10[%dma_wait3A_1993, %dma_wait3A_1994, %dma_wait3A_1995] : memref<2x512x16xf32, #tpu.memory_space<vmem>> -> memref<1x128x16xf32, #tpu.memory_space<vmem>>
      %dma_wait3A_1997 = tpu.memref_squeeze %dma_wait3A_1996 : memref<1x128x16xf32, #tpu.memory_space<vmem>> -> memref<128x16xf32, #tpu.memory_space<vmem>>
      %dma_wait3A_1998 = arith.constant 0 : i32
      %dma_wait3A_1999 = tpu.memref_slice %arg8[%dma_wait3A_1992, %dma_wait3A_1998] : memref<20x128xi32, #tpu.memory_space<vmem>> -> memref<1x128xi32, #tpu.memory_space<vmem>>
      %dma_wait3A_2000 = tpu.memref_squeeze %dma_wait3A_1999 : memref<1x128xi32, #tpu.memory_space<vmem>> -> memref<128xi32, #tpu.memory_space<vmem>>
      %dma_wait3A_2001 = arith.constant 0 : i32
      %dma_wait3A_2002 = arith.constant 0 : i32
      %dma_wait3A_2003 = tpu.memref_slice %arg2[%dma_wait3A_2001, %dma_wait3A_2002] : memref<200002x16xf32, #tpu.memory_space<hbm>> -> memref<200002x16xf32, #tpu.memory_space<hbm>>
      tpu.wait_indirect_dma semaphore(%arg12 : memref<!tpu.dma_semaphore, #tpu.memory_space<semaphore_mem>>) src(%dma_wait3A_2003 : memref<200002x16xf32, #tpu.memory_space<hbm>>) dst(%dma_wait3A_1997 : memref<128x16xf32, #tpu.memory_space<vmem>>)
      %dma_wait3A_2004 = arith.constant 15 : i32
      %dma_wait3A_2005 = arith.constant 1 : i32
      %dma_wait3A_2006 = arith.constant 384 : i32
      %dma_wait3A_2007 = arith.constant 0 : i32
      %dma_wait3A_2008 = tpu.memref_slice %arg10[%dma_wait3A_2005, %dma_wait3A_2006, %dma_wait3A_2007] : memref<2x512x16xf32, #tpu.memory_space<vmem>> -> memref<1x128x16xf32, #tpu.memory_space<vmem>>
      %dma_wait3A_2009 = tpu.memref_squeeze %dma_wait3A_2008 : memref<1x128x16xf32, #tpu.memory_space<vmem>> -> memref<128x16xf32, #tpu.memory_space<vmem>>
      %dma_wait3A_2010 = arith.constant 0 : i32
      %dma_wait3A_2011 = tpu.memref_slice %arg8[%dma_wait3A_2004, %dma_wait3A_2010] : memref<20x128xi32, #tpu.memory_space<vmem>> -> memref<1x128xi32, #tpu.memory_space<vmem>>
      %dma_wait3A_2012 = tpu.memref_squeeze %dma_wait3A_2011 : memref<1x128xi32, #tpu.memory_space<vmem>> -> memref<128xi32, #tpu.memory_space<vmem>>
      %dma_wait3A_2013 = arith.constant 0 : i32
      %dma_wait3A_2014 = arith.constant 0 : i32
      %dma_wait3A_2015 = tpu.memref_slice %arg2[%dma_wait3A_2013, %dma_wait3A_2014] : memref<200002x16xf32, #tpu.memory_space<hbm>> -> memref<200002x16xf32, #tpu.memory_space<hbm>>
      tpu.wait_indirect_dma semaphore(%arg12 : memref<!tpu.dma_semaphore, #tpu.memory_space<semaphore_mem>>) src(%dma_wait3A_2015 : memref<200002x16xf32, #tpu.memory_space<hbm>>) dst(%dma_wait3A_2009 : memref<128x16xf32, #tpu.memory_space<vmem>>)
      %dma_start3A_2016 = arith.constant 1 : i32
      %dma_start3A_2017 = arith.constant 12 : i32
      %dma_start3A_2018 = arith.constant 0 : i32
      %dma_start3A_2019 = arith.constant 0 : i32
      %dma_start3A_2020 = tpu.memref_slice %arg10[%dma_start3A_2016, %dma_start3A_2018, %dma_start3A_2019] : memref<2x512x16xf32, #tpu.memory_space<vmem>> -> memref<1x128x16xf32, #tpu.memory_space<vmem>>
      %dma_start3A_2021 = tpu.memref_squeeze %dma_start3A_2020 : memref<1x128x16xf32, #tpu.memory_space<vmem>> -> memref<128x16xf32, #tpu.memory_space<vmem>>
      %dma_start3A_2022 = arith.constant 0 : i32
      %dma_start3A_2023 = tpu.memref_slice %arg9[%dma_start3A_2017, %dma_start3A_2022] : memref<20x128xi32, #tpu.memory_space<vmem>> -> memref<1x128xi32, #tpu.memory_space<vmem>>
      %dma_start3A_2024 = tpu.memref_squeeze %dma_start3A_2023 : memref<1x128xi32, #tpu.memory_space<vmem>> -> memref<128xi32, #tpu.memory_space<vmem>>
      %dma_start3A_2025 = arith.constant 0 : i32
      %dma_start3A_2026 = arith.constant 0 : i32
      %dma_start3A_2027 = tpu.memref_slice %arg5[%dma_start3A_2025, %dma_start3A_2026] : memref<100352x16xf32, #tpu.memory_space<vmem_shared>> -> memref<100352x16xf32, #tpu.memory_space<vmem_shared>>
      tpu.enqueue_indirect_dma source(%dma_start3A_2021 : memref<128x16xf32, #tpu.memory_space<vmem>>) target(%dma_start3A_2027 : memref<100352x16xf32, #tpu.memory_space<vmem_shared>>) offsets(%dma_start3A_2024 : memref<128xi32, #tpu.memory_space<vmem>>) semaphore(%arg16 : memref<!tpu.dma_semaphore, #tpu.memory_space<semaphore_mem>>) {add = true}
      %dma_start3A_2028 = arith.constant 1 : i32
      %dma_start3A_2029 = arith.constant 13 : i32
      %dma_start3A_2030 = arith.constant 128 : i32
      %dma_start3A_2031 = arith.constant 0 : i32
      %dma_start3A_2032 = tpu.memref_slice %arg10[%dma_start3A_2028, %dma_start3A_2030, %dma_start3A_2031] : memref<2x512x16xf32, #tpu.memory_space<vmem>> -> memref<1x128x16xf32, #tpu.memory_space<vmem>>
      %dma_start3A_2033 = tpu.memref_squeeze %dma_start3A_2032 : memref<1x128x16xf32, #tpu.memory_space<vmem>> -> memref<128x16xf32, #tpu.memory_space<vmem>>
      %dma_start3A_2034 = arith.constant 0 : i32
      %dma_start3A_2035 = tpu.memref_slice %arg9[%dma_start3A_2029, %dma_start3A_2034] : memref<20x128xi32, #tpu.memory_space<vmem>> -> memref<1x128xi32, #tpu.memory_space<vmem>>
      %dma_start3A_2036 = tpu.memref_squeeze %dma_start3A_2035 : memref<1x128xi32, #tpu.memory_space<vmem>> -> memref<128xi32, #tpu.memory_space<vmem>>
      %dma_start3A_2037 = arith.constant 0 : i32
      %dma_start3A_2038 = arith.constant 0 : i32
      %dma_start3A_2039 = tpu.memref_slice %arg5[%dma_start3A_2037, %dma_start3A_2038] : memref<100352x16xf32, #tpu.memory_space<vmem_shared>> -> memref<100352x16xf32, #tpu.memory_space<vmem_shared>>
      tpu.enqueue_indirect_dma source(%dma_start3A_2033 : memref<128x16xf32, #tpu.memory_space<vmem>>) target(%dma_start3A_2039 : memref<100352x16xf32, #tpu.memory_space<vmem_shared>>) offsets(%dma_start3A_2036 : memref<128xi32, #tpu.memory_space<vmem>>) semaphore(%arg16 : memref<!tpu.dma_semaphore, #tpu.memory_space<semaphore_mem>>) {add = true}
      %dma_start3A_2040 = arith.constant 1 : i32
      %dma_start3A_2041 = arith.constant 14 : i32
      %dma_start3A_2042 = arith.constant 256 : i32
      %dma_start3A_2043 = arith.constant 0 : i32
      %dma_start3A_2044 = tpu.memref_slice %arg10[%dma_start3A_2040, %dma_start3A_2042, %dma_start3A_2043] : memref<2x512x16xf32, #tpu.memory_space<vmem>> -> memref<1x128x16xf32, #tpu.memory_space<vmem>>
      %dma_start3A_2045 = tpu.memref_squeeze %dma_start3A_2044 : memref<1x128x16xf32, #tpu.memory_space<vmem>> -> memref<128x16xf32, #tpu.memory_space<vmem>>
      %dma_start3A_2046 = arith.constant 0 : i32
      %dma_start3A_2047 = tpu.memref_slice %arg9[%dma_start3A_2041, %dma_start3A_2046] : memref<20x128xi32, #tpu.memory_space<vmem>> -> memref<1x128xi32, #tpu.memory_space<vmem>>
      %dma_start3A_2048 = tpu.memref_squeeze %dma_start3A_2047 : memref<1x128xi32, #tpu.memory_space<vmem>> -> memref<128xi32, #tpu.memory_space<vmem>>
      %dma_start3A_2049 = arith.constant 0 : i32
      %dma_start3A_2050 = arith.constant 0 : i32
      %dma_start3A_2051 = tpu.memref_slice %arg5[%dma_start3A_2049, %dma_start3A_2050] : memref<100352x16xf32, #tpu.memory_space<vmem_shared>> -> memref<100352x16xf32, #tpu.memory_space<vmem_shared>>
      tpu.enqueue_indirect_dma source(%dma_start3A_2045 : memref<128x16xf32, #tpu.memory_space<vmem>>) target(%dma_start3A_2051 : memref<100352x16xf32, #tpu.memory_space<vmem_shared>>) offsets(%dma_start3A_2048 : memref<128xi32, #tpu.memory_space<vmem>>) semaphore(%arg16 : memref<!tpu.dma_semaphore, #tpu.memory_space<semaphore_mem>>) {add = true}
      %dma_start3A_2052 = arith.constant 1 : i32
      %dma_start3A_2053 = arith.constant 15 : i32
      %dma_start3A_2054 = arith.constant 384 : i32
      %dma_start3A_2055 = arith.constant 0 : i32
      %dma_start3A_2056 = tpu.memref_slice %arg10[%dma_start3A_2052, %dma_start3A_2054, %dma_start3A_2055] : memref<2x512x16xf32, #tpu.memory_space<vmem>> -> memref<1x128x16xf32, #tpu.memory_space<vmem>>
      %dma_start3A_2057 = tpu.memref_squeeze %dma_start3A_2056 : memref<1x128x16xf32, #tpu.memory_space<vmem>> -> memref<128x16xf32, #tpu.memory_space<vmem>>
      %dma_start3A_2058 = arith.constant 0 : i32
      %dma_start3A_2059 = tpu.memref_slice %arg9[%dma_start3A_2053, %dma_start3A_2058] : memref<20x128xi32, #tpu.memory_space<vmem>> -> memref<1x128xi32, #tpu.memory_space<vmem>>
      %dma_start3A_2060 = tpu.memref_squeeze %dma_start3A_2059 : memref<1x128xi32, #tpu.memory_space<vmem>> -> memref<128xi32, #tpu.memory_space<vmem>>
      %dma_start3A_2061 = arith.constant 0 : i32
      %dma_start3A_2062 = arith.constant 0 : i32
      %dma_start3A_2063 = tpu.memref_slice %arg5[%dma_start3A_2061, %dma_start3A_2062] : memref<100352x16xf32, #tpu.memory_space<vmem_shared>> -> memref<100352x16xf32, #tpu.memory_space<vmem_shared>>
      tpu.enqueue_indirect_dma source(%dma_start3A_2057 : memref<128x16xf32, #tpu.memory_space<vmem>>) target(%dma_start3A_2063 : memref<100352x16xf32, #tpu.memory_space<vmem_shared>>) offsets(%dma_start3A_2060 : memref<128xi32, #tpu.memory_space<vmem>>) semaphore(%arg16 : memref<!tpu.dma_semaphore, #tpu.memory_space<semaphore_mem>>) {add = true}
      %dma_wait3A_2064 = arith.constant 16 : i32
      %dma_wait3A_2065 = arith.constant 0 : i32
      %dma_wait3A_2066 = arith.constant 0 : i32
      %dma_wait3A_2067 = arith.constant 0 : i32
      %dma_wait3A_2068 = tpu.memref_slice %arg10[%dma_wait3A_2065, %dma_wait3A_2066, %dma_wait3A_2067] : memref<2x512x16xf32, #tpu.memory_space<vmem>> -> memref<1x128x16xf32, #tpu.memory_space<vmem>>
      %dma_wait3A_2069 = tpu.memref_squeeze %dma_wait3A_2068 : memref<1x128x16xf32, #tpu.memory_space<vmem>> -> memref<128x16xf32, #tpu.memory_space<vmem>>
      %dma_wait3A_2070 = arith.constant 0 : i32
      %dma_wait3A_2071 = tpu.memref_slice %arg8[%dma_wait3A_2064, %dma_wait3A_2070] : memref<20x128xi32, #tpu.memory_space<vmem>> -> memref<1x128xi32, #tpu.memory_space<vmem>>
      %dma_wait3A_2072 = tpu.memref_squeeze %dma_wait3A_2071 : memref<1x128xi32, #tpu.memory_space<vmem>> -> memref<128xi32, #tpu.memory_space<vmem>>
      %dma_wait3A_2073 = arith.constant 0 : i32
      %dma_wait3A_2074 = arith.constant 0 : i32
      %dma_wait3A_2075 = tpu.memref_slice %arg2[%dma_wait3A_2073, %dma_wait3A_2074] : memref<200002x16xf32, #tpu.memory_space<hbm>> -> memref<200002x16xf32, #tpu.memory_space<hbm>>
      tpu.wait_indirect_dma semaphore(%arg11 : memref<!tpu.dma_semaphore, #tpu.memory_space<semaphore_mem>>) src(%dma_wait3A_2075 : memref<200002x16xf32, #tpu.memory_space<hbm>>) dst(%dma_wait3A_2069 : memref<128x16xf32, #tpu.memory_space<vmem>>)
      %dma_wait3A_2076 = arith.constant 17 : i32
      %dma_wait3A_2077 = arith.constant 0 : i32
      %dma_wait3A_2078 = arith.constant 128 : i32
      %dma_wait3A_2079 = arith.constant 0 : i32
      %dma_wait3A_2080 = tpu.memref_slice %arg10[%dma_wait3A_2077, %dma_wait3A_2078, %dma_wait3A_2079] : memref<2x512x16xf32, #tpu.memory_space<vmem>> -> memref<1x128x16xf32, #tpu.memory_space<vmem>>
      %dma_wait3A_2081 = tpu.memref_squeeze %dma_wait3A_2080 : memref<1x128x16xf32, #tpu.memory_space<vmem>> -> memref<128x16xf32, #tpu.memory_space<vmem>>
      %dma_wait3A_2082 = arith.constant 0 : i32
      %dma_wait3A_2083 = tpu.memref_slice %arg8[%dma_wait3A_2076, %dma_wait3A_2082] : memref<20x128xi32, #tpu.memory_space<vmem>> -> memref<1x128xi32, #tpu.memory_space<vmem>>
      %dma_wait3A_2084 = tpu.memref_squeeze %dma_wait3A_2083 : memref<1x128xi32, #tpu.memory_space<vmem>> -> memref<128xi32, #tpu.memory_space<vmem>>
      %dma_wait3A_2085 = arith.constant 0 : i32
      %dma_wait3A_2086 = arith.constant 0 : i32
      %dma_wait3A_2087 = tpu.memref_slice %arg2[%dma_wait3A_2085, %dma_wait3A_2086] : memref<200002x16xf32, #tpu.memory_space<hbm>> -> memref<200002x16xf32, #tpu.memory_space<hbm>>
      tpu.wait_indirect_dma semaphore(%arg11 : memref<!tpu.dma_semaphore, #tpu.memory_space<semaphore_mem>>) src(%dma_wait3A_2087 : memref<200002x16xf32, #tpu.memory_space<hbm>>) dst(%dma_wait3A_2081 : memref<128x16xf32, #tpu.memory_space<vmem>>)
      %dma_wait3A_2088 = arith.constant 18 : i32
      %dma_wait3A_2089 = arith.constant 0 : i32
      %dma_wait3A_2090 = arith.constant 256 : i32
      %dma_wait3A_2091 = arith.constant 0 : i32
      %dma_wait3A_2092 = tpu.memref_slice %arg10[%dma_wait3A_2089, %dma_wait3A_2090, %dma_wait3A_2091] : memref<2x512x16xf32, #tpu.memory_space<vmem>> -> memref<1x128x16xf32, #tpu.memory_space<vmem>>
      %dma_wait3A_2093 = tpu.memref_squeeze %dma_wait3A_2092 : memref<1x128x16xf32, #tpu.memory_space<vmem>> -> memref<128x16xf32, #tpu.memory_space<vmem>>
      %dma_wait3A_2094 = arith.constant 0 : i32
      %dma_wait3A_2095 = tpu.memref_slice %arg8[%dma_wait3A_2088, %dma_wait3A_2094] : memref<20x128xi32, #tpu.memory_space<vmem>> -> memref<1x128xi32, #tpu.memory_space<vmem>>
      %dma_wait3A_2096 = tpu.memref_squeeze %dma_wait3A_2095 : memref<1x128xi32, #tpu.memory_space<vmem>> -> memref<128xi32, #tpu.memory_space<vmem>>
      %dma_wait3A_2097 = arith.constant 0 : i32
      %dma_wait3A_2098 = arith.constant 0 : i32
      %dma_wait3A_2099 = tpu.memref_slice %arg2[%dma_wait3A_2097, %dma_wait3A_2098] : memref<200002x16xf32, #tpu.memory_space<hbm>> -> memref<200002x16xf32, #tpu.memory_space<hbm>>
      tpu.wait_indirect_dma semaphore(%arg11 : memref<!tpu.dma_semaphore, #tpu.memory_space<semaphore_mem>>) src(%dma_wait3A_2099 : memref<200002x16xf32, #tpu.memory_space<hbm>>) dst(%dma_wait3A_2093 : memref<128x16xf32, #tpu.memory_space<vmem>>)
      %dma_wait3A_2100 = arith.constant 19 : i32
      %dma_wait3A_2101 = arith.constant 0 : i32
      %dma_wait3A_2102 = arith.constant 384 : i32
      %dma_wait3A_2103 = arith.constant 0 : i32
      %dma_wait3A_2104 = tpu.memref_slice %arg10[%dma_wait3A_2101, %dma_wait3A_2102, %dma_wait3A_2103] : memref<2x512x16xf32, #tpu.memory_space<vmem>> -> memref<1x128x16xf32, #tpu.memory_space<vmem>>
      %dma_wait3A_2105 = tpu.memref_squeeze %dma_wait3A_2104 : memref<1x128x16xf32, #tpu.memory_space<vmem>> -> memref<128x16xf32, #tpu.memory_space<vmem>>
      %dma_wait3A_2106 = arith.constant 0 : i32
      %dma_wait3A_2107 = tpu.memref_slice %arg8[%dma_wait3A_2100, %dma_wait3A_2106] : memref<20x128xi32, #tpu.memory_space<vmem>> -> memref<1x128xi32, #tpu.memory_space<vmem>>
      %dma_wait3A_2108 = tpu.memref_squeeze %dma_wait3A_2107 : memref<1x128xi32, #tpu.memory_space<vmem>> -> memref<128xi32, #tpu.memory_space<vmem>>
      %dma_wait3A_2109 = arith.constant 0 : i32
      %dma_wait3A_2110 = arith.constant 0 : i32
      %dma_wait3A_2111 = tpu.memref_slice %arg2[%dma_wait3A_2109, %dma_wait3A_2110] : memref<200002x16xf32, #tpu.memory_space<hbm>> -> memref<200002x16xf32, #tpu.memory_space<hbm>>
      tpu.wait_indirect_dma semaphore(%arg11 : memref<!tpu.dma_semaphore, #tpu.memory_space<semaphore_mem>>) src(%dma_wait3A_2111 : memref<200002x16xf32, #tpu.memory_space<hbm>>) dst(%dma_wait3A_2105 : memref<128x16xf32, #tpu.memory_space<vmem>>)
      %dma_start3A_2112 = arith.constant 0 : i32
      %dma_start3A_2113 = arith.constant 16 : i32
      %dma_start3A_2114 = arith.constant 0 : i32
      %dma_start3A_2115 = arith.constant 0 : i32
      %dma_start3A_2116 = tpu.memref_slice %arg10[%dma_start3A_2112, %dma_start3A_2114, %dma_start3A_2115] : memref<2x512x16xf32, #tpu.memory_space<vmem>> -> memref<1x128x16xf32, #tpu.memory_space<vmem>>
      %dma_start3A_2117 = tpu.memref_squeeze %dma_start3A_2116 : memref<1x128x16xf32, #tpu.memory_space<vmem>> -> memref<128x16xf32, #tpu.memory_space<vmem>>
      %dma_start3A_2118 = arith.constant 0 : i32
      %dma_start3A_2119 = tpu.memref_slice %arg9[%dma_start3A_2113, %dma_start3A_2118] : memref<20x128xi32, #tpu.memory_space<vmem>> -> memref<1x128xi32, #tpu.memory_space<vmem>>
      %dma_start3A_2120 = tpu.memref_squeeze %dma_start3A_2119 : memref<1x128xi32, #tpu.memory_space<vmem>> -> memref<128xi32, #tpu.memory_space<vmem>>
      %dma_start3A_2121 = arith.constant 0 : i32
      %dma_start3A_2122 = arith.constant 0 : i32
      %dma_start3A_2123 = tpu.memref_slice %arg5[%dma_start3A_2121, %dma_start3A_2122] : memref<100352x16xf32, #tpu.memory_space<vmem_shared>> -> memref<100352x16xf32, #tpu.memory_space<vmem_shared>>
      tpu.enqueue_indirect_dma source(%dma_start3A_2117 : memref<128x16xf32, #tpu.memory_space<vmem>>) target(%dma_start3A_2123 : memref<100352x16xf32, #tpu.memory_space<vmem_shared>>) offsets(%dma_start3A_2120 : memref<128xi32, #tpu.memory_space<vmem>>) semaphore(%arg15 : memref<!tpu.dma_semaphore, #tpu.memory_space<semaphore_mem>>) {add = true}
      %dma_start3A_2124 = arith.constant 0 : i32
      %dma_start3A_2125 = arith.constant 17 : i32
      %dma_start3A_2126 = arith.constant 128 : i32
      %dma_start3A_2127 = arith.constant 0 : i32
      %dma_start3A_2128 = tpu.memref_slice %arg10[%dma_start3A_2124, %dma_start3A_2126, %dma_start3A_2127] : memref<2x512x16xf32, #tpu.memory_space<vmem>> -> memref<1x128x16xf32, #tpu.memory_space<vmem>>
      %dma_start3A_2129 = tpu.memref_squeeze %dma_start3A_2128 : memref<1x128x16xf32, #tpu.memory_space<vmem>> -> memref<128x16xf32, #tpu.memory_space<vmem>>
      %dma_start3A_2130 = arith.constant 0 : i32
      %dma_start3A_2131 = tpu.memref_slice %arg9[%dma_start3A_2125, %dma_start3A_2130] : memref<20x128xi32, #tpu.memory_space<vmem>> -> memref<1x128xi32, #tpu.memory_space<vmem>>
      %dma_start3A_2132 = tpu.memref_squeeze %dma_start3A_2131 : memref<1x128xi32, #tpu.memory_space<vmem>> -> memref<128xi32, #tpu.memory_space<vmem>>
      %dma_start3A_2133 = arith.constant 0 : i32
      %dma_start3A_2134 = arith.constant 0 : i32
      %dma_start3A_2135 = tpu.memref_slice %arg5[%dma_start3A_2133, %dma_start3A_2134] : memref<100352x16xf32, #tpu.memory_space<vmem_shared>> -> memref<100352x16xf32, #tpu.memory_space<vmem_shared>>
      tpu.enqueue_indirect_dma source(%dma_start3A_2129 : memref<128x16xf32, #tpu.memory_space<vmem>>) target(%dma_start3A_2135 : memref<100352x16xf32, #tpu.memory_space<vmem_shared>>) offsets(%dma_start3A_2132 : memref<128xi32, #tpu.memory_space<vmem>>) semaphore(%arg15 : memref<!tpu.dma_semaphore, #tpu.memory_space<semaphore_mem>>) {add = true}
      %dma_start3A_2136 = arith.constant 0 : i32
      %dma_start3A_2137 = arith.constant 18 : i32
      %dma_start3A_2138 = arith.constant 256 : i32
      %dma_start3A_2139 = arith.constant 0 : i32
      %dma_start3A_2140 = tpu.memref_slice %arg10[%dma_start3A_2136, %dma_start3A_2138, %dma_start3A_2139] : memref<2x512x16xf32, #tpu.memory_space<vmem>> -> memref<1x128x16xf32, #tpu.memory_space<vmem>>
      %dma_start3A_2141 = tpu.memref_squeeze %dma_start3A_2140 : memref<1x128x16xf32, #tpu.memory_space<vmem>> -> memref<128x16xf32, #tpu.memory_space<vmem>>
      %dma_start3A_2142 = arith.constant 0 : i32
      %dma_start3A_2143 = tpu.memref_slice %arg9[%dma_start3A_2137, %dma_start3A_2142] : memref<20x128xi32, #tpu.memory_space<vmem>> -> memref<1x128xi32, #tpu.memory_space<vmem>>
      %dma_start3A_2144 = tpu.memref_squeeze %dma_start3A_2143 : memref<1x128xi32, #tpu.memory_space<vmem>> -> memref<128xi32, #tpu.memory_space<vmem>>
      %dma_start3A_2145 = arith.constant 0 : i32
      %dma_start3A_2146 = arith.constant 0 : i32
      %dma_start3A_2147 = tpu.memref_slice %arg5[%dma_start3A_2145, %dma_start3A_2146] : memref<100352x16xf32, #tpu.memory_space<vmem_shared>> -> memref<100352x16xf32, #tpu.memory_space<vmem_shared>>
      tpu.enqueue_indirect_dma source(%dma_start3A_2141 : memref<128x16xf32, #tpu.memory_space<vmem>>) target(%dma_start3A_2147 : memref<100352x16xf32, #tpu.memory_space<vmem_shared>>) offsets(%dma_start3A_2144 : memref<128xi32, #tpu.memory_space<vmem>>) semaphore(%arg15 : memref<!tpu.dma_semaphore, #tpu.memory_space<semaphore_mem>>) {add = true}
      %dma_start3A_2148 = arith.constant 0 : i32
      %dma_start3A_2149 = arith.constant 19 : i32
      %dma_start3A_2150 = arith.constant 384 : i32
      %dma_start3A_2151 = arith.constant 0 : i32
      %dma_start3A_2152 = tpu.memref_slice %arg10[%dma_start3A_2148, %dma_start3A_2150, %dma_start3A_2151] : memref<2x512x16xf32, #tpu.memory_space<vmem>> -> memref<1x128x16xf32, #tpu.memory_space<vmem>>
      %dma_start3A_2153 = tpu.memref_squeeze %dma_start3A_2152 : memref<1x128x16xf32, #tpu.memory_space<vmem>> -> memref<128x16xf32, #tpu.memory_space<vmem>>
      %dma_start3A_2154 = arith.constant 0 : i32
      %dma_start3A_2155 = tpu.memref_slice %arg9[%dma_start3A_2149, %dma_start3A_2154] : memref<20x128xi32, #tpu.memory_space<vmem>> -> memref<1x128xi32, #tpu.memory_space<vmem>>
      %dma_start3A_2156 = tpu.memref_squeeze %dma_start3A_2155 : memref<1x128xi32, #tpu.memory_space<vmem>> -> memref<128xi32, #tpu.memory_space<vmem>>
      %dma_start3A_2157 = arith.constant 0 : i32
      %dma_start3A_2158 = arith.constant 0 : i32
      %dma_start3A_2159 = tpu.memref_slice %arg5[%dma_start3A_2157, %dma_start3A_2158] : memref<100352x16xf32, #tpu.memory_space<vmem_shared>> -> memref<100352x16xf32, #tpu.memory_space<vmem_shared>>
      tpu.enqueue_indirect_dma source(%dma_start3A_2153 : memref<128x16xf32, #tpu.memory_space<vmem>>) target(%dma_start3A_2159 : memref<100352x16xf32, #tpu.memory_space<vmem_shared>>) offsets(%dma_start3A_2156 : memref<128xi32, #tpu.memory_space<vmem>>) semaphore(%arg15 : memref<!tpu.dma_semaphore, #tpu.memory_space<semaphore_mem>>) {add = true}
      %dma_wait3A_2160 = arith.constant 1 : i32
      %dma_wait3A_2161 = arith.constant 12 : i32
      %dma_wait3A_2162 = arith.constant 0 : i32
      %dma_wait3A_2163 = arith.constant 0 : i32
      %dma_wait3A_2164 = tpu.memref_slice %arg10[%dma_wait3A_2160, %dma_wait3A_2162, %dma_wait3A_2163] : memref<2x512x16xf32, #tpu.memory_space<vmem>> -> memref<1x128x16xf32, #tpu.memory_space<vmem>>
      %dma_wait3A_2165 = tpu.memref_squeeze %dma_wait3A_2164 : memref<1x128x16xf32, #tpu.memory_space<vmem>> -> memref<128x16xf32, #tpu.memory_space<vmem>>
      %dma_wait3A_2166 = arith.constant 0 : i32
      %dma_wait3A_2167 = tpu.memref_slice %arg9[%dma_wait3A_2161, %dma_wait3A_2166] : memref<20x128xi32, #tpu.memory_space<vmem>> -> memref<1x128xi32, #tpu.memory_space<vmem>>
      %dma_wait3A_2168 = tpu.memref_squeeze %dma_wait3A_2167 : memref<1x128xi32, #tpu.memory_space<vmem>> -> memref<128xi32, #tpu.memory_space<vmem>>
      %dma_wait3A_2169 = arith.constant 0 : i32
      %dma_wait3A_2170 = arith.constant 0 : i32
      %dma_wait3A_2171 = tpu.memref_slice %arg5[%dma_wait3A_2169, %dma_wait3A_2170] : memref<100352x16xf32, #tpu.memory_space<vmem_shared>> -> memref<100352x16xf32, #tpu.memory_space<vmem_shared>>
      tpu.wait_indirect_dma semaphore(%arg16 : memref<!tpu.dma_semaphore, #tpu.memory_space<semaphore_mem>>) src(%dma_wait3A_2165 : memref<128x16xf32, #tpu.memory_space<vmem>>) dst(%dma_wait3A_2171 : memref<100352x16xf32, #tpu.memory_space<vmem_shared>>)
      %dma_wait3A_2172 = arith.constant 1 : i32
      %dma_wait3A_2173 = arith.constant 13 : i32
      %dma_wait3A_2174 = arith.constant 128 : i32
      %dma_wait3A_2175 = arith.constant 0 : i32
      %dma_wait3A_2176 = tpu.memref_slice %arg10[%dma_wait3A_2172, %dma_wait3A_2174, %dma_wait3A_2175] : memref<2x512x16xf32, #tpu.memory_space<vmem>> -> memref<1x128x16xf32, #tpu.memory_space<vmem>>
      %dma_wait3A_2177 = tpu.memref_squeeze %dma_wait3A_2176 : memref<1x128x16xf32, #tpu.memory_space<vmem>> -> memref<128x16xf32, #tpu.memory_space<vmem>>
      %dma_wait3A_2178 = arith.constant 0 : i32
      %dma_wait3A_2179 = tpu.memref_slice %arg9[%dma_wait3A_2173, %dma_wait3A_2178] : memref<20x128xi32, #tpu.memory_space<vmem>> -> memref<1x128xi32, #tpu.memory_space<vmem>>
      %dma_wait3A_2180 = tpu.memref_squeeze %dma_wait3A_2179 : memref<1x128xi32, #tpu.memory_space<vmem>> -> memref<128xi32, #tpu.memory_space<vmem>>
      %dma_wait3A_2181 = arith.constant 0 : i32
      %dma_wait3A_2182 = arith.constant 0 : i32
      %dma_wait3A_2183 = tpu.memref_slice %arg5[%dma_wait3A_2181, %dma_wait3A_2182] : memref<100352x16xf32, #tpu.memory_space<vmem_shared>> -> memref<100352x16xf32, #tpu.memory_space<vmem_shared>>
      tpu.wait_indirect_dma semaphore(%arg16 : memref<!tpu.dma_semaphore, #tpu.memory_space<semaphore_mem>>) src(%dma_wait3A_2177 : memref<128x16xf32, #tpu.memory_space<vmem>>) dst(%dma_wait3A_2183 : memref<100352x16xf32, #tpu.memory_space<vmem_shared>>)
      %dma_wait3A_2184 = arith.constant 1 : i32
      %dma_wait3A_2185 = arith.constant 14 : i32
      %dma_wait3A_2186 = arith.constant 256 : i32
      %dma_wait3A_2187 = arith.constant 0 : i32
      %dma_wait3A_2188 = tpu.memref_slice %arg10[%dma_wait3A_2184, %dma_wait3A_2186, %dma_wait3A_2187] : memref<2x512x16xf32, #tpu.memory_space<vmem>> -> memref<1x128x16xf32, #tpu.memory_space<vmem>>
      %dma_wait3A_2189 = tpu.memref_squeeze %dma_wait3A_2188 : memref<1x128x16xf32, #tpu.memory_space<vmem>> -> memref<128x16xf32, #tpu.memory_space<vmem>>
      %dma_wait3A_2190 = arith.constant 0 : i32
      %dma_wait3A_2191 = tpu.memref_slice %arg9[%dma_wait3A_2185, %dma_wait3A_2190] : memref<20x128xi32, #tpu.memory_space<vmem>> -> memref<1x128xi32, #tpu.memory_space<vmem>>
      %dma_wait3A_2192 = tpu.memref_squeeze %dma_wait3A_2191 : memref<1x128xi32, #tpu.memory_space<vmem>> -> memref<128xi32, #tpu.memory_space<vmem>>
      %dma_wait3A_2193 = arith.constant 0 : i32
      %dma_wait3A_2194 = arith.constant 0 : i32
      %dma_wait3A_2195 = tpu.memref_slice %arg5[%dma_wait3A_2193, %dma_wait3A_2194] : memref<100352x16xf32, #tpu.memory_space<vmem_shared>> -> memref<100352x16xf32, #tpu.memory_space<vmem_shared>>
      tpu.wait_indirect_dma semaphore(%arg16 : memref<!tpu.dma_semaphore, #tpu.memory_space<semaphore_mem>>) src(%dma_wait3A_2189 : memref<128x16xf32, #tpu.memory_space<vmem>>) dst(%dma_wait3A_2195 : memref<100352x16xf32, #tpu.memory_space<vmem_shared>>)
      %dma_wait3A_2196 = arith.constant 1 : i32
      %dma_wait3A_2197 = arith.constant 15 : i32
      %dma_wait3A_2198 = arith.constant 384 : i32
      %dma_wait3A_2199 = arith.constant 0 : i32
      %dma_wait3A_2200 = tpu.memref_slice %arg10[%dma_wait3A_2196, %dma_wait3A_2198, %dma_wait3A_2199] : memref<2x512x16xf32, #tpu.memory_space<vmem>> -> memref<1x128x16xf32, #tpu.memory_space<vmem>>
      %dma_wait3A_2201 = tpu.memref_squeeze %dma_wait3A_2200 : memref<1x128x16xf32, #tpu.memory_space<vmem>> -> memref<128x16xf32, #tpu.memory_space<vmem>>
      %dma_wait3A_2202 = arith.constant 0 : i32
      %dma_wait3A_2203 = tpu.memref_slice %arg9[%dma_wait3A_2197, %dma_wait3A_2202] : memref<20x128xi32, #tpu.memory_space<vmem>> -> memref<1x128xi32, #tpu.memory_space<vmem>>
      %dma_wait3A_2204 = tpu.memref_squeeze %dma_wait3A_2203 : memref<1x128xi32, #tpu.memory_space<vmem>> -> memref<128xi32, #tpu.memory_space<vmem>>
      %dma_wait3A_2205 = arith.constant 0 : i32
      %dma_wait3A_2206 = arith.constant 0 : i32
      %dma_wait3A_2207 = tpu.memref_slice %arg5[%dma_wait3A_2205, %dma_wait3A_2206] : memref<100352x16xf32, #tpu.memory_space<vmem_shared>> -> memref<100352x16xf32, #tpu.memory_space<vmem_shared>>
      tpu.wait_indirect_dma semaphore(%arg16 : memref<!tpu.dma_semaphore, #tpu.memory_space<semaphore_mem>>) src(%dma_wait3A_2201 : memref<128x16xf32, #tpu.memory_space<vmem>>) dst(%dma_wait3A_2207 : memref<100352x16xf32, #tpu.memory_space<vmem_shared>>)
      %dma_wait3A_2208 = arith.constant 0 : i32
      %dma_wait3A_2209 = arith.constant 16 : i32
      %dma_wait3A_2210 = arith.constant 0 : i32
      %dma_wait3A_2211 = arith.constant 0 : i32
      %dma_wait3A_2212 = tpu.memref_slice %arg10[%dma_wait3A_2208, %dma_wait3A_2210, %dma_wait3A_2211] : memref<2x512x16xf32, #tpu.memory_space<vmem>> -> memref<1x128x16xf32, #tpu.memory_space<vmem>>
      %dma_wait3A_2213 = tpu.memref_squeeze %dma_wait3A_2212 : memref<1x128x16xf32, #tpu.memory_space<vmem>> -> memref<128x16xf32, #tpu.memory_space<vmem>>
      %dma_wait3A_2214 = arith.constant 0 : i32
      %dma_wait3A_2215 = tpu.memref_slice %arg9[%dma_wait3A_2209, %dma_wait3A_2214] : memref<20x128xi32, #tpu.memory_space<vmem>> -> memref<1x128xi32, #tpu.memory_space<vmem>>
      %dma_wait3A_2216 = tpu.memref_squeeze %dma_wait3A_2215 : memref<1x128xi32, #tpu.memory_space<vmem>> -> memref<128xi32, #tpu.memory_space<vmem>>
      %dma_wait3A_2217 = arith.constant 0 : i32
      %dma_wait3A_2218 = arith.constant 0 : i32
      %dma_wait3A_2219 = tpu.memref_slice %arg5[%dma_wait3A_2217, %dma_wait3A_2218] : memref<100352x16xf32, #tpu.memory_space<vmem_shared>> -> memref<100352x16xf32, #tpu.memory_space<vmem_shared>>
      tpu.wait_indirect_dma semaphore(%arg15 : memref<!tpu.dma_semaphore, #tpu.memory_space<semaphore_mem>>) src(%dma_wait3A_2213 : memref<128x16xf32, #tpu.memory_space<vmem>>) dst(%dma_wait3A_2219 : memref<100352x16xf32, #tpu.memory_space<vmem_shared>>)
      %dma_wait3A_2220 = arith.constant 0 : i32
      %dma_wait3A_2221 = arith.constant 17 : i32
      %dma_wait3A_2222 = arith.constant 128 : i32
      %dma_wait3A_2223 = arith.constant 0 : i32
      %dma_wait3A_2224 = tpu.memref_slice %arg10[%dma_wait3A_2220, %dma_wait3A_2222, %dma_wait3A_2223] : memref<2x512x16xf32, #tpu.memory_space<vmem>> -> memref<1x128x16xf32, #tpu.memory_space<vmem>>
      %dma_wait3A_2225 = tpu.memref_squeeze %dma_wait3A_2224 : memref<1x128x16xf32, #tpu.memory_space<vmem>> -> memref<128x16xf32, #tpu.memory_space<vmem>>
      %dma_wait3A_2226 = arith.constant 0 : i32
      %dma_wait3A_2227 = tpu.memref_slice %arg9[%dma_wait3A_2221, %dma_wait3A_2226] : memref<20x128xi32, #tpu.memory_space<vmem>> -> memref<1x128xi32, #tpu.memory_space<vmem>>
      %dma_wait3A_2228 = tpu.memref_squeeze %dma_wait3A_2227 : memref<1x128xi32, #tpu.memory_space<vmem>> -> memref<128xi32, #tpu.memory_space<vmem>>
      %dma_wait3A_2229 = arith.constant 0 : i32
      %dma_wait3A_2230 = arith.constant 0 : i32
      %dma_wait3A_2231 = tpu.memref_slice %arg5[%dma_wait3A_2229, %dma_wait3A_2230] : memref<100352x16xf32, #tpu.memory_space<vmem_shared>> -> memref<100352x16xf32, #tpu.memory_space<vmem_shared>>
      tpu.wait_indirect_dma semaphore(%arg15 : memref<!tpu.dma_semaphore, #tpu.memory_space<semaphore_mem>>) src(%dma_wait3A_2225 : memref<128x16xf32, #tpu.memory_space<vmem>>) dst(%dma_wait3A_2231 : memref<100352x16xf32, #tpu.memory_space<vmem_shared>>)
      %dma_wait3A_2232 = arith.constant 0 : i32
      %dma_wait3A_2233 = arith.constant 18 : i32
      %dma_wait3A_2234 = arith.constant 256 : i32
      %dma_wait3A_2235 = arith.constant 0 : i32
      %dma_wait3A_2236 = tpu.memref_slice %arg10[%dma_wait3A_2232, %dma_wait3A_2234, %dma_wait3A_2235] : memref<2x512x16xf32, #tpu.memory_space<vmem>> -> memref<1x128x16xf32, #tpu.memory_space<vmem>>
      %dma_wait3A_2237 = tpu.memref_squeeze %dma_wait3A_2236 : memref<1x128x16xf32, #tpu.memory_space<vmem>> -> memref<128x16xf32, #tpu.memory_space<vmem>>
      %dma_wait3A_2238 = arith.constant 0 : i32
      %dma_wait3A_2239 = tpu.memref_slice %arg9[%dma_wait3A_2233, %dma_wait3A_2238] : memref<20x128xi32, #tpu.memory_space<vmem>> -> memref<1x128xi32, #tpu.memory_space<vmem>>
      %dma_wait3A_2240 = tpu.memref_squeeze %dma_wait3A_2239 : memref<1x128xi32, #tpu.memory_space<vmem>> -> memref<128xi32, #tpu.memory_space<vmem>>
      %dma_wait3A_2241 = arith.constant 0 : i32
      %dma_wait3A_2242 = arith.constant 0 : i32
      %dma_wait3A_2243 = tpu.memref_slice %arg5[%dma_wait3A_2241, %dma_wait3A_2242] : memref<100352x16xf32, #tpu.memory_space<vmem_shared>> -> memref<100352x16xf32, #tpu.memory_space<vmem_shared>>
      tpu.wait_indirect_dma semaphore(%arg15 : memref<!tpu.dma_semaphore, #tpu.memory_space<semaphore_mem>>) src(%dma_wait3A_2237 : memref<128x16xf32, #tpu.memory_space<vmem>>) dst(%dma_wait3A_2243 : memref<100352x16xf32, #tpu.memory_space<vmem_shared>>)
      %dma_wait3A_2244 = arith.constant 0 : i32
      %dma_wait3A_2245 = arith.constant 19 : i32
      %dma_wait3A_2246 = arith.constant 384 : i32
      %dma_wait3A_2247 = arith.constant 0 : i32
      %dma_wait3A_2248 = tpu.memref_slice %arg10[%dma_wait3A_2244, %dma_wait3A_2246, %dma_wait3A_2247] : memref<2x512x16xf32, #tpu.memory_space<vmem>> -> memref<1x128x16xf32, #tpu.memory_space<vmem>>
      %dma_wait3A_2249 = tpu.memref_squeeze %dma_wait3A_2248 : memref<1x128x16xf32, #tpu.memory_space<vmem>> -> memref<128x16xf32, #tpu.memory_space<vmem>>
      %dma_wait3A_2250 = arith.constant 0 : i32
      %dma_wait3A_2251 = tpu.memref_slice %arg9[%dma_wait3A_2245, %dma_wait3A_2250] : memref<20x128xi32, #tpu.memory_space<vmem>> -> memref<1x128xi32, #tpu.memory_space<vmem>>
      %dma_wait3A_2252 = tpu.memref_squeeze %dma_wait3A_2251 : memref<1x128xi32, #tpu.memory_space<vmem>> -> memref<128xi32, #tpu.memory_space<vmem>>
      %dma_wait3A_2253 = arith.constant 0 : i32
      %dma_wait3A_2254 = arith.constant 0 : i32
      %dma_wait3A_2255 = tpu.memref_slice %arg5[%dma_wait3A_2253, %dma_wait3A_2254] : memref<100352x16xf32, #tpu.memory_space<vmem_shared>> -> memref<100352x16xf32, #tpu.memory_space<vmem_shared>>
      tpu.wait_indirect_dma semaphore(%arg15 : memref<!tpu.dma_semaphore, #tpu.memory_space<semaphore_mem>>) src(%dma_wait3A_2249 : memref<128x16xf32, #tpu.memory_space<vmem>>) dst(%dma_wait3A_2255 : memref<100352x16xf32, #tpu.memory_space<vmem_shared>>)
    }
    %scan3A_59 = arith.constant 20 : i32
    %barrier3A_60 = arith.constant 0 : index
    tpu.barrier barrier_id(%barrier3A_60)
    %mul3A_61 = arith.constant 6272 : i32
    %mul3A_62 = arith.muli %arg1, %mul3A_61 : i32
    %mul3A_63 = arith.constant 6272 : i32
    %mul3A_64 = arith.muli %arg1, %mul3A_63 : i32
    "tpu.region"() ({
      %run_scoped3A = tpu.sem_alloc : memref<!tpu.dma_semaphore, #tpu.memory_space<semaphore_mem>>
      %dma_start3A_65 = arith.constant 0 : i32
      %dma_start3A_66 = tpu.memref_slice %arg4[%arg0, %mul3A_64, %dma_start3A_65] : memref<2x100352x16xf32, #tpu.memory_space<hbm>> -> memref<1x6272x16xf32, #tpu.memory_space<hbm>>
      %dma_start3A_67 = tpu.memref_squeeze %dma_start3A_66 : memref<1x6272x16xf32, #tpu.memory_space<hbm>> -> memref<6272x16xf32, #tpu.memory_space<hbm>>
      %dma_start3A_68 = arith.constant 0 : i32
      %dma_start3A_69 = tpu.memref_slice %arg5[%mul3A_62, %dma_start3A_68] : memref<100352x16xf32, #tpu.memory_space<vmem_shared>> -> memref<6272x16xf32, #tpu.memory_space<vmem_shared>>
      tpu.enqueue_dma source(%dma_start3A_69 : memref<6272x16xf32, #tpu.memory_space<vmem_shared>>) target(%dma_start3A_67 : memref<6272x16xf32, #tpu.memory_space<hbm>>) target_semaphore(%run_scoped3A : memref<!tpu.dma_semaphore, #tpu.memory_space<semaphore_mem>>)
      %dma_wait3A = arith.constant 0 : i32
      %dma_wait3A_70 = tpu.memref_slice %arg4[%arg0, %mul3A_64, %dma_wait3A] : memref<2x100352x16xf32, #tpu.memory_space<hbm>> -> memref<1x6272x16xf32, #tpu.memory_space<hbm>>
      %dma_wait3A_71 = tpu.memref_squeeze %dma_wait3A_70 : memref<1x6272x16xf32, #tpu.memory_space<hbm>> -> memref<6272x16xf32, #tpu.memory_space<hbm>>
      %dma_wait3A_72 = arith.constant 0 : i32
      %dma_wait3A_73 = tpu.memref_slice %arg5[%mul3A_62, %dma_wait3A_72] : memref<100352x16xf32, #tpu.memory_space<vmem_shared>> -> memref<6272x16xf32, #tpu.memory_space<vmem_shared>>
      tpu.wait_dma2 semaphore(%run_scoped3A : memref<!tpu.dma_semaphore, #tpu.memory_space<semaphore_mem>>) src(%dma_wait3A_73 : memref<6272x16xf32, #tpu.memory_space<vmem_shared>>) dst(%dma_wait3A_71 : memref<6272x16xf32, #tpu.memory_space<hbm>>)
      tpu.yield
    }) : () -> ()
    return
  }
}

module attributes {stable_mosaic.version = 14 : i64} {
  func.func @body(%arg0: i32, %arg1: memref<1000x128xf32, #tpu.memory_space<vmem>>, %arg2: memref<1000x128xf32, #tpu.memory_space<vmem>>, %arg3: memref<1x1xf32, #tpu.memory_space<smem>>, %arg4: memref<1xf32, #tpu.memory_space<smem>>) attributes {dimension_semantics = [#tpu.dimension_semantics<arbitrary>], iteration_bounds = array<i64: 25>, scalar_prefetch = 0 : i64, scratch_operands = 1 : i64, tpu.core_type = #tpu.core_type<tc>, window_params = [{transform_indices = @transform_0, window_bounds = array<i64: 1000, 128>}, {transform_indices = @transform_1, window_bounds = array<i64: 1000, 128>}, {transform_indices = @transform_2, window_bounds = array<i64: 1, 1>}]} {
    %eq3A = arith.constant 0 : i32
    %eq3A_0 = arith.cmpi eq, %arg0, %eq3A : i32
    %convert_element_type3A = arith.extui %eq3A_0 : i1 to i32
    %cond3A = arith.constant 0 : i32
    %cond3A_1 = arith.cmpi ne, %convert_element_type3A, %cond3A : i32
    scf.if %cond3A_1 {
      %swap3A_19 = arith.constant 0.000000e+00 : f32
      %swap3A_20 = arith.constant 0 : index
      %swap3A_21 = memref.load %arg4[%swap3A_20] : memref<1xf32, #tpu.memory_space<smem>>
      memref.store %swap3A_19, %arg4[%swap3A_20] : memref<1xf32, #tpu.memory_space<smem>>
    } else {
    }
    %get3A = arith.constant 0 : index
    %get3A_2 = arith.constant 0 : index
    %get3A_3 = vector.load %arg1[%get3A, %get3A_2] : memref<1000x128xf32, #tpu.memory_space<vmem>>, vector<1000x128xf32>
    %get3A_4 = arith.constant 0 : index
    %get3A_5 = arith.constant 0 : index
    %get3A_6 = vector.load %arg2[%get3A_4, %get3A_5] : memref<1000x128xf32, #tpu.memory_space<vmem>>, vector<1000x128xf32>
    %sub3A = arith.subf %get3A_3, %get3A_6 : vector<1000x128xf32>
    %get3A_7 = arith.constant 0 : index
    %get3A_8 = memref.load %arg4[%get3A_7] : memref<1xf32, #tpu.memory_space<smem>>
    %mul3A = arith.mulf %sub3A, %sub3A : vector<1000x128xf32>
    %reduce_sum3A = vector.shape_cast %mul3A : vector<1000x128xf32> to vector<1x1000x128xf32>
    %reduce_sum3A_9 = arith.constant dense<0.000000e+00> : vector<1xf32>
    %reduce_sum3A_10 = vector.multi_reduction <add>, %reduce_sum3A, %reduce_sum3A_9 [1, 2] : vector<1x1000x128xf32> to vector<1xf32>
    %reduce_sum3A_11 = vector.shape_cast %reduce_sum3A_10 : vector<1xf32> to vector<1x1x1xf32>
    %reduce_sum3A_12 = vector.extract %reduce_sum3A_11[0, 0, 0] : f32 from vector<1x1x1xf32>
    %add3A = arith.addf %get3A_8, %reduce_sum3A_12 : f32
    %swap3A = arith.constant 0 : index
    %swap3A_13 = memref.load %arg4[%swap3A] : memref<1xf32, #tpu.memory_space<smem>>
    memref.store %add3A, %arg4[%swap3A] : memref<1xf32, #tpu.memory_space<smem>>
    %eq3A_14 = arith.constant 24 : i32
    %eq3A_15 = arith.cmpi eq, %arg0, %eq3A_14 : i32
    %convert_element_type3A_16 = arith.extui %eq3A_15 : i1 to i32
    %cond3A_17 = arith.constant 0 : i32
    %cond3A_18 = arith.cmpi ne, %convert_element_type3A_16, %cond3A_17 : i32
    scf.if %cond3A_18 {
      %get3A_19 = arith.constant 0 : index
      %get3A_20 = memref.load %arg4[%get3A_19] : memref<1xf32, #tpu.memory_space<smem>>
      %swap3A_21 = arith.constant 0 : index
      %swap3A_22 = arith.constant 0 : index
      %swap3A_23 = memref.load %arg3[%swap3A_21, %swap3A_22] : memref<1x1xf32, #tpu.memory_space<smem>>
      memref.store %get3A_20, %arg3[%swap3A_21, %swap3A_22] : memref<1x1xf32, #tpu.memory_space<smem>>
    } else {
    }
    return
  }
  func.func @transform_0(%arg0: i32) -> (i32, i32) {
    %c0_i32 = arith.constant 0 : i32
    %c0_i32_0 = arith.constant 0 : i32
    return %arg0, %c0_i32 : i32, i32
  }
  func.func @transform_1(%arg0: i32) -> (i32, i32) {
    %c0_i32 = arith.constant 0 : i32
    %c0_i32_0 = arith.constant 0 : i32
    return %arg0, %c0_i32 : i32, i32
  }
  func.func @transform_2(%arg0: i32) -> (i32, i32) {
    %c0_i32 = arith.constant 0 : i32
    %c0_i32_0 = arith.constant 0 : i32
    %c0_i32_1 = arith.constant 0 : i32
    return %c0_i32, %c0_i32_0 : i32, i32
  }
}

module attributes {stable_mosaic.version = 14 : i64} {
  func.func @body(%arg0: i32, %arg1: memref<2x1568x128xf32, #tpu.memory_space<vmem>>, %arg2: memref<2x1568x128xf32, #tpu.memory_space<vmem>>, %arg3: memref<1568x128xf32, #tpu.memory_space<vmem>>, %arg4: memref<1x1xf32, #tpu.memory_space<smem>>, %arg5: memref<1x1xf32, #tpu.memory_space<smem>>, %arg6: memref<2xf32, #tpu.memory_space<smem>>) attributes {dimension_semantics = [#tpu.dimension_semantics<arbitrary>], iteration_bounds = array<i64: 8>, scalar_prefetch = 0 : i64, scratch_operands = 1 : i64, tpu.core_type = #tpu.core_type<tc>, window_params = [{transform_indices = @transform_0, window_bounds = array<i64: 2, 1568, 128>}, {transform_indices = @transform_1, window_bounds = array<i64: 2, 1568, 128>}, {transform_indices = @transform_2, window_bounds = array<i64: 1568, 128>}, {transform_indices = @transform_3, window_bounds = array<i64: 1, 1>}, {transform_indices = @transform_4, window_bounds = array<i64: 1, 1>}]} {
    %eq3A = arith.constant 0 : i32
    %eq3A_0 = arith.cmpi eq, %arg0, %eq3A : i32
    %convert_element_type3A = arith.extui %eq3A_0 : i1 to i32
    %cond3A = arith.constant 0 : i32
    %cond3A_1 = arith.cmpi ne, %convert_element_type3A, %cond3A : i32
    scf.if %cond3A_1 {
      %swap3A_50 = arith.constant 0.000000e+00 : f32
      %swap3A_51 = arith.constant 0 : index
      %swap3A_52 = memref.load %arg6[%swap3A_51] : memref<2xf32, #tpu.memory_space<smem>>
      memref.store %swap3A_50, %arg6[%swap3A_51] : memref<2xf32, #tpu.memory_space<smem>>
      %swap3A_53 = arith.constant 0.000000e+00 : f32
      %swap3A_54 = arith.constant 1 : index
      %swap3A_55 = memref.load %arg6[%swap3A_54] : memref<2xf32, #tpu.memory_space<smem>>
      memref.store %swap3A_53, %arg6[%swap3A_54] : memref<2xf32, #tpu.memory_space<smem>>
    } else {
    }
    %get3A = arith.constant 0 : index
    %get3A_2 = arith.constant 0 : index
    %get3A_3 = vector.load %arg3[%get3A, %get3A_2] : memref<1568x128xf32, #tpu.memory_space<vmem>>, vector<1568x128xf32>
    %get3A_4 = arith.constant 0 : index
    %get3A_5 = arith.constant 0 : index
    %get3A_6 = arith.constant 0 : index
    %get3A_7 = vector.load %arg2[%get3A_4, %get3A_5, %get3A_6] : memref<2x1568x128xf32, #tpu.memory_space<vmem>>, vector<1x1568x128xf32>
    %get3A_8 = vector.shape_cast %get3A_7 : vector<1x1568x128xf32> to vector<1568x128xf32>
    %get3A_9 = arith.constant 0 : index
    %get3A_10 = arith.constant 0 : index
    %get3A_11 = arith.constant 0 : index
    %get3A_12 = vector.load %arg1[%get3A_9, %get3A_10, %get3A_11] : memref<2x1568x128xf32, #tpu.memory_space<vmem>>, vector<1x1568x128xf32>
    %get3A_13 = vector.shape_cast %get3A_12 : vector<1x1568x128xf32> to vector<1568x128xf32>
    %sub3A = arith.subf %get3A_8, %get3A_13 : vector<1568x128xf32>
    %get3A_14 = arith.constant 1 : index
    %get3A_15 = arith.constant 0 : index
    %get3A_16 = arith.constant 0 : index
    %get3A_17 = vector.load %arg2[%get3A_14, %get3A_15, %get3A_16] : memref<2x1568x128xf32, #tpu.memory_space<vmem>>, vector<1x1568x128xf32>
    %get3A_18 = vector.shape_cast %get3A_17 : vector<1x1568x128xf32> to vector<1568x128xf32>
    %get3A_19 = arith.constant 1 : index
    %get3A_20 = arith.constant 0 : index
    %get3A_21 = arith.constant 0 : index
    %get3A_22 = vector.load %arg1[%get3A_19, %get3A_20, %get3A_21] : memref<2x1568x128xf32, #tpu.memory_space<vmem>>, vector<1x1568x128xf32>
    %get3A_23 = vector.shape_cast %get3A_22 : vector<1x1568x128xf32> to vector<1568x128xf32>
    %sub3A_24 = arith.subf %get3A_18, %get3A_23 : vector<1568x128xf32>
    %get3A_25 = arith.constant 0 : index
    %get3A_26 = memref.load %arg6[%get3A_25] : memref<2xf32, #tpu.memory_space<smem>>
    %mul3A = arith.mulf %sub3A, %sub3A : vector<1568x128xf32>
    %mul3A_27 = arith.mulf %sub3A_24, %sub3A_24 : vector<1568x128xf32>
    %add3A = arith.addf %mul3A, %mul3A_27 : vector<1568x128xf32>
    %mul3A_28 = arith.mulf %add3A, %get3A_3 : vector<1568x128xf32>
    %reduce_sum3A = vector.shape_cast %mul3A_28 : vector<1568x128xf32> to vector<1x1568x128xf32>
    %reduce_sum3A_29 = arith.constant dense<0.000000e+00> : vector<1xf32>
    %reduce_sum3A_30 = vector.multi_reduction <add>, %reduce_sum3A, %reduce_sum3A_29 [1, 2] : vector<1x1568x128xf32> to vector<1xf32>
    %reduce_sum3A_31 = vector.shape_cast %reduce_sum3A_30 : vector<1xf32> to vector<1x1x1xf32>
    %reduce_sum3A_32 = vector.extract %reduce_sum3A_31[0, 0, 0] : f32 from vector<1x1x1xf32>
    %add3A_33 = arith.addf %get3A_26, %reduce_sum3A_32 : f32
    %swap3A = arith.constant 0 : index
    %swap3A_34 = memref.load %arg6[%swap3A] : memref<2xf32, #tpu.memory_space<smem>>
    memref.store %add3A_33, %arg6[%swap3A] : memref<2xf32, #tpu.memory_space<smem>>
    %get3A_35 = arith.constant 1 : index
    %get3A_36 = memref.load %arg6[%get3A_35] : memref<2xf32, #tpu.memory_space<smem>>
    %reduce_sum3A_37 = vector.shape_cast %get3A_3 : vector<1568x128xf32> to vector<1x1568x128xf32>
    %reduce_sum3A_38 = arith.constant dense<0.000000e+00> : vector<1xf32>
    %reduce_sum3A_39 = vector.multi_reduction <add>, %reduce_sum3A_37, %reduce_sum3A_38 [1, 2] : vector<1x1568x128xf32> to vector<1xf32>
    %reduce_sum3A_40 = vector.shape_cast %reduce_sum3A_39 : vector<1xf32> to vector<1x1x1xf32>
    %reduce_sum3A_41 = vector.extract %reduce_sum3A_40[0, 0, 0] : f32 from vector<1x1x1xf32>
    %add3A_42 = arith.addf %get3A_36, %reduce_sum3A_41 : f32
    %swap3A_43 = arith.constant 1 : index
    %swap3A_44 = memref.load %arg6[%swap3A_43] : memref<2xf32, #tpu.memory_space<smem>>
    memref.store %add3A_42, %arg6[%swap3A_43] : memref<2xf32, #tpu.memory_space<smem>>
    %eq3A_45 = arith.constant 7 : i32
    %eq3A_46 = arith.cmpi eq, %arg0, %eq3A_45 : i32
    %convert_element_type3A_47 = arith.extui %eq3A_46 : i1 to i32
    %cond3A_48 = arith.constant 0 : i32
    %cond3A_49 = arith.cmpi ne, %convert_element_type3A_47, %cond3A_48 : i32
    scf.if %cond3A_49 {
      %get3A_50 = arith.constant 1 : index
      %get3A_51 = memref.load %arg6[%get3A_50] : memref<2xf32, #tpu.memory_space<smem>>
      %mul3A_52 = arith.constant 6.250000e-02 : f32
      %mul3A_53 = arith.mulf %get3A_51, %mul3A_52 : f32
      %get3A_54 = arith.constant 0 : index
      %get3A_55 = memref.load %arg6[%get3A_54] : memref<2xf32, #tpu.memory_space<smem>>
      %get3A_56 = arith.constant 0 : index
      %get3A_57 = arith.constant 0 : index
      %get3A_58 = memref.load %arg4[%get3A_56, %get3A_57] : memref<1x1xf32, #tpu.memory_space<smem>>
      %add3A_59 = arith.addf %get3A_55, %get3A_58 : f32
      %mul3A_60 = arith.constant 6.400000e+01 : f32
      %mul3A_61 = arith.mulf %mul3A_53, %mul3A_60 : f32
      %div3A = arith.divf %add3A_59, %mul3A_61 : f32
      %swap3A_62 = arith.constant 0 : index
      %swap3A_63 = arith.constant 0 : index
      %swap3A_64 = memref.load %arg5[%swap3A_62, %swap3A_63] : memref<1x1xf32, #tpu.memory_space<smem>>
      memref.store %div3A, %arg5[%swap3A_62, %swap3A_63] : memref<1x1xf32, #tpu.memory_space<smem>>
    } else {
    }
    return
  }
  func.func @transform_0(%arg0: i32) -> (i32, i32, i32) {
    %c0_i32 = arith.constant 0 : i32
    %c0_i32_0 = arith.constant 0 : i32
    %c0_i32_1 = arith.constant 0 : i32
    return %c0_i32, %arg0, %c0_i32_0 : i32, i32, i32
  }
  func.func @transform_1(%arg0: i32) -> (i32, i32, i32) {
    %c0_i32 = arith.constant 0 : i32
    %c0_i32_0 = arith.constant 0 : i32
    %c0_i32_1 = arith.constant 0 : i32
    return %c0_i32, %arg0, %c0_i32_0 : i32, i32, i32
  }
  func.func @transform_2(%arg0: i32) -> (i32, i32) {
    %c0_i32 = arith.constant 0 : i32
    %c0_i32_0 = arith.constant 0 : i32
    return %arg0, %c0_i32 : i32, i32
  }
  func.func @transform_3(%arg0: i32) -> (i32, i32) {
    %c0_i32 = arith.constant 0 : i32
    %c0_i32_0 = arith.constant 0 : i32
    %c0_i32_1 = arith.constant 0 : i32
    return %c0_i32, %c0_i32_0 : i32, i32
  }
  func.func @transform_4(%arg0: i32) -> (i32, i32) {
    %c0_i32 = arith.constant 0 : i32
    %c0_i32_0 = arith.constant 0 : i32
    %c0_i32_1 = arith.constant 0 : i32
    return %c0_i32, %c0_i32_0 : i32, i32
  }
}

</mosaic_0001>

<sc_bundles>
// kernel: kernel.5.cloned.1.call-start
scs
__scs_entry_jumppad:
0x0: {  	(pc) =	sbr.rel $0x88, $3  }
0x1: {  	(tag) =	ssettag $0x0;
	lr =	simm.s32 $0x1  }
0x2: {  	[smem:$0x3F9C] =	sst lr;
	_ =	strace $0xD0000000  }
0x3: {  	_ = 	snop  }
0x4: {  	_ = 	snop  }
0x5: {  	_ = 	snop  }
0x6: {  	_ = 	snop  }
0x7: {  	_ = 	snop  }
__scs_overlays_trampoline_lowered:
0x8: {  	[smem:$0x3FAB] =	sst s0  }
0x9: {  	[smem:$0x3FAC] =	sst s1  }
0xa: {  	[smem:$0x3FAD] =	sst s2  }
0xb: {  	[smem:$0x3FAE] =	sst s3  }
0xc: {  	[smem:$0x3FAF] =	sst s4  }
0xd: {  	[smem:$0x3FB0] =	sst s5  }
0xe: {  	[smem:$0x3FB1] =	sst s6  }
0xf: {  	[smem:$0x3FB2] =	sst s7  }
0x10: {  	[smem:$0x3FB3] =	sst s8  }
0x11: {  	[smem:$0x3FB4] =	sst s9;
	s0 =	simm.s32 @!p0 $0x0  }
0x12: {  	s1 =	sld [smem:$0x3F9A];
	s0 =	simm.s32 @p0 $0x1  }
0x13: {  	[smem:$0x3FB5] =	sst s0;
	s0 =	simm.s32 @!p1 $0x0  }
0x14: {  	s2 =	sld [smem:$0x3F99];
	s0 =	simm.s32 @p1 $0x1  }
0x15: {  	[smem:$0x3FB6] =	sst s0;
	s0 =	simm.s32 @!p2 $0x0  }
0x16: {  	s3 =	sld [smem:$0x3FDB];
	s0 =	simm.s32 @p2 $0x1  }
0x17: {  	s4 =	simm.s32 $0x1BF5;
	[smem:$0x3FB8] =	sst s0  }
0x18: {  	s0 =	sld [smem:$0x3F9B];
	_ =	swait.ge [sflag:s4], $0x0  }
0x19: {  	s7 =	sld [smem:$0x3F9C]  }
0x1a: {  	s8 =	sadd.s32 $0xFFFFE003, lr  }
0x1b: {  	s9 =	sadd.s32 $0xFFFFFEF7, lr;
	s5 =	simm.s32 $0xFFFFFFFF;
	p2 =	slt.u32 s8, $0xFFFFF086  }
0x1c: {  	p1 =	slt.u32 s9, $0xF7A;
	s5 =	simm.s32 @!p2 $0x0  }
0x1d: {  	s5 =	simm.s32 @p1 $0x1;
	p0 =	seq.s32 s7, s2  }
0x1e: {  	s7 =	smul.u32 @!p0 $0xF7A, s2;
	p2 =	seq.s32 @!p0 s5, $0x0  }
0x1f: {  	s9 =	smul.u32 $0xF7A, s1;
	s8 =	simm.s32 @!p0 $0x1BF5;
	p2 =	por !p2, p0  }
0x20: {  	[sflag:s8] =	ssyncset.s32 @!p0 $0xFFFFF086;
	s6 =	sadd.s32 @!p0 s3, s7;
	s7 =	simm.s32 @!p0 $0x108  }
0x21: {  	s3 =	sadd.s32 s3, s9;
	s6 =	sadd.s32 @!p0 $0x88, s6;
	s7 =	simm.s32 @p2 $0x1082  }
0x22: {  	[simem:s7], [sflag:s8] =	dma.local @!p0 [hbm:s6], $0xF7A  }
0x23: {  	s9 =	sor.u32 $0xD0000000, s2;
	s6 =	simm.s32 $0x108;
	_ =	swait.ge @!p0 [sflag:s8], $0x0  }
0x24: {  	s3 =	sadd.s32 $0x88, s3;
	s6 =	simm.s32 @!p1 $0x1082;
	[sflag:s4] =	ssyncset.s32 $0xFFFFF086  }
0x25: {  	[simem:s6], [sflag:s4] =	dma.local [hbm:s3], $0xF7A  }
0x26: {  	[smem:$0x3F9C] =	sst s1;
	(tag) =	ssettag s2;
	_ =	strace s9  }
0x27: {  	s1 =	sld [smem:$0x3FAC]  }
0x28: {  	s2 =	sld [smem:$0x3FAD]  }
0x29: {  	s4 =	sld [smem:$0x3FAF]  }
0x2a: {  	p0 =	seq.s32 s5, $0x0;
	s5 =	sld [smem:$0x3FB0]  }
0x2b: {  	s6 =	sld [smem:$0x3FB1]  }
0x2c: {  	s7 =	sld [smem:$0x3FB2]  }
0x2d: {  	s3 =	simm.s32 $0x108;
	s8 =	sld [smem:$0x3FB3]  }
0x2e: {  	s3 =	simm.s32 @!p0 $0x1082;
	s9 =	sld [smem:$0x3FB4]  }
0x2f: {  	lr =	sadd.s32 s0, s3;
	s0 =	sld [smem:$0x3FAB]  }
0x30: {  	s3 =	sld [smem:$0x3FAE]  }
0x31: {  	[smem:$0x3FB7] =	sst s10  }
0x32: {  	s10 =	sld [smem:$0x3FB5];
	_ =	sdelay $0x3  }
0x33: {  	p0 =	seq.s32 s10, $0x1;
	s10 =	sld [smem:$0x3FB7];
	_ =	sdelay $0x3  }
0x34: {  	[smem:$0x3FB7] =	sst s10  }
0x35: {  	s10 =	sld [smem:$0x3FB6];
	_ =	sdelay $0x3  }
0x36: {  	p1 =	seq.s32 s10, $0x1;
	s10 =	sld [smem:$0x3FB7];
	_ =	sdelay $0x3  }
0x37: {  	[smem:$0x3FB7] =	sst s10  }
0x38: {  	s10 =	sld [smem:$0x3FB8]  }
0x39: {  	_ = 	snop;
	(pc) =	sbr.ind lr, $3  }
0x3a: {  	_ = 	snop  }
0x3b: {  	_ = 	snop  }
0x3c: {  	p2 =	seq.s32 s10, $0x1;
	s10 =	sld [smem:$0x3FB7]  }
0x3d: {  	_ =	shalt  }
0x3e: {  	_ =	shalt  }
0x3f: {  	_ =	shalt  }
0x40: {  	_ =	shalt  }
0x41: {  	_ =	shalt  }
0x42: {  	_ =	shalt  }
0x43: {  	_ =	shalt  }
0x44: {  	_ =	shalt  }
0x45: {  	_ =	shalt  }
0x46: {  	_ =	shalt  }
0x47: {  	_ =	shalt  }
0x48: {  	_ =	shalt  }
0x49: {  	_ =	shalt  }
0x4a: {  	_ =	shalt  }
0x4b: {  	_ =	shalt  }
0x4c: {  	_ =	shalt  }
0x4d: {  	_ =	shalt  }
0x4e: {  	_ =	shalt  }
0x4f: {  	_ =	shalt  }
0x50: {  	_ =	shalt  }
0x51: {  	_ =	shalt  }
0x52: {  	_ =	shalt  }
0x53: {  	_ =	shalt  }
0x54: {  	_ =	shalt  }
0x55: {  	_ =	shalt  }
0x56: {  	_ =	shalt  }
0x57: {  	_ =	shalt  }
0x58: {  	_ =	shalt  }
0x59: {  	_ =	shalt  }
0x5a: {  	_ =	shalt  }
0x5b: {  	_ =	shalt  }
0x5c: {  	_ =	shalt  }
0x5d: {  	_ =	shalt  }
0x5e: {  	_ =	shalt  }
0x5f: {  	_ =	shalt  }
0x60: {  	_ =	shalt  }
0x61: {  	_ =	shalt  }
0x62: {  	_ =	shalt  }
0x63: {  	_ =	shalt  }
0x64: {  	_ =	shalt  }
0x65: {  	_ =	shalt  }
0x66: {  	_ =	shalt  }
0x67: {  	_ =	shalt  }
0x68: {  	_ =	shalt  }
0x69: {  	_ =	shalt  }
0x6a: {  	_ =	shalt  }
0x6b: {  	_ =	shalt  }
0x6c: {  	_ =	shalt  }
0x6d: {  	_ =	shalt  }
0x6e: {  	_ =	shalt  }
0x6f: {  	_ =	shalt  }
0x70: {  	_ =	shalt  }
0x71: {  	_ =	shalt  }
0x72: {  	_ =	shalt  }
0x73: {  	_ =	shalt  }
0x74: {  	_ =	shalt  }
0x75: {  	_ =	shalt  }
0x76: {  	_ =	shalt  }
0x77: {  	_ =	shalt  }
0x78: {  	_ =	shalt  }
0x79: {  	_ =	shalt  }
0x7a: {  	_ =	shalt  }
0x7b: {  	_ =	shalt  }
0x7c: {  	_ =	shalt  }
0x7d: {  	_ =	shalt  }
0x7e: {  	_ =	shalt  }
0x7f: {  	_ =	shalt  }
0x80: {  	_ =	shalt  }
0x81: {  	_ =	shalt  }
0x82: {  	_ =	shalt  }
0x83: {  	_ =	shalt  }
0x84: {  	_ =	shalt  }
0x85: {  	_ =	shalt  }
0x86: {  	_ =	shalt  }
0x87: {  	_ =	shalt  }
.Lfunc_end0:
.L_simem_size_0:
called_computation_lowered:
.L_overlay_start_0:
0x88: {  	s2 =	sld [smem:$0x3FD9]  }
0x89: {  	s3 =	sld [smem:$0x3FFE];
	_ =	sdelay $0x1  }
0x8a: {  	s1 =	srdreg.scid  }
0x8b: {  	s0 =	sand.u32 $0x1, s1  }
0x8c: {  	s16 =	sshll.u32 s0, $0xA;
	s2 =	sadd.s32 s3, s2  }
0x8d: {  	s2 =	sadd.s32 s2, s16  }
0x8e: {  	[smem:$0x3FC3] =	sst s2  }
0x8f: {  	_ = 	snop  }
0x90: {  	(tm) =	ssettm $0x1  }
0x91: {  	s17 =	sld [smem:$0x3FFB];
	_ =	sdelay $0x3  }
0x92: {  	_ =	strace s17  }
0x93: {  	s2 =	sld [smem:$0x3FFC];
	_ =	sdelay $0x3  }
0x94: {  	_ =	strace s2  }
0x95: {  	s2 =	sld [smem:$0x3FFD];
	_ =	sdelay $0x3  }
0x96: {  	_ =	strace s2  }
0x97: {  	_ =	strace $0x8FFFFFFF  }
0x98: {  	s18 =	sld [smem:$0x3FDB];
	_ =	sdelay $0x1  }
0x99: {  	s19 =	simm.s32 $_scs_section_size  }
0x9a: {  	s4 =	simm.s32 $_size__tile_overlayer_lowered;
	s5 =	simm.s32 $_tile_overlayer_lowered  }
0x9b: {  	s22 =	simm.s32 $0x1BFF;
	s21 =	sshll.u32 s5, $0x1;
	s2 =	sadd.s32 s19, s18  }
0x9c: {  	s6 =	simm.s32 $0x0;
	s20 =	sshll.u32 s4, $0x1;
	s4 =	sadd.s32 s21, s2  }
0x9d: {  	[timem:s6], [sflag:s22] =	dma.local [hbm:s4], s20  }
0x9e: {  	_ =	swait.ge [sflag:s22], s20  }
0x9f: {  	s3 =	ssub.s32 $0x0, s20;
	[sflag:s22] =	ssyncset.done $0x0  }
0xa0: {  	[sflag:s22] =	ssyncadd.s32 s3;
	_ =	sdelay $0x1  }
0xa1: {  	s23 =	simm.s32 $0x1B8B  }
0xa2: {  	_ =	swait.ge [sflag:s23], $0x1  }
0xa3: {  	[sflag:s23] =	ssyncset.done $0x0  }
0xa4: {  	s25 =	simm.s32 $0x1B8E;
	s24 =	sld [smem:$0x3FFE];
	[sflag:s23] =	ssyncadd.s32 $0xFFFFFFFF  }
0xa5: {  	s26 =	simm.s32 $execute0_lowered;
	[smem:$0x3FD2] =	sst s25  }
0xa6: {  	s4 =	sshll.u32 s26, $0x1;
	_ =	strace $0x80000046;
	[dreg:$0x1] =	wrdreg $0xFFFFFFFF  }
0xa7: {  	s28 =	simm.s32 $_size_execute0_lowered;
	s2 =	sadd.s32 s2, s4;
	[dreg:$0x0] =	wrdreg $0x0  }
0xa8: {  	s4 =	sshll.u32 s28, $0x1;
	[dreg:$0x2] =	wrdreg s2  }
0xa9: {  	[dreg:$0x3] =	wrdreg s4  }
0xaa: {  	[dreg:$0x4] =	wrdreg $0xC0  }
0xab: {  	_ =	task [dreg:s6], $0x5FFFF  }
0xac: {  	[dreg:$0x1] =	wrdreg $0xFFFFFFFF  }
0xad: {  	[dreg:$0x0] =	wrdreg $0x60  }
0xae: {  	[dreg:$0x2] =	wrdreg s24  }
0xaf: {  	[dreg:$0x3] =	wrdreg $0x0  }
0xb0: {  	[dreg:$0x4] =	wrdreg $0x9  }
0xb1: {  	_ =	task.clear_ibuf [dreg:s6], $0x5FFFF;
	_ =	strace $0x90000046  }
0xb2: {  	s29 =	simm.s32 $0x9;
	_ =	strace $0x80000048  }
0xb3: {  	_ =	swait.ge [sflag:s29], $0x1  }
0xb4: {  	[sflag:s29] =	ssyncadd.s32 $0xFFFFFFFF  }
0xb5: {  	_ =	strace $0x90000048  }
0xb6: {  	_ =	sfence  }
0xb7: {  	s30 =	sld [smem:$0x0];
	_ =	sdelay $0x2  }
0xb8: {  	s31 =	sshll.u32 s1, $0xD;
	s1 =	sshrl.u32 s1, $0x2  }
0xb9: {  	s3 =	sand.u32 $0x4000, s31;
	s1 =	sadd.s32 s1, s30  }
0xba: {  	s0 =	sor.u32 s3, s0;
	s1 =	sshll.u32 s1, $0x11  }
0xbb: {  	s0 =	sor.u32 s1, s0  }
0xbc: {  	s0 =	sadd.s32 $0x8F2B, s0  }
0xbd: {  	[sflag:s0] =	ssyncadd.remote.s32 $0x1  }
0xbe: {  	_ =	sfence.sel $0xFFFF  }
0xbf: {  	[dreg:$0x0] =	wrdreg $0xFFFFFFFF;
	(pc) =	sbr.abs _section_cstart, $3  }
0xc0: {  	[dreg:$0x1] =	wrdreg $0xFFFFFFFF  }
0xc1: {  	_ =	task.clear_ibuf [dreg:s6], $0x2FFFF;
	_ =	strace $0x9FFFFFFF  }
0xc2: {  	(tm) =	ssettm $0x7FFFFFFF  }
0xc3: {  	_ =	shalt  }
tec
execute0_lowered:
.L_overlay_start_1:
0x0: {  	(tag) =	ssettag $0x1  }
0x1: {  	s0 =	rddreg [dreg:$0x0]  }
0x2: {  	s1 =	rddreg [dreg:$0x1];
	s2 =	simm.s32 $0x0  }
0x3: {  	s3 =	simm.s32 $0x18880;
	[smem:$0x7FF] =	sst s2  }
0x4: {  	s5 =	simm.s32 $0x18900;
	_ =	strace $0x80000047;
	[dreg:$0x3] =	wrdreg s3  }
0x5: {  	s6 =	simm.s32 $0x18980;
	[dreg:$0x4] =	wrdreg s5  }
0x6: {  	s7 =	simm.s32 $0x18A00;
	[dreg:$0x5] =	wrdreg s6  }
0x7: {  	s8 =	simm.s32 $0x18A80;
	[dreg:$0x6] =	wrdreg s7  }
0x8: {  	s9 =	simm.s32 $0x18B00;
	[dreg:$0x7] =	wrdreg s8  }
0x9: {  	s10 =	simm.s32 $0x18B80;
	[dreg:$0x8] =	wrdreg s9  }
0xa: {  	s11 =	simm.s32 $0x19280;
	[dreg:$0x9] =	wrdreg s10  }
0xb: {  	s12 =	simm.s32 $0x19300;
	[dreg:$0xa] =	wrdreg s11  }
0xc: {  	s13 =	simm.s32 $0x19380;
	[dreg:$0xb] =	wrdreg s12  }
0xd: {  	s14 =	simm.s32 $0x18C00;
	[dreg:$0xc] =	wrdreg s13  }
0xe: {  	s15 =	simm.s32 $0x18C80;
	[dreg:$0xd] =	wrdreg s14  }
0xf: {  	s16 =	simm.s32 $0x18D00;
	[dreg:$0xe] =	wrdreg s15  }
0x10: {  	s17 =	simm.s32 $0x18D80;
	[dreg:$0xf] =	wrdreg s16  }
0x11: {  	s18 =	simm.s32 $0x19400;
	[dreg:$0x10] =	wrdreg s17  }
0x12: {  	s19 =	simm.s32 $0x19480;
	[dreg:$0x11] =	wrdreg s18  }
0x13: {  	s20 =	simm.s32 $0x19500;
	[dreg:$0x12] =	wrdreg s19  }
0x14: {  	s21 =	simm.s32 $0x19580;
	[dreg:$0x13] =	wrdreg s20  }
0x15: {  	s22 =	simm.s32 $0x18E00;
	[dreg:$0x14] =	wrdreg s21  }
0x16: {  	s23 =	simm.s32 $0x18E80;
	[dreg:$0x15] =	wrdreg s22  }
0x17: {  	s24 =	simm.s32 $0x18F00;
	[dreg:$0x16] =	wrdreg s23  }
0x18: {  	s25 =	simm.s32 $0x18F80;
	[dreg:$0x17] =	wrdreg s24  }
0x19: {  	s26 =	simm.s32 $0x19600;
	[dreg:$0x18] =	wrdreg s25  }
0x1a: {  	s4 =	simm.s32 $0x19680;
	[dreg:$0x19] =	wrdreg s26  }
0x1b: {  	[dreg:$0x1a] =	wrdreg s4;
	s5 =	simm.s32 $0x19700  }
0x1c: {  	s6 =	simm.s32 $0x19780;
	[dreg:$0x1b] =	wrdreg s5  }
0x1d: {  	s7 =	simm.s32 $0x19000;
	[dreg:$0x1c] =	wrdreg s6  }
0x1e: {  	s8 =	simm.s32 $0x19080;
	[dreg:$0x1d] =	wrdreg s7  }
0x1f: {  	s9 =	simm.s32 $0x19100;
	[dreg:$0x1e] =	wrdreg s8  }
0x20: {  	s10 =	simm.s32 $0x19180;
	[dreg:$0x1f] =	wrdreg s9  }
0x21: {  	s11 =	simm.s32 $0x19800;
	[smem:$0x7CA] =	sst s10  }
0x22: {  	s12 =	simm.s32 $0x19880;
	[smem:$0x7CB] =	sst s11  }
0x23: {  	s13 =	simm.s32 $0x19900;
	[smem:$0x7CC] =	sst s12  }
0x24: {  	s14 =	simm.s32 $0x19980;
	[smem:$0x7CD] =	sst s13  }
0x25: {  	s15 =	simm.s32 $0x19A00;
	[smem:$0x7CE] =	sst s14  }
0x26: {  	s16 =	simm.s32 $0x19A80;
	[smem:$0x7CF] =	sst s15  }
0x27: {  	s17 =	simm.s32 $0x19B00;
	[smem:$0x7D0] =	sst s16  }
0x28: {  	s18 =	simm.s32 $0x19B80;
	[smem:$0x7D1] =	sst s17  }
0x29: {  	s19 =	simm.s32 $0x19C80;
	[smem:$0x7D2] =	sst s18  }
0x2a: {  	s4 =	simm.s32 $0x19D00;
	[smem:$0x7D3] =	sst s19  }
0x2b: {  	s20 =	simm.s32 $0x19D80;
	[smem:$0x7D4] =	sst s4  }
0x2c: {  	s21 =	simm.s32 $0x19E00;
	[smem:$0x7D5] =	sst s20  }
0x2d: {  	s22 =	simm.s32 $0x19F00;
	[smem:$0x7D6] =	sst s21  }
0x2e: {  	s24 =	simm.s32 $0x19F80;
	[smem:$0x7D8] =	sst s22  }
0x2f: {  	s25 =	simm.s32 $0x1A680;
	[smem:$0x7D9] =	sst s24  }
0x30: {  	s26 =	simm.s32 $0x1A700;
	[smem:$0x7DA] =	sst s25  }
0x31: {  	s6 =	simm.s32 $0x19E80;
	[smem:$0x7DB] =	sst s26  }
0x32: {  	s28 =	simm.s32 $0x1;
	s7 =	simm.s32 $0x1A780;
	[smem:$0x7D7] =	sst s6  }
0x33: {  	s29 =	simm.s32 $0x3;
	s9 =	simm.s32 $0x1A000;
	[smem:$0x7DC] =	sst s7  }
0x34: {  	s30 =	simm.s32 $0x2;
	s10 =	simm.s32 $0x1A080;
	[smem:$0x7DD] =	sst s9  }
0x35: {  	s31 =	simm.s32 $0x4;
	s14 =	simm.s32 $0x1A100;
	[smem:$0x7DE] =	sst s10  }
0x36: {  	s3 =	sadd.s32 $0x3800, s0;
	s15 =	simm.s32 $0x1A180;
	[smem:$0x7DF] =	sst s14  }
0x37: {  	s5 =	srdreg.scid;
	s16 =	simm.s32 $0x1A800;
	[smem:$0x7E0] =	sst s15  }
0x38: {  	s13 =	stileid.u32;
	s18 =	simm.s32 $0x1A900;
	[smem:$0x7E1] =	sst s16  }
0x39: {  	s11 =	sadd.s32 $0x65400, s0;
	s20 =	simm.s32 $0x1A980;
	[smem:$0x7E3] =	sst s18  }
0x3a: {  	s21 =	simm.s32 $0x1A200;
	s22 =	simm.s32 $0x1A280;
	[smem:$0x7E4] =	sst s20  }
0x3b: {  	s24 =	simm.s32 $0x1A380;
	s25 =	simm.s32 $0x1AA00;
	[smem:$0x7E5] =	sst s21  }
0x3c: {  	s26 =	simm.s32 $0x1AA80;
	s4 =	sand.u32 $0x1, s5;
	[smem:$0x7E6] =	sst s22  }
0x3d: {  	s8 =	smul.u32 $0x18800, s13;
	s17 =	ssub.s32 $0xD3, s13;
	[smem:$0x7EA] =	sst s24  }
0x3e: {  	s9 =	simm.s32 $0x1A880;
	s19 =	sshll.u32 s13, $0xD;
	[smem:$0x7EC] =	sst s25  }
0x3f: {  	s10 =	smul.u32 $0x19000, s13;
	[smem:$0x7ED] =	sst s26;
	s14 =	simm.s32 $0x1A400  }
0x40: {  	s15 =	simm.s32 $0x1A480;
	s16 =	simm.s32 $0x1A500;
	s18 =	simm.s32 $0x1AC00  }
0x41: {  	s20 =	simm.s32 $0x1AD00;
	s21 =	simm.s32 $0x1AD80;
	[smem:$0x7E2] =	sst s9  }
0x42: {  	s22 =	simm.s32 $0x1AE00;
	s24 =	simm.s32 $0x1AF00;
	[smem:$0x7F1] =	sst s14  }
0x43: {  	s25 =	simm.s32 $0x1AF80;
	s23 =	smul.u32 $0x188000, s4;
	[smem:$0x7F2] =	sst s15  }
0x44: {  	s12 =	ssub.s32 $0x2, s4;
	s5 =	sshrl.u32 s17, $0x4;
	[smem:$0x7F3] =	sst s16  }
0x45: {  	s9 =	sadd.s32 s19, s1;
	s17 =	simm.s32 $0x1A580;
	[smem:$0x7F5] =	sst s18  }
0x46: {  	s14 =	simm.s32 $0x18800;
	s15 =	simm.s32 $0x19200;
	[smem:$0x7F7] =	sst s20  }
0x47: {  	s19 =	simm.s32 $0x1AC80;
	s16 =	simm.s32 $0x19C00;
	[smem:$0x7F8] =	sst s21  }
0x48: {  	s18 =	simm.s32 $0x80;
	[smem:$0x7F9] =	sst s22;
	s20 =	simm.s32 $0x1C000  }
0x49: {  	s21 =	simm.s32 $0x1C800;
	[smem:$0x7FB] =	sst s24;
	s22 =	simm.s32 $0x1D000  }
0x4a: {  	[smem:$0x7FC] =	sst s25;
	s25 =	simm.s32 $0x1E000;
	v0 =	vmov s4;
	s4 =	simm.s32 $0x0  }
0x4b: {  	s7 =	sshrl.u32 s12, $0x1;
	s10 =	sshrl.u32 s10, $0x3;
	[smem:$0x7F4] =	sst s17  }
0x4c: {  	[smem:$0x7F6] =	sst s19;
	s17 =	simm.s32 $0x1A600;
	s6 =	sadd.s32 s8, s23  }
0x4d: {  	s23 =	sadd.s32 s11, s10;
	s8 =	sadd.s32 s8, s1;
	s10 =	smul.u32 $0x3200, s13  }
0x4e: {  	s13 =	simm.s32 $0x1AB80;
	s6 =	sshrl.u32 s6, $0x3;
	[smem:$0x7E8] =	sst s23  }
0x4f: {  	[smem:$0x7F0] =	sst s13;
	s26 =	sshrl.u32 s8, $0x3;
	s0 =	sadd.s32 s6, s0  }
0x50: {  	s6 =	ssub.s32 s12, s7;
	s12 =	simm.s32 $0x1A300;
	[smem:$0x7FD] =	sst s26  }
0x51: {  	s19 =	simm.s32 $0x1B800;
	s7 =	sadd.s32 $0x32000, s23;
	[smem:$0x7E7] =	sst s12  }
0x52: {  	s13 =	simm.s32 $0x5;
	s23 =	simm.s32 $0x1AE80;
	[smem:$0x7E9] =	sst s7  }
0x53: {  	s11 =	sadd.s32 s10, s11;
	s0 =	sadd.s32 $0xC9400, s0;
	[smem:$0x7FA] =	sst s23  }
0x54: {  	s26 =	simm.s32 $0x1E800;
	s7 =	simm.s32 $0x1AB00;
	[smem:$0x7EB] =	sst s0  }
0x55: {  	s6 =	smax.u32 s6, $0x1;
	s12 =	simm.s32 $0x1B000;
	[smem:$0x7EE] =	sst s7  }
0x56: {  	v1 =	vimm.f32 $0.0e+00;
	s23 =	simm.s32 $0x1D800;
	[smem:$0x7EF] =	sst s6;
	s0 =	simm.s32 $0x6  }
.LBB2_1:
0x57: {  	s8 =	simm.s32 $0x40;
	s6 =	simm.s32 $0x0  }
.LBB2_2:
0x58: {  	p0 =	sne.s32 s8, $0x7FC0;
	[tilespmem:s6+$0x1B000] =	vst v1;
	s6 =	smov.u32 s8;
	s8 =	sadd.s32 $0x40, s8  }
.Ltmp0:
0x59: {  	(pc) =	sbr.rel @p0 .LBB2_2-.Ltmp0, $2  }
0x5a: {  	_ =	sdelay $0x2  }
0x5b: {  	s6 =	sshra.s32 s6, $0x2  }
0x5c: {  	p0 =	sne.s32 s5, $0x1  }
.Ltmp1:
0x5d: {  	_ = 	snop;
	(pc) =	sbr.rel @!p0 .LBB2_5-.Ltmp1, $3  }
0x5e: {  	_ =	sdelay $0x1  }
0x5f: {  	[tilespmem:s6+$0x1B000] =	vst v1;
	s8 =	sadd.s32 $0xFFFFFFFF, s5;
	s6 =	smov.u32 s9  }
0x60: {  	[spmem:s9] =	stream.linear.scatter [tilespmem:s12], [sflag:$0x5], $0x2000, $0x38;
	[tilespmem:$0x1F000] =	vst v63  }
.LBB2_4:
0x61: {  	p1 =	sne.s32 s8, $0x1  }
.Ltmp2:
0x62: {  	_ = 	snop;
	(pc) =	sbr.rel @p1 .LBB2_4-.Ltmp2, $3  }
0x63: {  	_ = 	snop  }
0x64: {  	s8 =	sadd.s32 $0xFFFFFFFF, s8;
	s6 =	sadd.s32 $0x20000, s6;
	_ =	sdelay $0x1  }
0x65: {  	[spmem:s6] =	stream.linear.scatter [tilespmem:s12], [sflag:$0x5], $0x2000, $0x38;
	[tilespmem:$0x1F000] =	vst v63  }
.LBB2_5:
.Ltmp3:
0x66: {  	(pc) =	sbr.rel @!p0 .LBB2_7-.Ltmp3, $3  }
0x67: {  	_ =	sdelay $0x1  }
0x68: {  	_ =	swait.ge [sflag:s13], $0x2000  }
0x69: {  	s8 =	sadd.s32 $0xFFFFFFFF, s5;
	[sflag:s13] =	ssyncset.done $0x0  }
.LBB2_6:
0x6a: {  	p0 =	sne.s32 s8, $0x1;
	s8 =	sadd.s32 $0xFFFFFFFF, s8;
	[sflag:s13] =	ssyncadd.s32 $0xFFFFE000  }
.Ltmp4:
0x6b: {  	(pc) =	sbr.rel @p0 .LBB2_6-.Ltmp4, $3  }
0x6c: {  	_ =	sdelay $0x1  }
0x6d: {  	_ =	swait.ge [sflag:s13], $0x2000  }
0x6e: {  	[sflag:s13] =	ssyncset.done $0x0  }
.LBB2_7:
0x6f: {  	[sflag:s13] =	ssyncadd.s32 $0xFFFFE000  }
0x70: {  	[bflag:$0x0] =	sbarrier.arrive $0xFFFF  }
0x71: {  	s6 =	sld [smem:$0x7E8];
	_ =	sdelay $0x1  }
0x72: {  	s8 =	simm.s32 $0x0;
	s24 =	sld [smem:$0x7E9]  }
0x73: {  	[tilespmem:s14], [sflag:$0x5] =	stream.linear.gather [hbm4b:s6+s8], $0xA00, $0x38;
	[tilespmem:$0x1F000] =	vst v63  }
0x74: {  	_ = 	snop  }
0x75: {  	[tilespmem:s15], [sflag:$0x5] =	stream.linear.gather [hbm4b:s24+s8], $0xA00, $0x38;
	[tilespmem:$0x1F000] =	vst v63  }
.LBB2_8:
0x76: {  	_ =	swait.ge [sflag:s13], $0xA00  }
0x77: {  	[sflag:s13] =	ssyncset.done $0x0  }
0x78: {  	[sflag:s13] =	ssyncadd.s32 $0xFFFFF600  }
0x79: {  	_ =	swait.ge [sflag:s13], $0xA00  }
0x7a: {  	s6 =	sadd.s32 s8, s11;
	[sflag:s13] =	ssyncset.done $0x0  }
0x7b: {  	s10 =	sadd.s32 $0x140, s6;
	[sflag:s13] =	ssyncadd.s32 $0xFFFFF600  }
0x7c: {  	[tilespmem:s16], [sflag:$0x5] =	stream.linear.gather [hbm4b:s10+s2], $0xA00, $0x38;
	[tilespmem:$0x1F000] =	vst v63  }
0x7d: {  	s6 =	sadd.s32 $0x32140, s6  }
0x7e: {  	[tilespmem:s17], [sflag:$0x5] =	stream.linear.gather [hbm4b:s6+s2], $0xA00, $0x38;
	[tilespmem:$0x1F000] =	vst v63  }
0x7f: {  	v2 =	vld [tilespmem:$0x18800]  }
0x80: {  	v3 =	vld [tilespmem:$0x18810]  }
0x81: {  	v4 =	vld [tilespmem:$0x18820]  }
0x82: {  	v5 =	vld [tilespmem:$0x18830]  }
0x83: {  	v6 =	vld [tilespmem:$0x18840]  }
0x84: {  	v7 =	vld [tilespmem:$0x18850];
	v2 =	vshll.u32 v2, $0x1  }
0x85: {  	v8 =	vld [tilespmem:$0x18860];
	v3 =	vshll.u32 v3, $0x1;
	v2 =	vor.u32 v0, v2  }
0x86: {  	v29 =	vld [tilespmem:$0x18870];
	[tilespmem:$0x18800] =	vst v2;
	v2 =	vor.u32 v0, v3;
	v3 =	vshll.u32 v4, $0x1  }
0x87: {  	v30 =	vld [tilespmem:$0x18880];
	[tilespmem:$0x18810] =	vst v2;
	v2 =	vor.u32 v0, v3;
	v3 =	vshll.u32 v5, $0x1  }
0x88: {  	v31 =	vld [tilespmem:$0x18890];
	[tilespmem:$0x18820] =	vst v2;
	v2 =	vor.u32 v0, v3;
	v3 =	vshll.u32 v6, $0x1  }
0x89: {  	v32 =	vld [tilespmem:$0x188A0];
	[tilespmem:$0x18830] =	vst v2;
	v2 =	vor.u32 v0, v3;
	v3 =	vshll.u32 v7, $0x1  }
0x8a: {  	v33 =	vld [tilespmem:$0x188B0];
	[tilespmem:$0x18840] =	vst v2;
	v2 =	vor.u32 v0, v3;
	v3 =	vshll.u32 v8, $0x1  }
0x8b: {  	v34 =	vld [tilespmem:$0x188C0];
	[tilespmem:$0x18850] =	vst v2;
	v2 =	vor.u32 v0, v3;
	v3 =	vshll.u32 v29, $0x1  }
0x8c: {  	v35 =	vld [tilespmem:$0x188D0];
	[tilespmem:$0x18860] =	vst v2;
	v2 =	vor.u32 v0, v3;
	v3 =	vshll.u32 v30, $0x1  }
0x8d: {  	v36 =	vld [tilespmem:$0x188E0];
	[tilespmem:$0x18870] =	vst v2;
	v2 =	vor.u32 v0, v3;
	v3 =	vshll.u32 v31, $0x1  }
0x8e: {  	v37 =	vld [tilespmem:$0x188F0];
	[tilespmem:$0x18880] =	vst v2;
	v2 =	vor.u32 v0, v3;
	v3 =	vshll.u32 v32, $0x1  }
0x8f: {  	v38 =	vld [tilespmem:$0x18900];
	[tilespmem:$0x18890] =	vst v2;
	v2 =	vor.u32 v0, v3;
	v3 =	vshll.u32 v33, $0x1  }
0x90: {  	v39 =	vld [tilespmem:$0x18910];
	[tilespmem:$0x188A0] =	vst v2;
	v2 =	vor.u32 v0, v3;
	v3 =	vshll.u32 v34, $0x1  }
0x91: {  	v40 =	vld [tilespmem:$0x18920];
	[tilespmem:$0x188B0] =	vst v2;
	v2 =	vor.u32 v0, v3;
	v3 =	vshll.u32 v35, $0x1  }
0x92: {  	v41 =	vld [tilespmem:$0x18930];
	[tilespmem:$0x188C0] =	vst v2;
	v2 =	vor.u32 v0, v3;
	v3 =	vshll.u32 v36, $0x1  }
0x93: {  	v42 =	vld [tilespmem:$0x18940];
	[tilespmem:$0x188D0] =	vst v2;
	v2 =	vor.u32 v0, v3;
	v3 =	vshll.u32 v37, $0x1  }
0x94: {  	v43 =	vld [tilespmem:$0x18950];
	[tilespmem:$0x188E0] =	vst v2;
	v2 =	vor.u32 v0, v3;
	v3 =	vshll.u32 v38, $0x1  }
0x95: {  	v44 =	vld [tilespmem:$0x18960];
	[tilespmem:$0x188F0] =	vst v2;
	v2 =	vor.u32 v0, v3;
	v3 =	vshll.u32 v39, $0x1  }
0x96: {  	v45 =	vld [tilespmem:$0x18970];
	[tilespmem:$0x18900] =	vst v2;
	v2 =	vor.u32 v0, v3;
	v3 =	vshll.u32 v40, $0x1  }
0x97: {  	v46 =	vld [tilespmem:$0x18980];
	[tilespmem:$0x18910] =	vst v2;
	v2 =	vor.u32 v0, v3;
	v3 =	vshll.u32 v41, $0x1  }
0x98: {  	v47 =	vld [tilespmem:$0x18990];
	[tilespmem:$0x18920] =	vst v2;
	v2 =	vor.u32 v0, v3;
	v3 =	vshll.u32 v42, $0x1  }
0x99: {  	v48 =	vld [tilespmem:$0x189A0];
	[tilespmem:$0x18930] =	vst v2;
	v2 =	vor.u32 v0, v3;
	v3 =	vshll.u32 v43, $0x1  }
0x9a: {  	v49 =	vld [tilespmem:$0x189B0];
	[tilespmem:$0x18940] =	vst v2;
	v2 =	vor.u32 v0, v3;
	v3 =	vshll.u32 v44, $0x1  }
0x9b: {  	v50 =	vld [tilespmem:$0x189C0];
	[tilespmem:$0x18950] =	vst v2;
	v2 =	vor.u32 v0, v3;
	v3 =	vshll.u32 v45, $0x1  }
0x9c: {  	v51 =	vld [tilespmem:$0x189D0];
	[tilespmem:$0x18960] =	vst v2;
	v2 =	vor.u32 v0, v3;
	v3 =	vshll.u32 v46, $0x1  }
0x9d: {  	v52 =	vld [tilespmem:$0x189E0];
	[tilespmem:$0x18970] =	vst v2;
	v2 =	vor.u32 v0, v3;
	v3 =	vshll.u32 v47, $0x1  }
0x9e: {  	v53 =	vld [tilespmem:$0x189F0];
	[tilespmem:$0x18980] =	vst v2;
	v2 =	vor.u32 v0, v3;
	v3 =	vshll.u32 v48, $0x1  }
0x9f: {  	[tilespmem:$0x18990] =	vst v2;
	v2 =	vor.u32 v0, v3;
	v3 =	vshll.u32 v49, $0x1  }
0xa0: {  	[tilespmem:$0x189A0] =	vst v2;
	v2 =	vor.u32 v0, v3;
	v3 =	vshll.u32 v50, $0x1  }
0xa1: {  	[tilespmem:$0x189B0] =	vst v2;
	v2 =	vor.u32 v0, v3;
	v3 =	vshll.u32 v51, $0x1  }
0xa2: {  	[tilespmem:$0x189C0] =	vst v2;
	v2 =	vor.u32 v0, v3;
	v3 =	vshll.u32 v52, $0x1  }
0xa3: {  	[tilespmem:$0x189D0] =	vst v2;
	v2 =	vor.u32 v0, v3;
	v3 =	vshll.u32 v53, $0x1  }
0xa4: {  	[tilespmem:$0x189E0] =	vst v2;
	v2 =	vor.u32 v0, v3  }
0xa5: {  	[tilespmem:$0x189F0] =	vst v2  }
0xa6: {  	[tilespmem:s12], [sflag:$0x1] =	stream.indirect.gather [hbm4b:s3+s18], $0x10, s14, s18, $0xb8;
	[tilespmem:$0x1F000] =	vst v63  }
0xa7: {  	s10 =	rddreg [dreg:$0x3]  }
0xa8: {  	[tilespmem:s19], [sflag:$0x1] =	stream.indirect.gather [hbm4b:s3+s18], $0x10, s10, s18, $0xb8;
	[tilespmem:$0x1F000] =	vst v63  }
0xa9: {  	s24 =	rddreg [dreg:$0x4]  }
0xaa: {  	[tilespmem:s20], [sflag:$0x1] =	stream.indirect.gather [hbm4b:s3+s18], $0x10, s24, s18, $0xb8;
	[tilespmem:$0x1F000] =	vst v63  }
0xab: {  	s7 =	rddreg [dreg:$0x5]  }
0xac: {  	[tilespmem:s21], [sflag:$0x1] =	stream.indirect.gather [hbm4b:s3+s18], $0x10, s7, s18, $0xb8;
	[tilespmem:$0x1F000] =	vst v63  }
0xad: {  	v2 =	vld [tilespmem:$0x18A00]  }
0xae: {  	v3 =	vld [tilespmem:$0x18A10]  }
0xaf: {  	v54 =	vld [tilespmem:$0x18A20]  }
0xb0: {  	v55 =	vld [tilespmem:$0x18A30]  }
0xb1: {  	v56 =	vld [tilespmem:$0x18A40]  }
0xb2: {  	v57 =	vld [tilespmem:$0x18A50];
	v2 =	vshll.u32 v2, $0x1  }
0xb3: {  	v58 =	vld [tilespmem:$0x18A60];
	v3 =	vshll.u32 v3, $0x1;
	v2 =	vor.u32 v0, v2  }
0xb4: {  	v59 =	vld [tilespmem:$0x18A70];
	[tilespmem:$0x18A00] =	vst v2;
	v2 =	vor.u32 v0, v3;
	v3 =	vshll.u32 v54, $0x1  }
0xb5: {  	v60 =	vld [tilespmem:$0x18A80];
	[tilespmem:$0x18A10] =	vst v2;
	v2 =	vor.u32 v0, v3;
	v3 =	vshll.u32 v55, $0x1  }
0xb6: {  	v61 =	vld [tilespmem:$0x18A90];
	[tilespmem:$0x18A20] =	vst v2;
	v2 =	vor.u32 v0, v3;
	v3 =	vshll.u32 v56, $0x1  }
0xb7: {  	v62 =	vld [tilespmem:$0x18AA0];
	[tilespmem:$0x18A30] =	vst v2;
	v2 =	vor.u32 v0, v3;
	v3 =	vshll.u32 v57, $0x1  }
0xb8: {  	v63 =	vld [tilespmem:$0x18AB0];
	[tilespmem:$0x18A40] =	vst v2;
	v2 =	vor.u32 v0, v3;
	v3 =	vshll.u32 v58, $0x1  }
0xb9: {  	v12 =	vld [tilespmem:$0x18AC0];
	[tilespmem:$0x18A50] =	vst v2;
	v2 =	vor.u32 v0, v3;
	v3 =	vshll.u32 v59, $0x1  }
0xba: {  	v13 =	vld [tilespmem:$0x18AD0];
	[tilespmem:$0x18A60] =	vst v2;
	v2 =	vor.u32 v0, v3;
	v3 =	vshll.u32 v60, $0x1  }
0xbb: {  	v14 =	vld [tilespmem:$0x18AE0];
	[tilespmem:$0x18A70] =	vst v2;
	v2 =	vor.u32 v0, v3;
	v3 =	vshll.u32 v61, $0x1  }
0xbc: {  	v15 =	vld [tilespmem:$0x18AF0];
	[tilespmem:$0x18A80] =	vst v2;
	v2 =	vor.u32 v0, v3;
	v3 =	vshll.u32 v62, $0x1  }
0xbd: {  	v16 =	vld [tilespmem:$0x18B00];
	[tilespmem:$0x18A90] =	vst v2;
	v2 =	vor.u32 v0, v3;
	v3 =	vshll.u32 v63, $0x1  }
0xbe: {  	v17 =	vld [tilespmem:$0x18B10];
	[tilespmem:$0x18AA0] =	vst v2;
	v2 =	vor.u32 v0, v3;
	v3 =	vshll.u32 v12, $0x1  }
0xbf: {  	v18 =	vld [tilespmem:$0x18B20];
	[tilespmem:$0x18AB0] =	vst v2;
	v2 =	vor.u32 v0, v3;
	v3 =	vshll.u32 v13, $0x1  }
0xc0: {  	v19 =	vld [tilespmem:$0x18B30];
	[tilespmem:$0x18AC0] =	vst v2;
	v2 =	vor.u32 v0, v3;
	v3 =	vshll.u32 v14, $0x1  }
0xc1: {  	v20 =	vld [tilespmem:$0x18B40];
	[tilespmem:$0x18AD0] =	vst v2;
	v2 =	vor.u32 v0, v3;
	v3 =	vshll.u32 v15, $0x1  }
0xc2: {  	v21 =	vld [tilespmem:$0x18B50];
	[tilespmem:$0x18AE0] =	vst v2;
	v2 =	vor.u32 v0, v3;
	v3 =	vshll.u32 v16, $0x1  }
0xc3: {  	v22 =	vld [tilespmem:$0x18B60];
	[tilespmem:$0x18AF0] =	vst v2;
	v2 =	vor.u32 v0, v3;
	v3 =	vshll.u32 v17, $0x1  }
0xc4: {  	v23 =	vld [tilespmem:$0x18B70];
	[tilespmem:$0x18B00] =	vst v2;
	v2 =	vor.u32 v0, v3;
	v3 =	vshll.u32 v18, $0x1  }
0xc5: {  	v24 =	vld [tilespmem:$0x18B80];
	[tilespmem:$0x18B10] =	vst v2;
	v2 =	vor.u32 v0, v3;
	v3 =	vshll.u32 v19, $0x1  }
0xc6: {  	v25 =	vld [tilespmem:$0x18B90];
	[tilespmem:$0x18B20] =	vst v2;
	v2 =	vor.u32 v0, v3;
	v3 =	vshll.u32 v20, $0x1  }
0xc7: {  	v26 =	vld [tilespmem:$0x18BA0];
	[tilespmem:$0x18B30] =	vst v2;
	v2 =	vor.u32 v0, v3;
	v3 =	vshll.u32 v21, $0x1  }
0xc8: {  	v27 =	vld [tilespmem:$0x18BB0];
	[tilespmem:$0x18B40] =	vst v2;
	v2 =	vor.u32 v0, v3;
	v3 =	vshll.u32 v22, $0x1  }
0xc9: {  	v28 =	vld [tilespmem:$0x18BC0];
	[tilespmem:$0x18B50] =	vst v2;
	v2 =	vor.u32 v0, v3;
	v3 =	vshll.u32 v23, $0x1  }
0xca: {  	v29 =	vld [tilespmem:$0x18BD0];
	[tilespmem:$0x18B60] =	vst v2;
	v2 =	vor.u32 v0, v3;
	v3 =	vshll.u32 v24, $0x1  }
0xcb: {  	v30 =	vld [tilespmem:$0x18BE0];
	[tilespmem:$0x18B70] =	vst v2;
	v2 =	vor.u32 v0, v3;
	v3 =	vshll.u32 v25, $0x1  }
0xcc: {  	v31 =	vld [tilespmem:$0x18BF0];
	[tilespmem:$0x18B80] =	vst v2;
	v2 =	vor.u32 v0, v3;
	v3 =	vshll.u32 v26, $0x1  }
0xcd: {  	[tilespmem:$0x18B90] =	vst v2;
	v2 =	vor.u32 v0, v3;
	v3 =	vshll.u32 v27, $0x1  }
0xce: {  	[tilespmem:$0x18BA0] =	vst v2;
	v2 =	vor.u32 v0, v3;
	v3 =	vshll.u32 v28, $0x1  }
0xcf: {  	[tilespmem:$0x18BB0] =	vst v2;
	v2 =	vor.u32 v0, v3;
	v3 =	vshll.u32 v29, $0x1  }
0xd0: {  	[tilespmem:$0x18BC0] =	vst v2;
	v2 =	vor.u32 v0, v3;
	v3 =	vshll.u32 v30, $0x1  }
0xd1: {  	[tilespmem:$0x18BD0] =	vst v2;
	v2 =	vor.u32 v0, v3;
	v3 =	vshll.u32 v31, $0x1  }
0xd2: {  	[tilespmem:$0x18BE0] =	vst v2;
	v2 =	vor.u32 v0, v3  }
0xd3: {  	s24 =	rddreg [dreg:$0x6];
	[tilespmem:$0x18BF0] =	vst v2  }
0xd4: {  	[tilespmem:s22], [sflag:$0x2] =	stream.indirect.gather [hbm4b:s3+s18], $0x10, s24, s18, $0xb8;
	[tilespmem:$0x1F000] =	vst v63  }
0xd5: {  	s7 =	rddreg [dreg:$0x7]  }
0xd6: {  	[tilespmem:s23], [sflag:$0x2] =	stream.indirect.gather [hbm4b:s3+s18], $0x10, s7, s18, $0xb8;
	[tilespmem:$0x1F000] =	vst v63  }
0xd7: {  	s24 =	rddreg [dreg:$0x8]  }
0xd8: {  	[tilespmem:s25], [sflag:$0x2] =	stream.indirect.gather [hbm4b:s3+s18], $0x10, s24, s18, $0xb8;
	[tilespmem:$0x1F000] =	vst v63  }
0xd9: {  	s7 =	rddreg [dreg:$0x9]  }
0xda: {  	[tilespmem:s26], [sflag:$0x2] =	stream.indirect.gather [hbm4b:s3+s18], $0x10, s7, s18, $0xb8;
	[tilespmem:$0x1F000] =	vst v63  }
0xdb: {  	_ =	swait.ge [sflag:s28], $0x800  }
0xdc: {  	[sflag:s28] =	ssyncset.done $0x0  }
0xdd: {  	[sflag:s28] =	ssyncadd.s32 $0xFFFFF800  }
0xde: {  	_ =	swait.ge [sflag:s28], $0x800  }
0xdf: {  	[sflag:s28] =	ssyncset.done $0x0  }
0xe0: {  	[sflag:s28] =	ssyncadd.s32 $0xFFFFF800  }
0xe1: {  	_ =	swait.ge [sflag:s28], $0x800  }
0xe2: {  	[sflag:s28] =	ssyncset.done $0x0  }
0xe3: {  	[sflag:s28] =	ssyncadd.s32 $0xFFFFF800  }
0xe4: {  	_ =	swait.ge [sflag:s28], $0x800  }
0xe5: {  	[sflag:s28] =	ssyncset.done $0x0  }
0xe6: {  	[sflag:s28] =	ssyncadd.s32 $0xFFFFF800  }
0xe7: {  	[spmem:s1] =	stream.indirect.scatter.add.f32 [tilespmem:s12], [sflag:$0x3], $0x10, s15, s18, $0xb8;
	[tilespmem:$0x1F000] =	vst v63  }
0xe8: {  	s10 =	rddreg [dreg:$0xa]  }
0xe9: {  	[spmem:s1] =	stream.indirect.scatter.add.f32 [tilespmem:s19], [sflag:$0x3], $0x10, s10, s18, $0xb8;
	[tilespmem:$0x1F000] =	vst v63  }
0xea: {  	s24 =	rddreg [dreg:$0xb]  }
0xeb: {  	[spmem:s1] =	stream.indirect.scatter.add.f32 [tilespmem:s20], [sflag:$0x3], $0x10, s24, s18, $0xb8;
	[tilespmem:$0x1F000] =	vst v63  }
0xec: {  	s7 =	rddreg [dreg:$0xc]  }
0xed: {  	[spmem:s1] =	stream.indirect.scatter.add.f32 [tilespmem:s21], [sflag:$0x3], $0x10, s7, s18, $0xb8;
	[tilespmem:$0x1F000] =	vst v63  }
0xee: {  	v2 =	vld [tilespmem:$0x18C00]  }
0xef: {  	v3 =	vld [tilespmem:$0x18C10]  }
0xf0: {  	v32 =	vld [tilespmem:$0x18C20]  }
0xf1: {  	v33 =	vld [tilespmem:$0x18C30]  }
0xf2: {  	v34 =	vld [tilespmem:$0x18C40]  }
0xf3: {  	v35 =	vld [tilespmem:$0x18C50];
	v2 =	vshll.u32 v2, $0x1  }
0xf4: {  	v36 =	vld [tilespmem:$0x18C60];
	v3 =	vshll.u32 v3, $0x1;
	v2 =	vor.u32 v0, v2  }
0xf5: {  	v37 =	vld [tilespmem:$0x18C70];
	[tilespmem:$0x18C00] =	vst v2;
	v2 =	vor.u32 v0, v3;
	v3 =	vshll.u32 v32, $0x1  }
0xf6: {  	v38 =	vld [tilespmem:$0x18C80];
	[tilespmem:$0x18C10] =	vst v2;
	v2 =	vor.u32 v0, v3;
	v3 =	vshll.u32 v33, $0x1  }
0xf7: {  	v39 =	vld [tilespmem:$0x18C90];
	[tilespmem:$0x18C20] =	vst v2;
	v2 =	vor.u32 v0, v3;
	v3 =	vshll.u32 v34, $0x1  }
0xf8: {  	v40 =	vld [tilespmem:$0x18CA0];
	[tilespmem:$0x18C30] =	vst v2;
	v2 =	vor.u32 v0, v3;
	v3 =	vshll.u32 v35, $0x1  }
0xf9: {  	v41 =	vld [tilespmem:$0x18CB0];
	[tilespmem:$0x18C40] =	vst v2;
	v2 =	vor.u32 v0, v3;
	v3 =	vshll.u32 v36, $0x1  }
0xfa: {  	v42 =	vld [tilespmem:$0x18CC0];
	[tilespmem:$0x18C50] =	vst v2;
	v2 =	vor.u32 v0, v3;
	v3 =	vshll.u32 v37, $0x1  }
0xfb: {  	v43 =	vld [tilespmem:$0x18CD0];
	[tilespmem:$0x18C60] =	vst v2;
	v2 =	vor.u32 v0, v3;
	v3 =	vshll.u32 v38, $0x1  }
0xfc: {  	v44 =	vld [tilespmem:$0x18CE0];
	[tilespmem:$0x18C70] =	vst v2;
	v2 =	vor.u32 v0, v3;
	v3 =	vshll.u32 v39, $0x1  }
0xfd: {  	v45 =	vld [tilespmem:$0x18CF0];
	[tilespmem:$0x18C80] =	vst v2;
	v2 =	vor.u32 v0, v3;
	v3 =	vshll.u32 v40, $0x1  }
0xfe: {  	v46 =	vld [tilespmem:$0x18D00];
	[tilespmem:$0x18C90] =	vst v2;
	v2 =	vor.u32 v0, v3;
	v3 =	vshll.u32 v41, $0x1  }
0xff: {  	v47 =	vld [tilespmem:$0x18D10];
	[tilespmem:$0x18CA0] =	vst v2;
	v2 =	vor.u32 v0, v3;
	v3 =	vshll.u32 v42, $0x1  }
0x100: {  	v48 =	vld [tilespmem:$0x18D20];
	[tilespmem:$0x18CB0] =	vst v2;
	v2 =	vor.u32 v0, v3;
	v3 =	vshll.u32 v43, $0x1  }
0x101: {  	v49 =	vld [tilespmem:$0x18D30];
	[tilespmem:$0x18CC0] =	vst v2;
	v2 =	vor.u32 v0, v3;
	v3 =	vshll.u32 v44, $0x1  }
0x102: {  	v50 =	vld [tilespmem:$0x18D40];
	[tilespmem:$0x18CD0] =	vst v2;
	v2 =	vor.u32 v0, v3;
	v3 =	vshll.u32 v45, $0x1  }
0x103: {  	v51 =	vld [tilespmem:$0x18D50];
	[tilespmem:$0x18CE0] =	vst v2;
	v2 =	vor.u32 v0, v3;
	v3 =	vshll.u32 v46, $0x1  }
0x104: {  	v52 =	vld [tilespmem:$0x18D60];
	[tilespmem:$0x18CF0] =	vst v2;
	v2 =	vor.u32 v0, v3;
	v3 =	vshll.u32 v47, $0x1  }
0x105: {  	v53 =	vld [tilespmem:$0x18D70];
	[tilespmem:$0x18D00] =	vst v2;
	v2 =	vor.u32 v0, v3;
	v3 =	vshll.u32 v48, $0x1  }
0x106: {  	v54 =	vld [tilespmem:$0x18D80];
	[tilespmem:$0x18D10] =	vst v2;
	v2 =	vor.u32 v0, v3;
	v3 =	vshll.u32 v49, $0x1  }
0x107: {  	v55 =	vld [tilespmem:$0x18D90];
	[tilespmem:$0x18D20] =	vst v2;
	v2 =	vor.u32 v0, v3;
	v3 =	vshll.u32 v50, $0x1  }
0x108: {  	v56 =	vld [tilespmem:$0x18DA0];
	[tilespmem:$0x18D30] =	vst v2;
	v2 =	vor.u32 v0, v3;
	v3 =	vshll.u32 v51, $0x1  }
0x109: {  	v57 =	vld [tilespmem:$0x18DB0];
	[tilespmem:$0x18D40] =	vst v2;
	v2 =	vor.u32 v0, v3;
	v3 =	vshll.u32 v52, $0x1  }
0x10a: {  	v58 =	vld [tilespmem:$0x18DC0];
	[tilespmem:$0x18D50] =	vst v2;
	v2 =	vor.u32 v0, v3;
	v3 =	vshll.u32 v53, $0x1  }
0x10b: {  	v59 =	vld [tilespmem:$0x18DD0];
	[tilespmem:$0x18D60] =	vst v2;
	v2 =	vor.u32 v0, v3;
	v3 =	vshll.u32 v54, $0x1  }
0x10c: {  	v60 =	vld [tilespmem:$0x18DE0];
	[tilespmem:$0x18D70] =	vst v2;
	v2 =	vor.u32 v0, v3;
	v3 =	vshll.u32 v55, $0x1  }
0x10d: {  	v61 =	vld [tilespmem:$0x18DF0];
	[tilespmem:$0x18D80] =	vst v2;
	v2 =	vor.u32 v0, v3;
	v3 =	vshll.u32 v56, $0x1  }
0x10e: {  	[tilespmem:$0x18D90] =	vst v2;
	v2 =	vor.u32 v0, v3;
	v3 =	vshll.u32 v57, $0x1  }
0x10f: {  	[tilespmem:$0x18DA0] =	vst v2;
	v2 =	vor.u32 v0, v3;
	v3 =	vshll.u32 v58, $0x1  }
0x110: {  	[tilespmem:$0x18DB0] =	vst v2;
	v2 =	vor.u32 v0, v3;
	v3 =	vshll.u32 v59, $0x1  }
0x111: {  	[tilespmem:$0x18DC0] =	vst v2;
	v2 =	vor.u32 v0, v3;
	v3 =	vshll.u32 v60, $0x1  }
0x112: {  	[tilespmem:$0x18DD0] =	vst v2;
	v2 =	vor.u32 v0, v3;
	v3 =	vshll.u32 v61, $0x1  }
0x113: {  	[tilespmem:$0x18DE0] =	vst v2;
	v2 =	vor.u32 v0, v3  }
0x114: {  	[tilespmem:$0x18DF0] =	vst v2  }
0x115: {  	_ =	swait.ge [sflag:s29], $0x800  }
0x116: {  	[sflag:s29] =	ssyncset.done $0x0  }
0x117: {  	[sflag:s29] =	ssyncadd.s32 $0xFFFFF800  }
0x118: {  	_ =	swait.ge [sflag:s29], $0x800  }
0x119: {  	[sflag:s29] =	ssyncset.done $0x0  }
0x11a: {  	[sflag:s29] =	ssyncadd.s32 $0xFFFFF800  }
0x11b: {  	_ =	swait.ge [sflag:s29], $0x800  }
0x11c: {  	[sflag:s29] =	ssyncset.done $0x0  }
0x11d: {  	[sflag:s29] =	ssyncadd.s32 $0xFFFFF800  }
0x11e: {  	_ =	swait.ge [sflag:s29], $0x800  }
0x11f: {  	[sflag:s29] =	ssyncset.done $0x0  }
0x120: {  	s24 =	rddreg [dreg:$0xd];
	[sflag:s29] =	ssyncadd.s32 $0xFFFFF800  }
0x121: {  	[tilespmem:s12], [sflag:$0x1] =	stream.indirect.gather [hbm4b:s3+s18], $0x10, s24, s18, $0xb8;
	[tilespmem:$0x1F000] =	vst v63  }
0x122: {  	s7 =	rddreg [dreg:$0xe]  }
0x123: {  	[tilespmem:s19], [sflag:$0x1] =	stream.indirect.gather [hbm4b:s3+s18], $0x10, s7, s18, $0xb8;
	[tilespmem:$0x1F000] =	vst v63  }
0x124: {  	s24 =	rddreg [dreg:$0xf]  }
0x125: {  	[tilespmem:s20], [sflag:$0x1] =	stream.indirect.gather [hbm4b:s3+s18], $0x10, s24, s18, $0xb8;
	[tilespmem:$0x1F000] =	vst v63  }
0x126: {  	s7 =	rddreg [dreg:$0x10]  }
0x127: {  	[tilespmem:s21], [sflag:$0x1] =	stream.indirect.gather [hbm4b:s3+s18], $0x10, s7, s18, $0xb8;
	[tilespmem:$0x1F000] =	vst v63  }
0x128: {  	_ =	swait.ge [sflag:s30], $0x800  }
0x129: {  	[sflag:s30] =	ssyncset.done $0x0  }
0x12a: {  	[sflag:s30] =	ssyncadd.s32 $0xFFFFF800  }
0x12b: {  	_ =	swait.ge [sflag:s30], $0x800  }
0x12c: {  	[sflag:s30] =	ssyncset.done $0x0  }
0x12d: {  	[sflag:s30] =	ssyncadd.s32 $0xFFFFF800  }
0x12e: {  	_ =	swait.ge [sflag:s30], $0x800  }
0x12f: {  	[sflag:s30] =	ssyncset.done $0x0  }
0x130: {  	[sflag:s30] =	ssyncadd.s32 $0xFFFFF800  }
0x131: {  	_ =	swait.ge [sflag:s30], $0x800  }
0x132: {  	[sflag:s30] =	ssyncset.done $0x0  }
0x133: {  	s24 =	rddreg [dreg:$0x11];
	[sflag:s30] =	ssyncadd.s32 $0xFFFFF800  }
0x134: {  	[spmem:s1] =	stream.indirect.scatter.add.f32 [tilespmem:s22], [sflag:$0x4], $0x10, s24, s18, $0xb8;
	[tilespmem:$0x1F000] =	vst v63  }
0x135: {  	s7 =	rddreg [dreg:$0x12]  }
0x136: {  	[spmem:s1] =	stream.indirect.scatter.add.f32 [tilespmem:s23], [sflag:$0x4], $0x10, s7, s18, $0xb8;
	[tilespmem:$0x1F000] =	vst v63  }
0x137: {  	s24 =	rddreg [dreg:$0x13]  }
0x138: {  	[spmem:s1] =	stream.indirect.scatter.add.f32 [tilespmem:s25], [sflag:$0x4], $0x10, s24, s18, $0xb8;
	[tilespmem:$0x1F000] =	vst v63  }
0x139: {  	s7 =	rddreg [dreg:$0x14]  }
0x13a: {  	[spmem:s1] =	stream.indirect.scatter.add.f32 [tilespmem:s26], [sflag:$0x4], $0x10, s7, s18, $0xb8;
	[tilespmem:$0x1F000] =	vst v63  }
0x13b: {  	v2 =	vld [tilespmem:$0x18E00]  }
0x13c: {  	v3 =	vld [tilespmem:$0x18E10]  }
0x13d: {  	v62 =	vld [tilespmem:$0x18E20]  }
0x13e: {  	v63 =	vld [tilespmem:$0x18E30]  }
0x13f: {  	v12 =	vld [tilespmem:$0x18E40]  }
0x140: {  	v13 =	vld [tilespmem:$0x18E50];
	v2 =	vshll.u32 v2, $0x1  }
0x141: {  	v14 =	vld [tilespmem:$0x18E60];
	v3 =	vshll.u32 v3, $0x1;
	v2 =	vor.u32 v0, v2  }
0x142: {  	v15 =	vld [tilespmem:$0x18E70];
	[tilespmem:$0x18E00] =	vst v2;
	v2 =	vor.u32 v0, v3;
	v3 =	vshll.u32 v62, $0x1  }
0x143: {  	v16 =	vld [tilespmem:$0x18E80];
	[tilespmem:$0x18E10] =	vst v2;
	v2 =	vor.u32 v0, v3;
	v3 =	vshll.u32 v63, $0x1  }
0x144: {  	v17 =	vld [tilespmem:$0x18E90];
	[tilespmem:$0x18E20] =	vst v2;
	v2 =	vor.u32 v0, v3;
	v3 =	vshll.u32 v12, $0x1  }
0x145: {  	v18 =	vld [tilespmem:$0x18EA0];
	[tilespmem:$0x18E30] =	vst v2;
	v2 =	vor.u32 v0, v3;
	v3 =	vshll.u32 v13, $0x1  }
0x146: {  	v19 =	vld [tilespmem:$0x18EB0];
	[tilespmem:$0x18E40] =	vst v2;
	v2 =	vor.u32 v0, v3;
	v3 =	vshll.u32 v14, $0x1  }
0x147: {  	v20 =	vld [tilespmem:$0x18EC0];
	[tilespmem:$0x18E50] =	vst v2;
	v2 =	vor.u32 v0, v3;
	v3 =	vshll.u32 v15, $0x1  }
0x148: {  	v21 =	vld [tilespmem:$0x18ED0];
	[tilespmem:$0x18E60] =	vst v2;
	v2 =	vor.u32 v0, v3;
	v3 =	vshll.u32 v16, $0x1  }
0x149: {  	v22 =	vld [tilespmem:$0x18EE0];
	[tilespmem:$0x18E70] =	vst v2;
	v2 =	vor.u32 v0, v3;
	v3 =	vshll.u32 v17, $0x1  }
0x14a: {  	v23 =	vld [tilespmem:$0x18EF0];
	[tilespmem:$0x18E80] =	vst v2;
	v2 =	vor.u32 v0, v3;
	v3 =	vshll.u32 v18, $0x1  }
0x14b: {  	v24 =	vld [tilespmem:$0x18F00];
	[tilespmem:$0x18E90] =	vst v2;
	v2 =	vor.u32 v0, v3;
	v3 =	vshll.u32 v19, $0x1  }
0x14c: {  	v25 =	vld [tilespmem:$0x18F10];
	[tilespmem:$0x18EA0] =	vst v2;
	v2 =	vor.u32 v0, v3;
	v3 =	vshll.u32 v20, $0x1  }
0x14d: {  	v26 =	vld [tilespmem:$0x18F20];
	[tilespmem:$0x18EB0] =	vst v2;
	v2 =	vor.u32 v0, v3;
	v3 =	vshll.u32 v21, $0x1  }
0x14e: {  	v27 =	vld [tilespmem:$0x18F30];
	[tilespmem:$0x18EC0] =	vst v2;
	v2 =	vor.u32 v0, v3;
	v3 =	vshll.u32 v22, $0x1  }
0x14f: {  	v28 =	vld [tilespmem:$0x18F40];
	[tilespmem:$0x18ED0] =	vst v2;
	v2 =	vor.u32 v0, v3;
	v3 =	vshll.u32 v23, $0x1  }
0x150: {  	v29 =	vld [tilespmem:$0x18F50];
	[tilespmem:$0x18EE0] =	vst v2;
	v2 =	vor.u32 v0, v3;
	v3 =	vshll.u32 v24, $0x1  }
0x151: {  	v30 =	vld [tilespmem:$0x18F60];
	[tilespmem:$0x18EF0] =	vst v2;
	v2 =	vor.u32 v0, v3;
	v3 =	vshll.u32 v25, $0x1  }
0x152: {  	v31 =	vld [tilespmem:$0x18F70];
	[tilespmem:$0x18F00] =	vst v2;
	v2 =	vor.u32 v0, v3;
	v3 =	vshll.u32 v26, $0x1  }
0x153: {  	v32 =	vld [tilespmem:$0x18F80];
	[tilespmem:$0x18F10] =	vst v2;
	v2 =	vor.u32 v0, v3;
	v3 =	vshll.u32 v27, $0x1  }
0x154: {  	v33 =	vld [tilespmem:$0x18F90];
	[tilespmem:$0x18F20] =	vst v2;
	v2 =	vor.u32 v0, v3;
	v3 =	vshll.u32 v28, $0x1  }
0x155: {  	v34 =	vld [tilespmem:$0x18FA0];
	[tilespmem:$0x18F30] =	vst v2;
	v2 =	vor.u32 v0, v3;
	v3 =	vshll.u32 v29, $0x1  }
0x156: {  	v35 =	vld [tilespmem:$0x18FB0];
	[tilespmem:$0x18F40] =	vst v2;
	v2 =	vor.u32 v0, v3;
	v3 =	vshll.u32 v30, $0x1  }
0x157: {  	v36 =	vld [tilespmem:$0x18FC0];
	[tilespmem:$0x18F50] =	vst v2;
	v2 =	vor.u32 v0, v3;
	v3 =	vshll.u32 v31, $0x1  }
0x158: {  	v37 =	vld [tilespmem:$0x18FD0];
	[tilespmem:$0x18F60] =	vst v2;
	v2 =	vor.u32 v0, v3;
	v3 =	vshll.u32 v32, $0x1  }
0x159: {  	v38 =	vld [tilespmem:$0x18FE0];
	[tilespmem:$0x18F70] =	vst v2;
	v2 =	vor.u32 v0, v3;
	v3 =	vshll.u32 v33, $0x1  }
0x15a: {  	v39 =	vld [tilespmem:$0x18FF0];
	[tilespmem:$0x18F80] =	vst v2;
	v2 =	vor.u32 v0, v3;
	v3 =	vshll.u32 v34, $0x1  }
0x15b: {  	[tilespmem:$0x18F90] =	vst v2;
	v2 =	vor.u32 v0, v3;
	v3 =	vshll.u32 v35, $0x1  }
0x15c: {  	[tilespmem:$0x18FA0] =	vst v2;
	v2 =	vor.u32 v0, v3;
	v3 =	vshll.u32 v36, $0x1  }
0x15d: {  	[tilespmem:$0x18FB0] =	vst v2;
	v2 =	vor.u32 v0, v3;
	v3 =	vshll.u32 v37, $0x1  }
0x15e: {  	[tilespmem:$0x18FC0] =	vst v2;
	v2 =	vor.u32 v0, v3;
	v3 =	vshll.u32 v38, $0x1  }
0x15f: {  	[tilespmem:$0x18FD0] =	vst v2;
	v2 =	vor.u32 v0, v3;
	v3 =	vshll.u32 v39, $0x1  }
0x160: {  	[tilespmem:$0x18FE0] =	vst v2;
	v2 =	vor.u32 v0, v3  }
0x161: {  	[tilespmem:$0x18FF0] =	vst v2  }
0x162: {  	_ =	swait.ge [sflag:s31], $0x800  }
0x163: {  	[sflag:s31] =	ssyncset.done $0x0  }
0x164: {  	[sflag:s31] =	ssyncadd.s32 $0xFFFFF800  }
0x165: {  	_ =	swait.ge [sflag:s31], $0x800  }
0x166: {  	[sflag:s31] =	ssyncset.done $0x0  }
0x167: {  	[sflag:s31] =	ssyncadd.s32 $0xFFFFF800  }
0x168: {  	_ =	swait.ge [sflag:s31], $0x800  }
0x169: {  	[sflag:s31] =	ssyncset.done $0x0  }
0x16a: {  	[sflag:s31] =	ssyncadd.s32 $0xFFFFF800  }
0x16b: {  	_ =	swait.ge [sflag:s31], $0x800  }
0x16c: {  	[sflag:s31] =	ssyncset.done $0x0  }
0x16d: {  	s24 =	rddreg [dreg:$0x15];
	[sflag:s31] =	ssyncadd.s32 $0xFFFFF800  }
0x16e: {  	[tilespmem:s22], [sflag:$0x2] =	stream.indirect.gather [hbm4b:s3+s18], $0x10, s24, s18, $0xb8;
	[tilespmem:$0x1F000] =	vst v63  }
0x16f: {  	s7 =	rddreg [dreg:$0x16]  }
0x170: {  	[tilespmem:s23], [sflag:$0x2] =	stream.indirect.gather [hbm4b:s3+s18], $0x10, s7, s18, $0xb8;
	[tilespmem:$0x1F000] =	vst v63  }
0x171: {  	s24 =	rddreg [dreg:$0x17]  }
0x172: {  	[tilespmem:s25], [sflag:$0x2] =	stream.indirect.gather [hbm4b:s3+s18], $0x10, s24, s18, $0xb8;
	[tilespmem:$0x1F000] =	vst v63  }
0x173: {  	s7 =	rddreg [dreg:$0x18]  }
0x174: {  	[tilespmem:s26], [sflag:$0x2] =	stream.indirect.gather [hbm4b:s3+s18], $0x10, s7, s18, $0xb8;
	[tilespmem:$0x1F000] =	vst v63  }
0x175: {  	_ =	swait.ge [sflag:s28], $0x800  }
0x176: {  	[sflag:s28] =	ssyncset.done $0x0  }
0x177: {  	[sflag:s28] =	ssyncadd.s32 $0xFFFFF800  }
0x178: {  	_ =	swait.ge [sflag:s28], $0x800  }
0x179: {  	[sflag:s28] =	ssyncset.done $0x0  }
0x17a: {  	[sflag:s28] =	ssyncadd.s32 $0xFFFFF800  }
0x17b: {  	_ =	swait.ge [sflag:s28], $0x800  }
0x17c: {  	[sflag:s28] =	ssyncset.done $0x0  }
0x17d: {  	[sflag:s28] =	ssyncadd.s32 $0xFFFFF800  }
0x17e: {  	_ =	swait.ge [sflag:s28], $0x800  }
0x17f: {  	[sflag:s28] =	ssyncset.done $0x0  }
0x180: {  	s24 =	rddreg [dreg:$0x19];
	[sflag:s28] =	ssyncadd.s32 $0xFFFFF800  }
0x181: {  	[spmem:s1] =	stream.indirect.scatter.add.f32 [tilespmem:s12], [sflag:$0x3], $0x10, s24, s18, $0xb8;
	[tilespmem:$0x1F000] =	vst v63  }
0x182: {  	s7 =	rddreg [dreg:$0x1a]  }
0x183: {  	[spmem:s1] =	stream.indirect.scatter.add.f32 [tilespmem:s19], [sflag:$0x3], $0x10, s7, s18, $0xb8;
	[tilespmem:$0x1F000] =	vst v63  }
0x184: {  	s24 =	rddreg [dreg:$0x1b]  }
0x185: {  	[spmem:s1] =	stream.indirect.scatter.add.f32 [tilespmem:s20], [sflag:$0x3], $0x10, s24, s18, $0xb8;
	[tilespmem:$0x1F000] =	vst v63  }
0x186: {  	s7 =	rddreg [dreg:$0x1c]  }
0x187: {  	[spmem:s1] =	stream.indirect.scatter.add.f32 [tilespmem:s21], [sflag:$0x3], $0x10, s7, s18, $0xb8;
	[tilespmem:$0x1F000] =	vst v63  }
0x188: {  	v2 =	vld [tilespmem:$0x19000]  }
0x189: {  	v3 =	vld [tilespmem:$0x19010]  }
0x18a: {  	v40 =	vld [tilespmem:$0x19020]  }
0x18b: {  	v41 =	vld [tilespmem:$0x19030]  }
0x18c: {  	v42 =	vld [tilespmem:$0x19040]  }
0x18d: {  	v43 =	vld [tilespmem:$0x19050];
	v2 =	vshll.u32 v2, $0x1  }
0x18e: {  	v44 =	vld [tilespmem:$0x19060];
	v3 =	vshll.u32 v3, $0x1;
	v2 =	vor.u32 v0, v2  }
0x18f: {  	v45 =	vld [tilespmem:$0x19070];
	[tilespmem:$0x19000] =	vst v2;
	v2 =	vor.u32 v0, v3;
	v3 =	vshll.u32 v40, $0x1  }
0x190: {  	v46 =	vld [tilespmem:$0x19080];
	[tilespmem:$0x19010] =	vst v2;
	v2 =	vor.u32 v0, v3;
	v3 =	vshll.u32 v41, $0x1  }
0x191: {  	v47 =	vld [tilespmem:$0x19090];
	[tilespmem:$0x19020] =	vst v2;
	v2 =	vor.u32 v0, v3;
	v3 =	vshll.u32 v42, $0x1  }
0x192: {  	v48 =	vld [tilespmem:$0x190A0];
	[tilespmem:$0x19030] =	vst v2;
	v2 =	vor.u32 v0, v3;
	v3 =	vshll.u32 v43, $0x1  }
0x193: {  	v49 =	vld [tilespmem:$0x190B0];
	[tilespmem:$0x19040] =	vst v2;
	v2 =	vor.u32 v0, v3;
	v3 =	vshll.u32 v44, $0x1  }
0x194: {  	v50 =	vld [tilespmem:$0x190C0];
	[tilespmem:$0x19050] =	vst v2;
	v2 =	vor.u32 v0, v3;
	v3 =	vshll.u32 v45, $0x1  }
0x195: {  	v51 =	vld [tilespmem:$0x190D0];
	[tilespmem:$0x19060] =	vst v2;
	v2 =	vor.u32 v0, v3;
	v3 =	vshll.u32 v46, $0x1  }
0x196: {  	v52 =	vld [tilespmem:$0x190E0];
	[tilespmem:$0x19070] =	vst v2;
	v2 =	vor.u32 v0, v3;
	v3 =	vshll.u32 v47, $0x1  }
0x197: {  	v53 =	vld [tilespmem:$0x190F0];
	[tilespmem:$0x19080] =	vst v2;
	v2 =	vor.u32 v0, v3;
	v3 =	vshll.u32 v48, $0x1  }
0x198: {  	v54 =	vld [tilespmem:$0x19100];
	[tilespmem:$0x19090] =	vst v2;
	v2 =	vor.u32 v0, v3;
	v3 =	vshll.u32 v49, $0x1  }
0x199: {  	v55 =	vld [tilespmem:$0x19110];
	[tilespmem:$0x190A0] =	vst v2;
	v2 =	vor.u32 v0, v3;
	v3 =	vshll.u32 v50, $0x1  }
0x19a: {  	v56 =	vld [tilespmem:$0x19120];
	[tilespmem:$0x190B0] =	vst v2;
	v2 =	vor.u32 v0, v3;
	v3 =	vshll.u32 v51, $0x1  }
0x19b: {  	v57 =	vld [tilespmem:$0x19130];
	[tilespmem:$0x190C0] =	vst v2;
	v2 =	vor.u32 v0, v3;
	v3 =	vshll.u32 v52, $0x1  }
0x19c: {  	v58 =	vld [tilespmem:$0x19140];
	[tilespmem:$0x190D0] =	vst v2;
	v2 =	vor.u32 v0, v3;
	v3 =	vshll.u32 v53, $0x1  }
0x19d: {  	v59 =	vld [tilespmem:$0x19150];
	[tilespmem:$0x190E0] =	vst v2;
	v2 =	vor.u32 v0, v3;
	v3 =	vshll.u32 v54, $0x1  }
0x19e: {  	v60 =	vld [tilespmem:$0x19160];
	[tilespmem:$0x190F0] =	vst v2;
	v2 =	vor.u32 v0, v3;
	v3 =	vshll.u32 v55, $0x1  }
0x19f: {  	v61 =	vld [tilespmem:$0x19170];
	[tilespmem:$0x19100] =	vst v2;
	v2 =	vor.u32 v0, v3;
	v3 =	vshll.u32 v56, $0x1  }
0x1a0: {  	v62 =	vld [tilespmem:$0x19180];
	[tilespmem:$0x19110] =	vst v2;
	v2 =	vor.u32 v0, v3;
	v3 =	vshll.u32 v57, $0x1  }
0x1a1: {  	v63 =	vld [tilespmem:$0x19190];
	[tilespmem:$0x19120] =	vst v2;
	v2 =	vor.u32 v0, v3;
	v3 =	vshll.u32 v58, $0x1  }
0x1a2: {  	v12 =	vld [tilespmem:$0x191A0];
	[tilespmem:$0x19130] =	vst v2;
	v2 =	vor.u32 v0, v3;
	v3 =	vshll.u32 v59, $0x1  }
0x1a3: {  	v13 =	vld [tilespmem:$0x191B0];
	[tilespmem:$0x19140] =	vst v2;
	v2 =	vor.u32 v0, v3;
	v3 =	vshll.u32 v60, $0x1  }
0x1a4: {  	v14 =	vld [tilespmem:$0x191C0];
	[tilespmem:$0x19150] =	vst v2;
	v2 =	vor.u32 v0, v3;
	v3 =	vshll.u32 v61, $0x1  }
0x1a5: {  	v15 =	vld [tilespmem:$0x191D0];
	[tilespmem:$0x19160] =	vst v2;
	v2 =	vor.u32 v0, v3;
	v3 =	vshll.u32 v62, $0x1  }
0x1a6: {  	v16 =	vld [tilespmem:$0x191E0];
	[tilespmem:$0x19170] =	vst v2;
	v2 =	vor.u32 v0, v3;
	v3 =	vshll.u32 v63, $0x1  }
0x1a7: {  	v17 =	vld [tilespmem:$0x191F0];
	[tilespmem:$0x19180] =	vst v2;
	v2 =	vor.u32 v0, v3;
	v3 =	vshll.u32 v12, $0x1  }
0x1a8: {  	[tilespmem:$0x19190] =	vst v2;
	v2 =	vor.u32 v0, v3;
	v3 =	vshll.u32 v13, $0x1  }
0x1a9: {  	[tilespmem:$0x191A0] =	vst v2;
	v2 =	vor.u32 v0, v3;
	v3 =	vshll.u32 v14, $0x1  }
0x1aa: {  	[tilespmem:$0x191B0] =	vst v2;
	v2 =	vor.u32 v0, v3;
	v3 =	vshll.u32 v15, $0x1  }
0x1ab: {  	[tilespmem:$0x191C0] =	vst v2;
	v2 =	vor.u32 v0, v3;
	v3 =	vshll.u32 v16, $0x1  }
0x1ac: {  	[tilespmem:$0x191D0] =	vst v2;
	v2 =	vor.u32 v0, v3;
	v3 =	vshll.u32 v17, $0x1  }
0x1ad: {  	[tilespmem:$0x191E0] =	vst v2;
	v2 =	vor.u32 v0, v3  }
0x1ae: {  	[tilespmem:$0x191F0] =	vst v2  }
0x1af: {  	_ =	swait.ge [sflag:s29], $0x800  }
0x1b0: {  	[sflag:s29] =	ssyncset.done $0x0  }
0x1b1: {  	[sflag:s29] =	ssyncadd.s32 $0xFFFFF800  }
0x1b2: {  	_ =	swait.ge [sflag:s29], $0x800  }
0x1b3: {  	[sflag:s29] =	ssyncset.done $0x0  }
0x1b4: {  	[sflag:s29] =	ssyncadd.s32 $0xFFFFF800  }
0x1b5: {  	_ =	swait.ge [sflag:s29], $0x800  }
0x1b6: {  	[sflag:s29] =	ssyncset.done $0x0  }
0x1b7: {  	[sflag:s29] =	ssyncadd.s32 $0xFFFFF800  }
0x1b8: {  	_ =	swait.ge [sflag:s29], $0x800  }
0x1b9: {  	s24 =	rddreg [dreg:$0x1d];
	[sflag:s29] =	ssyncset.done $0x0  }
0x1ba: {  	s7 =	rddreg [dreg:$0x1e];
	[sflag:s29] =	ssyncadd.s32 $0xFFFFF800  }
0x1bb: {  	[tilespmem:s12], [sflag:$0x1] =	stream.indirect.gather [hbm4b:s3+s18], $0x10, s24, s18, $0xb8;
	[tilespmem:$0x1F000] =	vst v63  }
0x1bc: {  	s24 =	rddreg [dreg:$0x1f]  }
0x1bd: {  	[tilespmem:s19], [sflag:$0x1] =	stream.indirect.gather [hbm4b:s3+s18], $0x10, s7, s18, $0xb8;
	[tilespmem:$0x1F000] =	vst v63  }
0x1be: {  	s7 =	sld [smem:$0x7CA]  }
0x1bf: {  	[tilespmem:s20], [sflag:$0x1] =	stream.indirect.gather [hbm4b:s3+s18], $0x10, s24, s18, $0xb8;
	[tilespmem:$0x1F000] =	vst v63  }
0x1c0: {  	_ = 	snop  }
0x1c1: {  	[tilespmem:s21], [sflag:$0x1] =	stream.indirect.gather [hbm4b:s3+s18], $0x10, s7, s18, $0xb8;
	[tilespmem:$0x1F000] =	vst v63  }
0x1c2: {  	_ =	swait.ge [sflag:s30], $0x800  }
0x1c3: {  	[sflag:s30] =	ssyncset.done $0x0  }
0x1c4: {  	[sflag:s30] =	ssyncadd.s32 $0xFFFFF800  }
0x1c5: {  	_ =	swait.ge [sflag:s30], $0x800  }
0x1c6: {  	[sflag:s30] =	ssyncset.done $0x0  }
0x1c7: {  	[sflag:s30] =	ssyncadd.s32 $0xFFFFF800  }
0x1c8: {  	_ =	swait.ge [sflag:s30], $0x800  }
0x1c9: {  	[sflag:s30] =	ssyncset.done $0x0  }
0x1ca: {  	[sflag:s30] =	ssyncadd.s32 $0xFFFFF800  }
0x1cb: {  	_ =	swait.ge [sflag:s30], $0x800  }
0x1cc: {  	s24 =	sld [smem:$0x7CB]  }
0x1cd: {  	[sflag:s30] =	ssyncset.done $0x0  }
0x1ce: {  	s7 =	sld [smem:$0x7CC];
	[sflag:s30] =	ssyncadd.s32 $0xFFFFF800  }
0x1cf: {  	[spmem:s1] =	stream.indirect.scatter.add.f32 [tilespmem:s22], [sflag:$0x4], $0x10, s24, s18, $0xb8;
	[tilespmem:$0x1F000] =	vst v63  }
0x1d0: {  	s24 =	sld [smem:$0x7CD]  }
0x1d1: {  	[spmem:s1] =	stream.indirect.scatter.add.f32 [tilespmem:s23], [sflag:$0x4], $0x10, s7, s18, $0xb8;
	[tilespmem:$0x1F000] =	vst v63  }
0x1d2: {  	s7 =	sld [smem:$0x7CE]  }
0x1d3: {  	[spmem:s1] =	stream.indirect.scatter.add.f32 [tilespmem:s25], [sflag:$0x4], $0x10, s24, s18, $0xb8;
	[tilespmem:$0x1F000] =	vst v63  }
0x1d4: {  	_ = 	snop  }
0x1d5: {  	[spmem:s1] =	stream.indirect.scatter.add.f32 [tilespmem:s26], [sflag:$0x4], $0x10, s7, s18, $0xb8;
	[tilespmem:$0x1F000] =	vst v63  }
0x1d6: {  	_ =	swait.ge [sflag:s28], $0x800  }
0x1d7: {  	[sflag:s28] =	ssyncset.done $0x0  }
0x1d8: {  	[sflag:s28] =	ssyncadd.s32 $0xFFFFF800  }
0x1d9: {  	_ =	swait.ge [sflag:s28], $0x800  }
0x1da: {  	[sflag:s28] =	ssyncset.done $0x0  }
0x1db: {  	[sflag:s28] =	ssyncadd.s32 $0xFFFFF800  }
0x1dc: {  	_ =	swait.ge [sflag:s28], $0x800  }
0x1dd: {  	[sflag:s28] =	ssyncset.done $0x0  }
0x1de: {  	[sflag:s28] =	ssyncadd.s32 $0xFFFFF800  }
0x1df: {  	_ =	swait.ge [sflag:s28], $0x800  }
0x1e0: {  	s10 =	sld [smem:$0x7CF]  }
0x1e1: {  	[sflag:s28] =	ssyncset.done $0x0  }
0x1e2: {  	s24 =	sld [smem:$0x7D0];
	[sflag:s28] =	ssyncadd.s32 $0xFFFFF800  }
0x1e3: {  	[spmem:s1] =	stream.indirect.scatter.add.f32 [tilespmem:s12], [sflag:$0x3], $0x10, s10, s18, $0xb8;
	[tilespmem:$0x1F000] =	vst v63  }
0x1e4: {  	s7 =	sld [smem:$0x7D1]  }
0x1e5: {  	[spmem:s1] =	stream.indirect.scatter.add.f32 [tilespmem:s19], [sflag:$0x3], $0x10, s24, s18, $0xb8;
	[tilespmem:$0x1F000] =	vst v63  }
0x1e6: {  	s24 =	sld [smem:$0x7D2]  }
0x1e7: {  	[spmem:s1] =	stream.indirect.scatter.add.f32 [tilespmem:s20], [sflag:$0x3], $0x10, s7, s18, $0xb8;
	[tilespmem:$0x1F000] =	vst v63  }
0x1e8: {  	_ = 	snop  }
0x1e9: {  	[spmem:s1] =	stream.indirect.scatter.add.f32 [tilespmem:s21], [sflag:$0x3], $0x10, s24, s18, $0xb8;
	[tilespmem:$0x1F000] =	vst v63  }
0x1ea: {  	_ =	swait.ge [sflag:s31], $0x800  }
0x1eb: {  	[sflag:s31] =	ssyncset.done $0x0  }
0x1ec: {  	[sflag:s31] =	ssyncadd.s32 $0xFFFFF800  }
0x1ed: {  	_ =	swait.ge [sflag:s31], $0x800  }
0x1ee: {  	[sflag:s31] =	ssyncset.done $0x0  }
0x1ef: {  	[sflag:s31] =	ssyncadd.s32 $0xFFFFF800  }
0x1f0: {  	_ =	swait.ge [sflag:s31], $0x800  }
0x1f1: {  	[sflag:s31] =	ssyncset.done $0x0  }
0x1f2: {  	[sflag:s31] =	ssyncadd.s32 $0xFFFFF800  }
0x1f3: {  	_ =	swait.ge [sflag:s31], $0x800  }
0x1f4: {  	[sflag:s31] =	ssyncset.done $0x0  }
0x1f5: {  	[sflag:s31] =	ssyncadd.s32 $0xFFFFF800  }
0x1f6: {  	_ =	swait.ge [sflag:s29], $0x800  }
0x1f7: {  	[sflag:s29] =	ssyncset.done $0x0  }
0x1f8: {  	[sflag:s29] =	ssyncadd.s32 $0xFFFFF800  }
0x1f9: {  	_ =	swait.ge [sflag:s29], $0x800  }
0x1fa: {  	[sflag:s29] =	ssyncset.done $0x0  }
0x1fb: {  	[sflag:s29] =	ssyncadd.s32 $0xFFFFF800  }
0x1fc: {  	_ =	swait.ge [sflag:s29], $0x800  }
0x1fd: {  	[sflag:s29] =	ssyncset.done $0x0  }
0x1fe: {  	[sflag:s29] =	ssyncadd.s32 $0xFFFFF800  }
0x1ff: {  	_ =	swait.ge [sflag:s29], $0x800  }
0x200: {  	[sflag:s29] =	ssyncset.done $0x0  }
0x201: {  	[sflag:s29] =	ssyncadd.s32 $0xFFFFF800  }
0x202: {  	_ =	swait.ge [sflag:s13], $0xA00  }
0x203: {  	[sflag:s13] =	ssyncset.done $0x0  }
0x204: {  	p0 =	seq.s32 s8, $0x2F80;
	[sflag:s13] =	ssyncadd.s32 $0xFFFFF600  }
0x205: {  	s6 =	sadd.s32 @!p0 s8, s11;
	_ =	swait.ge [sflag:s13], $0xA00  }
0x206: {  	s10 =	sadd.s32 @!p0 $0x280, s6;
	[sflag:s13] =	ssyncset.done $0x0  }
0x207: {  	s7 =	simm.s32 @!p0 $0x18800;
	s24 =	simm.s32 @!p0 $0x0;
	[sflag:s13] =	ssyncadd.s32 $0xFFFFF600  }
0x208: {  	[tilespmem:s7], [sflag:$0x5] =	stream.linear.gather @!p0 [hbm4b:s10+s24], $0xA00, $0x38;
	[tilespmem:$0x1F000] =	vst v63  }
0x209: {  	s6 =	sadd.s32 @!p0 $0x32280, s6;
	s7 =	simm.s32 @!p0 $0x19200  }
0x20a: {  	[tilespmem:s7], [sflag:$0x5] =	stream.linear.gather @!p0 [hbm4b:s6+s24], $0xA00, $0x38;
	[tilespmem:$0x1F000] =	vst v63  }
0x20b: {  	v2 =	vld [tilespmem:$0x19C00]  }
0x20c: {  	v3 =	vld [tilespmem:$0x19C10]  }
0x20d: {  	v18 =	vld [tilespmem:$0x19C20]  }
0x20e: {  	v19 =	vld [tilespmem:$0x19C30]  }
0x20f: {  	v20 =	vld [tilespmem:$0x19C40]  }
0x210: {  	v21 =	vld [tilespmem:$0x19C50];
	v2 =	vshll.u32 v2, $0x1  }
0x211: {  	v22 =	vld [tilespmem:$0x19C60];
	v3 =	vshll.u32 v3, $0x1;
	v2 =	vor.u32 v0, v2  }
0x212: {  	v23 =	vld [tilespmem:$0x19C70];
	[tilespmem:$0x19C00] =	vst v2;
	v2 =	vor.u32 v0, v3;
	v3 =	vshll.u32 v18, $0x1  }
0x213: {  	v24 =	vld [tilespmem:$0x19C80];
	[tilespmem:$0x19C10] =	vst v2;
	v2 =	vor.u32 v0, v3;
	v3 =	vshll.u32 v19, $0x1  }
0x214: {  	v25 =	vld [tilespmem:$0x19C90];
	[tilespmem:$0x19C20] =	vst v2;
	v2 =	vor.u32 v0, v3;
	v3 =	vshll.u32 v20, $0x1  }
0x215: {  	v26 =	vld [tilespmem:$0x19CA0];
	[tilespmem:$0x19C30] =	vst v2;
	v2 =	vor.u32 v0, v3;
	v3 =	vshll.u32 v21, $0x1  }
0x216: {  	v27 =	vld [tilespmem:$0x19CB0];
	[tilespmem:$0x19C40] =	vst v2;
	v2 =	vor.u32 v0, v3;
	v3 =	vshll.u32 v22, $0x1  }
0x217: {  	v28 =	vld [tilespmem:$0x19CC0];
	[tilespmem:$0x19C50] =	vst v2;
	v2 =	vor.u32 v0, v3;
	v3 =	vshll.u32 v23, $0x1  }
0x218: {  	v29 =	vld [tilespmem:$0x19CD0];
	[tilespmem:$0x19C60] =	vst v2;
	v2 =	vor.u32 v0, v3;
	v3 =	vshll.u32 v24, $0x1  }
0x219: {  	v30 =	vld [tilespmem:$0x19CE0];
	[tilespmem:$0x19C70] =	vst v2;
	v2 =	vor.u32 v0, v3;
	v3 =	vshll.u32 v25, $0x1  }
0x21a: {  	v31 =	vld [tilespmem:$0x19CF0];
	[tilespmem:$0x19C80] =	vst v2;
	v2 =	vor.u32 v0, v3;
	v3 =	vshll.u32 v26, $0x1  }
0x21b: {  	v32 =	vld [tilespmem:$0x19D00];
	[tilespmem:$0x19C90] =	vst v2;
	v2 =	vor.u32 v0, v3;
	v3 =	vshll.u32 v27, $0x1  }
0x21c: {  	v33 =	vld [tilespmem:$0x19D10];
	[tilespmem:$0x19CA0] =	vst v2;
	v2 =	vor.u32 v0, v3;
	v3 =	vshll.u32 v28, $0x1  }
0x21d: {  	v34 =	vld [tilespmem:$0x19D20];
	[tilespmem:$0x19CB0] =	vst v2;
	v2 =	vor.u32 v0, v3;
	v3 =	vshll.u32 v29, $0x1  }
0x21e: {  	v35 =	vld [tilespmem:$0x19D30];
	[tilespmem:$0x19CC0] =	vst v2;
	v2 =	vor.u32 v0, v3;
	v3 =	vshll.u32 v30, $0x1  }
0x21f: {  	v36 =	vld [tilespmem:$0x19D40];
	[tilespmem:$0x19CD0] =	vst v2;
	v2 =	vor.u32 v0, v3;
	v3 =	vshll.u32 v31, $0x1  }
0x220: {  	v37 =	vld [tilespmem:$0x19D50];
	[tilespmem:$0x19CE0] =	vst v2;
	v2 =	vor.u32 v0, v3;
	v3 =	vshll.u32 v32, $0x1  }
0x221: {  	v38 =	vld [tilespmem:$0x19D60];
	[tilespmem:$0x19CF0] =	vst v2;
	v2 =	vor.u32 v0, v3;
	v3 =	vshll.u32 v33, $0x1  }
0x222: {  	v39 =	vld [tilespmem:$0x19D70];
	[tilespmem:$0x19D00] =	vst v2;
	v2 =	vor.u32 v0, v3;
	v3 =	vshll.u32 v34, $0x1  }
0x223: {  	v40 =	vld [tilespmem:$0x19D80];
	[tilespmem:$0x19D10] =	vst v2;
	v2 =	vor.u32 v0, v3;
	v3 =	vshll.u32 v35, $0x1  }
0x224: {  	v41 =	vld [tilespmem:$0x19D90];
	[tilespmem:$0x19D20] =	vst v2;
	v2 =	vor.u32 v0, v3;
	v3 =	vshll.u32 v36, $0x1  }
0x225: {  	v42 =	vld [tilespmem:$0x19DA0];
	[tilespmem:$0x19D30] =	vst v2;
	v2 =	vor.u32 v0, v3;
	v3 =	vshll.u32 v37, $0x1  }
0x226: {  	v43 =	vld [tilespmem:$0x19DB0];
	[tilespmem:$0x19D40] =	vst v2;
	v2 =	vor.u32 v0, v3;
	v3 =	vshll.u32 v38, $0x1  }
0x227: {  	v44 =	vld [tilespmem:$0x19DC0];
	[tilespmem:$0x19D50] =	vst v2;
	v2 =	vor.u32 v0, v3;
	v3 =	vshll.u32 v39, $0x1  }
0x228: {  	v45 =	vld [tilespmem:$0x19DD0];
	[tilespmem:$0x19D60] =	vst v2;
	v2 =	vor.u32 v0, v3;
	v3 =	vshll.u32 v40, $0x1  }
0x229: {  	v46 =	vld [tilespmem:$0x19DE0];
	[tilespmem:$0x19D70] =	vst v2;
	v2 =	vor.u32 v0, v3;
	v3 =	vshll.u32 v41, $0x1  }
0x22a: {  	v47 =	vld [tilespmem:$0x19DF0];
	[tilespmem:$0x19D80] =	vst v2;
	v2 =	vor.u32 v0, v3;
	v3 =	vshll.u32 v42, $0x1  }
0x22b: {  	[tilespmem:$0x19D90] =	vst v2;
	v2 =	vor.u32 v0, v3;
	v3 =	vshll.u32 v43, $0x1  }
0x22c: {  	[tilespmem:$0x19DA0] =	vst v2;
	v2 =	vor.u32 v0, v3;
	v3 =	vshll.u32 v44, $0x1  }
0x22d: {  	[tilespmem:$0x19DB0] =	vst v2;
	v2 =	vor.u32 v0, v3;
	v3 =	vshll.u32 v45, $0x1  }
0x22e: {  	[tilespmem:$0x19DC0] =	vst v2;
	v2 =	vor.u32 v0, v3;
	v3 =	vshll.u32 v46, $0x1  }
0x22f: {  	[tilespmem:$0x19DD0] =	vst v2;
	v2 =	vor.u32 v0, v3;
	v3 =	vshll.u32 v47, $0x1  }
0x230: {  	[tilespmem:$0x19DE0] =	vst v2;
	v2 =	vor.u32 v0, v3  }
0x231: {  	s7 =	sld [smem:$0x7D3];
	[tilespmem:$0x19DF0] =	vst v2  }
0x232: {  	[tilespmem:s12], [sflag:$0x1] =	stream.indirect.gather [hbm4b:s3+s18], $0x10, s16, s18, $0xb8;
	[tilespmem:$0x1F000] =	vst v63  }
0x233: {  	s10 =	sld [smem:$0x7D4]  }
0x234: {  	[tilespmem:s19], [sflag:$0x1] =	stream.indirect.gather [hbm4b:s3+s18], $0x10, s7, s18, $0xb8;
	[tilespmem:$0x1F000] =	vst v63  }
0x235: {  	s24 =	sld [smem:$0x7D5]  }
0x236: {  	[tilespmem:s20], [sflag:$0x1] =	stream.indirect.gather [hbm4b:s3+s18], $0x10, s10, s18, $0xb8;
	[tilespmem:$0x1F000] =	vst v63  }
0x237: {  	_ = 	snop  }
0x238: {  	[tilespmem:s21], [sflag:$0x1] =	stream.indirect.gather [hbm4b:s3+s18], $0x10, s24, s18, $0xb8;
	[tilespmem:$0x1F000] =	vst v63  }
0x239: {  	v2 =	vld [tilespmem:$0x19E00]  }
0x23a: {  	v3 =	vld [tilespmem:$0x19E10]  }
0x23b: {  	v48 =	vld [tilespmem:$0x19E20]  }
0x23c: {  	v49 =	vld [tilespmem:$0x19E30]  }
0x23d: {  	v50 =	vld [tilespmem:$0x19E40]  }
0x23e: {  	v51 =	vld [tilespmem:$0x19E50];
	v2 =	vshll.u32 v2, $0x1  }
0x23f: {  	v52 =	vld [tilespmem:$0x19E60];
	v3 =	vshll.u32 v3, $0x1;
	v2 =	vor.u32 v0, v2  }
0x240: {  	v53 =	vld [tilespmem:$0x19E70];
	[tilespmem:$0x19E00] =	vst v2;
	v2 =	vor.u32 v0, v3;
	v3 =	vshll.u32 v48, $0x1  }
0x241: {  	v54 =	vld [tilespmem:$0x19E80];
	[tilespmem:$0x19E10] =	vst v2;
	v2 =	vor.u32 v0, v3;
	v3 =	vshll.u32 v49, $0x1  }
0x242: {  	v55 =	vld [tilespmem:$0x19E90];
	[tilespmem:$0x19E20] =	vst v2;
	v2 =	vor.u32 v0, v3;
	v3 =	vshll.u32 v50, $0x1  }
0x243: {  	v56 =	vld [tilespmem:$0x19EA0];
	[tilespmem:$0x19E30] =	vst v2;
	v2 =	vor.u32 v0, v3;
	v3 =	vshll.u32 v51, $0x1  }
0x244: {  	v57 =	vld [tilespmem:$0x19EB0];
	[tilespmem:$0x19E40] =	vst v2;
	v2 =	vor.u32 v0, v3;
	v3 =	vshll.u32 v52, $0x1  }
0x245: {  	v58 =	vld [tilespmem:$0x19EC0];
	[tilespmem:$0x19E50] =	vst v2;
	v2 =	vor.u32 v0, v3;
	v3 =	vshll.u32 v53, $0x1  }
0x246: {  	v59 =	vld [tilespmem:$0x19ED0];
	[tilespmem:$0x19E60] =	vst v2;
	v2 =	vor.u32 v0, v3;
	v3 =	vshll.u32 v54, $0x1  }
0x247: {  	v60 =	vld [tilespmem:$0x19EE0];
	[tilespmem:$0x19E70] =	vst v2;
	v2 =	vor.u32 v0, v3;
	v3 =	vshll.u32 v55, $0x1  }
0x248: {  	v61 =	vld [tilespmem:$0x19EF0];
	[tilespmem:$0x19E80] =	vst v2;
	v2 =	vor.u32 v0, v3;
	v3 =	vshll.u32 v56, $0x1  }
0x249: {  	v62 =	vld [tilespmem:$0x19F00];
	[tilespmem:$0x19E90] =	vst v2;
	v2 =	vor.u32 v0, v3;
	v3 =	vshll.u32 v57, $0x1  }
0x24a: {  	v63 =	vld [tilespmem:$0x19F10];
	[tilespmem:$0x19EA0] =	vst v2;
	v2 =	vor.u32 v0, v3;
	v3 =	vshll.u32 v58, $0x1  }
0x24b: {  	v12 =	vld [tilespmem:$0x19F20];
	[tilespmem:$0x19EB0] =	vst v2;
	v2 =	vor.u32 v0, v3;
	v3 =	vshll.u32 v59, $0x1  }
0x24c: {  	v13 =	vld [tilespmem:$0x19F30];
	[tilespmem:$0x19EC0] =	vst v2;
	v2 =	vor.u32 v0, v3;
	v3 =	vshll.u32 v60, $0x1  }
0x24d: {  	v14 =	vld [tilespmem:$0x19F40];
	[tilespmem:$0x19ED0] =	vst v2;
	v2 =	vor.u32 v0, v3;
	v3 =	vshll.u32 v61, $0x1  }
0x24e: {  	v15 =	vld [tilespmem:$0x19F50];
	[tilespmem:$0x19EE0] =	vst v2;
	v2 =	vor.u32 v0, v3;
	v3 =	vshll.u32 v62, $0x1  }
0x24f: {  	v16 =	vld [tilespmem:$0x19F60];
	[tilespmem:$0x19EF0] =	vst v2;
	v2 =	vor.u32 v0, v3;
	v3 =	vshll.u32 v63, $0x1  }
0x250: {  	v17 =	vld [tilespmem:$0x19F70];
	[tilespmem:$0x19F00] =	vst v2;
	v2 =	vor.u32 v0, v3;
	v3 =	vshll.u32 v12, $0x1  }
0x251: {  	v18 =	vld [tilespmem:$0x19F80];
	[tilespmem:$0x19F10] =	vst v2;
	v2 =	vor.u32 v0, v3;
	v3 =	vshll.u32 v13, $0x1  }
0x252: {  	v19 =	vld [tilespmem:$0x19F90];
	[tilespmem:$0x19F20] =	vst v2;
	v2 =	vor.u32 v0, v3;
	v3 =	vshll.u32 v14, $0x1  }
0x253: {  	v20 =	vld [tilespmem:$0x19FA0];
	[tilespmem:$0x19F30] =	vst v2;
	v2 =	vor.u32 v0, v3;
	v3 =	vshll.u32 v15, $0x1  }
0x254: {  	v21 =	vld [tilespmem:$0x19FB0];
	[tilespmem:$0x19F40] =	vst v2;
	v2 =	vor.u32 v0, v3;
	v3 =	vshll.u32 v16, $0x1  }
0x255: {  	v22 =	vld [tilespmem:$0x19FC0];
	[tilespmem:$0x19F50] =	vst v2;
	v2 =	vor.u32 v0, v3;
	v3 =	vshll.u32 v17, $0x1  }
0x256: {  	v23 =	vld [tilespmem:$0x19FD0];
	[tilespmem:$0x19F60] =	vst v2;
	v2 =	vor.u32 v0, v3;
	v3 =	vshll.u32 v18, $0x1  }
0x257: {  	v24 =	vld [tilespmem:$0x19FE0];
	[tilespmem:$0x19F70] =	vst v2;
	v2 =	vor.u32 v0, v3;
	v3 =	vshll.u32 v19, $0x1  }
0x258: {  	v25 =	vld [tilespmem:$0x19FF0];
	[tilespmem:$0x19F80] =	vst v2;
	v2 =	vor.u32 v0, v3;
	v3 =	vshll.u32 v20, $0x1  }
0x259: {  	[tilespmem:$0x19F90] =	vst v2;
	v2 =	vor.u32 v0, v3;
	v3 =	vshll.u32 v21, $0x1  }
0x25a: {  	[tilespmem:$0x19FA0] =	vst v2;
	v2 =	vor.u32 v0, v3;
	v3 =	vshll.u32 v22, $0x1  }
0x25b: {  	[tilespmem:$0x19FB0] =	vst v2;
	v2 =	vor.u32 v0, v3;
	v3 =	vshll.u32 v23, $0x1  }
0x25c: {  	[tilespmem:$0x19FC0] =	vst v2;
	v2 =	vor.u32 v0, v3;
	v3 =	vshll.u32 v24, $0x1  }
0x25d: {  	s10 =	sld [smem:$0x7D6];
	[tilespmem:$0x19FD0] =	vst v2;
	v2 =	vor.u32 v0, v3;
	v3 =	vshll.u32 v25, $0x1  }
0x25e: {  	[tilespmem:$0x19FE0] =	vst v2;
	v2 =	vor.u32 v0, v3  }
0x25f: {  	s24 =	sld [smem:$0x7D7];
	[tilespmem:$0x19FF0] =	vst v2  }
0x260: {  	[tilespmem:s22], [sflag:$0x2] =	stream.indirect.gather [hbm4b:s3+s18], $0x10, s10, s18, $0xb8;
	[tilespmem:$0x1F000] =	vst v63  }
0x261: {  	s10 =	sld [smem:$0x7D8]  }
0x262: {  	[tilespmem:s23], [sflag:$0x2] =	stream.indirect.gather [hbm4b:s3+s18], $0x10, s24, s18, $0xb8;
	[tilespmem:$0x1F000] =	vst v63  }
0x263: {  	s24 =	sld [smem:$0x7D9]  }
0x264: {  	[tilespmem:s25], [sflag:$0x2] =	stream.indirect.gather [hbm4b:s3+s18], $0x10, s10, s18, $0xb8;
	[tilespmem:$0x1F000] =	vst v63  }
0x265: {  	_ = 	snop  }
0x266: {  	[tilespmem:s26], [sflag:$0x2] =	stream.indirect.gather [hbm4b:s3+s18], $0x10, s24, s18, $0xb8;
	[tilespmem:$0x1F000] =	vst v63  }
0x267: {  	_ =	swait.ge [sflag:s28], $0x800  }
0x268: {  	[sflag:s28] =	ssyncset.done $0x0  }
0x269: {  	[sflag:s28] =	ssyncadd.s32 $0xFFFFF800  }
0x26a: {  	_ =	swait.ge [sflag:s28], $0x800  }
0x26b: {  	[sflag:s28] =	ssyncset.done $0x0  }
0x26c: {  	[sflag:s28] =	ssyncadd.s32 $0xFFFFF800  }
0x26d: {  	_ =	swait.ge [sflag:s28], $0x800  }
0x26e: {  	[sflag:s28] =	ssyncset.done $0x0  }
0x26f: {  	[sflag:s28] =	ssyncadd.s32 $0xFFFFF800  }
0x270: {  	_ =	swait.ge [sflag:s28], $0x800  }
0x271: {  	[sflag:s28] =	ssyncset.done $0x0  }
0x272: {  	s7 =	sld [smem:$0x7DA];
	[sflag:s28] =	ssyncadd.s32 $0xFFFFF800  }
0x273: {  	[spmem:s1] =	stream.indirect.scatter.add.f32 [tilespmem:s12], [sflag:$0x3], $0x10, s17, s18, $0xb8;
	[tilespmem:$0x1F000] =	vst v63  }
0x274: {  	s10 =	sld [smem:$0x7DB]  }
0x275: {  	[spmem:s1] =	stream.indirect.scatter.add.f32 [tilespmem:s19], [sflag:$0x3], $0x10, s7, s18, $0xb8;
	[tilespmem:$0x1F000] =	vst v63  }
0x276: {  	s24 =	sld [smem:$0x7DC]  }
0x277: {  	[spmem:s1] =	stream.indirect.scatter.add.f32 [tilespmem:s20], [sflag:$0x3], $0x10, s10, s18, $0xb8;
	[tilespmem:$0x1F000] =	vst v63  }
0x278: {  	_ = 	snop  }
0x279: {  	[spmem:s1] =	stream.indirect.scatter.add.f32 [tilespmem:s21], [sflag:$0x3], $0x10, s24, s18, $0xb8;
	[tilespmem:$0x1F000] =	vst v63  }
0x27a: {  	v2 =	vld [tilespmem:$0x1A000]  }
0x27b: {  	v3 =	vld [tilespmem:$0x1A010]  }
0x27c: {  	v26 =	vld [tilespmem:$0x1A020]  }
0x27d: {  	v27 =	vld [tilespmem:$0x1A030]  }
0x27e: {  	v28 =	vld [tilespmem:$0x1A040]  }
0x27f: {  	v29 =	vld [tilespmem:$0x1A050];
	v2 =	vshll.u32 v2, $0x1  }
0x280: {  	v30 =	vld [tilespmem:$0x1A060];
	v3 =	vshll.u32 v3, $0x1;
	v2 =	vor.u32 v0, v2  }
0x281: {  	v31 =	vld [tilespmem:$0x1A070];
	[tilespmem:$0x1A000] =	vst v2;
	v2 =	vor.u32 v0, v3;
	v3 =	vshll.u32 v26, $0x1  }
0x282: {  	v32 =	vld [tilespmem:$0x1A080];
	[tilespmem:$0x1A010] =	vst v2;
	v2 =	vor.u32 v0, v3;
	v3 =	vshll.u32 v27, $0x1  }
0x283: {  	v33 =	vld [tilespmem:$0x1A090];
	[tilespmem:$0x1A020] =	vst v2;
	v2 =	vor.u32 v0, v3;
	v3 =	vshll.u32 v28, $0x1  }
0x284: {  	v34 =	vld [tilespmem:$0x1A0A0];
	[tilespmem:$0x1A030] =	vst v2;
	v2 =	vor.u32 v0, v3;
	v3 =	vshll.u32 v29, $0x1  }
0x285: {  	v35 =	vld [tilespmem:$0x1A0B0];
	[tilespmem:$0x1A040] =	vst v2;
	v2 =	vor.u32 v0, v3;
	v3 =	vshll.u32 v30, $0x1  }
0x286: {  	v36 =	vld [tilespmem:$0x1A0C0];
	[tilespmem:$0x1A050] =	vst v2;
	v2 =	vor.u32 v0, v3;
	v3 =	vshll.u32 v31, $0x1  }
0x287: {  	v37 =	vld [tilespmem:$0x1A0D0];
	[tilespmem:$0x1A060] =	vst v2;
	v2 =	vor.u32 v0, v3;
	v3 =	vshll.u32 v32, $0x1  }
0x288: {  	v38 =	vld [tilespmem:$0x1A0E0];
	[tilespmem:$0x1A070] =	vst v2;
	v2 =	vor.u32 v0, v3;
	v3 =	vshll.u32 v33, $0x1  }
0x289: {  	v39 =	vld [tilespmem:$0x1A0F0];
	[tilespmem:$0x1A080] =	vst v2;
	v2 =	vor.u32 v0, v3;
	v3 =	vshll.u32 v34, $0x1  }
0x28a: {  	v40 =	vld [tilespmem:$0x1A100];
	[tilespmem:$0x1A090] =	vst v2;
	v2 =	vor.u32 v0, v3;
	v3 =	vshll.u32 v35, $0x1  }
0x28b: {  	v41 =	vld [tilespmem:$0x1A110];
	[tilespmem:$0x1A0A0] =	vst v2;
	v2 =	vor.u32 v0, v3;
	v3 =	vshll.u32 v36, $0x1  }
0x28c: {  	v42 =	vld [tilespmem:$0x1A120];
	[tilespmem:$0x1A0B0] =	vst v2;
	v2 =	vor.u32 v0, v3;
	v3 =	vshll.u32 v37, $0x1  }
0x28d: {  	v43 =	vld [tilespmem:$0x1A130];
	[tilespmem:$0x1A0C0] =	vst v2;
	v2 =	vor.u32 v0, v3;
	v3 =	vshll.u32 v38, $0x1  }
0x28e: {  	v44 =	vld [tilespmem:$0x1A140];
	[tilespmem:$0x1A0D0] =	vst v2;
	v2 =	vor.u32 v0, v3;
	v3 =	vshll.u32 v39, $0x1  }
0x28f: {  	v45 =	vld [tilespmem:$0x1A150];
	[tilespmem:$0x1A0E0] =	vst v2;
	v2 =	vor.u32 v0, v3;
	v3 =	vshll.u32 v40, $0x1  }
0x290: {  	v46 =	vld [tilespmem:$0x1A160];
	[tilespmem:$0x1A0F0] =	vst v2;
	v2 =	vor.u32 v0, v3;
	v3 =	vshll.u32 v41, $0x1  }
0x291: {  	v47 =	vld [tilespmem:$0x1A170];
	[tilespmem:$0x1A100] =	vst v2;
	v2 =	vor.u32 v0, v3;
	v3 =	vshll.u32 v42, $0x1  }
0x292: {  	v48 =	vld [tilespmem:$0x1A180];
	[tilespmem:$0x1A110] =	vst v2;
	v2 =	vor.u32 v0, v3;
	v3 =	vshll.u32 v43, $0x1  }
0x293: {  	v49 =	vld [tilespmem:$0x1A190];
	[tilespmem:$0x1A120] =	vst v2;
	v2 =	vor.u32 v0, v3;
	v3 =	vshll.u32 v44, $0x1  }
0x294: {  	v50 =	vld [tilespmem:$0x1A1A0];
	[tilespmem:$0x1A130] =	vst v2;
	v2 =	vor.u32 v0, v3;
	v3 =	vshll.u32 v45, $0x1  }
0x295: {  	v51 =	vld [tilespmem:$0x1A1B0];
	[tilespmem:$0x1A140] =	vst v2;
	v2 =	vor.u32 v0, v3;
	v3 =	vshll.u32 v46, $0x1  }
0x296: {  	v52 =	vld [tilespmem:$0x1A1C0];
	[tilespmem:$0x1A150] =	vst v2;
	v2 =	vor.u32 v0, v3;
	v3 =	vshll.u32 v47, $0x1  }
0x297: {  	v53 =	vld [tilespmem:$0x1A1D0];
	[tilespmem:$0x1A160] =	vst v2;
	v2 =	vor.u32 v0, v3;
	v3 =	vshll.u32 v48, $0x1  }
0x298: {  	v54 =	vld [tilespmem:$0x1A1E0];
	[tilespmem:$0x1A170] =	vst v2;
	v2 =	vor.u32 v0, v3;
	v3 =	vshll.u32 v49, $0x1  }
0x299: {  	v55 =	vld [tilespmem:$0x1A1F0];
	[tilespmem:$0x1A180] =	vst v2;
	v2 =	vor.u32 v0, v3;
	v3 =	vshll.u32 v50, $0x1  }
0x29a: {  	[tilespmem:$0x1A190] =	vst v2;
	v2 =	vor.u32 v0, v3;
	v3 =	vshll.u32 v51, $0x1  }
0x29b: {  	[tilespmem:$0x1A1A0] =	vst v2;
	v2 =	vor.u32 v0, v3;
	v3 =	vshll.u32 v52, $0x1  }
0x29c: {  	[tilespmem:$0x1A1B0] =	vst v2;
	v2 =	vor.u32 v0, v3;
	v3 =	vshll.u32 v53, $0x1  }
0x29d: {  	[tilespmem:$0x1A1C0] =	vst v2;
	v2 =	vor.u32 v0, v3;
	v3 =	vshll.u32 v54, $0x1  }
0x29e: {  	[tilespmem:$0x1A1D0] =	vst v2;
	v2 =	vor.u32 v0, v3;
	v3 =	vshll.u32 v55, $0x1  }
0x29f: {  	[tilespmem:$0x1A1E0] =	vst v2;
	v2 =	vor.u32 v0, v3  }
0x2a0: {  	[tilespmem:$0x1A1F0] =	vst v2  }
0x2a1: {  	_ =	swait.ge [sflag:s29], $0x800  }
0x2a2: {  	[sflag:s29] =	ssyncset.done $0x0  }
0x2a3: {  	[sflag:s29] =	ssyncadd.s32 $0xFFFFF800  }
0x2a4: {  	_ =	swait.ge [sflag:s29], $0x800  }
0x2a5: {  	[sflag:s29] =	ssyncset.done $0x0  }
0x2a6: {  	[sflag:s29] =	ssyncadd.s32 $0xFFFFF800  }
0x2a7: {  	_ =	swait.ge [sflag:s29], $0x800  }
0x2a8: {  	[sflag:s29] =	ssyncset.done $0x0  }
0x2a9: {  	[sflag:s29] =	ssyncadd.s32 $0xFFFFF800  }
0x2aa: {  	_ =	swait.ge [sflag:s29], $0x800  }
0x2ab: {  	s10 =	sld [smem:$0x7DD]  }
0x2ac: {  	[sflag:s29] =	ssyncset.done $0x0  }
0x2ad: {  	s24 =	sld [smem:$0x7DE];
	[sflag:s29] =	ssyncadd.s32 $0xFFFFF800  }
0x2ae: {  	[tilespmem:s12], [sflag:$0x1] =	stream.indirect.gather [hbm4b:s3+s18], $0x10, s10, s18, $0xb8;
	[tilespmem:$0x1F000] =	vst v63  }
0x2af: {  	s10 =	sld [smem:$0x7DF]  }
0x2b0: {  	[tilespmem:s19], [sflag:$0x1] =	stream.indirect.gather [hbm4b:s3+s18], $0x10, s24, s18, $0xb8;
	[tilespmem:$0x1F000] =	vst v63  }
0x2b1: {  	s24 =	sld [smem:$0x7E0]  }
0x2b2: {  	[tilespmem:s20], [sflag:$0x1] =	stream.indirect.gather [hbm4b:s3+s18], $0x10, s10, s18, $0xb8;
	[tilespmem:$0x1F000] =	vst v63  }
0x2b3: {  	_ = 	snop  }
0x2b4: {  	[tilespmem:s21], [sflag:$0x1] =	stream.indirect.gather [hbm4b:s3+s18], $0x10, s24, s18, $0xb8;
	[tilespmem:$0x1F000] =	vst v63  }
0x2b5: {  	_ =	swait.ge [sflag:s30], $0x800  }
0x2b6: {  	[sflag:s30] =	ssyncset.done $0x0  }
0x2b7: {  	[sflag:s30] =	ssyncadd.s32 $0xFFFFF800  }
0x2b8: {  	_ =	swait.ge [sflag:s30], $0x800  }
0x2b9: {  	[sflag:s30] =	ssyncset.done $0x0  }
0x2ba: {  	[sflag:s30] =	ssyncadd.s32 $0xFFFFF800  }
0x2bb: {  	_ =	swait.ge [sflag:s30], $0x800  }
0x2bc: {  	[sflag:s30] =	ssyncset.done $0x0  }
0x2bd: {  	[sflag:s30] =	ssyncadd.s32 $0xFFFFF800  }
0x2be: {  	_ =	swait.ge [sflag:s30], $0x800  }
0x2bf: {  	s10 =	sld [smem:$0x7E1]  }
0x2c0: {  	[sflag:s30] =	ssyncset.done $0x0  }
0x2c1: {  	s24 =	sld [smem:$0x7E2];
	[sflag:s30] =	ssyncadd.s32 $0xFFFFF800  }
0x2c2: {  	[spmem:s1] =	stream.indirect.scatter.add.f32 [tilespmem:s22], [sflag:$0x4], $0x10, s10, s18, $0xb8;
	[tilespmem:$0x1F000] =	vst v63  }
0x2c3: {  	s10 =	sld [smem:$0x7E3]  }
0x2c4: {  	[spmem:s1] =	stream.indirect.scatter.add.f32 [tilespmem:s23], [sflag:$0x4], $0x10, s24, s18, $0xb8;
	[tilespmem:$0x1F000] =	vst v63  }
0x2c5: {  	s24 =	sld [smem:$0x7E4]  }
0x2c6: {  	[spmem:s1] =	stream.indirect.scatter.add.f32 [tilespmem:s25], [sflag:$0x4], $0x10, s10, s18, $0xb8;
	[tilespmem:$0x1F000] =	vst v63  }
0x2c7: {  	_ = 	snop  }
0x2c8: {  	[spmem:s1] =	stream.indirect.scatter.add.f32 [tilespmem:s26], [sflag:$0x4], $0x10, s24, s18, $0xb8;
	[tilespmem:$0x1F000] =	vst v63  }
0x2c9: {  	v2 =	vld [tilespmem:$0x1A200]  }
0x2ca: {  	v3 =	vld [tilespmem:$0x1A210]  }
0x2cb: {  	v56 =	vld [tilespmem:$0x1A220]  }
0x2cc: {  	v57 =	vld [tilespmem:$0x1A230]  }
0x2cd: {  	v58 =	vld [tilespmem:$0x1A240]  }
0x2ce: {  	v59 =	vld [tilespmem:$0x1A250];
	v2 =	vshll.u32 v2, $0x1  }
0x2cf: {  	v60 =	vld [tilespmem:$0x1A260];
	v3 =	vshll.u32 v3, $0x1;
	v2 =	vor.u32 v0, v2  }
0x2d0: {  	v61 =	vld [tilespmem:$0x1A270];
	[tilespmem:$0x1A200] =	vst v2;
	v2 =	vor.u32 v0, v3;
	v3 =	vshll.u32 v56, $0x1  }
0x2d1: {  	v62 =	vld [tilespmem:$0x1A280];
	[tilespmem:$0x1A210] =	vst v2;
	v2 =	vor.u32 v0, v3;
	v3 =	vshll.u32 v57, $0x1  }
0x2d2: {  	v63 =	vld [tilespmem:$0x1A290];
	[tilespmem:$0x1A220] =	vst v2;
	v2 =	vor.u32 v0, v3;
	v3 =	vshll.u32 v58, $0x1  }
0x2d3: {  	v12 =	vld [tilespmem:$0x1A2A0];
	[tilespmem:$0x1A230] =	vst v2;
	v2 =	vor.u32 v0, v3;
	v3 =	vshll.u32 v59, $0x1  }
0x2d4: {  	v13 =	vld [tilespmem:$0x1A2B0];
	[tilespmem:$0x1A240] =	vst v2;
	v2 =	vor.u32 v0, v3;
	v3 =	vshll.u32 v60, $0x1  }
0x2d5: {  	v14 =	vld [tilespmem:$0x1A2C0];
	[tilespmem:$0x1A250] =	vst v2;
	v2 =	vor.u32 v0, v3;
	v3 =	vshll.u32 v61, $0x1  }
0x2d6: {  	v15 =	vld [tilespmem:$0x1A2D0];
	[tilespmem:$0x1A260] =	vst v2;
	v2 =	vor.u32 v0, v3;
	v3 =	vshll.u32 v62, $0x1  }
0x2d7: {  	v16 =	vld [tilespmem:$0x1A2E0];
	[tilespmem:$0x1A270] =	vst v2;
	v2 =	vor.u32 v0, v3;
	v3 =	vshll.u32 v63, $0x1  }
0x2d8: {  	v17 =	vld [tilespmem:$0x1A2F0];
	[tilespmem:$0x1A280] =	vst v2;
	v2 =	vor.u32 v0, v3;
	v3 =	vshll.u32 v12, $0x1  }
0x2d9: {  	v18 =	vld [tilespmem:$0x1A300];
	[tilespmem:$0x1A290] =	vst v2;
	v2 =	vor.u32 v0, v3;
	v3 =	vshll.u32 v13, $0x1  }
0x2da: {  	v19 =	vld [tilespmem:$0x1A310];
	[tilespmem:$0x1A2A0] =	vst v2;
	v2 =	vor.u32 v0, v3;
	v3 =	vshll.u32 v14, $0x1  }
0x2db: {  	v20 =	vld [tilespmem:$0x1A320];
	[tilespmem:$0x1A2B0] =	vst v2;
	v2 =	vor.u32 v0, v3;
	v3 =	vshll.u32 v15, $0x1  }
0x2dc: {  	v21 =	vld [tilespmem:$0x1A330];
	[tilespmem:$0x1A2C0] =	vst v2;
	v2 =	vor.u32 v0, v3;
	v3 =	vshll.u32 v16, $0x1  }
0x2dd: {  	v22 =	vld [tilespmem:$0x1A340];
	[tilespmem:$0x1A2D0] =	vst v2;
	v2 =	vor.u32 v0, v3;
	v3 =	vshll.u32 v17, $0x1  }
0x2de: {  	v23 =	vld [tilespmem:$0x1A350];
	[tilespmem:$0x1A2E0] =	vst v2;
	v2 =	vor.u32 v0, v3;
	v3 =	vshll.u32 v18, $0x1  }
0x2df: {  	v24 =	vld [tilespmem:$0x1A360];
	[tilespmem:$0x1A2F0] =	vst v2;
	v2 =	vor.u32 v0, v3;
	v3 =	vshll.u32 v19, $0x1  }
0x2e0: {  	v25 =	vld [tilespmem:$0x1A370];
	[tilespmem:$0x1A300] =	vst v2;
	v2 =	vor.u32 v0, v3;
	v3 =	vshll.u32 v20, $0x1  }
0x2e1: {  	v26 =	vld [tilespmem:$0x1A380];
	[tilespmem:$0x1A310] =	vst v2;
	v2 =	vor.u32 v0, v3;
	v3 =	vshll.u32 v21, $0x1  }
0x2e2: {  	v27 =	vld [tilespmem:$0x1A390];
	[tilespmem:$0x1A320] =	vst v2;
	v2 =	vor.u32 v0, v3;
	v3 =	vshll.u32 v22, $0x1  }
0x2e3: {  	v28 =	vld [tilespmem:$0x1A3A0];
	[tilespmem:$0x1A330] =	vst v2;
	v2 =	vor.u32 v0, v3;
	v3 =	vshll.u32 v23, $0x1  }
0x2e4: {  	v29 =	vld [tilespmem:$0x1A3B0];
	[tilespmem:$0x1A340] =	vst v2;
	v2 =	vor.u32 v0, v3;
	v3 =	vshll.u32 v24, $0x1  }
0x2e5: {  	v30 =	vld [tilespmem:$0x1A3C0];
	[tilespmem:$0x1A350] =	vst v2;
	v2 =	vor.u32 v0, v3;
	v3 =	vshll.u32 v25, $0x1  }
0x2e6: {  	v31 =	vld [tilespmem:$0x1A3D0];
	[tilespmem:$0x1A360] =	vst v2;
	v2 =	vor.u32 v0, v3;
	v3 =	vshll.u32 v26, $0x1  }
0x2e7: {  	v32 =	vld [tilespmem:$0x1A3E0];
	[tilespmem:$0x1A370] =	vst v2;
	v2 =	vor.u32 v0, v3;
	v3 =	vshll.u32 v27, $0x1  }
0x2e8: {  	v33 =	vld [tilespmem:$0x1A3F0];
	[tilespmem:$0x1A380] =	vst v2;
	v2 =	vor.u32 v0, v3;
	v3 =	vshll.u32 v28, $0x1  }
0x2e9: {  	[tilespmem:$0x1A390] =	vst v2;
	v2 =	vor.u32 v0, v3;
	v3 =	vshll.u32 v29, $0x1  }
0x2ea: {  	[tilespmem:$0x1A3A0] =	vst v2;
	v2 =	vor.u32 v0, v3;
	v3 =	vshll.u32 v30, $0x1  }
0x2eb: {  	[tilespmem:$0x1A3B0] =	vst v2;
	v2 =	vor.u32 v0, v3;
	v3 =	vshll.u32 v31, $0x1  }
0x2ec: {  	[tilespmem:$0x1A3C0] =	vst v2;
	v2 =	vor.u32 v0, v3;
	v3 =	vshll.u32 v32, $0x1  }
0x2ed: {  	[tilespmem:$0x1A3D0] =	vst v2;
	v2 =	vor.u32 v0, v3;
	v3 =	vshll.u32 v33, $0x1  }
0x2ee: {  	[tilespmem:$0x1A3E0] =	vst v2;
	v2 =	vor.u32 v0, v3  }
0x2ef: {  	[tilespmem:$0x1A3F0] =	vst v2  }
0x2f0: {  	_ =	swait.ge [sflag:s31], $0x800  }
0x2f1: {  	[sflag:s31] =	ssyncset.done $0x0  }
0x2f2: {  	[sflag:s31] =	ssyncadd.s32 $0xFFFFF800  }
0x2f3: {  	_ =	swait.ge [sflag:s31], $0x800  }
0x2f4: {  	[sflag:s31] =	ssyncset.done $0x0  }
0x2f5: {  	[sflag:s31] =	ssyncadd.s32 $0xFFFFF800  }
0x2f6: {  	_ =	swait.ge [sflag:s31], $0x800  }
0x2f7: {  	[sflag:s31] =	ssyncset.done $0x0  }
0x2f8: {  	[sflag:s31] =	ssyncadd.s32 $0xFFFFF800  }
0x2f9: {  	_ =	swait.ge [sflag:s31], $0x800  }
0x2fa: {  	s10 =	sld [smem:$0x7E5]  }
0x2fb: {  	[sflag:s31] =	ssyncset.done $0x0  }
0x2fc: {  	s24 =	sld [smem:$0x7E6];
	[sflag:s31] =	ssyncadd.s32 $0xFFFFF800  }
0x2fd: {  	[tilespmem:s22], [sflag:$0x2] =	stream.indirect.gather [hbm4b:s3+s18], $0x10, s10, s18, $0xb8;
	[tilespmem:$0x1F000] =	vst v63  }
0x2fe: {  	s10 =	sld [smem:$0x7E7]  }
0x2ff: {  	[tilespmem:s23], [sflag:$0x2] =	stream.indirect.gather [hbm4b:s3+s18], $0x10, s24, s18, $0xb8;
	[tilespmem:$0x1F000] =	vst v63  }
0x300: {  	s24 =	sld [smem:$0x7EA]  }
0x301: {  	[tilespmem:s25], [sflag:$0x2] =	stream.indirect.gather [hbm4b:s3+s18], $0x10, s10, s18, $0xb8;
	[tilespmem:$0x1F000] =	vst v63  }
0x302: {  	_ = 	snop  }
0x303: {  	[tilespmem:s26], [sflag:$0x2] =	stream.indirect.gather [hbm4b:s3+s18], $0x10, s24, s18, $0xb8;
	[tilespmem:$0x1F000] =	vst v63  }
0x304: {  	_ =	swait.ge [sflag:s28], $0x800  }
0x305: {  	[sflag:s28] =	ssyncset.done $0x0  }
0x306: {  	[sflag:s28] =	ssyncadd.s32 $0xFFFFF800  }
0x307: {  	_ =	swait.ge [sflag:s28], $0x800  }
0x308: {  	[sflag:s28] =	ssyncset.done $0x0  }
0x309: {  	[sflag:s28] =	ssyncadd.s32 $0xFFFFF800  }
0x30a: {  	_ =	swait.ge [sflag:s28], $0x800  }
0x30b: {  	[sflag:s28] =	ssyncset.done $0x0  }
0x30c: {  	[sflag:s28] =	ssyncadd.s32 $0xFFFFF800  }
0x30d: {  	_ =	swait.ge [sflag:s28], $0x800  }
0x30e: {  	s10 =	sld [smem:$0x7EC]  }
0x30f: {  	[sflag:s28] =	ssyncset.done $0x0  }
0x310: {  	s24 =	sld [smem:$0x7ED];
	[sflag:s28] =	ssyncadd.s32 $0xFFFFF800  }
0x311: {  	[spmem:s1] =	stream.indirect.scatter.add.f32 [tilespmem:s12], [sflag:$0x3], $0x10, s10, s18, $0xb8;
	[tilespmem:$0x1F000] =	vst v63  }
0x312: {  	s10 =	sld [smem:$0x7EE]  }
0x313: {  	[spmem:s1] =	stream.indirect.scatter.add.f32 [tilespmem:s19], [sflag:$0x3], $0x10, s24, s18, $0xb8;
	[tilespmem:$0x1F000] =	vst v63  }
0x314: {  	s24 =	sld [smem:$0x7F0]  }
0x315: {  	[spmem:s1] =	stream.indirect.scatter.add.f32 [tilespmem:s20], [sflag:$0x3], $0x10, s10, s18, $0xb8;
	[tilespmem:$0x1F000] =	vst v63  }
0x316: {  	_ = 	snop  }
0x317: {  	[spmem:s1] =	stream.indirect.scatter.add.f32 [tilespmem:s21], [sflag:$0x3], $0x10, s24, s18, $0xb8;
	[tilespmem:$0x1F000] =	vst v63  }
0x318: {  	v2 =	vld [tilespmem:$0x1A400]  }
0x319: {  	v3 =	vld [tilespmem:$0x1A410]  }
0x31a: {  	v34 =	vld [tilespmem:$0x1A420]  }
0x31b: {  	v35 =	vld [tilespmem:$0x1A430]  }
0x31c: {  	v36 =	vld [tilespmem:$0x1A440]  }
0x31d: {  	v37 =	vld [tilespmem:$0x1A450];
	v2 =	vshll.u32 v2, $0x1  }
0x31e: {  	v38 =	vld [tilespmem:$0x1A460];
	v3 =	vshll.u32 v3, $0x1;
	v2 =	vor.u32 v0, v2  }
0x31f: {  	v39 =	vld [tilespmem:$0x1A470];
	[tilespmem:$0x1A400] =	vst v2;
	v2 =	vor.u32 v0, v3;
	v3 =	vshll.u32 v34, $0x1  }
0x320: {  	v40 =	vld [tilespmem:$0x1A480];
	[tilespmem:$0x1A410] =	vst v2;
	v2 =	vor.u32 v0, v3;
	v3 =	vshll.u32 v35, $0x1  }
0x321: {  	v41 =	vld [tilespmem:$0x1A490];
	[tilespmem:$0x1A420] =	vst v2;
	v2 =	vor.u32 v0, v3;
	v3 =	vshll.u32 v36, $0x1  }
0x322: {  	v42 =	vld [tilespmem:$0x1A4A0];
	[tilespmem:$0x1A430] =	vst v2;
	v2 =	vor.u32 v0, v3;
	v3 =	vshll.u32 v37, $0x1  }
0x323: {  	v43 =	vld [tilespmem:$0x1A4B0];
	[tilespmem:$0x1A440] =	vst v2;
	v2 =	vor.u32 v0, v3;
	v3 =	vshll.u32 v38, $0x1  }
0x324: {  	v44 =	vld [tilespmem:$0x1A4C0];
	[tilespmem:$0x1A450] =	vst v2;
	v2 =	vor.u32 v0, v3;
	v3 =	vshll.u32 v39, $0x1  }
0x325: {  	v45 =	vld [tilespmem:$0x1A4D0];
	[tilespmem:$0x1A460] =	vst v2;
	v2 =	vor.u32 v0, v3;
	v3 =	vshll.u32 v40, $0x1  }
0x326: {  	v46 =	vld [tilespmem:$0x1A4E0];
	[tilespmem:$0x1A470] =	vst v2;
	v2 =	vor.u32 v0, v3;
	v3 =	vshll.u32 v41, $0x1  }
0x327: {  	v47 =	vld [tilespmem:$0x1A4F0];
	[tilespmem:$0x1A480] =	vst v2;
	v2 =	vor.u32 v0, v3;
	v3 =	vshll.u32 v42, $0x1  }
0x328: {  	v48 =	vld [tilespmem:$0x1A500];
	[tilespmem:$0x1A490] =	vst v2;
	v2 =	vor.u32 v0, v3;
	v3 =	vshll.u32 v43, $0x1  }
0x329: {  	v49 =	vld [tilespmem:$0x1A510];
	[tilespmem:$0x1A4A0] =	vst v2;
	v2 =	vor.u32 v0, v3;
	v3 =	vshll.u32 v44, $0x1  }
0x32a: {  	v50 =	vld [tilespmem:$0x1A520];
	[tilespmem:$0x1A4B0] =	vst v2;
	v2 =	vor.u32 v0, v3;
	v3 =	vshll.u32 v45, $0x1  }
0x32b: {  	v51 =	vld [tilespmem:$0x1A530];
	[tilespmem:$0x1A4C0] =	vst v2;
	v2 =	vor.u32 v0, v3;
	v3 =	vshll.u32 v46, $0x1  }
0x32c: {  	v52 =	vld [tilespmem:$0x1A540];
	[tilespmem:$0x1A4D0] =	vst v2;
	v2 =	vor.u32 v0, v3;
	v3 =	vshll.u32 v47, $0x1  }
0x32d: {  	v53 =	vld [tilespmem:$0x1A550];
	[tilespmem:$0x1A4E0] =	vst v2;
	v2 =	vor.u32 v0, v3;
	v3 =	vshll.u32 v48, $0x1  }
0x32e: {  	v54 =	vld [tilespmem:$0x1A560];
	[tilespmem:$0x1A4F0] =	vst v2;
	v2 =	vor.u32 v0, v3;
	v3 =	vshll.u32 v49, $0x1  }
0x32f: {  	v55 =	vld [tilespmem:$0x1A570];
	[tilespmem:$0x1A500] =	vst v2;
	v2 =	vor.u32 v0, v3;
	v3 =	vshll.u32 v50, $0x1  }
0x330: {  	v56 =	vld [tilespmem:$0x1A580];
	[tilespmem:$0x1A510] =	vst v2;
	v2 =	vor.u32 v0, v3;
	v3 =	vshll.u32 v51, $0x1  }
0x331: {  	v57 =	vld [tilespmem:$0x1A590];
	[tilespmem:$0x1A520] =	vst v2;
	v2 =	vor.u32 v0, v3;
	v3 =	vshll.u32 v52, $0x1  }
0x332: {  	v58 =	vld [tilespmem:$0x1A5A0];
	[tilespmem:$0x1A530] =	vst v2;
	v2 =	vor.u32 v0, v3;
	v3 =	vshll.u32 v53, $0x1  }
0x333: {  	v59 =	vld [tilespmem:$0x1A5B0];
	[tilespmem:$0x1A540] =	vst v2;
	v2 =	vor.u32 v0, v3;
	v3 =	vshll.u32 v54, $0x1  }
0x334: {  	v60 =	vld [tilespmem:$0x1A5C0];
	[tilespmem:$0x1A550] =	vst v2;
	v2 =	vor.u32 v0, v3;
	v3 =	vshll.u32 v55, $0x1  }
0x335: {  	v61 =	vld [tilespmem:$0x1A5D0];
	[tilespmem:$0x1A560] =	vst v2;
	v2 =	vor.u32 v0, v3;
	v3 =	vshll.u32 v56, $0x1  }
0x336: {  	v62 =	vld [tilespmem:$0x1A5E0];
	[tilespmem:$0x1A570] =	vst v2;
	v2 =	vor.u32 v0, v3;
	v3 =	vshll.u32 v57, $0x1  }
0x337: {  	v63 =	vld [tilespmem:$0x1A5F0];
	[tilespmem:$0x1A580] =	vst v2;
	v2 =	vor.u32 v0, v3;
	v3 =	vshll.u32 v58, $0x1  }
0x338: {  	[tilespmem:$0x1A590] =	vst v2;
	v2 =	vor.u32 v0, v3;
	v3 =	vshll.u32 v59, $0x1  }
0x339: {  	[tilespmem:$0x1A5A0] =	vst v2;
	v2 =	vor.u32 v0, v3;
	v3 =	vshll.u32 v60, $0x1  }
0x33a: {  	[tilespmem:$0x1A5B0] =	vst v2;
	v2 =	vor.u32 v0, v3;
	v3 =	vshll.u32 v61, $0x1  }
0x33b: {  	[tilespmem:$0x1A5C0] =	vst v2;
	v2 =	vor.u32 v0, v3;
	v3 =	vshll.u32 v62, $0x1  }
0x33c: {  	[tilespmem:$0x1A5D0] =	vst v2;
	v2 =	vor.u32 v0, v3;
	v3 =	vshll.u32 v63, $0x1  }
0x33d: {  	[tilespmem:$0x1A5E0] =	vst v2;
	v2 =	vor.u32 v0, v3  }
0x33e: {  	[tilespmem:$0x1A5F0] =	vst v2  }
0x33f: {  	_ =	swait.ge [sflag:s29], $0x800  }
0x340: {  	[sflag:s29] =	ssyncset.done $0x0  }
0x341: {  	[sflag:s29] =	ssyncadd.s32 $0xFFFFF800  }
0x342: {  	_ =	swait.ge [sflag:s29], $0x800  }
0x343: {  	[sflag:s29] =	ssyncset.done $0x0  }
0x344: {  	[sflag:s29] =	ssyncadd.s32 $0xFFFFF800  }
0x345: {  	_ =	swait.ge [sflag:s29], $0x800  }
0x346: {  	[sflag:s29] =	ssyncset.done $0x0  }
0x347: {  	[sflag:s29] =	ssyncadd.s32 $0xFFFFF800  }
0x348: {  	_ =	swait.ge [sflag:s29], $0x800  }
0x349: {  	s10 =	sld [smem:$0x7F1]  }
0x34a: {  	[sflag:s29] =	ssyncset.done $0x0  }
0x34b: {  	s24 =	sld [smem:$0x7F2];
	[sflag:s29] =	ssyncadd.s32 $0xFFFFF800  }
0x34c: {  	[tilespmem:s12], [sflag:$0x1] =	stream.indirect.gather [hbm4b:s3+s18], $0x10, s10, s18, $0xb8;
	[tilespmem:$0x1F000] =	vst v63  }
0x34d: {  	s10 =	sld [smem:$0x7F3]  }
0x34e: {  	[tilespmem:s19], [sflag:$0x1] =	stream.indirect.gather [hbm4b:s3+s18], $0x10, s24, s18, $0xb8;
	[tilespmem:$0x1F000] =	vst v63  }
0x34f: {  	s24 =	sld [smem:$0x7F4]  }
0x350: {  	[tilespmem:s20], [sflag:$0x1] =	stream.indirect.gather [hbm4b:s3+s18], $0x10, s10, s18, $0xb8;
	[tilespmem:$0x1F000] =	vst v63  }
0x351: {  	_ = 	snop  }
0x352: {  	[tilespmem:s21], [sflag:$0x1] =	stream.indirect.gather [hbm4b:s3+s18], $0x10, s24, s18, $0xb8;
	[tilespmem:$0x1F000] =	vst v63  }
0x353: {  	_ =	swait.ge [sflag:s30], $0x800  }
0x354: {  	[sflag:s30] =	ssyncset.done $0x0  }
0x355: {  	[sflag:s30] =	ssyncadd.s32 $0xFFFFF800  }
0x356: {  	_ =	swait.ge [sflag:s30], $0x800  }
0x357: {  	[sflag:s30] =	ssyncset.done $0x0  }
0x358: {  	[sflag:s30] =	ssyncadd.s32 $0xFFFFF800  }
0x359: {  	_ =	swait.ge [sflag:s30], $0x800  }
0x35a: {  	[sflag:s30] =	ssyncset.done $0x0  }
0x35b: {  	[sflag:s30] =	ssyncadd.s32 $0xFFFFF800  }
0x35c: {  	_ =	swait.ge [sflag:s30], $0x800  }
0x35d: {  	s10 =	sld [smem:$0x7F5]  }
0x35e: {  	[sflag:s30] =	ssyncset.done $0x0  }
0x35f: {  	s24 =	sld [smem:$0x7F6];
	[sflag:s30] =	ssyncadd.s32 $0xFFFFF800  }
0x360: {  	[spmem:s1] =	stream.indirect.scatter.add.f32 [tilespmem:s22], [sflag:$0x4], $0x10, s10, s18, $0xb8;
	[tilespmem:$0x1F000] =	vst v63  }
0x361: {  	s10 =	sld [smem:$0x7F7]  }
0x362: {  	[spmem:s1] =	stream.indirect.scatter.add.f32 [tilespmem:s23], [sflag:$0x4], $0x10, s24, s18, $0xb8;
	[tilespmem:$0x1F000] =	vst v63  }
0x363: {  	s24 =	sld [smem:$0x7F8]  }
0x364: {  	[spmem:s1] =	stream.indirect.scatter.add.f32 [tilespmem:s25], [sflag:$0x4], $0x10, s10, s18, $0xb8;
	[tilespmem:$0x1F000] =	vst v63  }
0x365: {  	_ = 	snop  }
0x366: {  	[spmem:s1] =	stream.indirect.scatter.add.f32 [tilespmem:s26], [sflag:$0x4], $0x10, s24, s18, $0xb8;
	[tilespmem:$0x1F000] =	vst v63  }
0x367: {  	_ =	swait.ge [sflag:s28], $0x800  }
0x368: {  	[sflag:s28] =	ssyncset.done $0x0  }
0x369: {  	[sflag:s28] =	ssyncadd.s32 $0xFFFFF800  }
0x36a: {  	_ =	swait.ge [sflag:s28], $0x800  }
0x36b: {  	[sflag:s28] =	ssyncset.done $0x0  }
0x36c: {  	[sflag:s28] =	ssyncadd.s32 $0xFFFFF800  }
0x36d: {  	_ =	swait.ge [sflag:s28], $0x800  }
0x36e: {  	[sflag:s28] =	ssyncset.done $0x0  }
0x36f: {  	[sflag:s28] =	ssyncadd.s32 $0xFFFFF800  }
0x370: {  	_ =	swait.ge [sflag:s28], $0x800  }
0x371: {  	s10 =	sld [smem:$0x7F9]  }
0x372: {  	[sflag:s28] =	ssyncset.done $0x0  }
0x373: {  	s24 =	sld [smem:$0x7FA];
	[sflag:s28] =	ssyncadd.s32 $0xFFFFF800  }
0x374: {  	[spmem:s1] =	stream.indirect.scatter.add.f32 [tilespmem:s12], [sflag:$0x3], $0x10, s10, s18, $0xb8;
	[tilespmem:$0x1F000] =	vst v63  }
0x375: {  	s10 =	sld [smem:$0x7FB]  }
0x376: {  	[spmem:s1] =	stream.indirect.scatter.add.f32 [tilespmem:s19], [sflag:$0x3], $0x10, s24, s18, $0xb8;
	[tilespmem:$0x1F000] =	vst v63  }
0x377: {  	s24 =	sld [smem:$0x7FC]  }
0x378: {  	[spmem:s1] =	stream.indirect.scatter.add.f32 [tilespmem:s20], [sflag:$0x3], $0x10, s10, s18, $0xb8;
	[tilespmem:$0x1F000] =	vst v63  }
0x379: {  	_ = 	snop  }
0x37a: {  	[spmem:s1] =	stream.indirect.scatter.add.f32 [tilespmem:s21], [sflag:$0x3], $0x10, s24, s18, $0xb8;
	[tilespmem:$0x1F000] =	vst v63  }
0x37b: {  	_ =	swait.ge [sflag:s31], $0x800  }
0x37c: {  	[sflag:s31] =	ssyncset.done $0x0  }
0x37d: {  	[sflag:s31] =	ssyncadd.s32 $0xFFFFF800  }
0x37e: {  	_ =	swait.ge [sflag:s31], $0x800  }
0x37f: {  	[sflag:s31] =	ssyncset.done $0x0  }
0x380: {  	[sflag:s31] =	ssyncadd.s32 $0xFFFFF800  }
0x381: {  	_ =	swait.ge [sflag:s31], $0x800  }
0x382: {  	[sflag:s31] =	ssyncset.done $0x0  }
0x383: {  	[sflag:s31] =	ssyncadd.s32 $0xFFFFF800  }
0x384: {  	_ =	swait.ge [sflag:s31], $0x800  }
0x385: {  	[sflag:s31] =	ssyncset.done $0x0  }
0x386: {  	[sflag:s31] =	ssyncadd.s32 $0xFFFFF800  }
0x387: {  	_ =	swait.ge [sflag:s29], $0x800  }
0x388: {  	[sflag:s29] =	ssyncset.done $0x0  }
0x389: {  	[sflag:s29] =	ssyncadd.s32 $0xFFFFF800  }
0x38a: {  	_ =	swait.ge [sflag:s29], $0x800  }
0x38b: {  	[sflag:s29] =	ssyncset.done $0x0  }
0x38c: {  	s8 =	sadd.s32 $0x280, s8;
	[sflag:s29] =	ssyncadd.s32 $0xFFFFF800  }
0x38d: {  	p0 =	sne.s32 s8, $0x3200;
	_ =	swait.ge [sflag:s29], $0x800  }
.Ltmp5:
0x38e: {  	[sflag:s29] =	ssyncset.done $0x0;
	(pc) =	sbr.rel @p0 .LBB2_8-.Ltmp5, $4  }
0x38f: {  	[sflag:s29] =	ssyncadd.s32 $0xFFFFF800  }
0x390: {  	_ =	swait.ge [sflag:s29], $0x800  }
0x391: {  	[sflag:s29] =	ssyncset.done $0x0  }
0x392: {  	[sflag:s29] =	ssyncadd.s32 $0xFFFFF800  }
0x393: {  	[bflag:$0x0] =	sbarrier.arrive $0xFFFF  }
0x394: {  	s7 =	sld [smem:$0x7EB]  }
0x395: {  	s6 =	stileid.u32;
	s8 =	sld [smem:$0x7FD]  }
0x396: {  	s6 =	sshll.u32 s6, $0x6  }
0x397: {  	s6 =	sor.u32 $0x1C06, s6  }
0x398: {  	[hbm:s7], [sflag:s6] =	dma.local [spmem:s8], $0x3100  }
0x399: {  	_ =	swait.ge [sflag:s0], $0x3100  }
0x39a: {  	s24 =	sld [smem:$0x7EF];
	_ =	sdelay $0x1  }
0x39b: {  	s4 =	sadd.s32 $0x1, s4  }
0x39c: {  	p0 =	sne.s32 s4, s24  }
.Ltmp6:
0x39d: {  	_ = 	snop;
	(pc) =	sbr.rel @p0 .LBB2_1-.Ltmp6, $3  }
0x39e: {  	_ =	sdelay $0x1  }
0x39f: {  	[sflag:s0] =	ssyncset.done $0x0  }
0x3a0: {  	[sflag:s0] =	ssyncadd.s32 $0xFFFFCF00  }
0x3a1: {  	_ =	sfence.sel $0x180000  }
0x3a2: {  	[bflag:$0x0] =	sbarrier.arrive $0xFFFF  }
0x3a3: {  	_ =	strace $0x90000047  }
0x3a4: {  	s0 =	stileid.u32;
	[bflag:$0x2] =	sbarrier.arrive $0xFFFF  }
0x3a5: {  	p0 =	sne.s32 s0, $0x0;
	s0 =	rddreg [dreg:$0x2]  }
0x3a6: {  	s0 =	sadd.s32 @!p0 $0x100000, s0  }
0x3a7: {  	[sflag:s0] =	ssyncadd.tile.s32 @!p0 $0x1;
	_ =	shalt  }
.Lfunc_end2:
_tile_overlayer_lowered:
.L_overlay_start_2:
0x3a8: {  	(tag) =	ssettag $0x2  }
0x3a9: {  	s0 =	rddreg [dreg:$0x0];
	s2 =	stileid.u32  }
0x3aa: {  	s1 =	rddreg [dreg:$0x1];
	p0 =	sne.s32 s2, $0x0  }
0x3ab: {  	s3 =	rddreg [dreg:$0x2];
	[bflag:$0x3] =	sbarrier.arrive $0xFFFF;
	s2 =	simm.s32 @!p0 $0x1C06  }
0x3ac: {  	[timem:s3], [sflag:s2] =	dma.local @!p0 [hbm:s0], s1  }
0x3ad: {  	s0 =	simm.s32 @!p0 $0x6  }
0x3ae: {  	_ =	swait.ge @!p0 [sflag:s0], s1  }
0x3af: {  	s1 =	ssub.s32 @!p0 $0x0, s1;
	[sflag:s0] =	ssyncset.done @!p0 $0x0  }
0x3b0: {  	[sflag:s0] =	ssyncadd.s32 @!p0 s1  }
0x3b1: {  	[bflag:$0x3] =	sbarrier.arrive $0xFFFF  }
0x3b2: {  	_ =	shalt  }

</sc_bundles>
